<compile_context>
chip_gen: v7x
topology: tpu7x:2x2x1
jax: 0.10.2.dev20260603
libtpu: 0.0.44.dev20260713+nightly
codegen_flags: <defaults>
</compile_context>

<pallas_src>
import functools

import jax
import jax.numpy as jnp
from jax import lax
from jax.experimental import pallas as pl
from jax.experimental.pallas import tpu as pltpu
from jax.experimental.pallas import tpu_sc as plsc

N = 10000
E = 320000
D = 128
DE = 16
NC = 2
NS = 16
NW = NC * NS
CHUNK = 64
IDXB = 4
GEDGE = IDXB * CHUNK
NGT = E // GEDGE
S_FULL = 632
S_LAST = N - 15 * S_FULL

_mesh = plsc.VectorSubcoreMesh(core_axis_name="c", subcore_axis_name="s")
_sc_params = pltpu.CompilerParams(use_tc_tiling_on_sc=False)


def _grange(cid, sid):
    w = cid * NS + sid
    gb = (w * NGT) // NW
    ge = ((w + 1) * NGT) // NW
    return gb, ge


def _stripes(copy_fn):
    sid = lax.axis_index("s")

    @pl.when(sid < 15)
    def _():
        copy_fn(sid * S_FULL, S_FULL)

    @pl.when(sid == 15)
    def _():
        copy_fn(15 * S_FULL, S_LAST)


@functools.partial(
    pl.kernel,
    out_type=(
        jax.ShapeDtypeStruct((NC, N, D), jnp.float32),
        jax.ShapeDtypeStruct((NC, N, DE), jnp.float32),
        jax.ShapeDtypeStruct((NC, N, 8), jnp.float32),
    ),
    mesh=_mesh,
    compiler_params=_sc_params,
    scratch_types=[
        pltpu.VMEM((IDXB, CHUNK), jnp.int32),
        pltpu.VMEM((IDXB, CHUNK), jnp.int32),
        pltpu.VMEM((2, CHUNK, D), jnp.float32),
        pltpu.VMEM((GEDGE, DE), jnp.float32),
        pltpu.VMEM((CHUNK, 8), jnp.float32),
        pltpu.VMEM_SHARED((N, D), jnp.float32),
        pltpu.VMEM_SHARED((N, DE), jnp.float32),
        pltpu.VMEM_SHARED((N, 8), jnp.float32),
        pltpu.SemaphoreType.DMA((2,)),
        pltpu.SemaphoreType.DMA((2,)),
        pltpu.SemaphoreType.DMA((2,)),
    ],
)
def _sc_agg1(x_hbm, ea_hbm, src_hbm, dst_hbm, ones_hbm, zx_hbm, ze_hbm, zd_hbm,
             ox_hbm, oe_hbm, od_hbm,
             src_v, dst_v, xrows, ea4, ones_v, accx, acce, accd,
             sem_g, sem_s, sem_e):
    cid = lax.axis_index("c")
    sid = lax.axis_index("s")

    def zinit(r0, nr):
        pltpu.sync_copy(zx_hbm.at[pl.ds(r0, nr)], accx.at[pl.ds(r0, nr)])
        pltpu.sync_copy(ze_hbm.at[pl.ds(r0, nr)], acce.at[pl.ds(r0, nr)])
        pltpu.sync_copy(zd_hbm.at[pl.ds(r0, nr)], accd.at[pl.ds(r0, nr)])

    _stripes(zinit)
    pltpu.sync_copy(ones_hbm, ones_v)
    plsc.subcore_barrier()

    gb, ge = _grange(cid, sid)

    def grp(g, carry):
        pltpu.sync_copy(src_hbm.at[g], src_v)
        pltpu.sync_copy(dst_hbm.at[g], dst_v)
        goff = g * GEDGE
        pltpu.sync_copy(ea_hbm.at[pl.ds(goff, GEDGE)], ea4)

        eds = []
        for jj in range(IDXB):
            didx = dst_v.at[jj]
            eds.append(pltpu.async_copy(
                ea4.at[pl.ds(jj * CHUNK, CHUNK)], acce.at[didx],
                sem_e.at[0], add=True))
            eds.append(pltpu.async_copy(
                ones_v, accd.at[didx], sem_e.at[1], add=True))

        def G(jj):
            return pltpu.async_copy(x_hbm.at[src_v.at[jj]],
                                    xrows.at[jj % 2], sem_g.at[jj % 2])

        def S(jj):
            return pltpu.async_copy(xrows.at[jj % 2], accx.at[dst_v.at[jj]],
                                    sem_s.at[jj % 2], add=True)

        gd0 = G(0)
        gd1 = G(1)
        gd0.wait(); sx0 = S(0)
        gd1.wait(); sx1 = S(1)
        sx0.wait(); gd2 = G(2)
        sx1.wait(); gd3 = G(3)
        gd2.wait(); sx2 = S(2)
        gd3.wait(); sx3 = S(3)
        sx2.wait(); sx3.wait()
        for d in eds:
            d.wait()
        return carry

    lax.fori_loop(gb, ge, grp, 0)
    plsc.subcore_barrier()

    def wback(r0, nr):
        pltpu.sync_copy(accx.at[pl.ds(r0, nr)], ox_hbm.at[cid, pl.ds(r0, nr)])
        pltpu.sync_copy(acce.at[pl.ds(r0, nr)], oe_hbm.at[cid, pl.ds(r0, nr)])
        pltpu.sync_copy(accd.at[pl.ds(r0, nr)], od_hbm.at[cid, pl.ds(r0, nr)])

    _stripes(wback)


@functools.partial(
    pl.kernel,
    out_type=jax.ShapeDtypeStruct((NC, N, D), jnp.float32),
    mesh=_mesh,
    compiler_params=_sc_params,
    scratch_types=[
        pltpu.VMEM((IDXB, CHUNK), jnp.int32),
        pltpu.VMEM((IDXB, CHUNK), jnp.int32),
        pltpu.VMEM((2, CHUNK, D), jnp.float32),
        pltpu.VMEM_SHARED((N, D), jnp.float32),
        pltpu.SemaphoreType.DMA((2,)),
        pltpu.SemaphoreType.DMA((2,)),
    ],
)
def _sc_agg2(h_hbm, src_hbm, dst_hbm, zx_hbm, oh_hbm,
             src_v, dst_v, hrows, acch, sem_g, sem_s):
    cid = lax.axis_index("c")
    sid = lax.axis_index("s")

    def zinit(r0, nr):
        pltpu.sync_copy(zx_hbm.at[pl.ds(r0, nr)], acch.at[pl.ds(r0, nr)])

    _stripes(zinit)
    plsc.subcore_barrier()

    gb, ge = _grange(cid, sid)

    def grp(g, carry):
        pltpu.sync_copy(src_hbm.at[g], src_v)
        pltpu.sync_copy(dst_hbm.at[g], dst_v)

        def G(jj):
            return pltpu.async_copy(h_hbm.at[src_v.at[jj]],
                                    hrows.at[jj % 2], sem_g.at[jj % 2])

        def S(jj):
            return pltpu.async_copy(hrows.at[jj % 2], acch.at[dst_v.at[jj]],
                                    sem_s.at[jj % 2], add=True)

        gd0 = G(0)
        gd1 = G(1)
        gd0.wait(); sx0 = S(0)
        gd1.wait(); sx1 = S(1)
        sx0.wait(); gd2 = G(2)
        sx1.wait(); gd3 = G(3)
        gd2.wait(); sx2 = S(2)
        gd3.wait(); sx3 = S(3)
        sx2.wait(); sx3.wait()
        return carry

    lax.fori_loop(gb, ge, grp, 0)
    plsc.subcore_barrier()

    def wback(r0, nr):
        pltpu.sync_copy(acch.at[pl.ds(r0, nr)], oh_hbm.at[cid, pl.ds(r0, nr)])

    _stripes(wback)


@functools.partial(
    pl.kernel,
    out_type=jax.ShapeDtypeStruct((E, 8), jnp.float32),
    mesh=_mesh,
    compiler_params=_sc_params,
    scratch_types=[
        pltpu.VMEM((IDXB, CHUNK), jnp.int32),
        pltpu.VMEM((IDXB, CHUNK), jnp.int32),
        pltpu.VMEM((IDXB, CHUNK, 8), jnp.float32),
        pltpu.SemaphoreType.DMA((2,)),
    ],
)
def _sc_edge_score(ps_hbm, pd_hbm, src_hbm, dst_hbm, out_hbm,
                   src_v, dst_v, s_v, sem):
    cid = lax.axis_index("c")
    sid = lax.axis_index("s")
    gb, ge = _grange(cid, sid)

    def grp(g, carry):
        pltpu.sync_copy(src_hbm.at[g], src_v)
        pltpu.sync_copy(dst_hbm.at[g], dst_v)
        goff = g * GEDGE

        ds = [pltpu.async_copy(ps_hbm.at[src_v.at[jj]], s_v.at[jj],
                               sem.at[0]) for jj in range(IDXB)]
        das = []
        for jj in range(IDXB):
            ds[jj].wait()
            das.append(pltpu.async_copy(pd_hbm.at[dst_v.at[jj]], s_v.at[jj],
                                        sem.at[1], add=True))
        for jj in range(IDXB):
            das[jj].wait()
            pltpu.sync_copy(s_v.at[jj],
                            out_hbm.at[pl.ds(goff + jj * CHUNK, CHUNK)])
        return carry

    lax.fori_loop(gb, ge, grp, 0)


CROWS = E // 16
CBLK = 2000


def _tc_compact(s8, sel):

    def body(sr, selr, outr):
        outr[...] = jnp.dot(sr[...], selr[...],
                            preferred_element_type=jnp.float32)

    return pl.pallas_call(
        body,
        grid=(CROWS // CBLK,),
        in_specs=[pl.BlockSpec((CBLK, 128), lambda i: (i, 0)),
                  pl.BlockSpec((128, 32), lambda i: (0, 0))],
        out_specs=pl.BlockSpec((CBLK, 32), lambda i: (i, 0)),
        out_shape=jax.ShapeDtypeStruct((CROWS, 32), jnp.float32),
    )(s8, sel)


RB = 400
NRB = N // RB


def _row3_spec(c, k):
    return pl.BlockSpec((1, RB, c), lambda i, k=k: (k, i, 0))


def _row_spec(c):
    return pl.BlockSpec((RB, c), lambda i: (i, 0))


def _full_spec(r, c):
    return pl.BlockSpec((r, c), lambda i: (0, 0))


def _tc_layer(ox, oe, od, h, wmh, wme, bm, wah, wan, ba, wp=None, bp=None):
    with_p = wp is not None
    if not with_p:
        wp = jnp.zeros((D, 16), jnp.float32)
        bp = jnp.zeros((1, 8), jnp.float32)

    def body(ox0r, ox1r, oe0r, oe1r, od0r, od1r, hr, wmhr, wmer, bmr, wahr,
             wanr, bar, wpr, bpr, hor, *maybe_p):
        aggh = ox0r[0] + ox1r[0]
        agge = oe0r[0] + oe1r[0]
        deg = od0r[0][:, 0:1] + od1r[0][:, 0:1]
        s = (jnp.dot(aggh, wmhr[...], preferred_element_type=jnp.float32)
             + jnp.dot(agge, wmer[...], preferred_element_type=jnp.float32)
             + deg * bmr[...])
        hn = jnp.where(deg > 0, s / jnp.maximum(deg, 1.0), 0.0)
        hnew = jax.nn.relu(
            jnp.dot(hr[...], wahr[...], preferred_element_type=jnp.float32)
            + jnp.dot(hn, wanr[...], preferred_element_type=jnp.float32)
            + bar[...])
        hor[...] = hnew
        if maybe_p:
            p = jnp.dot(hnew, wpr[...], preferred_element_type=jnp.float32)
            maybe_p[0][...] = p[:, 0:8]
            maybe_p[1][...] = p[:, 8:16] + bpr[...]

    out_shape = [jax.ShapeDtypeStruct((N, D), jnp.float32)]
    out_specs = [_row_spec(D)]
    if with_p:
        out_shape += [jax.ShapeDtypeStruct((N, 8), jnp.float32)] * 2
        out_specs += [_row_spec(8)] * 2

    res = pl.pallas_call(
        body,
        grid=(NRB,),
        in_specs=[
            _row3_spec(D, 0), _row3_spec(D, 1),
            _row3_spec(DE, 0), _row3_spec(DE, 1),
            _row3_spec(8, 0), _row3_spec(8, 1),
            _row_spec(D),
            _full_spec(D, D), _full_spec(DE, D), _full_spec(1, D),
            _full_spec(D, D), _full_spec(D, D), _full_spec(1, D),
            _full_spec(D, 16), _full_spec(1, 8),
        ],
        out_specs=out_specs,
        out_shape=out_shape,
    )(ox, ox, oe, oe, od, od, h, wmh, wme, bm, wah, wan, ba, wp, bp)
    return res if with_p else res[0]


def kernel(x, edge_index, edge_attr, W_msg1, b_msg1, W_apply1, b_apply1,
           W_msg2, b_msg2, W_apply2, b_apply2, W_pred, b_pred):
    src = edge_index[0].astype(jnp.int32)
    dst = edge_index[1].astype(jnp.int32)

    src_p = src.reshape(NGT, IDXB, CHUNK)
    dst_p = dst.reshape(NGT, IDXB, CHUNK)

    ones8 = jnp.ones((CHUNK, 8), jnp.float32)
    zx = jnp.zeros((N, D), jnp.float32)
    ze = jnp.zeros((N, DE), jnp.float32)
    zd = jnp.zeros((N, 8), jnp.float32)

    ox, oe, od = _sc_agg1(x, edge_attr, src_p, dst_p, ones8, zx, ze, zd)

    h1 = _tc_layer(ox, oe, od, x,
                   W_msg1[:D], W_msg1[D:], b_msg1[None, :],
                   W_apply1[:D], W_apply1[D:], b_apply1[None, :])

    oh = _sc_agg2(h1, src_p, dst_p, zx)

    wp16 = jnp.zeros((D, 16), jnp.float32)
    wp16 = wp16.at[:, 0:2].set(W_pred[:D]).at[:, 8:10].set(W_pred[D:])
    bp8 = jnp.zeros((1, 8), jnp.float32).at[0, 0:2].set(b_pred)

    _, ps_tab, pd_tab = _tc_layer(oh, oe, od, h1,
                                  W_msg2[:D], W_msg2[D:], b_msg2[None, :],
                                  W_apply2[:D], W_apply2[D:], b_apply2[None, :],
                                  wp=wp16, bp=bp8)

    s8 = _sc_edge_score(ps_tab, pd_tab, src_p, dst_p)
    sel = jnp.zeros((128, 32), jnp.float32)
    ke = jnp.arange(16)
    for c in range(2):
        sel = sel.at[8 * ke + c, 2 * ke + c].set(1.0)
    return _tc_compact(s8.reshape(CROWS, 128), sel).reshape(E, 2)

# --- scband reference (transcript-rebuilt; emitter-appended) ---
"""Pipeline reference for scband-egraph-sage-56057913147666 (READ-ONLY COPY).

The authoritative reference and input builder live on the scoring server;
editing this copy changes nothing except your own understanding.
"""

import jax, jax.numpy as jnp
import numpy as np

N = 10000
E = 320000
D_FEAT = 128
D_EDGE = 16
HIDDEN = 128
NUM_CLASSES = 2


def _lin_w(k, fan_in, fan_out):
    return jax.random.normal(k, (fan_in, fan_out), dtype=jnp.float32) / np.sqrt(fan_in)


def setup_inputs(seed: int = 0) -> dict:
    key = jax.random.key(seed)
    ks = jax.random.split(key, 10)
    x = jax.random.normal(ks[0], (N, D_FEAT), dtype=jnp.float32)
    edge_index = jax.random.randint(ks[1], (2, E), 0, N)
    edge_attr = jax.random.normal(ks[2], (E, D_EDGE), dtype=jnp.float32)
    W_msg1 = _lin_w(ks[3], D_FEAT + D_EDGE, HIDDEN)
    b_msg1 = jnp.zeros((HIDDEN,), jnp.float32)
    W_apply1 = _lin_w(ks[4], D_FEAT + HIDDEN, HIDDEN)
    b_apply1 = jnp.zeros((HIDDEN,), jnp.float32)
    W_msg2 = _lin_w(ks[5], HIDDEN + D_EDGE, HIDDEN)
    b_msg2 = jnp.zeros((HIDDEN,), jnp.float32)
    W_apply2 = _lin_w(ks[6], HIDDEN + HIDDEN, HIDDEN)
    b_apply2 = jnp.zeros((HIDDEN,), jnp.float32)
    W_pred = _lin_w(ks[7], 2 * HIDDEN, NUM_CLASSES)
    b_pred = jnp.zeros((NUM_CLASSES,), jnp.float32)
    return {
        "x": x, "edge_index": edge_index, "edge_attr": edge_attr,
        "W_msg1": W_msg1, "b_msg1": b_msg1, "W_apply1": W_apply1, "b_apply1": b_apply1,
        "W_msg2": W_msg2, "b_msg2": b_msg2, "W_apply2": W_apply2, "b_apply2": b_apply2,
        "W_pred": W_pred, "b_pred": b_pred,
    }


def reference(x, edge_index, edge_attr, W_msg1, b_msg1, W_apply1, b_apply1,
              W_msg2, b_msg2, W_apply2, b_apply2, W_pred, b_pred):
    src = edge_index[0]
    dst = edge_index[1]

    def sage_layer(h, Wm, bm, Wa, ba):
        # message: W_msg(cat(h_src, edge_feat)) per edge
        m = jnp.concatenate([h[src], edge_attr], axis=-1) @ Wm + bm
        # mean aggregation over incoming edges at dst (fn.mean)
        s = jax.ops.segment_sum(m, dst, num_segments=N)
        deg = jax.ops.segment_sum(jnp.ones((E,), m.dtype), dst, num_segments=N)[:, None]
        h_neigh = jnp.where(deg > 0, s / jnp.maximum(deg, 1.0), 0.0)
        # apply: relu(W_apply(cat(h, h_neigh)))
        h_new = jnp.concatenate([h, h_neigh], axis=-1) @ Wa + ba
        return jax.nn.relu(h_new)

    h = sage_layer(x, W_msg1, b_msg1, W_apply1, b_apply1)
    # dropout is identity at inference
    h = sage_layer(h, W_msg2, b_msg2, W_apply2, b_apply2)
    # edge predictor: W(cat(h_src, h_dst)) per edge
    score = jnp.concatenate([h[src], h[dst]], axis=-1) @ W_pred + b_pred
    return score

if __name__ == "__main__":
    import jax
    _d = setup_inputs()
    print(jax.jit(kernel)(*tuple(_d.values())))

</pallas_src>

<mosaic_0001>
#map = affine_map<(d0, d1) -> (0, 0)>
#map1 = affine_map<(d0, d1) -> (0, 0, 0)>
module attributes {stable_mosaic.version = 14 : i64} {
  func.func @_sc_agg2(%arg0: i32, %arg1: i32, %arg2: memref<10000x128xf32, #tpu.memory_space<hbm>>, %arg3: memref<1250x4x64xi32, #tpu.memory_space<hbm>>, %arg4: memref<1250x4x64xi32, #tpu.memory_space<hbm>>, %arg5: memref<10000x128xf32, #tpu.memory_space<hbm>>, %arg6: memref<2x10000x128xf32, #tpu.memory_space<hbm>>, %arg7: memref<4x64xi32, #tpu.memory_space<vmem>>, %arg8: memref<4x64xi32, #tpu.memory_space<vmem>>, %arg9: memref<2x64x128xf32, #tpu.memory_space<vmem>>, %arg10: memref<10000x128xf32, #tpu.memory_space<vmem_shared>>, %arg11: memref<2x!tpu.dma_semaphore, #tpu.memory_space<semaphore_mem>>, %arg12: memref<2x!tpu.dma_semaphore, #tpu.memory_space<semaphore_mem>>) attributes {dimension_semantics = [#tpu.dimension_semantics<core_parallel>, #tpu.dimension_semantics<subcore_parallel>], iteration_bounds = array<i64: 2, 16>, scalar_prefetch = 0 : i64, scratch_operands = 6 : i64, tpu.core_type = #tpu.core_type<sc_vector_subcore>, window_params = [{transform_indices = #map}, {transform_indices = #map1}, {transform_indices = #map1}, {transform_indices = #map}, {transform_indices = #map1}]} {
    %lt3A = arith.constant 15 : i32
    %lt3A_0 = arith.cmpi slt, %arg1, %lt3A : i32
    %convert_element_type3A = arith.extui %lt3A_0 : i1 to i32
    %cond3A = arith.constant 0 : i32
    %cond3A_1 = arith.cmpi ne, %convert_element_type3A, %cond3A : i32
    scf.if %cond3A_1 {
      %mul3A_72 = arith.constant 632 : i32
      %mul3A_73 = arith.muli %arg1, %mul3A_72 : i32
      "tpu.region"() ({
        %run_scoped3A = tpu.sem_alloc : memref<!tpu.dma_semaphore, #tpu.memory_space<semaphore_mem>>
        %dma_start3A = arith.constant 0 : i32
        %dma_start3A_74 = tpu.memref_slice %arg10[%mul3A_73, %dma_start3A] : memref<10000x128xf32, #tpu.memory_space<vmem_shared>> -> memref<632x128xf32, #tpu.memory_space<vmem_shared>>
        %dma_start3A_75 = arith.constant 0 : i32
        %dma_start3A_76 = tpu.memref_slice %arg5[%mul3A_73, %dma_start3A_75] : memref<10000x128xf32, #tpu.memory_space<hbm>> -> memref<632x128xf32, #tpu.memory_space<hbm>>
        tpu.enqueue_dma source(%dma_start3A_76 : memref<632x128xf32, #tpu.memory_space<hbm>>) target(%dma_start3A_74 : memref<632x128xf32, #tpu.memory_space<vmem_shared>>) target_semaphore(%run_scoped3A : memref<!tpu.dma_semaphore, #tpu.memory_space<semaphore_mem>>)
        %dma_wait3A = arith.constant 0 : i32
        %dma_wait3A_77 = tpu.memref_slice %arg10[%mul3A_73, %dma_wait3A] : memref<10000x128xf32, #tpu.memory_space<vmem_shared>> -> memref<632x128xf32, #tpu.memory_space<vmem_shared>>
        %dma_wait3A_78 = arith.constant 0 : i32
        %dma_wait3A_79 = tpu.memref_slice %arg5[%mul3A_73, %dma_wait3A_78] : memref<10000x128xf32, #tpu.memory_space<hbm>> -> memref<632x128xf32, #tpu.memory_space<hbm>>
        tpu.wait_dma2 semaphore(%run_scoped3A : memref<!tpu.dma_semaphore, #tpu.memory_space<semaphore_mem>>) src(%dma_wait3A_79 : memref<632x128xf32, #tpu.memory_space<hbm>>) dst(%dma_wait3A_77 : memref<632x128xf32, #tpu.memory_space<vmem_shared>>)
        tpu.yield
      }) : () -> ()
    } else {
    }
    %eq3A = arith.constant 15 : i32
    %eq3A_2 = arith.cmpi eq, %arg1, %eq3A : i32
    %convert_element_type3A_3 = arith.extui %eq3A_2 : i1 to i32
    %cond3A_4 = arith.constant 0 : i32
    %cond3A_5 = arith.cmpi ne, %convert_element_type3A_3, %cond3A_4 : i32
    scf.if %cond3A_5 {
      "tpu.region"() ({
        %run_scoped3A = tpu.sem_alloc : memref<!tpu.dma_semaphore, #tpu.memory_space<semaphore_mem>>
        %dma_start3A = arith.constant 9480 : i32
        %dma_start3A_72 = arith.constant 0 : i32
        %dma_start3A_73 = tpu.memref_slice %arg10[%dma_start3A, %dma_start3A_72] : memref<10000x128xf32, #tpu.memory_space<vmem_shared>> -> memref<520x128xf32, #tpu.memory_space<vmem_shared>>
        %dma_start3A_74 = arith.constant 9480 : i32
        %dma_start3A_75 = arith.constant 0 : i32
        %dma_start3A_76 = tpu.memref_slice %arg5[%dma_start3A_74, %dma_start3A_75] : memref<10000x128xf32, #tpu.memory_space<hbm>> -> memref<520x128xf32, #tpu.memory_space<hbm>>
        tpu.enqueue_dma source(%dma_start3A_76 : memref<520x128xf32, #tpu.memory_space<hbm>>) target(%dma_start3A_73 : memref<520x128xf32, #tpu.memory_space<vmem_shared>>) target_semaphore(%run_scoped3A : memref<!tpu.dma_semaphore, #tpu.memory_space<semaphore_mem>>)
        %dma_wait3A = arith.constant 9480 : i32
        %dma_wait3A_77 = arith.constant 0 : i32
        %dma_wait3A_78 = tpu.memref_slice %arg10[%dma_wait3A, %dma_wait3A_77] : memref<10000x128xf32, #tpu.memory_space<vmem_shared>> -> memref<520x128xf32, #tpu.memory_space<vmem_shared>>
        %dma_wait3A_79 = arith.constant 9480 : i32
        %dma_wait3A_80 = arith.constant 0 : i32
        %dma_wait3A_81 = tpu.memref_slice %arg5[%dma_wait3A_79, %dma_wait3A_80] : memref<10000x128xf32, #tpu.memory_space<hbm>> -> memref<520x128xf32, #tpu.memory_space<hbm>>
        tpu.wait_dma2 semaphore(%run_scoped3A : memref<!tpu.dma_semaphore, #tpu.memory_space<semaphore_mem>>) src(%dma_wait3A_81 : memref<520x128xf32, #tpu.memory_space<hbm>>) dst(%dma_wait3A_78 : memref<520x128xf32, #tpu.memory_space<vmem_shared>>)
        tpu.yield
      }) : () -> ()
    } else {
    }
    %barrier3A = arith.constant 0 : index
    tpu.barrier barrier_id(%barrier3A)
    %mul3A = arith.constant 16 : i32
    %mul3A_6 = arith.muli %arg0, %mul3A : i32
    %add3A = arith.addi %mul3A_6, %arg1 : i32
    %mul3A_7 = arith.constant 1250 : i32
    %mul3A_8 = arith.muli %add3A, %mul3A_7 : i32
    %jit3A = arith.constant 32 : i32
    %div3A = arith.divsi %mul3A_8, %jit3A : i32
    %sign3A = arith.constant 0 : i32
    %sign3A_9 = arith.cmpi sgt, %mul3A_8, %sign3A : i32
    %sign3A_10 = arith.extui %sign3A_9 : i1 to i32
    %sign3A_11 = arith.constant 0 : i32
    %sign3A_12 = arith.cmpi slt, %mul3A_8, %sign3A_11 : i32
    %sign3A_13 = arith.extui %sign3A_12 : i1 to i32
    %sign3A_14 = arith.subi %sign3A_10, %sign3A_13 : i32
    %sign3A_15 = arith.constant 0 : i32
    %sign3A_16 = arith.cmpi sgt, %jit3A, %sign3A_15 : i32
    %sign3A_17 = arith.extui %sign3A_16 : i1 to i32
    %sign3A_18 = arith.constant 0 : i32
    %sign3A_19 = arith.cmpi slt, %jit3A, %sign3A_18 : i32
    %sign3A_20 = arith.extui %sign3A_19 : i1 to i32
    %sign3A_21 = arith.subi %sign3A_17, %sign3A_20 : i32
    %ne3A = arith.cmpi ne, %sign3A_14, %sign3A_21 : i32
    %rem3A = arith.remsi %mul3A_8, %jit3A : i32
    %ne3A_22 = arith.constant 0 : i32
    %ne3A_23 = arith.cmpi ne, %rem3A, %ne3A_22 : i32
    %and3A = arith.andi %ne3A, %ne3A_23 : i1
    %sub3A = arith.constant 1 : i32
    %sub3A_24 = arith.subi %div3A, %sub3A : i32
    %select_n3A = arith.select %and3A, %sub3A_24, %div3A : i32
    %add3A_25 = arith.constant 1 : i32
    %add3A_26 = arith.addi %add3A, %add3A_25 : i32
    %mul3A_27 = arith.constant 1250 : i32
    %mul3A_28 = arith.muli %add3A_26, %mul3A_27 : i32
    %jit3A_29 = arith.constant 32 : i32
    %div3A_30 = arith.divsi %mul3A_28, %jit3A_29 : i32
    %sign3A_31 = arith.constant 0 : i32
    %sign3A_32 = arith.cmpi sgt, %mul3A_28, %sign3A_31 : i32
    %sign3A_33 = arith.extui %sign3A_32 : i1 to i32
    %sign3A_34 = arith.constant 0 : i32
    %sign3A_35 = arith.cmpi slt, %mul3A_28, %sign3A_34 : i32
    %sign3A_36 = arith.extui %sign3A_35 : i1 to i32
    %sign3A_37 = arith.subi %sign3A_33, %sign3A_36 : i32
    %sign3A_38 = arith.constant 0 : i32
    %sign3A_39 = arith.cmpi sgt, %jit3A_29, %sign3A_38 : i32
    %sign3A_40 = arith.extui %sign3A_39 : i1 to i32
    %sign3A_41 = arith.constant 0 : i32
    %sign3A_42 = arith.cmpi slt, %jit3A_29, %sign3A_41 : i32
    %sign3A_43 = arith.extui %sign3A_42 : i1 to i32
    %sign3A_44 = arith.subi %sign3A_40, %sign3A_43 : i32
    %ne3A_45 = arith.cmpi ne, %sign3A_37, %sign3A_44 : i32
    %rem3A_46 = arith.remsi %mul3A_28, %jit3A_29 : i32
    %ne3A_47 = arith.constant 0 : i32
    %ne3A_48 = arith.cmpi ne, %rem3A_46, %ne3A_47 : i32
    %and3A_49 = arith.andi %ne3A_45, %ne3A_48 : i1
    %sub3A_50 = arith.constant 1 : i32
    %sub3A_51 = arith.subi %div3A_30, %sub3A_50 : i32
    %select_n3A_52 = arith.select %and3A_49, %sub3A_51, %div3A_30 : i32
    %while3A = arith.constant 0 : i32
    %while3A_53 = arith.subi %select_n3A_52, %select_n3A : i32
    %while3A_54 = arith.addi %select_n3A, %while3A_53 : i32
    %while3A_55 = arith.constant 1 : i32
    %while3A_56 = arith.divsi %while3A_53, %while3A_55 : i32
    %while3A_57 = arith.muli %while3A_56, %while3A_55 : i32
    %while3A_58 = arith.addi %select_n3A, %while3A_57 : i32
    %while3A_59 = arith.constant 1 : i32
    scf.for %while3A_72 = %select_n3A to %while3A_58 step %while3A_59  : i32 {
      "tpu.region"() ({
        %run_scoped3A = tpu.sem_alloc : memref<!tpu.dma_semaphore, #tpu.memory_space<semaphore_mem>>
        %dma_start3A_311 = arith.constant 0 : i32
        %dma_start3A_312 = arith.constant 0 : i32
        %dma_start3A_313 = tpu.memref_slice %arg3[%while3A_72, %dma_start3A_311, %dma_start3A_312] : memref<1250x4x64xi32, #tpu.memory_space<hbm>> -> memref<1x4x64xi32, #tpu.memory_space<hbm>>
        %dma_start3A_314 = tpu.memref_squeeze %dma_start3A_313 : memref<1x4x64xi32, #tpu.memory_space<hbm>> -> memref<4x64xi32, #tpu.memory_space<hbm>>
        %dma_start3A_315 = arith.constant 0 : i32
        %dma_start3A_316 = arith.constant 0 : i32
        %dma_start3A_317 = tpu.memref_slice %arg3[%while3A_72, %dma_start3A_315, %dma_start3A_316] : memref<1250x4x64xi32, #tpu.memory_space<hbm>> -> memref<1x4x64xi32, #tpu.memory_space<hbm>>
        %dma_start3A_318 = tpu.memref_squeeze %dma_start3A_317 : memref<1x4x64xi32, #tpu.memory_space<hbm>> -> memref<4x64xi32, #tpu.memory_space<hbm>>
        tpu.enqueue_dma source(%dma_start3A_318 : memref<4x64xi32, #tpu.memory_space<hbm>>) target(%arg7 : memref<4x64xi32, #tpu.memory_space<vmem>>) target_semaphore(%run_scoped3A : memref<!tpu.dma_semaphore, #tpu.memory_space<semaphore_mem>>)
        %dma_wait3A_319 = arith.constant 0 : i32
        %dma_wait3A_320 = arith.constant 0 : i32
        %dma_wait3A_321 = tpu.memref_slice %arg3[%while3A_72, %dma_wait3A_319, %dma_wait3A_320] : memref<1250x4x64xi32, #tpu.memory_space<hbm>> -> memref<1x4x64xi32, #tpu.memory_space<hbm>>
        %dma_wait3A_322 = tpu.memref_squeeze %dma_wait3A_321 : memref<1x4x64xi32, #tpu.memory_space<hbm>> -> memref<4x64xi32, #tpu.memory_space<hbm>>
        %dma_wait3A_323 = arith.constant 0 : i32
        %dma_wait3A_324 = arith.constant 0 : i32
        %dma_wait3A_325 = tpu.memref_slice %arg3[%while3A_72, %dma_wait3A_323, %dma_wait3A_324] : memref<1250x4x64xi32, #tpu.memory_space<hbm>> -> memref<1x4x64xi32, #tpu.memory_space<hbm>>
        %dma_wait3A_326 = tpu.memref_squeeze %dma_wait3A_325 : memref<1x4x64xi32, #tpu.memory_space<hbm>> -> memref<4x64xi32, #tpu.memory_space<hbm>>
        tpu.wait_dma2 semaphore(%run_scoped3A : memref<!tpu.dma_semaphore, #tpu.memory_space<semaphore_mem>>) src(%dma_wait3A_326 : memref<4x64xi32, #tpu.memory_space<hbm>>) dst(%arg7 : memref<4x64xi32, #tpu.memory_space<vmem>>)
        tpu.yield
      }) : () -> ()
      "tpu.region"() ({
        %run_scoped3A = tpu.sem_alloc : memref<!tpu.dma_semaphore, #tpu.memory_space<semaphore_mem>>
        %dma_start3A_311 = arith.constant 0 : i32
        %dma_start3A_312 = arith.constant 0 : i32
        %dma_start3A_313 = tpu.memref_slice %arg4[%while3A_72, %dma_start3A_311, %dma_start3A_312] : memref<1250x4x64xi32, #tpu.memory_space<hbm>> -> memref<1x4x64xi32, #tpu.memory_space<hbm>>
        %dma_start3A_314 = tpu.memref_squeeze %dma_start3A_313 : memref<1x4x64xi32, #tpu.memory_space<hbm>> -> memref<4x64xi32, #tpu.memory_space<hbm>>
        %dma_start3A_315 = arith.constant 0 : i32
        %dma_start3A_316 = arith.constant 0 : i32
        %dma_start3A_317 = tpu.memref_slice %arg4[%while3A_72, %dma_start3A_315, %dma_start3A_316] : memref<1250x4x64xi32, #tpu.memory_space<hbm>> -> memref<1x4x64xi32, #tpu.memory_space<hbm>>
        %dma_start3A_318 = tpu.memref_squeeze %dma_start3A_317 : memref<1x4x64xi32, #tpu.memory_space<hbm>> -> memref<4x64xi32, #tpu.memory_space<hbm>>
        tpu.enqueue_dma source(%dma_start3A_318 : memref<4x64xi32, #tpu.memory_space<hbm>>) target(%arg8 : memref<4x64xi32, #tpu.memory_space<vmem>>) target_semaphore(%run_scoped3A : memref<!tpu.dma_semaphore, #tpu.memory_space<semaphore_mem>>)
        %dma_wait3A_319 = arith.constant 0 : i32
        %dma_wait3A_320 = arith.constant 0 : i32
        %dma_wait3A_321 = tpu.memref_slice %arg4[%while3A_72, %dma_wait3A_319, %dma_wait3A_320] : memref<1250x4x64xi32, #tpu.memory_space<hbm>> -> memref<1x4x64xi32, #tpu.memory_space<hbm>>
        %dma_wait3A_322 = tpu.memref_squeeze %dma_wait3A_321 : memref<1x4x64xi32, #tpu.memory_space<hbm>> -> memref<4x64xi32, #tpu.memory_space<hbm>>
        %dma_wait3A_323 = arith.constant 0 : i32
        %dma_wait3A_324 = arith.constant 0 : i32
        %dma_wait3A_325 = tpu.memref_slice %arg4[%while3A_72, %dma_wait3A_323, %dma_wait3A_324] : memref<1250x4x64xi32, #tpu.memory_space<hbm>> -> memref<1x4x64xi32, #tpu.memory_space<hbm>>
        %dma_wait3A_326 = tpu.memref_squeeze %dma_wait3A_325 : memref<1x4x64xi32, #tpu.memory_space<hbm>> -> memref<4x64xi32, #tpu.memory_space<hbm>>
        tpu.wait_dma2 semaphore(%run_scoped3A : memref<!tpu.dma_semaphore, #tpu.memory_space<semaphore_mem>>) src(%dma_wait3A_326 : memref<4x64xi32, #tpu.memory_space<hbm>>) dst(%arg8 : memref<4x64xi32, #tpu.memory_space<vmem>>)
        tpu.yield
      }) : () -> ()
      %dma_start3A = arith.constant 0 : i32
      %dma_start3A_73 = arith.constant 0 : i32
      %dma_start3A_74 = arith.constant 0 : i32
      %dma_start3A_75 = arith.constant 0 : i32
      %dma_start3A_76 = arith.constant 0 : i32
      %dma_start3A_77 = tpu.memref_slice %arg9[%dma_start3A_73, %dma_start3A_75, %dma_start3A_76] : memref<2x64x128xf32, #tpu.memory_space<vmem>> -> memref<1x64x128xf32, #tpu.memory_space<vmem>>
      %dma_start3A_78 = tpu.memref_squeeze %dma_start3A_77 : memref<1x64x128xf32, #tpu.memory_space<vmem>> -> memref<64x128xf32, #tpu.memory_space<vmem>>
      %dma_start3A_79 = arith.constant 0 : i32
      %dma_start3A_80 = tpu.memref_slice %arg7[%dma_start3A, %dma_start3A_79] : memref<4x64xi32, #tpu.memory_space<vmem>> -> memref<1x64xi32, #tpu.memory_space<vmem>>
      %dma_start3A_81 = tpu.memref_squeeze %dma_start3A_80 : memref<1x64xi32, #tpu.memory_space<vmem>> -> memref<64xi32, #tpu.memory_space<vmem>>
      %dma_start3A_82 = arith.constant 0 : i32
      %dma_start3A_83 = arith.constant 0 : i32
      %dma_start3A_84 = tpu.memref_slice %arg2[%dma_start3A_82, %dma_start3A_83] : memref<10000x128xf32, #tpu.memory_space<hbm>> -> memref<10000x128xf32, #tpu.memory_space<hbm>>
      %dma_start3A_85 = tpu.memref_slice %arg11[%dma_start3A_74] : memref<2x!tpu.dma_semaphore, #tpu.memory_space<semaphore_mem>> -> memref<1x!tpu.dma_semaphore, #tpu.memory_space<semaphore_mem>>
      %dma_start3A_86 = tpu.memref_squeeze %dma_start3A_85 : memref<1x!tpu.dma_semaphore, #tpu.memory_space<semaphore_mem>> -> memref<!tpu.dma_semaphore, #tpu.memory_space<semaphore_mem>>
      tpu.enqueue_indirect_dma source(%dma_start3A_84 : memref<10000x128xf32, #tpu.memory_space<hbm>>) target(%dma_start3A_78 : memref<64x128xf32, #tpu.memory_space<vmem>>) offsets(%dma_start3A_81 : memref<64xi32, #tpu.memory_space<vmem>>) semaphore(%dma_start3A_86 : memref<!tpu.dma_semaphore, #tpu.memory_space<semaphore_mem>>)
      %dma_start3A_87 = arith.constant 1 : i32
      %dma_start3A_88 = arith.constant 1 : i32
      %dma_start3A_89 = arith.constant 1 : i32
      %dma_start3A_90 = arith.constant 0 : i32
      %dma_start3A_91 = arith.constant 0 : i32
      %dma_start3A_92 = tpu.memref_slice %arg9[%dma_start3A_88, %dma_start3A_90, %dma_start3A_91] : memref<2x64x128xf32, #tpu.memory_space<vmem>> -> memref<1x64x128xf32, #tpu.memory_space<vmem>>
      %dma_start3A_93 = tpu.memref_squeeze %dma_start3A_92 : memref<1x64x128xf32, #tpu.memory_space<vmem>> -> memref<64x128xf32, #tpu.memory_space<vmem>>
      %dma_start3A_94 = arith.constant 0 : i32
      %dma_start3A_95 = tpu.memref_slice %arg7[%dma_start3A_87, %dma_start3A_94] : memref<4x64xi32, #tpu.memory_space<vmem>> -> memref<1x64xi32, #tpu.memory_space<vmem>>
      %dma_start3A_96 = tpu.memref_squeeze %dma_start3A_95 : memref<1x64xi32, #tpu.memory_space<vmem>> -> memref<64xi32, #tpu.memory_space<vmem>>
      %dma_start3A_97 = arith.constant 0 : i32
      %dma_start3A_98 = arith.constant 0 : i32
      %dma_start3A_99 = tpu.memref_slice %arg2[%dma_start3A_97, %dma_start3A_98] : memref<10000x128xf32, #tpu.memory_space<hbm>> -> memref<10000x128xf32, #tpu.memory_space<hbm>>
      %dma_start3A_100 = tpu.memref_slice %arg11[%dma_start3A_89] : memref<2x!tpu.dma_semaphore, #tpu.memory_space<semaphore_mem>> -> memref<1x!tpu.dma_semaphore, #tpu.memory_space<semaphore_mem>>
      %dma_start3A_101 = tpu.memref_squeeze %dma_start3A_100 : memref<1x!tpu.dma_semaphore, #tpu.memory_space<semaphore_mem>> -> memref<!tpu.dma_semaphore, #tpu.memory_space<semaphore_mem>>
      tpu.enqueue_indirect_dma source(%dma_start3A_99 : memref<10000x128xf32, #tpu.memory_space<hbm>>) target(%dma_start3A_93 : memref<64x128xf32, #tpu.memory_space<vmem>>) offsets(%dma_start3A_96 : memref<64xi32, #tpu.memory_space<vmem>>) semaphore(%dma_start3A_101 : memref<!tpu.dma_semaphore, #tpu.memory_space<semaphore_mem>>)
      %dma_wait3A = arith.constant 0 : i32
      %dma_wait3A_102 = arith.constant 0 : i32
      %dma_wait3A_103 = arith.constant 0 : i32
      %dma_wait3A_104 = arith.constant 0 : i32
      %dma_wait3A_105 = arith.constant 0 : i32
      %dma_wait3A_106 = tpu.memref_slice %arg9[%dma_wait3A_102, %dma_wait3A_104, %dma_wait3A_105] : memref<2x64x128xf32, #tpu.memory_space<vmem>> -> memref<1x64x128xf32, #tpu.memory_space<vmem>>
      %dma_wait3A_107 = tpu.memref_squeeze %dma_wait3A_106 : memref<1x64x128xf32, #tpu.memory_space<vmem>> -> memref<64x128xf32, #tpu.memory_space<vmem>>
      %dma_wait3A_108 = arith.constant 0 : i32
      %dma_wait3A_109 = tpu.memref_slice %arg7[%dma_wait3A, %dma_wait3A_108] : memref<4x64xi32, #tpu.memory_space<vmem>> -> memref<1x64xi32, #tpu.memory_space<vmem>>
      %dma_wait3A_110 = tpu.memref_squeeze %dma_wait3A_109 : memref<1x64xi32, #tpu.memory_space<vmem>> -> memref<64xi32, #tpu.memory_space<vmem>>
      %dma_wait3A_111 = arith.constant 0 : i32
      %dma_wait3A_112 = arith.constant 0 : i32
      %dma_wait3A_113 = tpu.memref_slice %arg2[%dma_wait3A_111, %dma_wait3A_112] : memref<10000x128xf32, #tpu.memory_space<hbm>> -> memref<10000x128xf32, #tpu.memory_space<hbm>>
      %dma_wait3A_114 = tpu.memref_slice %arg11[%dma_wait3A_103] : memref<2x!tpu.dma_semaphore, #tpu.memory_space<semaphore_mem>> -> memref<1x!tpu.dma_semaphore, #tpu.memory_space<semaphore_mem>>
      %dma_wait3A_115 = tpu.memref_squeeze %dma_wait3A_114 : memref<1x!tpu.dma_semaphore, #tpu.memory_space<semaphore_mem>> -> memref<!tpu.dma_semaphore, #tpu.memory_space<semaphore_mem>>
      tpu.wait_indirect_dma semaphore(%dma_wait3A_115 : memref<!tpu.dma_semaphore, #tpu.memory_space<semaphore_mem>>) src(%dma_wait3A_113 : memref<10000x128xf32, #tpu.memory_space<hbm>>) dst(%dma_wait3A_107 : memref<64x128xf32, #tpu.memory_space<vmem>>)
      %dma_start3A_116 = arith.constant 0 : i32
      %dma_start3A_117 = arith.constant 0 : i32
      %dma_start3A_118 = arith.constant 0 : i32
      %dma_start3A_119 = arith.constant 0 : i32
      %dma_start3A_120 = arith.constant 0 : i32
      %dma_start3A_121 = tpu.memref_slice %arg9[%dma_start3A_116, %dma_start3A_119, %dma_start3A_120] : memref<2x64x128xf32, #tpu.memory_space<vmem>> -> memref<1x64x128xf32, #tpu.memory_space<vmem>>
      %dma_start3A_122 = tpu.memref_squeeze %dma_start3A_121 : memref<1x64x128xf32, #tpu.memory_space<vmem>> -> memref<64x128xf32, #tpu.memory_space<vmem>>
      %dma_start3A_123 = arith.constant 0 : i32
      %dma_start3A_124 = tpu.memref_slice %arg8[%dma_start3A_117, %dma_start3A_123] : memref<4x64xi32, #tpu.memory_space<vmem>> -> memref<1x64xi32, #tpu.memory_space<vmem>>
      %dma_start3A_125 = tpu.memref_squeeze %dma_start3A_124 : memref<1x64xi32, #tpu.memory_space<vmem>> -> memref<64xi32, #tpu.memory_space<vmem>>
      %dma_start3A_126 = arith.constant 0 : i32
      %dma_start3A_127 = arith.constant 0 : i32
      %dma_start3A_128 = tpu.memref_slice %arg10[%dma_start3A_126, %dma_start3A_127] : memref<10000x128xf32, #tpu.memory_space<vmem_shared>> -> memref<10000x128xf32, #tpu.memory_space<vmem_shared>>
      %dma_start3A_129 = tpu.memref_slice %arg12[%dma_start3A_118] : memref<2x!tpu.dma_semaphore, #tpu.memory_space<semaphore_mem>> -> memref<1x!tpu.dma_semaphore, #tpu.memory_space<semaphore_mem>>
      %dma_start3A_130 = tpu.memref_squeeze %dma_start3A_129 : memref<1x!tpu.dma_semaphore, #tpu.memory_space<semaphore_mem>> -> memref<!tpu.dma_semaphore, #tpu.memory_space<semaphore_mem>>
      tpu.enqueue_indirect_dma source(%dma_start3A_122 : memref<64x128xf32, #tpu.memory_space<vmem>>) target(%dma_start3A_128 : memref<10000x128xf32, #tpu.memory_space<vmem_shared>>) offsets(%dma_start3A_125 : memref<64xi32, #tpu.memory_space<vmem>>) semaphore(%dma_start3A_130 : memref<!tpu.dma_semaphore, #tpu.memory_space<semaphore_mem>>) {add = true}
      %dma_wait3A_131 = arith.constant 1 : i32
      %dma_wait3A_132 = arith.constant 1 : i32
      %dma_wait3A_133 = arith.constant 1 : i32
      %dma_wait3A_134 = arith.constant 0 : i32
      %dma_wait3A_135 = arith.constant 0 : i32
      %dma_wait3A_136 = tpu.memref_slice %arg9[%dma_wait3A_132, %dma_wait3A_134, %dma_wait3A_135] : memref<2x64x128xf32, #tpu.memory_space<vmem>> -> memref<1x64x128xf32, #tpu.memory_space<vmem>>
      %dma_wait3A_137 = tpu.memref_squeeze %dma_wait3A_136 : memref<1x64x128xf32, #tpu.memory_space<vmem>> -> memref<64x128xf32, #tpu.memory_space<vmem>>
      %dma_wait3A_138 = arith.constant 0 : i32
      %dma_wait3A_139 = tpu.memref_slice %arg7[%dma_wait3A_131, %dma_wait3A_138] : memref<4x64xi32, #tpu.memory_space<vmem>> -> memref<1x64xi32, #tpu.memory_space<vmem>>
      %dma_wait3A_140 = tpu.memref_squeeze %dma_wait3A_139 : memref<1x64xi32, #tpu.memory_space<vmem>> -> memref<64xi32, #tpu.memory_space<vmem>>
      %dma_wait3A_141 = arith.constant 0 : i32
      %dma_wait3A_142 = arith.constant 0 : i32
      %dma_wait3A_143 = tpu.memref_slice %arg2[%dma_wait3A_141, %dma_wait3A_142] : memref<10000x128xf32, #tpu.memory_space<hbm>> -> memref<10000x128xf32, #tpu.memory_space<hbm>>
      %dma_wait3A_144 = tpu.memref_slice %arg11[%dma_wait3A_133] : memref<2x!tpu.dma_semaphore, #tpu.memory_space<semaphore_mem>> -> memref<1x!tpu.dma_semaphore, #tpu.memory_space<semaphore_mem>>
      %dma_wait3A_145 = tpu.memref_squeeze %dma_wait3A_144 : memref<1x!tpu.dma_semaphore, #tpu.memory_space<semaphore_mem>> -> memref<!tpu.dma_semaphore, #tpu.memory_space<semaphore_mem>>
      tpu.wait_indirect_dma semaphore(%dma_wait3A_145 : memref<!tpu.dma_semaphore, #tpu.memory_space<semaphore_mem>>) src(%dma_wait3A_143 : memref<10000x128xf32, #tpu.memory_space<hbm>>) dst(%dma_wait3A_137 : memref<64x128xf32, #tpu.memory_space<vmem>>)
      %dma_start3A_146 = arith.constant 1 : i32
      %dma_start3A_147 = arith.constant 1 : i32
      %dma_start3A_148 = arith.constant 1 : i32
      %dma_start3A_149 = arith.constant 0 : i32
      %dma_start3A_150 = arith.constant 0 : i32
      %dma_start3A_151 = tpu.memref_slice %arg9[%dma_start3A_146, %dma_start3A_149, %dma_start3A_150] : memref<2x64x128xf32, #tpu.memory_space<vmem>> -> memref<1x64x128xf32, #tpu.memory_space<vmem>>
      %dma_start3A_152 = tpu.memref_squeeze %dma_start3A_151 : memref<1x64x128xf32, #tpu.memory_space<vmem>> -> memref<64x128xf32, #tpu.memory_space<vmem>>
      %dma_start3A_153 = arith.constant 0 : i32
      %dma_start3A_154 = tpu.memref_slice %arg8[%dma_start3A_147, %dma_start3A_153] : memref<4x64xi32, #tpu.memory_space<vmem>> -> memref<1x64xi32, #tpu.memory_space<vmem>>
      %dma_start3A_155 = tpu.memref_squeeze %dma_start3A_154 : memref<1x64xi32, #tpu.memory_space<vmem>> -> memref<64xi32, #tpu.memory_space<vmem>>
      %dma_start3A_156 = arith.constant 0 : i32
      %dma_start3A_157 = arith.constant 0 : i32
      %dma_start3A_158 = tpu.memref_slice %arg10[%dma_start3A_156, %dma_start3A_157] : memref<10000x128xf32, #tpu.memory_space<vmem_shared>> -> memref<10000x128xf32, #tpu.memory_space<vmem_shared>>
      %dma_start3A_159 = tpu.memref_slice %arg12[%dma_start3A_148] : memref<2x!tpu.dma_semaphore, #tpu.memory_space<semaphore_mem>> -> memref<1x!tpu.dma_semaphore, #tpu.memory_space<semaphore_mem>>
      %dma_start3A_160 = tpu.memref_squeeze %dma_start3A_159 : memref<1x!tpu.dma_semaphore, #tpu.memory_space<semaphore_mem>> -> memref<!tpu.dma_semaphore, #tpu.memory_space<semaphore_mem>>
      tpu.enqueue_indirect_dma source(%dma_start3A_152 : memref<64x128xf32, #tpu.memory_space<vmem>>) target(%dma_start3A_158 : memref<10000x128xf32, #tpu.memory_space<vmem_shared>>) offsets(%dma_start3A_155 : memref<64xi32, #tpu.memory_space<vmem>>) semaphore(%dma_start3A_160 : memref<!tpu.dma_semaphore, #tpu.memory_space<semaphore_mem>>) {add = true}
      %dma_wait3A_161 = arith.constant 0 : i32
      %dma_wait3A_162 = arith.constant 0 : i32
      %dma_wait3A_163 = arith.constant 0 : i32
      %dma_wait3A_164 = arith.constant 0 : i32
      %dma_wait3A_165 = arith.constant 0 : i32
      %dma_wait3A_166 = tpu.memref_slice %arg9[%dma_wait3A_161, %dma_wait3A_164, %dma_wait3A_165] : memref<2x64x128xf32, #tpu.memory_space<vmem>> -> memref<1x64x128xf32, #tpu.memory_space<vmem>>
      %dma_wait3A_167 = tpu.memref_squeeze %dma_wait3A_166 : memref<1x64x128xf32, #tpu.memory_space<vmem>> -> memref<64x128xf32, #tpu.memory_space<vmem>>
      %dma_wait3A_168 = arith.constant 0 : i32
      %dma_wait3A_169 = tpu.memref_slice %arg8[%dma_wait3A_162, %dma_wait3A_168] : memref<4x64xi32, #tpu.memory_space<vmem>> -> memref<1x64xi32, #tpu.memory_space<vmem>>
      %dma_wait3A_170 = tpu.memref_squeeze %dma_wait3A_169 : memref<1x64xi32, #tpu.memory_space<vmem>> -> memref<64xi32, #tpu.memory_space<vmem>>
      %dma_wait3A_171 = arith.constant 0 : i32
      %dma_wait3A_172 = arith.constant 0 : i32
      %dma_wait3A_173 = tpu.memref_slice %arg10[%dma_wait3A_171, %dma_wait3A_172] : memref<10000x128xf32, #tpu.memory_space<vmem_shared>> -> memref<10000x128xf32, #tpu.memory_space<vmem_shared>>
      %dma_wait3A_174 = tpu.memref_slice %arg12[%dma_wait3A_163] : memref<2x!tpu.dma_semaphore, #tpu.memory_space<semaphore_mem>> -> memref<1x!tpu.dma_semaphore, #tpu.memory_space<semaphore_mem>>
      %dma_wait3A_175 = tpu.memref_squeeze %dma_wait3A_174 : memref<1x!tpu.dma_semaphore, #tpu.memory_space<semaphore_mem>> -> memref<!tpu.dma_semaphore, #tpu.memory_space<semaphore_mem>>
      tpu.wait_indirect_dma semaphore(%dma_wait3A_175 : memref<!tpu.dma_semaphore, #tpu.memory_space<semaphore_mem>>) src(%dma_wait3A_167 : memref<64x128xf32, #tpu.memory_space<vmem>>) dst(%dma_wait3A_173 : memref<10000x128xf32, #tpu.memory_space<vmem_shared>>)
      %dma_start3A_176 = arith.constant 2 : i32
      %dma_start3A_177 = arith.constant 0 : i32
      %dma_start3A_178 = arith.constant 0 : i32
      %dma_start3A_179 = arith.constant 0 : i32
      %dma_start3A_180 = arith.constant 0 : i32
      %dma_start3A_181 = tpu.memref_slice %arg9[%dma_start3A_177, %dma_start3A_179, %dma_start3A_180] : memref<2x64x128xf32, #tpu.memory_space<vmem>> -> memref<1x64x128xf32, #tpu.memory_space<vmem>>
      %dma_start3A_182 = tpu.memref_squeeze %dma_start3A_181 : memref<1x64x128xf32, #tpu.memory_space<vmem>> -> memref<64x128xf32, #tpu.memory_space<vmem>>
      %dma_start3A_183 = arith.constant 0 : i32
      %dma_start3A_184 = tpu.memref_slice %arg7[%dma_start3A_176, %dma_start3A_183] : memref<4x64xi32, #tpu.memory_space<vmem>> -> memref<1x64xi32, #tpu.memory_space<vmem>>
      %dma_start3A_185 = tpu.memref_squeeze %dma_start3A_184 : memref<1x64xi32, #tpu.memory_space<vmem>> -> memref<64xi32, #tpu.memory_space<vmem>>
      %dma_start3A_186 = arith.constant 0 : i32
      %dma_start3A_187 = arith.constant 0 : i32
      %dma_start3A_188 = tpu.memref_slice %arg2[%dma_start3A_186, %dma_start3A_187] : memref<10000x128xf32, #tpu.memory_space<hbm>> -> memref<10000x128xf32, #tpu.memory_space<hbm>>
      %dma_start3A_189 = tpu.memref_slice %arg11[%dma_start3A_178] : memref<2x!tpu.dma_semaphore, #tpu.memory_space<semaphore_mem>> -> memref<1x!tpu.dma_semaphore, #tpu.memory_space<semaphore_mem>>
      %dma_start3A_190 = tpu.memref_squeeze %dma_start3A_189 : memref<1x!tpu.dma_semaphore, #tpu.memory_space<semaphore_mem>> -> memref<!tpu.dma_semaphore, #tpu.memory_space<semaphore_mem>>
      tpu.enqueue_indirect_dma source(%dma_start3A_188 : memref<10000x128xf32, #tpu.memory_space<hbm>>) target(%dma_start3A_182 : memref<64x128xf32, #tpu.memory_space<vmem>>) offsets(%dma_start3A_185 : memref<64xi32, #tpu.memory_space<vmem>>) semaphore(%dma_start3A_190 : memref<!tpu.dma_semaphore, #tpu.memory_space<semaphore_mem>>)
      %dma_wait3A_191 = arith.constant 1 : i32
      %dma_wait3A_192 = arith.constant 1 : i32
      %dma_wait3A_193 = arith.constant 1 : i32
      %dma_wait3A_194 = arith.constant 0 : i32
      %dma_wait3A_195 = arith.constant 0 : i32
      %dma_wait3A_196 = tpu.memref_slice %arg9[%dma_wait3A_191, %dma_wait3A_194, %dma_wait3A_195] : memref<2x64x128xf32, #tpu.memory_space<vmem>> -> memref<1x64x128xf32, #tpu.memory_space<vmem>>
      %dma_wait3A_197 = tpu.memref_squeeze %dma_wait3A_196 : memref<1x64x128xf32, #tpu.memory_space<vmem>> -> memref<64x128xf32, #tpu.memory_space<vmem>>
      %dma_wait3A_198 = arith.constant 0 : i32
      %dma_wait3A_199 = tpu.memref_slice %arg8[%dma_wait3A_192, %dma_wait3A_198] : memref<4x64xi32, #tpu.memory_space<vmem>> -> memref<1x64xi32, #tpu.memory_space<vmem>>
      %dma_wait3A_200 = tpu.memref_squeeze %dma_wait3A_199 : memref<1x64xi32, #tpu.memory_space<vmem>> -> memref<64xi32, #tpu.memory_space<vmem>>
      %dma_wait3A_201 = arith.constant 0 : i32
      %dma_wait3A_202 = arith.constant 0 : i32
      %dma_wait3A_203 = tpu.memref_slice %arg10[%dma_wait3A_201, %dma_wait3A_202] : memref<10000x128xf32, #tpu.memory_space<vmem_shared>> -> memref<10000x128xf32, #tpu.memory_space<vmem_shared>>
      %dma_wait3A_204 = tpu.memref_slice %arg12[%dma_wait3A_193] : memref<2x!tpu.dma_semaphore, #tpu.memory_space<semaphore_mem>> -> memref<1x!tpu.dma_semaphore, #tpu.memory_space<semaphore_mem>>
      %dma_wait3A_205 = tpu.memref_squeeze %dma_wait3A_204 : memref<1x!tpu.dma_semaphore, #tpu.memory_space<semaphore_mem>> -> memref<!tpu.dma_semaphore, #tpu.memory_space<semaphore_mem>>
      tpu.wait_indirect_dma semaphore(%dma_wait3A_205 : memref<!tpu.dma_semaphore, #tpu.memory_space<semaphore_mem>>) src(%dma_wait3A_197 : memref<64x128xf32, #tpu.memory_space<vmem>>) dst(%dma_wait3A_203 : memref<10000x128xf32, #tpu.memory_space<vmem_shared>>)
      %dma_start3A_206 = arith.constant 3 : i32
      %dma_start3A_207 = arith.constant 1 : i32
      %dma_start3A_208 = arith.constant 1 : i32
      %dma_start3A_209 = arith.constant 0 : i32
      %dma_start3A_210 = arith.constant 0 : i32
      %dma_start3A_211 = tpu.memref_slice %arg9[%dma_start3A_207, %dma_start3A_209, %dma_start3A_210] : memref<2x64x128xf32, #tpu.memory_space<vmem>> -> memref<1x64x128xf32, #tpu.memory_space<vmem>>
      %dma_start3A_212 = tpu.memref_squeeze %dma_start3A_211 : memref<1x64x128xf32, #tpu.memory_space<vmem>> -> memref<64x128xf32, #tpu.memory_space<vmem>>
      %dma_start3A_213 = arith.constant 0 : i32
      %dma_start3A_214 = tpu.memref_slice %arg7[%dma_start3A_206, %dma_start3A_213] : memref<4x64xi32, #tpu.memory_space<vmem>> -> memref<1x64xi32, #tpu.memory_space<vmem>>
      %dma_start3A_215 = tpu.memref_squeeze %dma_start3A_214 : memref<1x64xi32, #tpu.memory_space<vmem>> -> memref<64xi32, #tpu.memory_space<vmem>>
      %dma_start3A_216 = arith.constant 0 : i32
      %dma_start3A_217 = arith.constant 0 : i32
      %dma_start3A_218 = tpu.memref_slice %arg2[%dma_start3A_216, %dma_start3A_217] : memref<10000x128xf32, #tpu.memory_space<hbm>> -> memref<10000x128xf32, #tpu.memory_space<hbm>>
      %dma_start3A_219 = tpu.memref_slice %arg11[%dma_start3A_208] : memref<2x!tpu.dma_semaphore, #tpu.memory_space<semaphore_mem>> -> memref<1x!tpu.dma_semaphore, #tpu.memory_space<semaphore_mem>>
      %dma_start3A_220 = tpu.memref_squeeze %dma_start3A_219 : memref<1x!tpu.dma_semaphore, #tpu.memory_space<semaphore_mem>> -> memref<!tpu.dma_semaphore, #tpu.memory_space<semaphore_mem>>
      tpu.enqueue_indirect_dma source(%dma_start3A_218 : memref<10000x128xf32, #tpu.memory_space<hbm>>) target(%dma_start3A_212 : memref<64x128xf32, #tpu.memory_space<vmem>>) offsets(%dma_start3A_215 : memref<64xi32, #tpu.memory_space<vmem>>) semaphore(%dma_start3A_220 : memref<!tpu.dma_semaphore, #tpu.memory_space<semaphore_mem>>)
      %dma_wait3A_221 = arith.constant 2 : i32
      %dma_wait3A_222 = arith.constant 0 : i32
      %dma_wait3A_223 = arith.constant 0 : i32
      %dma_wait3A_224 = arith.constant 0 : i32
      %dma_wait3A_225 = arith.constant 0 : i32
      %dma_wait3A_226 = tpu.memref_slice %arg9[%dma_wait3A_222, %dma_wait3A_224, %dma_wait3A_225] : memref<2x64x128xf32, #tpu.memory_space<vmem>> -> memref<1x64x128xf32, #tpu.memory_space<vmem>>
      %dma_wait3A_227 = tpu.memref_squeeze %dma_wait3A_226 : memref<1x64x128xf32, #tpu.memory_space<vmem>> -> memref<64x128xf32, #tpu.memory_space<vmem>>
      %dma_wait3A_228 = arith.constant 0 : i32
      %dma_wait3A_229 = tpu.memref_slice %arg7[%dma_wait3A_221, %dma_wait3A_228] : memref<4x64xi32, #tpu.memory_space<vmem>> -> memref<1x64xi32, #tpu.memory_space<vmem>>
      %dma_wait3A_230 = tpu.memref_squeeze %dma_wait3A_229 : memref<1x64xi32, #tpu.memory_space<vmem>> -> memref<64xi32, #tpu.memory_space<vmem>>
      %dma_wait3A_231 = arith.constant 0 : i32
      %dma_wait3A_232 = arith.constant 0 : i32
      %dma_wait3A_233 = tpu.memref_slice %arg2[%dma_wait3A_231, %dma_wait3A_232] : memref<10000x128xf32, #tpu.memory_space<hbm>> -> memref<10000x128xf32, #tpu.memory_space<hbm>>
      %dma_wait3A_234 = tpu.memref_slice %arg11[%dma_wait3A_223] : memref<2x!tpu.dma_semaphore, #tpu.memory_space<semaphore_mem>> -> memref<1x!tpu.dma_semaphore, #tpu.memory_space<semaphore_mem>>
      %dma_wait3A_235 = tpu.memref_squeeze %dma_wait3A_234 : memref<1x!tpu.dma_semaphore, #tpu.memory_space<semaphore_mem>> -> memref<!tpu.dma_semaphore, #tpu.memory_space<semaphore_mem>>
      tpu.wait_indirect_dma semaphore(%dma_wait3A_235 : memref<!tpu.dma_semaphore, #tpu.memory_space<semaphore_mem>>) src(%dma_wait3A_233 : memref<10000x128xf32, #tpu.memory_space<hbm>>) dst(%dma_wait3A_227 : memref<64x128xf32, #tpu.memory_space<vmem>>)
      %dma_start3A_236 = arith.constant 0 : i32
      %dma_start3A_237 = arith.constant 2 : i32
      %dma_start3A_238 = arith.constant 0 : i32
      %dma_start3A_239 = arith.constant 0 : i32
      %dma_start3A_240 = arith.constant 0 : i32
      %dma_start3A_241 = tpu.memref_slice %arg9[%dma_start3A_236, %dma_start3A_239, %dma_start3A_240] : memref<2x64x128xf32, #tpu.memory_space<vmem>> -> memref<1x64x128xf32, #tpu.memory_space<vmem>>
      %dma_start3A_242 = tpu.memref_squeeze %dma_start3A_241 : memref<1x64x128xf32, #tpu.memory_space<vmem>> -> memref<64x128xf32, #tpu.memory_space<vmem>>
      %dma_start3A_243 = arith.constant 0 : i32
      %dma_start3A_244 = tpu.memref_slice %arg8[%dma_start3A_237, %dma_start3A_243] : memref<4x64xi32, #tpu.memory_space<vmem>> -> memref<1x64xi32, #tpu.memory_space<vmem>>
      %dma_start3A_245 = tpu.memref_squeeze %dma_start3A_244 : memref<1x64xi32, #tpu.memory_space<vmem>> -> memref<64xi32, #tpu.memory_space<vmem>>
      %dma_start3A_246 = arith.constant 0 : i32
      %dma_start3A_247 = arith.constant 0 : i32
      %dma_start3A_248 = tpu.memref_slice %arg10[%dma_start3A_246, %dma_start3A_247] : memref<10000x128xf32, #tpu.memory_space<vmem_shared>> -> memref<10000x128xf32, #tpu.memory_space<vmem_shared>>
      %dma_start3A_249 = tpu.memref_slice %arg12[%dma_start3A_238] : memref<2x!tpu.dma_semaphore, #tpu.memory_space<semaphore_mem>> -> memref<1x!tpu.dma_semaphore, #tpu.memory_space<semaphore_mem>>
      %dma_start3A_250 = tpu.memref_squeeze %dma_start3A_249 : memref<1x!tpu.dma_semaphore, #tpu.memory_space<semaphore_mem>> -> memref<!tpu.dma_semaphore, #tpu.memory_space<semaphore_mem>>
      tpu.enqueue_indirect_dma source(%dma_start3A_242 : memref<64x128xf32, #tpu.memory_space<vmem>>) target(%dma_start3A_248 : memref<10000x128xf32, #tpu.memory_space<vmem_shared>>) offsets(%dma_start3A_245 : memref<64xi32, #tpu.memory_space<vmem>>) semaphore(%dma_start3A_250 : memref<!tpu.dma_semaphore, #tpu.memory_space<semaphore_mem>>) {add = true}
      %dma_wait3A_251 = arith.constant 3 : i32
      %dma_wait3A_252 = arith.constant 1 : i32
      %dma_wait3A_253 = arith.constant 1 : i32
      %dma_wait3A_254 = arith.constant 0 : i32
      %dma_wait3A_255 = arith.constant 0 : i32
      %dma_wait3A_256 = tpu.memref_slice %arg9[%dma_wait3A_252, %dma_wait3A_254, %dma_wait3A_255] : memref<2x64x128xf32, #tpu.memory_space<vmem>> -> memref<1x64x128xf32, #tpu.memory_space<vmem>>
      %dma_wait3A_257 = tpu.memref_squeeze %dma_wait3A_256 : memref<1x64x128xf32, #tpu.memory_space<vmem>> -> memref<64x128xf32, #tpu.memory_space<vmem>>
      %dma_wait3A_258 = arith.constant 0 : i32
      %dma_wait3A_259 = tpu.memref_slice %arg7[%dma_wait3A_251, %dma_wait3A_258] : memref<4x64xi32, #tpu.memory_space<vmem>> -> memref<1x64xi32, #tpu.memory_space<vmem>>
      %dma_wait3A_260 = tpu.memref_squeeze %dma_wait3A_259 : memref<1x64xi32, #tpu.memory_space<vmem>> -> memref<64xi32, #tpu.memory_space<vmem>>
      %dma_wait3A_261 = arith.constant 0 : i32
      %dma_wait3A_262 = arith.constant 0 : i32
      %dma_wait3A_263 = tpu.memref_slice %arg2[%dma_wait3A_261, %dma_wait3A_262] : memref<10000x128xf32, #tpu.memory_space<hbm>> -> memref<10000x128xf32, #tpu.memory_space<hbm>>
      %dma_wait3A_264 = tpu.memref_slice %arg11[%dma_wait3A_253] : memref<2x!tpu.dma_semaphore, #tpu.memory_space<semaphore_mem>> -> memref<1x!tpu.dma_semaphore, #tpu.memory_space<semaphore_mem>>
      %dma_wait3A_265 = tpu.memref_squeeze %dma_wait3A_264 : memref<1x!tpu.dma_semaphore, #tpu.memory_space<semaphore_mem>> -> memref<!tpu.dma_semaphore, #tpu.memory_space<semaphore_mem>>
      tpu.wait_indirect_dma semaphore(%dma_wait3A_265 : memref<!tpu.dma_semaphore, #tpu.memory_space<semaphore_mem>>) src(%dma_wait3A_263 : memref<10000x128xf32, #tpu.memory_space<hbm>>) dst(%dma_wait3A_257 : memref<64x128xf32, #tpu.memory_space<vmem>>)
      %dma_start3A_266 = arith.constant 1 : i32
      %dma_start3A_267 = arith.constant 3 : i32
      %dma_start3A_268 = arith.constant 1 : i32
      %dma_start3A_269 = arith.constant 0 : i32
      %dma_start3A_270 = arith.constant 0 : i32
      %dma_start3A_271 = tpu.memref_slice %arg9[%dma_start3A_266, %dma_start3A_269, %dma_start3A_270] : memref<2x64x128xf32, #tpu.memory_space<vmem>> -> memref<1x64x128xf32, #tpu.memory_space<vmem>>
      %dma_start3A_272 = tpu.memref_squeeze %dma_start3A_271 : memref<1x64x128xf32, #tpu.memory_space<vmem>> -> memref<64x128xf32, #tpu.memory_space<vmem>>
      %dma_start3A_273 = arith.constant 0 : i32
      %dma_start3A_274 = tpu.memref_slice %arg8[%dma_start3A_267, %dma_start3A_273] : memref<4x64xi32, #tpu.memory_space<vmem>> -> memref<1x64xi32, #tpu.memory_space<vmem>>
      %dma_start3A_275 = tpu.memref_squeeze %dma_start3A_274 : memref<1x64xi32, #tpu.memory_space<vmem>> -> memref<64xi32, #tpu.memory_space<vmem>>
      %dma_start3A_276 = arith.constant 0 : i32
      %dma_start3A_277 = arith.constant 0 : i32
      %dma_start3A_278 = tpu.memref_slice %arg10[%dma_start3A_276, %dma_start3A_277] : memref<10000x128xf32, #tpu.memory_space<vmem_shared>> -> memref<10000x128xf32, #tpu.memory_space<vmem_shared>>
      %dma_start3A_279 = tpu.memref_slice %arg12[%dma_start3A_268] : memref<2x!tpu.dma_semaphore, #tpu.memory_space<semaphore_mem>> -> memref<1x!tpu.dma_semaphore, #tpu.memory_space<semaphore_mem>>
      %dma_start3A_280 = tpu.memref_squeeze %dma_start3A_279 : memref<1x!tpu.dma_semaphore, #tpu.memory_space<semaphore_mem>> -> memref<!tpu.dma_semaphore, #tpu.memory_space<semaphore_mem>>
      tpu.enqueue_indirect_dma source(%dma_start3A_272 : memref<64x128xf32, #tpu.memory_space<vmem>>) target(%dma_start3A_278 : memref<10000x128xf32, #tpu.memory_space<vmem_shared>>) offsets(%dma_start3A_275 : memref<64xi32, #tpu.memory_space<vmem>>) semaphore(%dma_start3A_280 : memref<!tpu.dma_semaphore, #tpu.memory_space<semaphore_mem>>) {add = true}
      %dma_wait3A_281 = arith.constant 0 : i32
      %dma_wait3A_282 = arith.constant 2 : i32
      %dma_wait3A_283 = arith.constant 0 : i32
      %dma_wait3A_284 = arith.constant 0 : i32
      %dma_wait3A_285 = arith.constant 0 : i32
      %dma_wait3A_286 = tpu.memref_slice %arg9[%dma_wait3A_281, %dma_wait3A_284, %dma_wait3A_285] : memref<2x64x128xf32, #tpu.memory_space<vmem>> -> memref<1x64x128xf32, #tpu.memory_space<vmem>>
      %dma_wait3A_287 = tpu.memref_squeeze %dma_wait3A_286 : memref<1x64x128xf32, #tpu.memory_space<vmem>> -> memref<64x128xf32, #tpu.memory_space<vmem>>
      %dma_wait3A_288 = arith.constant 0 : i32
      %dma_wait3A_289 = tpu.memref_slice %arg8[%dma_wait3A_282, %dma_wait3A_288] : memref<4x64xi32, #tpu.memory_space<vmem>> -> memref<1x64xi32, #tpu.memory_space<vmem>>
      %dma_wait3A_290 = tpu.memref_squeeze %dma_wait3A_289 : memref<1x64xi32, #tpu.memory_space<vmem>> -> memref<64xi32, #tpu.memory_space<vmem>>
      %dma_wait3A_291 = arith.constant 0 : i32
      %dma_wait3A_292 = arith.constant 0 : i32
      %dma_wait3A_293 = tpu.memref_slice %arg10[%dma_wait3A_291, %dma_wait3A_292] : memref<10000x128xf32, #tpu.memory_space<vmem_shared>> -> memref<10000x128xf32, #tpu.memory_space<vmem_shared>>
      %dma_wait3A_294 = tpu.memref_slice %arg12[%dma_wait3A_283] : memref<2x!tpu.dma_semaphore, #tpu.memory_space<semaphore_mem>> -> memref<1x!tpu.dma_semaphore, #tpu.memory_space<semaphore_mem>>
      %dma_wait3A_295 = tpu.memref_squeeze %dma_wait3A_294 : memref<1x!tpu.dma_semaphore, #tpu.memory_space<semaphore_mem>> -> memref<!tpu.dma_semaphore, #tpu.memory_space<semaphore_mem>>
      tpu.wait_indirect_dma semaphore(%dma_wait3A_295 : memref<!tpu.dma_semaphore, #tpu.memory_space<semaphore_mem>>) src(%dma_wait3A_287 : memref<64x128xf32, #tpu.memory_space<vmem>>) dst(%dma_wait3A_293 : memref<10000x128xf32, #tpu.memory_space<vmem_shared>>)
      %dma_wait3A_296 = arith.constant 1 : i32
      %dma_wait3A_297 = arith.constant 3 : i32
      %dma_wait3A_298 = arith.constant 1 : i32
      %dma_wait3A_299 = arith.constant 0 : i32
      %dma_wait3A_300 = arith.constant 0 : i32
      %dma_wait3A_301 = tpu.memref_slice %arg9[%dma_wait3A_296, %dma_wait3A_299, %dma_wait3A_300] : memref<2x64x128xf32, #tpu.memory_space<vmem>> -> memref<1x64x128xf32, #tpu.memory_space<vmem>>
      %dma_wait3A_302 = tpu.memref_squeeze %dma_wait3A_301 : memref<1x64x128xf32, #tpu.memory_space<vmem>> -> memref<64x128xf32, #tpu.memory_space<vmem>>
      %dma_wait3A_303 = arith.constant 0 : i32
      %dma_wait3A_304 = tpu.memref_slice %arg8[%dma_wait3A_297, %dma_wait3A_303] : memref<4x64xi32, #tpu.memory_space<vmem>> -> memref<1x64xi32, #tpu.memory_space<vmem>>
      %dma_wait3A_305 = tpu.memref_squeeze %dma_wait3A_304 : memref<1x64xi32, #tpu.memory_space<vmem>> -> memref<64xi32, #tpu.memory_space<vmem>>
      %dma_wait3A_306 = arith.constant 0 : i32
      %dma_wait3A_307 = arith.constant 0 : i32
      %dma_wait3A_308 = tpu.memref_slice %arg10[%dma_wait3A_306, %dma_wait3A_307] : memref<10000x128xf32, #tpu.memory_space<vmem_shared>> -> memref<10000x128xf32, #tpu.memory_space<vmem_shared>>
      %dma_wait3A_309 = tpu.memref_slice %arg12[%dma_wait3A_298] : memref<2x!tpu.dma_semaphore, #tpu.memory_space<semaphore_mem>> -> memref<1x!tpu.dma_semaphore, #tpu.memory_space<semaphore_mem>>
      %dma_wait3A_310 = tpu.memref_squeeze %dma_wait3A_309 : memref<1x!tpu.dma_semaphore, #tpu.memory_space<semaphore_mem>> -> memref<!tpu.dma_semaphore, #tpu.memory_space<semaphore_mem>>
      tpu.wait_indirect_dma semaphore(%dma_wait3A_310 : memref<!tpu.dma_semaphore, #tpu.memory_space<semaphore_mem>>) src(%dma_wait3A_302 : memref<64x128xf32, #tpu.memory_space<vmem>>) dst(%dma_wait3A_308 : memref<10000x128xf32, #tpu.memory_space<vmem_shared>>)
    }
    %while3A_60 = arith.constant 1 : i32
    scf.for %while3A_72 = %while3A_58 to %while3A_54 step %while3A_60  : i32 {
      "tpu.region"() ({
        %run_scoped3A = tpu.sem_alloc : memref<!tpu.dma_semaphore, #tpu.memory_space<semaphore_mem>>
        %dma_start3A_311 = arith.constant 0 : i32
        %dma_start3A_312 = arith.constant 0 : i32
        %dma_start3A_313 = tpu.memref_slice %arg3[%while3A_72, %dma_start3A_311, %dma_start3A_312] : memref<1250x4x64xi32, #tpu.memory_space<hbm>> -> memref<1x4x64xi32, #tpu.memory_space<hbm>>
        %dma_start3A_314 = tpu.memref_squeeze %dma_start3A_313 : memref<1x4x64xi32, #tpu.memory_space<hbm>> -> memref<4x64xi32, #tpu.memory_space<hbm>>
        %dma_start3A_315 = arith.constant 0 : i32
        %dma_start3A_316 = arith.constant 0 : i32
        %dma_start3A_317 = tpu.memref_slice %arg3[%while3A_72, %dma_start3A_315, %dma_start3A_316] : memref<1250x4x64xi32, #tpu.memory_space<hbm>> -> memref<1x4x64xi32, #tpu.memory_space<hbm>>
        %dma_start3A_318 = tpu.memref_squeeze %dma_start3A_317 : memref<1x4x64xi32, #tpu.memory_space<hbm>> -> memref<4x64xi32, #tpu.memory_space<hbm>>
        tpu.enqueue_dma source(%dma_start3A_318 : memref<4x64xi32, #tpu.memory_space<hbm>>) target(%arg7 : memref<4x64xi32, #tpu.memory_space<vmem>>) target_semaphore(%run_scoped3A : memref<!tpu.dma_semaphore, #tpu.memory_space<semaphore_mem>>)
        %dma_wait3A_319 = arith.constant 0 : i32
        %dma_wait3A_320 = arith.constant 0 : i32
        %dma_wait3A_321 = tpu.memref_slice %arg3[%while3A_72, %dma_wait3A_319, %dma_wait3A_320] : memref<1250x4x64xi32, #tpu.memory_space<hbm>> -> memref<1x4x64xi32, #tpu.memory_space<hbm>>
        %dma_wait3A_322 = tpu.memref_squeeze %dma_wait3A_321 : memref<1x4x64xi32, #tpu.memory_space<hbm>> -> memref<4x64xi32, #tpu.memory_space<hbm>>
        %dma_wait3A_323 = arith.constant 0 : i32
        %dma_wait3A_324 = arith.constant 0 : i32
        %dma_wait3A_325 = tpu.memref_slice %arg3[%while3A_72, %dma_wait3A_323, %dma_wait3A_324] : memref<1250x4x64xi32, #tpu.memory_space<hbm>> -> memref<1x4x64xi32, #tpu.memory_space<hbm>>
        %dma_wait3A_326 = tpu.memref_squeeze %dma_wait3A_325 : memref<1x4x64xi32, #tpu.memory_space<hbm>> -> memref<4x64xi32, #tpu.memory_space<hbm>>
        tpu.wait_dma2 semaphore(%run_scoped3A : memref<!tpu.dma_semaphore, #tpu.memory_space<semaphore_mem>>) src(%dma_wait3A_326 : memref<4x64xi32, #tpu.memory_space<hbm>>) dst(%arg7 : memref<4x64xi32, #tpu.memory_space<vmem>>)
        tpu.yield
      }) : () -> ()
      "tpu.region"() ({
        %run_scoped3A = tpu.sem_alloc : memref<!tpu.dma_semaphore, #tpu.memory_space<semaphore_mem>>
        %dma_start3A_311 = arith.constant 0 : i32
        %dma_start3A_312 = arith.constant 0 : i32
        %dma_start3A_313 = tpu.memref_slice %arg4[%while3A_72, %dma_start3A_311, %dma_start3A_312] : memref<1250x4x64xi32, #tpu.memory_space<hbm>> -> memref<1x4x64xi32, #tpu.memory_space<hbm>>
        %dma_start3A_314 = tpu.memref_squeeze %dma_start3A_313 : memref<1x4x64xi32, #tpu.memory_space<hbm>> -> memref<4x64xi32, #tpu.memory_space<hbm>>
        %dma_start3A_315 = arith.constant 0 : i32
        %dma_start3A_316 = arith.constant 0 : i32
        %dma_start3A_317 = tpu.memref_slice %arg4[%while3A_72, %dma_start3A_315, %dma_start3A_316] : memref<1250x4x64xi32, #tpu.memory_space<hbm>> -> memref<1x4x64xi32, #tpu.memory_space<hbm>>
        %dma_start3A_318 = tpu.memref_squeeze %dma_start3A_317 : memref<1x4x64xi32, #tpu.memory_space<hbm>> -> memref<4x64xi32, #tpu.memory_space<hbm>>
        tpu.enqueue_dma source(%dma_start3A_318 : memref<4x64xi32, #tpu.memory_space<hbm>>) target(%arg8 : memref<4x64xi32, #tpu.memory_space<vmem>>) target_semaphore(%run_scoped3A : memref<!tpu.dma_semaphore, #tpu.memory_space<semaphore_mem>>)
        %dma_wait3A_319 = arith.constant 0 : i32
        %dma_wait3A_320 = arith.constant 0 : i32
        %dma_wait3A_321 = tpu.memref_slice %arg4[%while3A_72, %dma_wait3A_319, %dma_wait3A_320] : memref<1250x4x64xi32, #tpu.memory_space<hbm>> -> memref<1x4x64xi32, #tpu.memory_space<hbm>>
        %dma_wait3A_322 = tpu.memref_squeeze %dma_wait3A_321 : memref<1x4x64xi32, #tpu.memory_space<hbm>> -> memref<4x64xi32, #tpu.memory_space<hbm>>
        %dma_wait3A_323 = arith.constant 0 : i32
        %dma_wait3A_324 = arith.constant 0 : i32
        %dma_wait3A_325 = tpu.memref_slice %arg4[%while3A_72, %dma_wait3A_323, %dma_wait3A_324] : memref<1250x4x64xi32, #tpu.memory_space<hbm>> -> memref<1x4x64xi32, #tpu.memory_space<hbm>>
        %dma_wait3A_326 = tpu.memref_squeeze %dma_wait3A_325 : memref<1x4x64xi32, #tpu.memory_space<hbm>> -> memref<4x64xi32, #tpu.memory_space<hbm>>
        tpu.wait_dma2 semaphore(%run_scoped3A : memref<!tpu.dma_semaphore, #tpu.memory_space<semaphore_mem>>) src(%dma_wait3A_326 : memref<4x64xi32, #tpu.memory_space<hbm>>) dst(%arg8 : memref<4x64xi32, #tpu.memory_space<vmem>>)
        tpu.yield
      }) : () -> ()
      %dma_start3A = arith.constant 0 : i32
      %dma_start3A_73 = arith.constant 0 : i32
      %dma_start3A_74 = arith.constant 0 : i32
      %dma_start3A_75 = arith.constant 0 : i32
      %dma_start3A_76 = arith.constant 0 : i32
      %dma_start3A_77 = tpu.memref_slice %arg9[%dma_start3A_73, %dma_start3A_75, %dma_start3A_76] : memref<2x64x128xf32, #tpu.memory_space<vmem>> -> memref<1x64x128xf32, #tpu.memory_space<vmem>>
      %dma_start3A_78 = tpu.memref_squeeze %dma_start3A_77 : memref<1x64x128xf32, #tpu.memory_space<vmem>> -> memref<64x128xf32, #tpu.memory_space<vmem>>
      %dma_start3A_79 = arith.constant 0 : i32
      %dma_start3A_80 = tpu.memref_slice %arg7[%dma_start3A, %dma_start3A_79] : memref<4x64xi32, #tpu.memory_space<vmem>> -> memref<1x64xi32, #tpu.memory_space<vmem>>
      %dma_start3A_81 = tpu.memref_squeeze %dma_start3A_80 : memref<1x64xi32, #tpu.memory_space<vmem>> -> memref<64xi32, #tpu.memory_space<vmem>>
      %dma_start3A_82 = arith.constant 0 : i32
      %dma_start3A_83 = arith.constant 0 : i32
      %dma_start3A_84 = tpu.memref_slice %arg2[%dma_start3A_82, %dma_start3A_83] : memref<10000x128xf32, #tpu.memory_space<hbm>> -> memref<10000x128xf32, #tpu.memory_space<hbm>>
      %dma_start3A_85 = tpu.memref_slice %arg11[%dma_start3A_74] : memref<2x!tpu.dma_semaphore, #tpu.memory_space<semaphore_mem>> -> memref<1x!tpu.dma_semaphore, #tpu.memory_space<semaphore_mem>>
      %dma_start3A_86 = tpu.memref_squeeze %dma_start3A_85 : memref<1x!tpu.dma_semaphore, #tpu.memory_space<semaphore_mem>> -> memref<!tpu.dma_semaphore, #tpu.memory_space<semaphore_mem>>
      tpu.enqueue_indirect_dma source(%dma_start3A_84 : memref<10000x128xf32, #tpu.memory_space<hbm>>) target(%dma_start3A_78 : memref<64x128xf32, #tpu.memory_space<vmem>>) offsets(%dma_start3A_81 : memref<64xi32, #tpu.memory_space<vmem>>) semaphore(%dma_start3A_86 : memref<!tpu.dma_semaphore, #tpu.memory_space<semaphore_mem>>)
      %dma_start3A_87 = arith.constant 1 : i32
      %dma_start3A_88 = arith.constant 1 : i32
      %dma_start3A_89 = arith.constant 1 : i32
      %dma_start3A_90 = arith.constant 0 : i32
      %dma_start3A_91 = arith.constant 0 : i32
      %dma_start3A_92 = tpu.memref_slice %arg9[%dma_start3A_88, %dma_start3A_90, %dma_start3A_91] : memref<2x64x128xf32, #tpu.memory_space<vmem>> -> memref<1x64x128xf32, #tpu.memory_space<vmem>>
      %dma_start3A_93 = tpu.memref_squeeze %dma_start3A_92 : memref<1x64x128xf32, #tpu.memory_space<vmem>> -> memref<64x128xf32, #tpu.memory_space<vmem>>
      %dma_start3A_94 = arith.constant 0 : i32
      %dma_start3A_95 = tpu.memref_slice %arg7[%dma_start3A_87, %dma_start3A_94] : memref<4x64xi32, #tpu.memory_space<vmem>> -> memref<1x64xi32, #tpu.memory_space<vmem>>
      %dma_start3A_96 = tpu.memref_squeeze %dma_start3A_95 : memref<1x64xi32, #tpu.memory_space<vmem>> -> memref<64xi32, #tpu.memory_space<vmem>>
      %dma_start3A_97 = arith.constant 0 : i32
      %dma_start3A_98 = arith.constant 0 : i32
      %dma_start3A_99 = tpu.memref_slice %arg2[%dma_start3A_97, %dma_start3A_98] : memref<10000x128xf32, #tpu.memory_space<hbm>> -> memref<10000x128xf32, #tpu.memory_space<hbm>>
      %dma_start3A_100 = tpu.memref_slice %arg11[%dma_start3A_89] : memref<2x!tpu.dma_semaphore, #tpu.memory_space<semaphore_mem>> -> memref<1x!tpu.dma_semaphore, #tpu.memory_space<semaphore_mem>>
      %dma_start3A_101 = tpu.memref_squeeze %dma_start3A_100 : memref<1x!tpu.dma_semaphore, #tpu.memory_space<semaphore_mem>> -> memref<!tpu.dma_semaphore, #tpu.memory_space<semaphore_mem>>
      tpu.enqueue_indirect_dma source(%dma_start3A_99 : memref<10000x128xf32, #tpu.memory_space<hbm>>) target(%dma_start3A_93 : memref<64x128xf32, #tpu.memory_space<vmem>>) offsets(%dma_start3A_96 : memref<64xi32, #tpu.memory_space<vmem>>) semaphore(%dma_start3A_101 : memref<!tpu.dma_semaphore, #tpu.memory_space<semaphore_mem>>)
      %dma_wait3A = arith.constant 0 : i32
      %dma_wait3A_102 = arith.constant 0 : i32
      %dma_wait3A_103 = arith.constant 0 : i32
      %dma_wait3A_104 = arith.constant 0 : i32
      %dma_wait3A_105 = arith.constant 0 : i32
      %dma_wait3A_106 = tpu.memref_slice %arg9[%dma_wait3A_102, %dma_wait3A_104, %dma_wait3A_105] : memref<2x64x128xf32, #tpu.memory_space<vmem>> -> memref<1x64x128xf32, #tpu.memory_space<vmem>>
      %dma_wait3A_107 = tpu.memref_squeeze %dma_wait3A_106 : memref<1x64x128xf32, #tpu.memory_space<vmem>> -> memref<64x128xf32, #tpu.memory_space<vmem>>
      %dma_wait3A_108 = arith.constant 0 : i32
      %dma_wait3A_109 = tpu.memref_slice %arg7[%dma_wait3A, %dma_wait3A_108] : memref<4x64xi32, #tpu.memory_space<vmem>> -> memref<1x64xi32, #tpu.memory_space<vmem>>
      %dma_wait3A_110 = tpu.memref_squeeze %dma_wait3A_109 : memref<1x64xi32, #tpu.memory_space<vmem>> -> memref<64xi32, #tpu.memory_space<vmem>>
      %dma_wait3A_111 = arith.constant 0 : i32
      %dma_wait3A_112 = arith.constant 0 : i32
      %dma_wait3A_113 = tpu.memref_slice %arg2[%dma_wait3A_111, %dma_wait3A_112] : memref<10000x128xf32, #tpu.memory_space<hbm>> -> memref<10000x128xf32, #tpu.memory_space<hbm>>
      %dma_wait3A_114 = tpu.memref_slice %arg11[%dma_wait3A_103] : memref<2x!tpu.dma_semaphore, #tpu.memory_space<semaphore_mem>> -> memref<1x!tpu.dma_semaphore, #tpu.memory_space<semaphore_mem>>
      %dma_wait3A_115 = tpu.memref_squeeze %dma_wait3A_114 : memref<1x!tpu.dma_semaphore, #tpu.memory_space<semaphore_mem>> -> memref<!tpu.dma_semaphore, #tpu.memory_space<semaphore_mem>>
      tpu.wait_indirect_dma semaphore(%dma_wait3A_115 : memref<!tpu.dma_semaphore, #tpu.memory_space<semaphore_mem>>) src(%dma_wait3A_113 : memref<10000x128xf32, #tpu.memory_space<hbm>>) dst(%dma_wait3A_107 : memref<64x128xf32, #tpu.memory_space<vmem>>)
      %dma_start3A_116 = arith.constant 0 : i32
      %dma_start3A_117 = arith.constant 0 : i32
      %dma_start3A_118 = arith.constant 0 : i32
      %dma_start3A_119 = arith.constant 0 : i32
      %dma_start3A_120 = arith.constant 0 : i32
      %dma_start3A_121 = tpu.memref_slice %arg9[%dma_start3A_116, %dma_start3A_119, %dma_start3A_120] : memref<2x64x128xf32, #tpu.memory_space<vmem>> -> memref<1x64x128xf32, #tpu.memory_space<vmem>>
      %dma_start3A_122 = tpu.memref_squeeze %dma_start3A_121 : memref<1x64x128xf32, #tpu.memory_space<vmem>> -> memref<64x128xf32, #tpu.memory_space<vmem>>
      %dma_start3A_123 = arith.constant 0 : i32
      %dma_start3A_124 = tpu.memref_slice %arg8[%dma_start3A_117, %dma_start3A_123] : memref<4x64xi32, #tpu.memory_space<vmem>> -> memref<1x64xi32, #tpu.memory_space<vmem>>
      %dma_start3A_125 = tpu.memref_squeeze %dma_start3A_124 : memref<1x64xi32, #tpu.memory_space<vmem>> -> memref<64xi32, #tpu.memory_space<vmem>>
      %dma_start3A_126 = arith.constant 0 : i32
      %dma_start3A_127 = arith.constant 0 : i32
      %dma_start3A_128 = tpu.memref_slice %arg10[%dma_start3A_126, %dma_start3A_127] : memref<10000x128xf32, #tpu.memory_space<vmem_shared>> -> memref<10000x128xf32, #tpu.memory_space<vmem_shared>>
      %dma_start3A_129 = tpu.memref_slice %arg12[%dma_start3A_118] : memref<2x!tpu.dma_semaphore, #tpu.memory_space<semaphore_mem>> -> memref<1x!tpu.dma_semaphore, #tpu.memory_space<semaphore_mem>>
      %dma_start3A_130 = tpu.memref_squeeze %dma_start3A_129 : memref<1x!tpu.dma_semaphore, #tpu.memory_space<semaphore_mem>> -> memref<!tpu.dma_semaphore, #tpu.memory_space<semaphore_mem>>
      tpu.enqueue_indirect_dma source(%dma_start3A_122 : memref<64x128xf32, #tpu.memory_space<vmem>>) target(%dma_start3A_128 : memref<10000x128xf32, #tpu.memory_space<vmem_shared>>) offsets(%dma_start3A_125 : memref<64xi32, #tpu.memory_space<vmem>>) semaphore(%dma_start3A_130 : memref<!tpu.dma_semaphore, #tpu.memory_space<semaphore_mem>>) {add = true}
      %dma_wait3A_131 = arith.constant 1 : i32
      %dma_wait3A_132 = arith.constant 1 : i32
      %dma_wait3A_133 = arith.constant 1 : i32
      %dma_wait3A_134 = arith.constant 0 : i32
      %dma_wait3A_135 = arith.constant 0 : i32
      %dma_wait3A_136 = tpu.memref_slice %arg9[%dma_wait3A_132, %dma_wait3A_134, %dma_wait3A_135] : memref<2x64x128xf32, #tpu.memory_space<vmem>> -> memref<1x64x128xf32, #tpu.memory_space<vmem>>
      %dma_wait3A_137 = tpu.memref_squeeze %dma_wait3A_136 : memref<1x64x128xf32, #tpu.memory_space<vmem>> -> memref<64x128xf32, #tpu.memory_space<vmem>>
      %dma_wait3A_138 = arith.constant 0 : i32
      %dma_wait3A_139 = tpu.memref_slice %arg7[%dma_wait3A_131, %dma_wait3A_138] : memref<4x64xi32, #tpu.memory_space<vmem>> -> memref<1x64xi32, #tpu.memory_space<vmem>>
      %dma_wait3A_140 = tpu.memref_squeeze %dma_wait3A_139 : memref<1x64xi32, #tpu.memory_space<vmem>> -> memref<64xi32, #tpu.memory_space<vmem>>
      %dma_wait3A_141 = arith.constant 0 : i32
      %dma_wait3A_142 = arith.constant 0 : i32
      %dma_wait3A_143 = tpu.memref_slice %arg2[%dma_wait3A_141, %dma_wait3A_142] : memref<10000x128xf32, #tpu.memory_space<hbm>> -> memref<10000x128xf32, #tpu.memory_space<hbm>>
      %dma_wait3A_144 = tpu.memref_slice %arg11[%dma_wait3A_133] : memref<2x!tpu.dma_semaphore, #tpu.memory_space<semaphore_mem>> -> memref<1x!tpu.dma_semaphore, #tpu.memory_space<semaphore_mem>>
      %dma_wait3A_145 = tpu.memref_squeeze %dma_wait3A_144 : memref<1x!tpu.dma_semaphore, #tpu.memory_space<semaphore_mem>> -> memref<!tpu.dma_semaphore, #tpu.memory_space<semaphore_mem>>
      tpu.wait_indirect_dma semaphore(%dma_wait3A_145 : memref<!tpu.dma_semaphore, #tpu.memory_space<semaphore_mem>>) src(%dma_wait3A_143 : memref<10000x128xf32, #tpu.memory_space<hbm>>) dst(%dma_wait3A_137 : memref<64x128xf32, #tpu.memory_space<vmem>>)
      %dma_start3A_146 = arith.constant 1 : i32
      %dma_start3A_147 = arith.constant 1 : i32
      %dma_start3A_148 = arith.constant 1 : i32
      %dma_start3A_149 = arith.constant 0 : i32
      %dma_start3A_150 = arith.constant 0 : i32
      %dma_start3A_151 = tpu.memref_slice %arg9[%dma_start3A_146, %dma_start3A_149, %dma_start3A_150] : memref<2x64x128xf32, #tpu.memory_space<vmem>> -> memref<1x64x128xf32, #tpu.memory_space<vmem>>
      %dma_start3A_152 = tpu.memref_squeeze %dma_start3A_151 : memref<1x64x128xf32, #tpu.memory_space<vmem>> -> memref<64x128xf32, #tpu.memory_space<vmem>>
      %dma_start3A_153 = arith.constant 0 : i32
      %dma_start3A_154 = tpu.memref_slice %arg8[%dma_start3A_147, %dma_start3A_153] : memref<4x64xi32, #tpu.memory_space<vmem>> -> memref<1x64xi32, #tpu.memory_space<vmem>>
      %dma_start3A_155 = tpu.memref_squeeze %dma_start3A_154 : memref<1x64xi32, #tpu.memory_space<vmem>> -> memref<64xi32, #tpu.memory_space<vmem>>
      %dma_start3A_156 = arith.constant 0 : i32
      %dma_start3A_157 = arith.constant 0 : i32
      %dma_start3A_158 = tpu.memref_slice %arg10[%dma_start3A_156, %dma_start3A_157] : memref<10000x128xf32, #tpu.memory_space<vmem_shared>> -> memref<10000x128xf32, #tpu.memory_space<vmem_shared>>
      %dma_start3A_159 = tpu.memref_slice %arg12[%dma_start3A_148] : memref<2x!tpu.dma_semaphore, #tpu.memory_space<semaphore_mem>> -> memref<1x!tpu.dma_semaphore, #tpu.memory_space<semaphore_mem>>
      %dma_start3A_160 = tpu.memref_squeeze %dma_start3A_159 : memref<1x!tpu.dma_semaphore, #tpu.memory_space<semaphore_mem>> -> memref<!tpu.dma_semaphore, #tpu.memory_space<semaphore_mem>>
      tpu.enqueue_indirect_dma source(%dma_start3A_152 : memref<64x128xf32, #tpu.memory_space<vmem>>) target(%dma_start3A_158 : memref<10000x128xf32, #tpu.memory_space<vmem_shared>>) offsets(%dma_start3A_155 : memref<64xi32, #tpu.memory_space<vmem>>) semaphore(%dma_start3A_160 : memref<!tpu.dma_semaphore, #tpu.memory_space<semaphore_mem>>) {add = true}
      %dma_wait3A_161 = arith.constant 0 : i32
      %dma_wait3A_162 = arith.constant 0 : i32
      %dma_wait3A_163 = arith.constant 0 : i32
      %dma_wait3A_164 = arith.constant 0 : i32
      %dma_wait3A_165 = arith.constant 0 : i32
      %dma_wait3A_166 = tpu.memref_slice %arg9[%dma_wait3A_161, %dma_wait3A_164, %dma_wait3A_165] : memref<2x64x128xf32, #tpu.memory_space<vmem>> -> memref<1x64x128xf32, #tpu.memory_space<vmem>>
      %dma_wait3A_167 = tpu.memref_squeeze %dma_wait3A_166 : memref<1x64x128xf32, #tpu.memory_space<vmem>> -> memref<64x128xf32, #tpu.memory_space<vmem>>
      %dma_wait3A_168 = arith.constant 0 : i32
      %dma_wait3A_169 = tpu.memref_slice %arg8[%dma_wait3A_162, %dma_wait3A_168] : memref<4x64xi32, #tpu.memory_space<vmem>> -> memref<1x64xi32, #tpu.memory_space<vmem>>
      %dma_wait3A_170 = tpu.memref_squeeze %dma_wait3A_169 : memref<1x64xi32, #tpu.memory_space<vmem>> -> memref<64xi32, #tpu.memory_space<vmem>>
      %dma_wait3A_171 = arith.constant 0 : i32
      %dma_wait3A_172 = arith.constant 0 : i32
      %dma_wait3A_173 = tpu.memref_slice %arg10[%dma_wait3A_171, %dma_wait3A_172] : memref<10000x128xf32, #tpu.memory_space<vmem_shared>> -> memref<10000x128xf32, #tpu.memory_space<vmem_shared>>
      %dma_wait3A_174 = tpu.memref_slice %arg12[%dma_wait3A_163] : memref<2x!tpu.dma_semaphore, #tpu.memory_space<semaphore_mem>> -> memref<1x!tpu.dma_semaphore, #tpu.memory_space<semaphore_mem>>
      %dma_wait3A_175 = tpu.memref_squeeze %dma_wait3A_174 : memref<1x!tpu.dma_semaphore, #tpu.memory_space<semaphore_mem>> -> memref<!tpu.dma_semaphore, #tpu.memory_space<semaphore_mem>>
      tpu.wait_indirect_dma semaphore(%dma_wait3A_175 : memref<!tpu.dma_semaphore, #tpu.memory_space<semaphore_mem>>) src(%dma_wait3A_167 : memref<64x128xf32, #tpu.memory_space<vmem>>) dst(%dma_wait3A_173 : memref<10000x128xf32, #tpu.memory_space<vmem_shared>>)
      %dma_start3A_176 = arith.constant 2 : i32
      %dma_start3A_177 = arith.constant 0 : i32
      %dma_start3A_178 = arith.constant 0 : i32
      %dma_start3A_179 = arith.constant 0 : i32
      %dma_start3A_180 = arith.constant 0 : i32
      %dma_start3A_181 = tpu.memref_slice %arg9[%dma_start3A_177, %dma_start3A_179, %dma_start3A_180] : memref<2x64x128xf32, #tpu.memory_space<vmem>> -> memref<1x64x128xf32, #tpu.memory_space<vmem>>
      %dma_start3A_182 = tpu.memref_squeeze %dma_start3A_181 : memref<1x64x128xf32, #tpu.memory_space<vmem>> -> memref<64x128xf32, #tpu.memory_space<vmem>>
      %dma_start3A_183 = arith.constant 0 : i32
      %dma_start3A_184 = tpu.memref_slice %arg7[%dma_start3A_176, %dma_start3A_183] : memref<4x64xi32, #tpu.memory_space<vmem>> -> memref<1x64xi32, #tpu.memory_space<vmem>>
      %dma_start3A_185 = tpu.memref_squeeze %dma_start3A_184 : memref<1x64xi32, #tpu.memory_space<vmem>> -> memref<64xi32, #tpu.memory_space<vmem>>
      %dma_start3A_186 = arith.constant 0 : i32
      %dma_start3A_187 = arith.constant 0 : i32
      %dma_start3A_188 = tpu.memref_slice %arg2[%dma_start3A_186, %dma_start3A_187] : memref<10000x128xf32, #tpu.memory_space<hbm>> -> memref<10000x128xf32, #tpu.memory_space<hbm>>
      %dma_start3A_189 = tpu.memref_slice %arg11[%dma_start3A_178] : memref<2x!tpu.dma_semaphore, #tpu.memory_space<semaphore_mem>> -> memref<1x!tpu.dma_semaphore, #tpu.memory_space<semaphore_mem>>
      %dma_start3A_190 = tpu.memref_squeeze %dma_start3A_189 : memref<1x!tpu.dma_semaphore, #tpu.memory_space<semaphore_mem>> -> memref<!tpu.dma_semaphore, #tpu.memory_space<semaphore_mem>>
      tpu.enqueue_indirect_dma source(%dma_start3A_188 : memref<10000x128xf32, #tpu.memory_space<hbm>>) target(%dma_start3A_182 : memref<64x128xf32, #tpu.memory_space<vmem>>) offsets(%dma_start3A_185 : memref<64xi32, #tpu.memory_space<vmem>>) semaphore(%dma_start3A_190 : memref<!tpu.dma_semaphore, #tpu.memory_space<semaphore_mem>>)
      %dma_wait3A_191 = arith.constant 1 : i32
      %dma_wait3A_192 = arith.constant 1 : i32
      %dma_wait3A_193 = arith.constant 1 : i32
      %dma_wait3A_194 = arith.constant 0 : i32
      %dma_wait3A_195 = arith.constant 0 : i32
      %dma_wait3A_196 = tpu.memref_slice %arg9[%dma_wait3A_191, %dma_wait3A_194, %dma_wait3A_195] : memref<2x64x128xf32, #tpu.memory_space<vmem>> -> memref<1x64x128xf32, #tpu.memory_space<vmem>>
      %dma_wait3A_197 = tpu.memref_squeeze %dma_wait3A_196 : memref<1x64x128xf32, #tpu.memory_space<vmem>> -> memref<64x128xf32, #tpu.memory_space<vmem>>
      %dma_wait3A_198 = arith.constant 0 : i32
      %dma_wait3A_199 = tpu.memref_slice %arg8[%dma_wait3A_192, %dma_wait3A_198] : memref<4x64xi32, #tpu.memory_space<vmem>> -> memref<1x64xi32, #tpu.memory_space<vmem>>
      %dma_wait3A_200 = tpu.memref_squeeze %dma_wait3A_199 : memref<1x64xi32, #tpu.memory_space<vmem>> -> memref<64xi32, #tpu.memory_space<vmem>>
      %dma_wait3A_201 = arith.constant 0 : i32
      %dma_wait3A_202 = arith.constant 0 : i32
      %dma_wait3A_203 = tpu.memref_slice %arg10[%dma_wait3A_201, %dma_wait3A_202] : memref<10000x128xf32, #tpu.memory_space<vmem_shared>> -> memref<10000x128xf32, #tpu.memory_space<vmem_shared>>
      %dma_wait3A_204 = tpu.memref_slice %arg12[%dma_wait3A_193] : memref<2x!tpu.dma_semaphore, #tpu.memory_space<semaphore_mem>> -> memref<1x!tpu.dma_semaphore, #tpu.memory_space<semaphore_mem>>
      %dma_wait3A_205 = tpu.memref_squeeze %dma_wait3A_204 : memref<1x!tpu.dma_semaphore, #tpu.memory_space<semaphore_mem>> -> memref<!tpu.dma_semaphore, #tpu.memory_space<semaphore_mem>>
      tpu.wait_indirect_dma semaphore(%dma_wait3A_205 : memref<!tpu.dma_semaphore, #tpu.memory_space<semaphore_mem>>) src(%dma_wait3A_197 : memref<64x128xf32, #tpu.memory_space<vmem>>) dst(%dma_wait3A_203 : memref<10000x128xf32, #tpu.memory_space<vmem_shared>>)
      %dma_start3A_206 = arith.constant 3 : i32
      %dma_start3A_207 = arith.constant 1 : i32
      %dma_start3A_208 = arith.constant 1 : i32
      %dma_start3A_209 = arith.constant 0 : i32
      %dma_start3A_210 = arith.constant 0 : i32
      %dma_start3A_211 = tpu.memref_slice %arg9[%dma_start3A_207, %dma_start3A_209, %dma_start3A_210] : memref<2x64x128xf32, #tpu.memory_space<vmem>> -> memref<1x64x128xf32, #tpu.memory_space<vmem>>
      %dma_start3A_212 = tpu.memref_squeeze %dma_start3A_211 : memref<1x64x128xf32, #tpu.memory_space<vmem>> -> memref<64x128xf32, #tpu.memory_space<vmem>>
      %dma_start3A_213 = arith.constant 0 : i32
      %dma_start3A_214 = tpu.memref_slice %arg7[%dma_start3A_206, %dma_start3A_213] : memref<4x64xi32, #tpu.memory_space<vmem>> -> memref<1x64xi32, #tpu.memory_space<vmem>>
      %dma_start3A_215 = tpu.memref_squeeze %dma_start3A_214 : memref<1x64xi32, #tpu.memory_space<vmem>> -> memref<64xi32, #tpu.memory_space<vmem>>
      %dma_start3A_216 = arith.constant 0 : i32
      %dma_start3A_217 = arith.constant 0 : i32
      %dma_start3A_218 = tpu.memref_slice %arg2[%dma_start3A_216, %dma_start3A_217] : memref<10000x128xf32, #tpu.memory_space<hbm>> -> memref<10000x128xf32, #tpu.memory_space<hbm>>
      %dma_start3A_219 = tpu.memref_slice %arg11[%dma_start3A_208] : memref<2x!tpu.dma_semaphore, #tpu.memory_space<semaphore_mem>> -> memref<1x!tpu.dma_semaphore, #tpu.memory_space<semaphore_mem>>
      %dma_start3A_220 = tpu.memref_squeeze %dma_start3A_219 : memref<1x!tpu.dma_semaphore, #tpu.memory_space<semaphore_mem>> -> memref<!tpu.dma_semaphore, #tpu.memory_space<semaphore_mem>>
      tpu.enqueue_indirect_dma source(%dma_start3A_218 : memref<10000x128xf32, #tpu.memory_space<hbm>>) target(%dma_start3A_212 : memref<64x128xf32, #tpu.memory_space<vmem>>) offsets(%dma_start3A_215 : memref<64xi32, #tpu.memory_space<vmem>>) semaphore(%dma_start3A_220 : memref<!tpu.dma_semaphore, #tpu.memory_space<semaphore_mem>>)
      %dma_wait3A_221 = arith.constant 2 : i32
      %dma_wait3A_222 = arith.constant 0 : i32
      %dma_wait3A_223 = arith.constant 0 : i32
      %dma_wait3A_224 = arith.constant 0 : i32
      %dma_wait3A_225 = arith.constant 0 : i32
      %dma_wait3A_226 = tpu.memref_slice %arg9[%dma_wait3A_222, %dma_wait3A_224, %dma_wait3A_225] : memref<2x64x128xf32, #tpu.memory_space<vmem>> -> memref<1x64x128xf32, #tpu.memory_space<vmem>>
      %dma_wait3A_227 = tpu.memref_squeeze %dma_wait3A_226 : memref<1x64x128xf32, #tpu.memory_space<vmem>> -> memref<64x128xf32, #tpu.memory_space<vmem>>
      %dma_wait3A_228 = arith.constant 0 : i32
      %dma_wait3A_229 = tpu.memref_slice %arg7[%dma_wait3A_221, %dma_wait3A_228] : memref<4x64xi32, #tpu.memory_space<vmem>> -> memref<1x64xi32, #tpu.memory_space<vmem>>
      %dma_wait3A_230 = tpu.memref_squeeze %dma_wait3A_229 : memref<1x64xi32, #tpu.memory_space<vmem>> -> memref<64xi32, #tpu.memory_space<vmem>>
      %dma_wait3A_231 = arith.constant 0 : i32
      %dma_wait3A_232 = arith.constant 0 : i32
      %dma_wait3A_233 = tpu.memref_slice %arg2[%dma_wait3A_231, %dma_wait3A_232] : memref<10000x128xf32, #tpu.memory_space<hbm>> -> memref<10000x128xf32, #tpu.memory_space<hbm>>
      %dma_wait3A_234 = tpu.memref_slice %arg11[%dma_wait3A_223] : memref<2x!tpu.dma_semaphore, #tpu.memory_space<semaphore_mem>> -> memref<1x!tpu.dma_semaphore, #tpu.memory_space<semaphore_mem>>
      %dma_wait3A_235 = tpu.memref_squeeze %dma_wait3A_234 : memref<1x!tpu.dma_semaphore, #tpu.memory_space<semaphore_mem>> -> memref<!tpu.dma_semaphore, #tpu.memory_space<semaphore_mem>>
      tpu.wait_indirect_dma semaphore(%dma_wait3A_235 : memref<!tpu.dma_semaphore, #tpu.memory_space<semaphore_mem>>) src(%dma_wait3A_233 : memref<10000x128xf32, #tpu.memory_space<hbm>>) dst(%dma_wait3A_227 : memref<64x128xf32, #tpu.memory_space<vmem>>)
      %dma_start3A_236 = arith.constant 0 : i32
      %dma_start3A_237 = arith.constant 2 : i32
      %dma_start3A_238 = arith.constant 0 : i32
      %dma_start3A_239 = arith.constant 0 : i32
      %dma_start3A_240 = arith.constant 0 : i32
      %dma_start3A_241 = tpu.memref_slice %arg9[%dma_start3A_236, %dma_start3A_239, %dma_start3A_240] : memref<2x64x128xf32, #tpu.memory_space<vmem>> -> memref<1x64x128xf32, #tpu.memory_space<vmem>>
      %dma_start3A_242 = tpu.memref_squeeze %dma_start3A_241 : memref<1x64x128xf32, #tpu.memory_space<vmem>> -> memref<64x128xf32, #tpu.memory_space<vmem>>
      %dma_start3A_243 = arith.constant 0 : i32
      %dma_start3A_244 = tpu.memref_slice %arg8[%dma_start3A_237, %dma_start3A_243] : memref<4x64xi32, #tpu.memory_space<vmem>> -> memref<1x64xi32, #tpu.memory_space<vmem>>
      %dma_start3A_245 = tpu.memref_squeeze %dma_start3A_244 : memref<1x64xi32, #tpu.memory_space<vmem>> -> memref<64xi32, #tpu.memory_space<vmem>>
      %dma_start3A_246 = arith.constant 0 : i32
      %dma_start3A_247 = arith.constant 0 : i32
      %dma_start3A_248 = tpu.memref_slice %arg10[%dma_start3A_246, %dma_start3A_247] : memref<10000x128xf32, #tpu.memory_space<vmem_shared>> -> memref<10000x128xf32, #tpu.memory_space<vmem_shared>>
      %dma_start3A_249 = tpu.memref_slice %arg12[%dma_start3A_238] : memref<2x!tpu.dma_semaphore, #tpu.memory_space<semaphore_mem>> -> memref<1x!tpu.dma_semaphore, #tpu.memory_space<semaphore_mem>>
      %dma_start3A_250 = tpu.memref_squeeze %dma_start3A_249 : memref<1x!tpu.dma_semaphore, #tpu.memory_space<semaphore_mem>> -> memref<!tpu.dma_semaphore, #tpu.memory_space<semaphore_mem>>
      tpu.enqueue_indirect_dma source(%dma_start3A_242 : memref<64x128xf32, #tpu.memory_space<vmem>>) target(%dma_start3A_248 : memref<10000x128xf32, #tpu.memory_space<vmem_shared>>) offsets(%dma_start3A_245 : memref<64xi32, #tpu.memory_space<vmem>>) semaphore(%dma_start3A_250 : memref<!tpu.dma_semaphore, #tpu.memory_space<semaphore_mem>>) {add = true}
      %dma_wait3A_251 = arith.constant 3 : i32
      %dma_wait3A_252 = arith.constant 1 : i32
      %dma_wait3A_253 = arith.constant 1 : i32
      %dma_wait3A_254 = arith.constant 0 : i32
      %dma_wait3A_255 = arith.constant 0 : i32
      %dma_wait3A_256 = tpu.memref_slice %arg9[%dma_wait3A_252, %dma_wait3A_254, %dma_wait3A_255] : memref<2x64x128xf32, #tpu.memory_space<vmem>> -> memref<1x64x128xf32, #tpu.memory_space<vmem>>
      %dma_wait3A_257 = tpu.memref_squeeze %dma_wait3A_256 : memref<1x64x128xf32, #tpu.memory_space<vmem>> -> memref<64x128xf32, #tpu.memory_space<vmem>>
      %dma_wait3A_258 = arith.constant 0 : i32
      %dma_wait3A_259 = tpu.memref_slice %arg7[%dma_wait3A_251, %dma_wait3A_258] : memref<4x64xi32, #tpu.memory_space<vmem>> -> memref<1x64xi32, #tpu.memory_space<vmem>>
      %dma_wait3A_260 = tpu.memref_squeeze %dma_wait3A_259 : memref<1x64xi32, #tpu.memory_space<vmem>> -> memref<64xi32, #tpu.memory_space<vmem>>
      %dma_wait3A_261 = arith.constant 0 : i32
      %dma_wait3A_262 = arith.constant 0 : i32
      %dma_wait3A_263 = tpu.memref_slice %arg2[%dma_wait3A_261, %dma_wait3A_262] : memref<10000x128xf32, #tpu.memory_space<hbm>> -> memref<10000x128xf32, #tpu.memory_space<hbm>>
      %dma_wait3A_264 = tpu.memref_slice %arg11[%dma_wait3A_253] : memref<2x!tpu.dma_semaphore, #tpu.memory_space<semaphore_mem>> -> memref<1x!tpu.dma_semaphore, #tpu.memory_space<semaphore_mem>>
      %dma_wait3A_265 = tpu.memref_squeeze %dma_wait3A_264 : memref<1x!tpu.dma_semaphore, #tpu.memory_space<semaphore_mem>> -> memref<!tpu.dma_semaphore, #tpu.memory_space<semaphore_mem>>
      tpu.wait_indirect_dma semaphore(%dma_wait3A_265 : memref<!tpu.dma_semaphore, #tpu.memory_space<semaphore_mem>>) src(%dma_wait3A_263 : memref<10000x128xf32, #tpu.memory_space<hbm>>) dst(%dma_wait3A_257 : memref<64x128xf32, #tpu.memory_space<vmem>>)
      %dma_start3A_266 = arith.constant 1 : i32
      %dma_start3A_267 = arith.constant 3 : i32
      %dma_start3A_268 = arith.constant 1 : i32
      %dma_start3A_269 = arith.constant 0 : i32
      %dma_start3A_270 = arith.constant 0 : i32
      %dma_start3A_271 = tpu.memref_slice %arg9[%dma_start3A_266, %dma_start3A_269, %dma_start3A_270] : memref<2x64x128xf32, #tpu.memory_space<vmem>> -> memref<1x64x128xf32, #tpu.memory_space<vmem>>
      %dma_start3A_272 = tpu.memref_squeeze %dma_start3A_271 : memref<1x64x128xf32, #tpu.memory_space<vmem>> -> memref<64x128xf32, #tpu.memory_space<vmem>>
      %dma_start3A_273 = arith.constant 0 : i32
      %dma_start3A_274 = tpu.memref_slice %arg8[%dma_start3A_267, %dma_start3A_273] : memref<4x64xi32, #tpu.memory_space<vmem>> -> memref<1x64xi32, #tpu.memory_space<vmem>>
      %dma_start3A_275 = tpu.memref_squeeze %dma_start3A_274 : memref<1x64xi32, #tpu.memory_space<vmem>> -> memref<64xi32, #tpu.memory_space<vmem>>
      %dma_start3A_276 = arith.constant 0 : i32
      %dma_start3A_277 = arith.constant 0 : i32
      %dma_start3A_278 = tpu.memref_slice %arg10[%dma_start3A_276, %dma_start3A_277] : memref<10000x128xf32, #tpu.memory_space<vmem_shared>> -> memref<10000x128xf32, #tpu.memory_space<vmem_shared>>
      %dma_start3A_279 = tpu.memref_slice %arg12[%dma_start3A_268] : memref<2x!tpu.dma_semaphore, #tpu.memory_space<semaphore_mem>> -> memref<1x!tpu.dma_semaphore, #tpu.memory_space<semaphore_mem>>
      %dma_start3A_280 = tpu.memref_squeeze %dma_start3A_279 : memref<1x!tpu.dma_semaphore, #tpu.memory_space<semaphore_mem>> -> memref<!tpu.dma_semaphore, #tpu.memory_space<semaphore_mem>>
      tpu.enqueue_indirect_dma source(%dma_start3A_272 : memref<64x128xf32, #tpu.memory_space<vmem>>) target(%dma_start3A_278 : memref<10000x128xf32, #tpu.memory_space<vmem_shared>>) offsets(%dma_start3A_275 : memref<64xi32, #tpu.memory_space<vmem>>) semaphore(%dma_start3A_280 : memref<!tpu.dma_semaphore, #tpu.memory_space<semaphore_mem>>) {add = true}
      %dma_wait3A_281 = arith.constant 0 : i32
      %dma_wait3A_282 = arith.constant 2 : i32
      %dma_wait3A_283 = arith.constant 0 : i32
      %dma_wait3A_284 = arith.constant 0 : i32
      %dma_wait3A_285 = arith.constant 0 : i32
      %dma_wait3A_286 = tpu.memref_slice %arg9[%dma_wait3A_281, %dma_wait3A_284, %dma_wait3A_285] : memref<2x64x128xf32, #tpu.memory_space<vmem>> -> memref<1x64x128xf32, #tpu.memory_space<vmem>>
      %dma_wait3A_287 = tpu.memref_squeeze %dma_wait3A_286 : memref<1x64x128xf32, #tpu.memory_space<vmem>> -> memref<64x128xf32, #tpu.memory_space<vmem>>
      %dma_wait3A_288 = arith.constant 0 : i32
      %dma_wait3A_289 = tpu.memref_slice %arg8[%dma_wait3A_282, %dma_wait3A_288] : memref<4x64xi32, #tpu.memory_space<vmem>> -> memref<1x64xi32, #tpu.memory_space<vmem>>
      %dma_wait3A_290 = tpu.memref_squeeze %dma_wait3A_289 : memref<1x64xi32, #tpu.memory_space<vmem>> -> memref<64xi32, #tpu.memory_space<vmem>>
      %dma_wait3A_291 = arith.constant 0 : i32
      %dma_wait3A_292 = arith.constant 0 : i32
      %dma_wait3A_293 = tpu.memref_slice %arg10[%dma_wait3A_291, %dma_wait3A_292] : memref<10000x128xf32, #tpu.memory_space<vmem_shared>> -> memref<10000x128xf32, #tpu.memory_space<vmem_shared>>
      %dma_wait3A_294 = tpu.memref_slice %arg12[%dma_wait3A_283] : memref<2x!tpu.dma_semaphore, #tpu.memory_space<semaphore_mem>> -> memref<1x!tpu.dma_semaphore, #tpu.memory_space<semaphore_mem>>
      %dma_wait3A_295 = tpu.memref_squeeze %dma_wait3A_294 : memref<1x!tpu.dma_semaphore, #tpu.memory_space<semaphore_mem>> -> memref<!tpu.dma_semaphore, #tpu.memory_space<semaphore_mem>>
      tpu.wait_indirect_dma semaphore(%dma_wait3A_295 : memref<!tpu.dma_semaphore, #tpu.memory_space<semaphore_mem>>) src(%dma_wait3A_287 : memref<64x128xf32, #tpu.memory_space<vmem>>) dst(%dma_wait3A_293 : memref<10000x128xf32, #tpu.memory_space<vmem_shared>>)
      %dma_wait3A_296 = arith.constant 1 : i32
      %dma_wait3A_297 = arith.constant 3 : i32
      %dma_wait3A_298 = arith.constant 1 : i32
      %dma_wait3A_299 = arith.constant 0 : i32
      %dma_wait3A_300 = arith.constant 0 : i32
      %dma_wait3A_301 = tpu.memref_slice %arg9[%dma_wait3A_296, %dma_wait3A_299, %dma_wait3A_300] : memref<2x64x128xf32, #tpu.memory_space<vmem>> -> memref<1x64x128xf32, #tpu.memory_space<vmem>>
      %dma_wait3A_302 = tpu.memref_squeeze %dma_wait3A_301 : memref<1x64x128xf32, #tpu.memory_space<vmem>> -> memref<64x128xf32, #tpu.memory_space<vmem>>
      %dma_wait3A_303 = arith.constant 0 : i32
      %dma_wait3A_304 = tpu.memref_slice %arg8[%dma_wait3A_297, %dma_wait3A_303] : memref<4x64xi32, #tpu.memory_space<vmem>> -> memref<1x64xi32, #tpu.memory_space<vmem>>
      %dma_wait3A_305 = tpu.memref_squeeze %dma_wait3A_304 : memref<1x64xi32, #tpu.memory_space<vmem>> -> memref<64xi32, #tpu.memory_space<vmem>>
      %dma_wait3A_306 = arith.constant 0 : i32
      %dma_wait3A_307 = arith.constant 0 : i32
      %dma_wait3A_308 = tpu.memref_slice %arg10[%dma_wait3A_306, %dma_wait3A_307] : memref<10000x128xf32, #tpu.memory_space<vmem_shared>> -> memref<10000x128xf32, #tpu.memory_space<vmem_shared>>
      %dma_wait3A_309 = tpu.memref_slice %arg12[%dma_wait3A_298] : memref<2x!tpu.dma_semaphore, #tpu.memory_space<semaphore_mem>> -> memref<1x!tpu.dma_semaphore, #tpu.memory_space<semaphore_mem>>
      %dma_wait3A_310 = tpu.memref_squeeze %dma_wait3A_309 : memref<1x!tpu.dma_semaphore, #tpu.memory_space<semaphore_mem>> -> memref<!tpu.dma_semaphore, #tpu.memory_space<semaphore_mem>>
      tpu.wait_indirect_dma semaphore(%dma_wait3A_310 : memref<!tpu.dma_semaphore, #tpu.memory_space<semaphore_mem>>) src(%dma_wait3A_302 : memref<64x128xf32, #tpu.memory_space<vmem>>) dst(%dma_wait3A_308 : memref<10000x128xf32, #tpu.memory_space<vmem_shared>>)
    }
    %barrier3A_61 = arith.constant 0 : index
    tpu.barrier barrier_id(%barrier3A_61)
    %lt3A_62 = arith.constant 15 : i32
    %lt3A_63 = arith.cmpi slt, %arg1, %lt3A_62 : i32
    %convert_element_type3A_64 = arith.extui %lt3A_63 : i1 to i32
    %cond3A_65 = arith.constant 0 : i32
    %cond3A_66 = arith.cmpi ne, %convert_element_type3A_64, %cond3A_65 : i32
    scf.if %cond3A_66 {
      %mul3A_72 = arith.constant 632 : i32
      %mul3A_73 = arith.muli %arg1, %mul3A_72 : i32
      "tpu.region"() ({
        %run_scoped3A = tpu.sem_alloc : memref<!tpu.dma_semaphore, #tpu.memory_space<semaphore_mem>>
        %dma_start3A = arith.constant 0 : i32
        %dma_start3A_74 = tpu.memref_slice %arg6[%arg0, %mul3A_73, %dma_start3A] : memref<2x10000x128xf32, #tpu.memory_space<hbm>> -> memref<1x632x128xf32, #tpu.memory_space<hbm>>
        %dma_start3A_75 = tpu.memref_squeeze %dma_start3A_74 : memref<1x632x128xf32, #tpu.memory_space<hbm>> -> memref<632x128xf32, #tpu.memory_space<hbm>>
        %dma_start3A_76 = arith.constant 0 : i32
        %dma_start3A_77 = tpu.memref_slice %arg10[%mul3A_73, %dma_start3A_76] : memref<10000x128xf32, #tpu.memory_space<vmem_shared>> -> memref<632x128xf32, #tpu.memory_space<vmem_shared>>
        tpu.enqueue_dma source(%dma_start3A_77 : memref<632x128xf32, #tpu.memory_space<vmem_shared>>) target(%dma_start3A_75 : memref<632x128xf32, #tpu.memory_space<hbm>>) target_semaphore(%run_scoped3A : memref<!tpu.dma_semaphore, #tpu.memory_space<semaphore_mem>>)
        %dma_wait3A = arith.constant 0 : i32
        %dma_wait3A_78 = tpu.memref_slice %arg6[%arg0, %mul3A_73, %dma_wait3A] : memref<2x10000x128xf32, #tpu.memory_space<hbm>> -> memref<1x632x128xf32, #tpu.memory_space<hbm>>
        %dma_wait3A_79 = tpu.memref_squeeze %dma_wait3A_78 : memref<1x632x128xf32, #tpu.memory_space<hbm>> -> memref<632x128xf32, #tpu.memory_space<hbm>>
        %dma_wait3A_80 = arith.constant 0 : i32
        %dma_wait3A_81 = tpu.memref_slice %arg10[%mul3A_73, %dma_wait3A_80] : memref<10000x128xf32, #tpu.memory_space<vmem_shared>> -> memref<632x128xf32, #tpu.memory_space<vmem_shared>>
        tpu.wait_dma2 semaphore(%run_scoped3A : memref<!tpu.dma_semaphore, #tpu.memory_space<semaphore_mem>>) src(%dma_wait3A_81 : memref<632x128xf32, #tpu.memory_space<vmem_shared>>) dst(%dma_wait3A_79 : memref<632x128xf32, #tpu.memory_space<hbm>>)
        tpu.yield
      }) : () -> ()
    } else {
    }
    %eq3A_67 = arith.constant 15 : i32
    %eq3A_68 = arith.cmpi eq, %arg1, %eq3A_67 : i32
    %convert_element_type3A_69 = arith.extui %eq3A_68 : i1 to i32
    %cond3A_70 = arith.constant 0 : i32
    %cond3A_71 = arith.cmpi ne, %convert_element_type3A_69, %cond3A_70 : i32
    scf.if %cond3A_71 {
      "tpu.region"() ({
        %run_scoped3A = tpu.sem_alloc : memref<!tpu.dma_semaphore, #tpu.memory_space<semaphore_mem>>
        %dma_start3A = arith.constant 9480 : i32
        %dma_start3A_72 = arith.constant 0 : i32
        %dma_start3A_73 = tpu.memref_slice %arg6[%arg0, %dma_start3A, %dma_start3A_72] : memref<2x10000x128xf32, #tpu.memory_space<hbm>> -> memref<1x520x128xf32, #tpu.memory_space<hbm>>
        %dma_start3A_74 = tpu.memref_squeeze %dma_start3A_73 : memref<1x520x128xf32, #tpu.memory_space<hbm>> -> memref<520x128xf32, #tpu.memory_space<hbm>>
        %dma_start3A_75 = arith.constant 9480 : i32
        %dma_start3A_76 = arith.constant 0 : i32
        %dma_start3A_77 = tpu.memref_slice %arg10[%dma_start3A_75, %dma_start3A_76] : memref<10000x128xf32, #tpu.memory_space<vmem_shared>> -> memref<520x128xf32, #tpu.memory_space<vmem_shared>>
        tpu.enqueue_dma source(%dma_start3A_77 : memref<520x128xf32, #tpu.memory_space<vmem_shared>>) target(%dma_start3A_74 : memref<520x128xf32, #tpu.memory_space<hbm>>) target_semaphore(%run_scoped3A : memref<!tpu.dma_semaphore, #tpu.memory_space<semaphore_mem>>)
        %dma_wait3A = arith.constant 9480 : i32
        %dma_wait3A_78 = arith.constant 0 : i32
        %dma_wait3A_79 = tpu.memref_slice %arg6[%arg0, %dma_wait3A, %dma_wait3A_78] : memref<2x10000x128xf32, #tpu.memory_space<hbm>> -> memref<1x520x128xf32, #tpu.memory_space<hbm>>
        %dma_wait3A_80 = tpu.memref_squeeze %dma_wait3A_79 : memref<1x520x128xf32, #tpu.memory_space<hbm>> -> memref<520x128xf32, #tpu.memory_space<hbm>>
        %dma_wait3A_81 = arith.constant 9480 : i32
        %dma_wait3A_82 = arith.constant 0 : i32
        %dma_wait3A_83 = tpu.memref_slice %arg10[%dma_wait3A_81, %dma_wait3A_82] : memref<10000x128xf32, #tpu.memory_space<vmem_shared>> -> memref<520x128xf32, #tpu.memory_space<vmem_shared>>
        tpu.wait_dma2 semaphore(%run_scoped3A : memref<!tpu.dma_semaphore, #tpu.memory_space<semaphore_mem>>) src(%dma_wait3A_83 : memref<520x128xf32, #tpu.memory_space<vmem_shared>>) dst(%dma_wait3A_80 : memref<520x128xf32, #tpu.memory_space<hbm>>)
        tpu.yield
      }) : () -> ()
    } else {
    }
    return
  }
}

#map = affine_map<(d0, d1) -> (0, 0)>
#map1 = affine_map<(d0, d1) -> (0, 0, 0)>
module attributes {stable_mosaic.version = 14 : i64} {
  func.func @_sc_agg1(%arg0: i32, %arg1: i32, %arg2: memref<10000x128xf32, #tpu.memory_space<hbm>>, %arg3: memref<320000x16xf32, #tpu.memory_space<hbm>>, %arg4: memref<1250x4x64xi32, #tpu.memory_space<hbm>>, %arg5: memref<1250x4x64xi32, #tpu.memory_space<hbm>>, %arg6: memref<64x8xf32, #tpu.memory_space<hbm>>, %arg7: memref<10000x128xf32, #tpu.memory_space<hbm>>, %arg8: memref<10000x16xf32, #tpu.memory_space<hbm>>, %arg9: memref<10000x8xf32, #tpu.memory_space<hbm>>, %arg10: memref<2x10000x128xf32, #tpu.memory_space<hbm>>, %arg11: memref<2x10000x16xf32, #tpu.memory_space<hbm>>, %arg12: memref<2x10000x8xf32, #tpu.memory_space<hbm>>, %arg13: memref<4x64xi32, #tpu.memory_space<vmem>>, %arg14: memref<4x64xi32, #tpu.memory_space<vmem>>, %arg15: memref<2x64x128xf32, #tpu.memory_space<vmem>>, %arg16: memref<256x16xf32, #tpu.memory_space<vmem>>, %arg17: memref<64x8xf32, #tpu.memory_space<vmem>>, %arg18: memref<10000x128xf32, #tpu.memory_space<vmem_shared>>, %arg19: memref<10000x16xf32, #tpu.memory_space<vmem_shared>>, %arg20: memref<10000x8xf32, #tpu.memory_space<vmem_shared>>, %arg21: memref<2x!tpu.dma_semaphore, #tpu.memory_space<semaphore_mem>>, %arg22: memref<2x!tpu.dma_semaphore, #tpu.memory_space<semaphore_mem>>, %arg23: memref<2x!tpu.dma_semaphore, #tpu.memory_space<semaphore_mem>>) attributes {dimension_semantics = [#tpu.dimension_semantics<core_parallel>, #tpu.dimension_semantics<subcore_parallel>], iteration_bounds = array<i64: 2, 16>, scalar_prefetch = 0 : i64, scratch_operands = 11 : i64, tpu.core_type = #tpu.core_type<sc_vector_subcore>, window_params = [{transform_indices = #map}, {transform_indices = #map}, {transform_indices = #map1}, {transform_indices = #map1}, {transform_indices = #map}, {transform_indices = #map}, {transform_indices = #map}, {transform_indices = #map}, {transform_indices = #map1}, {transform_indices = #map1}, {transform_indices = #map1}]} {
    %lt3A = arith.constant 15 : i32
    %lt3A_0 = arith.cmpi slt, %arg1, %lt3A : i32
    %convert_element_type3A = arith.extui %lt3A_0 : i1 to i32
    %cond3A = arith.constant 0 : i32
    %cond3A_1 = arith.cmpi ne, %convert_element_type3A, %cond3A : i32
    scf.if %cond3A_1 {
      %mul3A_72 = arith.constant 632 : i32
      %mul3A_73 = arith.muli %arg1, %mul3A_72 : i32
      "tpu.region"() ({
        %run_scoped3A = tpu.sem_alloc : memref<!tpu.dma_semaphore, #tpu.memory_space<semaphore_mem>>
        %dma_start3A = arith.constant 0 : i32
        %dma_start3A_74 = tpu.memref_slice %arg18[%mul3A_73, %dma_start3A] : memref<10000x128xf32, #tpu.memory_space<vmem_shared>> -> memref<632x128xf32, #tpu.memory_space<vmem_shared>>
        %dma_start3A_75 = arith.constant 0 : i32
        %dma_start3A_76 = tpu.memref_slice %arg7[%mul3A_73, %dma_start3A_75] : memref<10000x128xf32, #tpu.memory_space<hbm>> -> memref<632x128xf32, #tpu.memory_space<hbm>>
        tpu.enqueue_dma source(%dma_start3A_76 : memref<632x128xf32, #tpu.memory_space<hbm>>) target(%dma_start3A_74 : memref<632x128xf32, #tpu.memory_space<vmem_shared>>) target_semaphore(%run_scoped3A : memref<!tpu.dma_semaphore, #tpu.memory_space<semaphore_mem>>)
        %dma_wait3A = arith.constant 0 : i32
        %dma_wait3A_77 = tpu.memref_slice %arg18[%mul3A_73, %dma_wait3A] : memref<10000x128xf32, #tpu.memory_space<vmem_shared>> -> memref<632x128xf32, #tpu.memory_space<vmem_shared>>
        %dma_wait3A_78 = arith.constant 0 : i32
        %dma_wait3A_79 = tpu.memref_slice %arg7[%mul3A_73, %dma_wait3A_78] : memref<10000x128xf32, #tpu.memory_space<hbm>> -> memref<632x128xf32, #tpu.memory_space<hbm>>
        tpu.wait_dma2 semaphore(%run_scoped3A : memref<!tpu.dma_semaphore, #tpu.memory_space<semaphore_mem>>) src(%dma_wait3A_79 : memref<632x128xf32, #tpu.memory_space<hbm>>) dst(%dma_wait3A_77 : memref<632x128xf32, #tpu.memory_space<vmem_shared>>)
        tpu.yield
      }) : () -> ()
      "tpu.region"() ({
        %run_scoped3A = tpu.sem_alloc : memref<!tpu.dma_semaphore, #tpu.memory_space<semaphore_mem>>
        %dma_start3A = arith.constant 0 : i32
        %dma_start3A_74 = tpu.memref_slice %arg19[%mul3A_73, %dma_start3A] : memref<10000x16xf32, #tpu.memory_space<vmem_shared>> -> memref<632x16xf32, #tpu.memory_space<vmem_shared>>
        %dma_start3A_75 = arith.constant 0 : i32
        %dma_start3A_76 = tpu.memref_slice %arg8[%mul3A_73, %dma_start3A_75] : memref<10000x16xf32, #tpu.memory_space<hbm>> -> memref<632x16xf32, #tpu.memory_space<hbm>>
        tpu.enqueue_dma source(%dma_start3A_76 : memref<632x16xf32, #tpu.memory_space<hbm>>) target(%dma_start3A_74 : memref<632x16xf32, #tpu.memory_space<vmem_shared>>) target_semaphore(%run_scoped3A : memref<!tpu.dma_semaphore, #tpu.memory_space<semaphore_mem>>)
        %dma_wait3A = arith.constant 0 : i32
        %dma_wait3A_77 = tpu.memref_slice %arg19[%mul3A_73, %dma_wait3A] : memref<10000x16xf32, #tpu.memory_space<vmem_shared>> -> memref<632x16xf32, #tpu.memory_space<vmem_shared>>
        %dma_wait3A_78 = arith.constant 0 : i32
        %dma_wait3A_79 = tpu.memref_slice %arg8[%mul3A_73, %dma_wait3A_78] : memref<10000x16xf32, #tpu.memory_space<hbm>> -> memref<632x16xf32, #tpu.memory_space<hbm>>
        tpu.wait_dma2 semaphore(%run_scoped3A : memref<!tpu.dma_semaphore, #tpu.memory_space<semaphore_mem>>) src(%dma_wait3A_79 : memref<632x16xf32, #tpu.memory_space<hbm>>) dst(%dma_wait3A_77 : memref<632x16xf32, #tpu.memory_space<vmem_shared>>)
        tpu.yield
      }) : () -> ()
      "tpu.region"() ({
        %run_scoped3A = tpu.sem_alloc : memref<!tpu.dma_semaphore, #tpu.memory_space<semaphore_mem>>
        %dma_start3A = arith.constant 0 : i32
        %dma_start3A_74 = tpu.memref_slice %arg20[%mul3A_73, %dma_start3A] : memref<10000x8xf32, #tpu.memory_space<vmem_shared>> -> memref<632x8xf32, #tpu.memory_space<vmem_shared>>
        %dma_start3A_75 = arith.constant 0 : i32
        %dma_start3A_76 = tpu.memref_slice %arg9[%mul3A_73, %dma_start3A_75] : memref<10000x8xf32, #tpu.memory_space<hbm>> -> memref<632x8xf32, #tpu.memory_space<hbm>>
        tpu.enqueue_dma source(%dma_start3A_76 : memref<632x8xf32, #tpu.memory_space<hbm>>) target(%dma_start3A_74 : memref<632x8xf32, #tpu.memory_space<vmem_shared>>) target_semaphore(%run_scoped3A : memref<!tpu.dma_semaphore, #tpu.memory_space<semaphore_mem>>)
        %dma_wait3A = arith.constant 0 : i32
        %dma_wait3A_77 = tpu.memref_slice %arg20[%mul3A_73, %dma_wait3A] : memref<10000x8xf32, #tpu.memory_space<vmem_shared>> -> memref<632x8xf32, #tpu.memory_space<vmem_shared>>
        %dma_wait3A_78 = arith.constant 0 : i32
        %dma_wait3A_79 = tpu.memref_slice %arg9[%mul3A_73, %dma_wait3A_78] : memref<10000x8xf32, #tpu.memory_space<hbm>> -> memref<632x8xf32, #tpu.memory_space<hbm>>
        tpu.wait_dma2 semaphore(%run_scoped3A : memref<!tpu.dma_semaphore, #tpu.memory_space<semaphore_mem>>) src(%dma_wait3A_79 : memref<632x8xf32, #tpu.memory_space<hbm>>) dst(%dma_wait3A_77 : memref<632x8xf32, #tpu.memory_space<vmem_shared>>)
        tpu.yield
      }) : () -> ()
    } else {
    }
    %eq3A = arith.constant 15 : i32
    %eq3A_2 = arith.cmpi eq, %arg1, %eq3A : i32
    %convert_element_type3A_3 = arith.extui %eq3A_2 : i1 to i32
    %cond3A_4 = arith.constant 0 : i32
    %cond3A_5 = arith.cmpi ne, %convert_element_type3A_3, %cond3A_4 : i32
    scf.if %cond3A_5 {
      "tpu.region"() ({
        %run_scoped3A = tpu.sem_alloc : memref<!tpu.dma_semaphore, #tpu.memory_space<semaphore_mem>>
        %dma_start3A = arith.constant 9480 : i32
        %dma_start3A_72 = arith.constant 0 : i32
        %dma_start3A_73 = tpu.memref_slice %arg18[%dma_start3A, %dma_start3A_72] : memref<10000x128xf32, #tpu.memory_space<vmem_shared>> -> memref<520x128xf32, #tpu.memory_space<vmem_shared>>
        %dma_start3A_74 = arith.constant 9480 : i32
        %dma_start3A_75 = arith.constant 0 : i32
        %dma_start3A_76 = tpu.memref_slice %arg7[%dma_start3A_74, %dma_start3A_75] : memref<10000x128xf32, #tpu.memory_space<hbm>> -> memref<520x128xf32, #tpu.memory_space<hbm>>
        tpu.enqueue_dma source(%dma_start3A_76 : memref<520x128xf32, #tpu.memory_space<hbm>>) target(%dma_start3A_73 : memref<520x128xf32, #tpu.memory_space<vmem_shared>>) target_semaphore(%run_scoped3A : memref<!tpu.dma_semaphore, #tpu.memory_space<semaphore_mem>>)
        %dma_wait3A = arith.constant 9480 : i32
        %dma_wait3A_77 = arith.constant 0 : i32
        %dma_wait3A_78 = tpu.memref_slice %arg18[%dma_wait3A, %dma_wait3A_77] : memref<10000x128xf32, #tpu.memory_space<vmem_shared>> -> memref<520x128xf32, #tpu.memory_space<vmem_shared>>
        %dma_wait3A_79 = arith.constant 9480 : i32
        %dma_wait3A_80 = arith.constant 0 : i32
        %dma_wait3A_81 = tpu.memref_slice %arg7[%dma_wait3A_79, %dma_wait3A_80] : memref<10000x128xf32, #tpu.memory_space<hbm>> -> memref<520x128xf32, #tpu.memory_space<hbm>>
        tpu.wait_dma2 semaphore(%run_scoped3A : memref<!tpu.dma_semaphore, #tpu.memory_space<semaphore_mem>>) src(%dma_wait3A_81 : memref<520x128xf32, #tpu.memory_space<hbm>>) dst(%dma_wait3A_78 : memref<520x128xf32, #tpu.memory_space<vmem_shared>>)
        tpu.yield
      }) : () -> ()
      "tpu.region"() ({
        %run_scoped3A = tpu.sem_alloc : memref<!tpu.dma_semaphore, #tpu.memory_space<semaphore_mem>>
        %dma_start3A = arith.constant 9480 : i32
        %dma_start3A_72 = arith.constant 0 : i32
        %dma_start3A_73 = tpu.memref_slice %arg19[%dma_start3A, %dma_start3A_72] : memref<10000x16xf32, #tpu.memory_space<vmem_shared>> -> memref<520x16xf32, #tpu.memory_space<vmem_shared>>
        %dma_start3A_74 = arith.constant 9480 : i32
        %dma_start3A_75 = arith.constant 0 : i32
        %dma_start3A_76 = tpu.memref_slice %arg8[%dma_start3A_74, %dma_start3A_75] : memref<10000x16xf32, #tpu.memory_space<hbm>> -> memref<520x16xf32, #tpu.memory_space<hbm>>
        tpu.enqueue_dma source(%dma_start3A_76 : memref<520x16xf32, #tpu.memory_space<hbm>>) target(%dma_start3A_73 : memref<520x16xf32, #tpu.memory_space<vmem_shared>>) target_semaphore(%run_scoped3A : memref<!tpu.dma_semaphore, #tpu.memory_space<semaphore_mem>>)
        %dma_wait3A = arith.constant 9480 : i32
        %dma_wait3A_77 = arith.constant 0 : i32
        %dma_wait3A_78 = tpu.memref_slice %arg19[%dma_wait3A, %dma_wait3A_77] : memref<10000x16xf32, #tpu.memory_space<vmem_shared>> -> memref<520x16xf32, #tpu.memory_space<vmem_shared>>
        %dma_wait3A_79 = arith.constant 9480 : i32
        %dma_wait3A_80 = arith.constant 0 : i32
        %dma_wait3A_81 = tpu.memref_slice %arg8[%dma_wait3A_79, %dma_wait3A_80] : memref<10000x16xf32, #tpu.memory_space<hbm>> -> memref<520x16xf32, #tpu.memory_space<hbm>>
        tpu.wait_dma2 semaphore(%run_scoped3A : memref<!tpu.dma_semaphore, #tpu.memory_space<semaphore_mem>>) src(%dma_wait3A_81 : memref<520x16xf32, #tpu.memory_space<hbm>>) dst(%dma_wait3A_78 : memref<520x16xf32, #tpu.memory_space<vmem_shared>>)
        tpu.yield
      }) : () -> ()
      "tpu.region"() ({
        %run_scoped3A = tpu.sem_alloc : memref<!tpu.dma_semaphore, #tpu.memory_space<semaphore_mem>>
        %dma_start3A = arith.constant 9480 : i32
        %dma_start3A_72 = arith.constant 0 : i32
        %dma_start3A_73 = tpu.memref_slice %arg20[%dma_start3A, %dma_start3A_72] : memref<10000x8xf32, #tpu.memory_space<vmem_shared>> -> memref<520x8xf32, #tpu.memory_space<vmem_shared>>
        %dma_start3A_74 = arith.constant 9480 : i32
        %dma_start3A_75 = arith.constant 0 : i32
        %dma_start3A_76 = tpu.memref_slice %arg9[%dma_start3A_74, %dma_start3A_75] : memref<10000x8xf32, #tpu.memory_space<hbm>> -> memref<520x8xf32, #tpu.memory_space<hbm>>
        tpu.enqueue_dma source(%dma_start3A_76 : memref<520x8xf32, #tpu.memory_space<hbm>>) target(%dma_start3A_73 : memref<520x8xf32, #tpu.memory_space<vmem_shared>>) target_semaphore(%run_scoped3A : memref<!tpu.dma_semaphore, #tpu.memory_space<semaphore_mem>>)
        %dma_wait3A = arith.constant 9480 : i32
        %dma_wait3A_77 = arith.constant 0 : i32
        %dma_wait3A_78 = tpu.memref_slice %arg20[%dma_wait3A, %dma_wait3A_77] : memref<10000x8xf32, #tpu.memory_space<vmem_shared>> -> memref<520x8xf32, #tpu.memory_space<vmem_shared>>
        %dma_wait3A_79 = arith.constant 9480 : i32
        %dma_wait3A_80 = arith.constant 0 : i32
        %dma_wait3A_81 = tpu.memref_slice %arg9[%dma_wait3A_79, %dma_wait3A_80] : memref<10000x8xf32, #tpu.memory_space<hbm>> -> memref<520x8xf32, #tpu.memory_space<hbm>>
        tpu.wait_dma2 semaphore(%run_scoped3A : memref<!tpu.dma_semaphore, #tpu.memory_space<semaphore_mem>>) src(%dma_wait3A_81 : memref<520x8xf32, #tpu.memory_space<hbm>>) dst(%dma_wait3A_78 : memref<520x8xf32, #tpu.memory_space<vmem_shared>>)
        tpu.yield
      }) : () -> ()
    } else {
    }
    "tpu.region"() ({
      %run_scoped3A = tpu.sem_alloc : memref<!tpu.dma_semaphore, #tpu.memory_space<semaphore_mem>>
      tpu.enqueue_dma source(%arg6 : memref<64x8xf32, #tpu.memory_space<hbm>>) target(%arg17 : memref<64x8xf32, #tpu.memory_space<vmem>>) target_semaphore(%run_scoped3A : memref<!tpu.dma_semaphore, #tpu.memory_space<semaphore_mem>>)
      tpu.wait_dma2 semaphore(%run_scoped3A : memref<!tpu.dma_semaphore, #tpu.memory_space<semaphore_mem>>) src(%arg6 : memref<64x8xf32, #tpu.memory_space<hbm>>) dst(%arg17 : memref<64x8xf32, #tpu.memory_space<vmem>>)
      tpu.yield
    }) : () -> ()
    %barrier3A = arith.constant 0 : index
    tpu.barrier barrier_id(%barrier3A)
    %mul3A = arith.constant 16 : i32
    %mul3A_6 = arith.muli %arg0, %mul3A : i32
    %add3A = arith.addi %mul3A_6, %arg1 : i32
    %mul3A_7 = arith.constant 1250 : i32
    %mul3A_8 = arith.muli %add3A, %mul3A_7 : i32
    %jit3A = arith.constant 32 : i32
    %div3A = arith.divsi %mul3A_8, %jit3A : i32
    %sign3A = arith.constant 0 : i32
    %sign3A_9 = arith.cmpi sgt, %mul3A_8, %sign3A : i32
    %sign3A_10 = arith.extui %sign3A_9 : i1 to i32
    %sign3A_11 = arith.constant 0 : i32
    %sign3A_12 = arith.cmpi slt, %mul3A_8, %sign3A_11 : i32
    %sign3A_13 = arith.extui %sign3A_12 : i1 to i32
    %sign3A_14 = arith.subi %sign3A_10, %sign3A_13 : i32
    %sign3A_15 = arith.constant 0 : i32
    %sign3A_16 = arith.cmpi sgt, %jit3A, %sign3A_15 : i32
    %sign3A_17 = arith.extui %sign3A_16 : i1 to i32
    %sign3A_18 = arith.constant 0 : i32
    %sign3A_19 = arith.cmpi slt, %jit3A, %sign3A_18 : i32
    %sign3A_20 = arith.extui %sign3A_19 : i1 to i32
    %sign3A_21 = arith.subi %sign3A_17, %sign3A_20 : i32
    %ne3A = arith.cmpi ne, %sign3A_14, %sign3A_21 : i32
    %rem3A = arith.remsi %mul3A_8, %jit3A : i32
    %ne3A_22 = arith.constant 0 : i32
    %ne3A_23 = arith.cmpi ne, %rem3A, %ne3A_22 : i32
    %and3A = arith.andi %ne3A, %ne3A_23 : i1
    %sub3A = arith.constant 1 : i32
    %sub3A_24 = arith.subi %div3A, %sub3A : i32
    %select_n3A = arith.select %and3A, %sub3A_24, %div3A : i32
    %add3A_25 = arith.constant 1 : i32
    %add3A_26 = arith.addi %add3A, %add3A_25 : i32
    %mul3A_27 = arith.constant 1250 : i32
    %mul3A_28 = arith.muli %add3A_26, %mul3A_27 : i32
    %jit3A_29 = arith.constant 32 : i32
    %div3A_30 = arith.divsi %mul3A_28, %jit3A_29 : i32
    %sign3A_31 = arith.constant 0 : i32
    %sign3A_32 = arith.cmpi sgt, %mul3A_28, %sign3A_31 : i32
    %sign3A_33 = arith.extui %sign3A_32 : i1 to i32
    %sign3A_34 = arith.constant 0 : i32
    %sign3A_35 = arith.cmpi slt, %mul3A_28, %sign3A_34 : i32
    %sign3A_36 = arith.extui %sign3A_35 : i1 to i32
    %sign3A_37 = arith.subi %sign3A_33, %sign3A_36 : i32
    %sign3A_38 = arith.constant 0 : i32
    %sign3A_39 = arith.cmpi sgt, %jit3A_29, %sign3A_38 : i32
    %sign3A_40 = arith.extui %sign3A_39 : i1 to i32
    %sign3A_41 = arith.constant 0 : i32
    %sign3A_42 = arith.cmpi slt, %jit3A_29, %sign3A_41 : i32
    %sign3A_43 = arith.extui %sign3A_42 : i1 to i32
    %sign3A_44 = arith.subi %sign3A_40, %sign3A_43 : i32
    %ne3A_45 = arith.cmpi ne, %sign3A_37, %sign3A_44 : i32
    %rem3A_46 = arith.remsi %mul3A_28, %jit3A_29 : i32
    %ne3A_47 = arith.constant 0 : i32
    %ne3A_48 = arith.cmpi ne, %rem3A_46, %ne3A_47 : i32
    %and3A_49 = arith.andi %ne3A_45, %ne3A_48 : i1
    %sub3A_50 = arith.constant 1 : i32
    %sub3A_51 = arith.subi %div3A_30, %sub3A_50 : i32
    %select_n3A_52 = arith.select %and3A_49, %sub3A_51, %div3A_30 : i32
    %while3A = arith.constant 0 : i32
    %while3A_53 = arith.subi %select_n3A_52, %select_n3A : i32
    %while3A_54 = arith.addi %select_n3A, %while3A_53 : i32
    %while3A_55 = arith.constant 1 : i32
    %while3A_56 = arith.divsi %while3A_53, %while3A_55 : i32
    %while3A_57 = arith.muli %while3A_56, %while3A_55 : i32
    %while3A_58 = arith.addi %select_n3A, %while3A_57 : i32
    %while3A_59 = arith.constant 1 : i32
    scf.for %while3A_72 = %select_n3A to %while3A_58 step %while3A_59  : i32 {
      "tpu.region"() ({
        %run_scoped3A = tpu.sem_alloc : memref<!tpu.dma_semaphore, #tpu.memory_space<semaphore_mem>>
        %dma_start3A_497 = arith.constant 0 : i32
        %dma_start3A_498 = arith.constant 0 : i32
        %dma_start3A_499 = tpu.memref_slice %arg4[%while3A_72, %dma_start3A_497, %dma_start3A_498] : memref<1250x4x64xi32, #tpu.memory_space<hbm>> -> memref<1x4x64xi32, #tpu.memory_space<hbm>>
        %dma_start3A_500 = tpu.memref_squeeze %dma_start3A_499 : memref<1x4x64xi32, #tpu.memory_space<hbm>> -> memref<4x64xi32, #tpu.memory_space<hbm>>
        %dma_start3A_501 = arith.constant 0 : i32
        %dma_start3A_502 = arith.constant 0 : i32
        %dma_start3A_503 = tpu.memref_slice %arg4[%while3A_72, %dma_start3A_501, %dma_start3A_502] : memref<1250x4x64xi32, #tpu.memory_space<hbm>> -> memref<1x4x64xi32, #tpu.memory_space<hbm>>
        %dma_start3A_504 = tpu.memref_squeeze %dma_start3A_503 : memref<1x4x64xi32, #tpu.memory_space<hbm>> -> memref<4x64xi32, #tpu.memory_space<hbm>>
        tpu.enqueue_dma source(%dma_start3A_504 : memref<4x64xi32, #tpu.memory_space<hbm>>) target(%arg13 : memref<4x64xi32, #tpu.memory_space<vmem>>) target_semaphore(%run_scoped3A : memref<!tpu.dma_semaphore, #tpu.memory_space<semaphore_mem>>)
        %dma_wait3A_505 = arith.constant 0 : i32
        %dma_wait3A_506 = arith.constant 0 : i32
        %dma_wait3A_507 = tpu.memref_slice %arg4[%while3A_72, %dma_wait3A_505, %dma_wait3A_506] : memref<1250x4x64xi32, #tpu.memory_space<hbm>> -> memref<1x4x64xi32, #tpu.memory_space<hbm>>
        %dma_wait3A_508 = tpu.memref_squeeze %dma_wait3A_507 : memref<1x4x64xi32, #tpu.memory_space<hbm>> -> memref<4x64xi32, #tpu.memory_space<hbm>>
        %dma_wait3A_509 = arith.constant 0 : i32
        %dma_wait3A_510 = arith.constant 0 : i32
        %dma_wait3A_511 = tpu.memref_slice %arg4[%while3A_72, %dma_wait3A_509, %dma_wait3A_510] : memref<1250x4x64xi32, #tpu.memory_space<hbm>> -> memref<1x4x64xi32, #tpu.memory_space<hbm>>
        %dma_wait3A_512 = tpu.memref_squeeze %dma_wait3A_511 : memref<1x4x64xi32, #tpu.memory_space<hbm>> -> memref<4x64xi32, #tpu.memory_space<hbm>>
        tpu.wait_dma2 semaphore(%run_scoped3A : memref<!tpu.dma_semaphore, #tpu.memory_space<semaphore_mem>>) src(%dma_wait3A_512 : memref<4x64xi32, #tpu.memory_space<hbm>>) dst(%arg13 : memref<4x64xi32, #tpu.memory_space<vmem>>)
        tpu.yield
      }) : () -> ()
      "tpu.region"() ({
        %run_scoped3A = tpu.sem_alloc : memref<!tpu.dma_semaphore, #tpu.memory_space<semaphore_mem>>
        %dma_start3A_497 = arith.constant 0 : i32
        %dma_start3A_498 = arith.constant 0 : i32
        %dma_start3A_499 = tpu.memref_slice %arg5[%while3A_72, %dma_start3A_497, %dma_start3A_498] : memref<1250x4x64xi32, #tpu.memory_space<hbm>> -> memref<1x4x64xi32, #tpu.memory_space<hbm>>
        %dma_start3A_500 = tpu.memref_squeeze %dma_start3A_499 : memref<1x4x64xi32, #tpu.memory_space<hbm>> -> memref<4x64xi32, #tpu.memory_space<hbm>>
        %dma_start3A_501 = arith.constant 0 : i32
        %dma_start3A_502 = arith.constant 0 : i32
        %dma_start3A_503 = tpu.memref_slice %arg5[%while3A_72, %dma_start3A_501, %dma_start3A_502] : memref<1250x4x64xi32, #tpu.memory_space<hbm>> -> memref<1x4x64xi32, #tpu.memory_space<hbm>>
        %dma_start3A_504 = tpu.memref_squeeze %dma_start3A_503 : memref<1x4x64xi32, #tpu.memory_space<hbm>> -> memref<4x64xi32, #tpu.memory_space<hbm>>
        tpu.enqueue_dma source(%dma_start3A_504 : memref<4x64xi32, #tpu.memory_space<hbm>>) target(%arg14 : memref<4x64xi32, #tpu.memory_space<vmem>>) target_semaphore(%run_scoped3A : memref<!tpu.dma_semaphore, #tpu.memory_space<semaphore_mem>>)
        %dma_wait3A_505 = arith.constant 0 : i32
        %dma_wait3A_506 = arith.constant 0 : i32
        %dma_wait3A_507 = tpu.memref_slice %arg5[%while3A_72, %dma_wait3A_505, %dma_wait3A_506] : memref<1250x4x64xi32, #tpu.memory_space<hbm>> -> memref<1x4x64xi32, #tpu.memory_space<hbm>>
        %dma_wait3A_508 = tpu.memref_squeeze %dma_wait3A_507 : memref<1x4x64xi32, #tpu.memory_space<hbm>> -> memref<4x64xi32, #tpu.memory_space<hbm>>
        %dma_wait3A_509 = arith.constant 0 : i32
        %dma_wait3A_510 = arith.constant 0 : i32
        %dma_wait3A_511 = tpu.memref_slice %arg5[%while3A_72, %dma_wait3A_509, %dma_wait3A_510] : memref<1250x4x64xi32, #tpu.memory_space<hbm>> -> memref<1x4x64xi32, #tpu.memory_space<hbm>>
        %dma_wait3A_512 = tpu.memref_squeeze %dma_wait3A_511 : memref<1x4x64xi32, #tpu.memory_space<hbm>> -> memref<4x64xi32, #tpu.memory_space<hbm>>
        tpu.wait_dma2 semaphore(%run_scoped3A : memref<!tpu.dma_semaphore, #tpu.memory_space<semaphore_mem>>) src(%dma_wait3A_512 : memref<4x64xi32, #tpu.memory_space<hbm>>) dst(%arg14 : memref<4x64xi32, #tpu.memory_space<vmem>>)
        tpu.yield
      }) : () -> ()
      %mul3A_73 = arith.constant 256 : i32
      %mul3A_74 = arith.muli %while3A_72, %mul3A_73 : i32
      "tpu.region"() ({
        %run_scoped3A = tpu.sem_alloc : memref<!tpu.dma_semaphore, #tpu.memory_space<semaphore_mem>>
        %dma_start3A_497 = arith.constant 0 : i32
        %dma_start3A_498 = tpu.memref_slice %arg3[%mul3A_74, %dma_start3A_497] : memref<320000x16xf32, #tpu.memory_space<hbm>> -> memref<256x16xf32, #tpu.memory_space<hbm>>
        %dma_start3A_499 = arith.constant 0 : i32
        %dma_start3A_500 = tpu.memref_slice %arg3[%mul3A_74, %dma_start3A_499] : memref<320000x16xf32, #tpu.memory_space<hbm>> -> memref<256x16xf32, #tpu.memory_space<hbm>>
        tpu.enqueue_dma source(%dma_start3A_500 : memref<256x16xf32, #tpu.memory_space<hbm>>) target(%arg16 : memref<256x16xf32, #tpu.memory_space<vmem>>) target_semaphore(%run_scoped3A : memref<!tpu.dma_semaphore, #tpu.memory_space<semaphore_mem>>)
        %dma_wait3A_501 = arith.constant 0 : i32
        %dma_wait3A_502 = tpu.memref_slice %arg3[%mul3A_74, %dma_wait3A_501] : memref<320000x16xf32, #tpu.memory_space<hbm>> -> memref<256x16xf32, #tpu.memory_space<hbm>>
        %dma_wait3A_503 = arith.constant 0 : i32
        %dma_wait3A_504 = tpu.memref_slice %arg3[%mul3A_74, %dma_wait3A_503] : memref<320000x16xf32, #tpu.memory_space<hbm>> -> memref<256x16xf32, #tpu.memory_space<hbm>>
        tpu.wait_dma2 semaphore(%run_scoped3A : memref<!tpu.dma_semaphore, #tpu.memory_space<semaphore_mem>>) src(%dma_wait3A_504 : memref<256x16xf32, #tpu.memory_space<hbm>>) dst(%arg16 : memref<256x16xf32, #tpu.memory_space<vmem>>)
        tpu.yield
      }) : () -> ()
      %dma_start3A = arith.constant 0 : i32
      %dma_start3A_75 = arith.constant 0 : i32
      %dma_start3A_76 = arith.constant 0 : i32
      %dma_start3A_77 = arith.constant 0 : i32
      %dma_start3A_78 = tpu.memref_slice %arg16[%dma_start3A_76, %dma_start3A_77] : memref<256x16xf32, #tpu.memory_space<vmem>> -> memref<64x16xf32, #tpu.memory_space<vmem>>
      %dma_start3A_79 = arith.constant 0 : i32
      %dma_start3A_80 = tpu.memref_slice %arg14[%dma_start3A, %dma_start3A_79] : memref<4x64xi32, #tpu.memory_space<vmem>> -> memref<1x64xi32, #tpu.memory_space<vmem>>
      %dma_start3A_81 = tpu.memref_squeeze %dma_start3A_80 : memref<1x64xi32, #tpu.memory_space<vmem>> -> memref<64xi32, #tpu.memory_space<vmem>>
      %dma_start3A_82 = arith.constant 0 : i32
      %dma_start3A_83 = arith.constant 0 : i32
      %dma_start3A_84 = tpu.memref_slice %arg19[%dma_start3A_82, %dma_start3A_83] : memref<10000x16xf32, #tpu.memory_space<vmem_shared>> -> memref<10000x16xf32, #tpu.memory_space<vmem_shared>>
      %dma_start3A_85 = tpu.memref_slice %arg23[%dma_start3A_75] : memref<2x!tpu.dma_semaphore, #tpu.memory_space<semaphore_mem>> -> memref<1x!tpu.dma_semaphore, #tpu.memory_space<semaphore_mem>>
      %dma_start3A_86 = tpu.memref_squeeze %dma_start3A_85 : memref<1x!tpu.dma_semaphore, #tpu.memory_space<semaphore_mem>> -> memref<!tpu.dma_semaphore, #tpu.memory_space<semaphore_mem>>
      tpu.enqueue_indirect_dma source(%dma_start3A_78 : memref<64x16xf32, #tpu.memory_space<vmem>>) target(%dma_start3A_84 : memref<10000x16xf32, #tpu.memory_space<vmem_shared>>) offsets(%dma_start3A_81 : memref<64xi32, #tpu.memory_space<vmem>>) semaphore(%dma_start3A_86 : memref<!tpu.dma_semaphore, #tpu.memory_space<semaphore_mem>>) {add = true}
      %dma_start3A_87 = arith.constant 0 : i32
      %dma_start3A_88 = arith.constant 1 : i32
      %dma_start3A_89 = arith.constant 0 : i32
      %dma_start3A_90 = tpu.memref_slice %arg14[%dma_start3A_87, %dma_start3A_89] : memref<4x64xi32, #tpu.memory_space<vmem>> -> memref<1x64xi32, #tpu.memory_space<vmem>>
      %dma_start3A_91 = tpu.memref_squeeze %dma_start3A_90 : memref<1x64xi32, #tpu.memory_space<vmem>> -> memref<64xi32, #tpu.memory_space<vmem>>
      %dma_start3A_92 = arith.constant 0 : i32
      %dma_start3A_93 = arith.constant 0 : i32
      %dma_start3A_94 = tpu.memref_slice %arg20[%dma_start3A_92, %dma_start3A_93] : memref<10000x8xf32, #tpu.memory_space<vmem_shared>> -> memref<10000x8xf32, #tpu.memory_space<vmem_shared>>
      %dma_start3A_95 = tpu.memref_slice %arg23[%dma_start3A_88] : memref<2x!tpu.dma_semaphore, #tpu.memory_space<semaphore_mem>> -> memref<1x!tpu.dma_semaphore, #tpu.memory_space<semaphore_mem>>
      %dma_start3A_96 = tpu.memref_squeeze %dma_start3A_95 : memref<1x!tpu.dma_semaphore, #tpu.memory_space<semaphore_mem>> -> memref<!tpu.dma_semaphore, #tpu.memory_space<semaphore_mem>>
      tpu.enqueue_indirect_dma source(%arg17 : memref<64x8xf32, #tpu.memory_space<vmem>>) target(%dma_start3A_94 : memref<10000x8xf32, #tpu.memory_space<vmem_shared>>) offsets(%dma_start3A_91 : memref<64xi32, #tpu.memory_space<vmem>>) semaphore(%dma_start3A_96 : memref<!tpu.dma_semaphore, #tpu.memory_space<semaphore_mem>>) {add = true}
      %dma_start3A_97 = arith.constant 1 : i32
      %dma_start3A_98 = arith.constant 0 : i32
      %dma_start3A_99 = arith.constant 64 : i32
      %dma_start3A_100 = arith.constant 0 : i32
      %dma_start3A_101 = tpu.memref_slice %arg16[%dma_start3A_99, %dma_start3A_100] : memref<256x16xf32, #tpu.memory_space<vmem>> -> memref<64x16xf32, #tpu.memory_space<vmem>>
      %dma_start3A_102 = arith.constant 0 : i32
      %dma_start3A_103 = tpu.memref_slice %arg14[%dma_start3A_97, %dma_start3A_102] : memref<4x64xi32, #tpu.memory_space<vmem>> -> memref<1x64xi32, #tpu.memory_space<vmem>>
      %dma_start3A_104 = tpu.memref_squeeze %dma_start3A_103 : memref<1x64xi32, #tpu.memory_space<vmem>> -> memref<64xi32, #tpu.memory_space<vmem>>
      %dma_start3A_105 = arith.constant 0 : i32
      %dma_start3A_106 = arith.constant 0 : i32
      %dma_start3A_107 = tpu.memref_slice %arg19[%dma_start3A_105, %dma_start3A_106] : memref<10000x16xf32, #tpu.memory_space<vmem_shared>> -> memref<10000x16xf32, #tpu.memory_space<vmem_shared>>
      %dma_start3A_108 = tpu.memref_slice %arg23[%dma_start3A_98] : memref<2x!tpu.dma_semaphore, #tpu.memory_space<semaphore_mem>> -> memref<1x!tpu.dma_semaphore, #tpu.memory_space<semaphore_mem>>
      %dma_start3A_109 = tpu.memref_squeeze %dma_start3A_108 : memref<1x!tpu.dma_semaphore, #tpu.memory_space<semaphore_mem>> -> memref<!tpu.dma_semaphore, #tpu.memory_space<semaphore_mem>>
      tpu.enqueue_indirect_dma source(%dma_start3A_101 : memref<64x16xf32, #tpu.memory_space<vmem>>) target(%dma_start3A_107 : memref<10000x16xf32, #tpu.memory_space<vmem_shared>>) offsets(%dma_start3A_104 : memref<64xi32, #tpu.memory_space<vmem>>) semaphore(%dma_start3A_109 : memref<!tpu.dma_semaphore, #tpu.memory_space<semaphore_mem>>) {add = true}
      %dma_start3A_110 = arith.constant 1 : i32
      %dma_start3A_111 = arith.constant 1 : i32
      %dma_start3A_112 = arith.constant 0 : i32
      %dma_start3A_113 = tpu.memref_slice %arg14[%dma_start3A_110, %dma_start3A_112] : memref<4x64xi32, #tpu.memory_space<vmem>> -> memref<1x64xi32, #tpu.memory_space<vmem>>
      %dma_start3A_114 = tpu.memref_squeeze %dma_start3A_113 : memref<1x64xi32, #tpu.memory_space<vmem>> -> memref<64xi32, #tpu.memory_space<vmem>>
      %dma_start3A_115 = arith.constant 0 : i32
      %dma_start3A_116 = arith.constant 0 : i32
      %dma_start3A_117 = tpu.memref_slice %arg20[%dma_start3A_115, %dma_start3A_116] : memref<10000x8xf32, #tpu.memory_space<vmem_shared>> -> memref<10000x8xf32, #tpu.memory_space<vmem_shared>>
      %dma_start3A_118 = tpu.memref_slice %arg23[%dma_start3A_111] : memref<2x!tpu.dma_semaphore, #tpu.memory_space<semaphore_mem>> -> memref<1x!tpu.dma_semaphore, #tpu.memory_space<semaphore_mem>>
      %dma_start3A_119 = tpu.memref_squeeze %dma_start3A_118 : memref<1x!tpu.dma_semaphore, #tpu.memory_space<semaphore_mem>> -> memref<!tpu.dma_semaphore, #tpu.memory_space<semaphore_mem>>
      tpu.enqueue_indirect_dma source(%arg17 : memref<64x8xf32, #tpu.memory_space<vmem>>) target(%dma_start3A_117 : memref<10000x8xf32, #tpu.memory_space<vmem_shared>>) offsets(%dma_start3A_114 : memref<64xi32, #tpu.memory_space<vmem>>) semaphore(%dma_start3A_119 : memref<!tpu.dma_semaphore, #tpu.memory_space<semaphore_mem>>) {add = true}
      %dma_start3A_120 = arith.constant 2 : i32
      %dma_start3A_121 = arith.constant 0 : i32
      %dma_start3A_122 = arith.constant 128 : i32
      %dma_start3A_123 = arith.constant 0 : i32
      %dma_start3A_124 = tpu.memref_slice %arg16[%dma_start3A_122, %dma_start3A_123] : memref<256x16xf32, #tpu.memory_space<vmem>> -> memref<64x16xf32, #tpu.memory_space<vmem>>
      %dma_start3A_125 = arith.constant 0 : i32
      %dma_start3A_126 = tpu.memref_slice %arg14[%dma_start3A_120, %dma_start3A_125] : memref<4x64xi32, #tpu.memory_space<vmem>> -> memref<1x64xi32, #tpu.memory_space<vmem>>
      %dma_start3A_127 = tpu.memref_squeeze %dma_start3A_126 : memref<1x64xi32, #tpu.memory_space<vmem>> -> memref<64xi32, #tpu.memory_space<vmem>>
      %dma_start3A_128 = arith.constant 0 : i32
      %dma_start3A_129 = arith.constant 0 : i32
      %dma_start3A_130 = tpu.memref_slice %arg19[%dma_start3A_128, %dma_start3A_129] : memref<10000x16xf32, #tpu.memory_space<vmem_shared>> -> memref<10000x16xf32, #tpu.memory_space<vmem_shared>>
      %dma_start3A_131 = tpu.memref_slice %arg23[%dma_start3A_121] : memref<2x!tpu.dma_semaphore, #tpu.memory_space<semaphore_mem>> -> memref<1x!tpu.dma_semaphore, #tpu.memory_space<semaphore_mem>>
      %dma_start3A_132 = tpu.memref_squeeze %dma_start3A_131 : memref<1x!tpu.dma_semaphore, #tpu.memory_space<semaphore_mem>> -> memref<!tpu.dma_semaphore, #tpu.memory_space<semaphore_mem>>
      tpu.enqueue_indirect_dma source(%dma_start3A_124 : memref<64x16xf32, #tpu.memory_space<vmem>>) target(%dma_start3A_130 : memref<10000x16xf32, #tpu.memory_space<vmem_shared>>) offsets(%dma_start3A_127 : memref<64xi32, #tpu.memory_space<vmem>>) semaphore(%dma_start3A_132 : memref<!tpu.dma_semaphore, #tpu.memory_space<semaphore_mem>>) {add = true}
      %dma_start3A_133 = arith.constant 2 : i32
      %dma_start3A_134 = arith.constant 1 : i32
      %dma_start3A_135 = arith.constant 0 : i32
      %dma_start3A_136 = tpu.memref_slice %arg14[%dma_start3A_133, %dma_start3A_135] : memref<4x64xi32, #tpu.memory_space<vmem>> -> memref<1x64xi32, #tpu.memory_space<vmem>>
      %dma_start3A_137 = tpu.memref_squeeze %dma_start3A_136 : memref<1x64xi32, #tpu.memory_space<vmem>> -> memref<64xi32, #tpu.memory_space<vmem>>
      %dma_start3A_138 = arith.constant 0 : i32
      %dma_start3A_139 = arith.constant 0 : i32
      %dma_start3A_140 = tpu.memref_slice %arg20[%dma_start3A_138, %dma_start3A_139] : memref<10000x8xf32, #tpu.memory_space<vmem_shared>> -> memref<10000x8xf32, #tpu.memory_space<vmem_shared>>
      %dma_start3A_141 = tpu.memref_slice %arg23[%dma_start3A_134] : memref<2x!tpu.dma_semaphore, #tpu.memory_space<semaphore_mem>> -> memref<1x!tpu.dma_semaphore, #tpu.memory_space<semaphore_mem>>
      %dma_start3A_142 = tpu.memref_squeeze %dma_start3A_141 : memref<1x!tpu.dma_semaphore, #tpu.memory_space<semaphore_mem>> -> memref<!tpu.dma_semaphore, #tpu.memory_space<semaphore_mem>>
      tpu.enqueue_indirect_dma source(%arg17 : memref<64x8xf32, #tpu.memory_space<vmem>>) target(%dma_start3A_140 : memref<10000x8xf32, #tpu.memory_space<vmem_shared>>) offsets(%dma_start3A_137 : memref<64xi32, #tpu.memory_space<vmem>>) semaphore(%dma_start3A_142 : memref<!tpu.dma_semaphore, #tpu.memory_space<semaphore_mem>>) {add = true}
      %dma_start3A_143 = arith.constant 3 : i32
      %dma_start3A_144 = arith.constant 0 : i32
      %dma_start3A_145 = arith.constant 192 : i32
      %dma_start3A_146 = arith.constant 0 : i32
      %dma_start3A_147 = tpu.memref_slice %arg16[%dma_start3A_145, %dma_start3A_146] : memref<256x16xf32, #tpu.memory_space<vmem>> -> memref<64x16xf32, #tpu.memory_space<vmem>>
      %dma_start3A_148 = arith.constant 0 : i32
      %dma_start3A_149 = tpu.memref_slice %arg14[%dma_start3A_143, %dma_start3A_148] : memref<4x64xi32, #tpu.memory_space<vmem>> -> memref<1x64xi32, #tpu.memory_space<vmem>>
      %dma_start3A_150 = tpu.memref_squeeze %dma_start3A_149 : memref<1x64xi32, #tpu.memory_space<vmem>> -> memref<64xi32, #tpu.memory_space<vmem>>
      %dma_start3A_151 = arith.constant 0 : i32
      %dma_start3A_152 = arith.constant 0 : i32
      %dma_start3A_153 = tpu.memref_slice %arg19[%dma_start3A_151, %dma_start3A_152] : memref<10000x16xf32, #tpu.memory_space<vmem_shared>> -> memref<10000x16xf32, #tpu.memory_space<vmem_shared>>
      %dma_start3A_154 = tpu.memref_slice %arg23[%dma_start3A_144] : memref<2x!tpu.dma_semaphore, #tpu.memory_space<semaphore_mem>> -> memref<1x!tpu.dma_semaphore, #tpu.memory_space<semaphore_mem>>
      %dma_start3A_155 = tpu.memref_squeeze %dma_start3A_154 : memref<1x!tpu.dma_semaphore, #tpu.memory_space<semaphore_mem>> -> memref<!tpu.dma_semaphore, #tpu.memory_space<semaphore_mem>>
      tpu.enqueue_indirect_dma source(%dma_start3A_147 : memref<64x16xf32, #tpu.memory_space<vmem>>) target(%dma_start3A_153 : memref<10000x16xf32, #tpu.memory_space<vmem_shared>>) offsets(%dma_start3A_150 : memref<64xi32, #tpu.memory_space<vmem>>) semaphore(%dma_start3A_155 : memref<!tpu.dma_semaphore, #tpu.memory_space<semaphore_mem>>) {add = true}
      %dma_start3A_156 = arith.constant 3 : i32
      %dma_start3A_157 = arith.constant 1 : i32
      %dma_start3A_158 = arith.constant 0 : i32
      %dma_start3A_159 = tpu.memref_slice %arg14[%dma_start3A_156, %dma_start3A_158] : memref<4x64xi32, #tpu.memory_space<vmem>> -> memref<1x64xi32, #tpu.memory_space<vmem>>
      %dma_start3A_160 = tpu.memref_squeeze %dma_start3A_159 : memref<1x64xi32, #tpu.memory_space<vmem>> -> memref<64xi32, #tpu.memory_space<vmem>>
      %dma_start3A_161 = arith.constant 0 : i32
      %dma_start3A_162 = arith.constant 0 : i32
      %dma_start3A_163 = tpu.memref_slice %arg20[%dma_start3A_161, %dma_start3A_162] : memref<10000x8xf32, #tpu.memory_space<vmem_shared>> -> memref<10000x8xf32, #tpu.memory_space<vmem_shared>>
      %dma_start3A_164 = tpu.memref_slice %arg23[%dma_start3A_157] : memref<2x!tpu.dma_semaphore, #tpu.memory_space<semaphore_mem>> -> memref<1x!tpu.dma_semaphore, #tpu.memory_space<semaphore_mem>>
      %dma_start3A_165 = tpu.memref_squeeze %dma_start3A_164 : memref<1x!tpu.dma_semaphore, #tpu.memory_space<semaphore_mem>> -> memref<!tpu.dma_semaphore, #tpu.memory_space<semaphore_mem>>
      tpu.enqueue_indirect_dma source(%arg17 : memref<64x8xf32, #tpu.memory_space<vmem>>) target(%dma_start3A_163 : memref<10000x8xf32, #tpu.memory_space<vmem_shared>>) offsets(%dma_start3A_160 : memref<64xi32, #tpu.memory_space<vmem>>) semaphore(%dma_start3A_165 : memref<!tpu.dma_semaphore, #tpu.memory_space<semaphore_mem>>) {add = true}
      %dma_start3A_166 = arith.constant 0 : i32
      %dma_start3A_167 = arith.constant 0 : i32
      %dma_start3A_168 = arith.constant 0 : i32
      %dma_start3A_169 = arith.constant 0 : i32
      %dma_start3A_170 = arith.constant 0 : i32
      %dma_start3A_171 = tpu.memref_slice %arg15[%dma_start3A_167, %dma_start3A_169, %dma_start3A_170] : memref<2x64x128xf32, #tpu.memory_space<vmem>> -> memref<1x64x128xf32, #tpu.memory_space<vmem>>
      %dma_start3A_172 = tpu.memref_squeeze %dma_start3A_171 : memref<1x64x128xf32, #tpu.memory_space<vmem>> -> memref<64x128xf32, #tpu.memory_space<vmem>>
      %dma_start3A_173 = arith.constant 0 : i32
      %dma_start3A_174 = tpu.memref_slice %arg13[%dma_start3A_166, %dma_start3A_173] : memref<4x64xi32, #tpu.memory_space<vmem>> -> memref<1x64xi32, #tpu.memory_space<vmem>>
      %dma_start3A_175 = tpu.memref_squeeze %dma_start3A_174 : memref<1x64xi32, #tpu.memory_space<vmem>> -> memref<64xi32, #tpu.memory_space<vmem>>
      %dma_start3A_176 = arith.constant 0 : i32
      %dma_start3A_177 = arith.constant 0 : i32
      %dma_start3A_178 = tpu.memref_slice %arg2[%dma_start3A_176, %dma_start3A_177] : memref<10000x128xf32, #tpu.memory_space<hbm>> -> memref<10000x128xf32, #tpu.memory_space<hbm>>
      %dma_start3A_179 = tpu.memref_slice %arg21[%dma_start3A_168] : memref<2x!tpu.dma_semaphore, #tpu.memory_space<semaphore_mem>> -> memref<1x!tpu.dma_semaphore, #tpu.memory_space<semaphore_mem>>
      %dma_start3A_180 = tpu.memref_squeeze %dma_start3A_179 : memref<1x!tpu.dma_semaphore, #tpu.memory_space<semaphore_mem>> -> memref<!tpu.dma_semaphore, #tpu.memory_space<semaphore_mem>>
      tpu.enqueue_indirect_dma source(%dma_start3A_178 : memref<10000x128xf32, #tpu.memory_space<hbm>>) target(%dma_start3A_172 : memref<64x128xf32, #tpu.memory_space<vmem>>) offsets(%dma_start3A_175 : memref<64xi32, #tpu.memory_space<vmem>>) semaphore(%dma_start3A_180 : memref<!tpu.dma_semaphore, #tpu.memory_space<semaphore_mem>>)
      %dma_start3A_181 = arith.constant 1 : i32
      %dma_start3A_182 = arith.constant 1 : i32
      %dma_start3A_183 = arith.constant 1 : i32
      %dma_start3A_184 = arith.constant 0 : i32
      %dma_start3A_185 = arith.constant 0 : i32
      %dma_start3A_186 = tpu.memref_slice %arg15[%dma_start3A_182, %dma_start3A_184, %dma_start3A_185] : memref<2x64x128xf32, #tpu.memory_space<vmem>> -> memref<1x64x128xf32, #tpu.memory_space<vmem>>
      %dma_start3A_187 = tpu.memref_squeeze %dma_start3A_186 : memref<1x64x128xf32, #tpu.memory_space<vmem>> -> memref<64x128xf32, #tpu.memory_space<vmem>>
      %dma_start3A_188 = arith.constant 0 : i32
      %dma_start3A_189 = tpu.memref_slice %arg13[%dma_start3A_181, %dma_start3A_188] : memref<4x64xi32, #tpu.memory_space<vmem>> -> memref<1x64xi32, #tpu.memory_space<vmem>>
      %dma_start3A_190 = tpu.memref_squeeze %dma_start3A_189 : memref<1x64xi32, #tpu.memory_space<vmem>> -> memref<64xi32, #tpu.memory_space<vmem>>
      %dma_start3A_191 = arith.constant 0 : i32
      %dma_start3A_192 = arith.constant 0 : i32
      %dma_start3A_193 = tpu.memref_slice %arg2[%dma_start3A_191, %dma_start3A_192] : memref<10000x128xf32, #tpu.memory_space<hbm>> -> memref<10000x128xf32, #tpu.memory_space<hbm>>
      %dma_start3A_194 = tpu.memref_slice %arg21[%dma_start3A_183] : memref<2x!tpu.dma_semaphore, #tpu.memory_space<semaphore_mem>> -> memref<1x!tpu.dma_semaphore, #tpu.memory_space<semaphore_mem>>
      %dma_start3A_195 = tpu.memref_squeeze %dma_start3A_194 : memref<1x!tpu.dma_semaphore, #tpu.memory_space<semaphore_mem>> -> memref<!tpu.dma_semaphore, #tpu.memory_space<semaphore_mem>>
      tpu.enqueue_indirect_dma source(%dma_start3A_193 : memref<10000x128xf32, #tpu.memory_space<hbm>>) target(%dma_start3A_187 : memref<64x128xf32, #tpu.memory_space<vmem>>) offsets(%dma_start3A_190 : memref<64xi32, #tpu.memory_space<vmem>>) semaphore(%dma_start3A_195 : memref<!tpu.dma_semaphore, #tpu.memory_space<semaphore_mem>>)
      %dma_wait3A = arith.constant 0 : i32
      %dma_wait3A_196 = arith.constant 0 : i32
      %dma_wait3A_197 = arith.constant 0 : i32
      %dma_wait3A_198 = arith.constant 0 : i32
      %dma_wait3A_199 = arith.constant 0 : i32
      %dma_wait3A_200 = tpu.memref_slice %arg15[%dma_wait3A_196, %dma_wait3A_198, %dma_wait3A_199] : memref<2x64x128xf32, #tpu.memory_space<vmem>> -> memref<1x64x128xf32, #tpu.memory_space<vmem>>
      %dma_wait3A_201 = tpu.memref_squeeze %dma_wait3A_200 : memref<1x64x128xf32, #tpu.memory_space<vmem>> -> memref<64x128xf32, #tpu.memory_space<vmem>>
      %dma_wait3A_202 = arith.constant 0 : i32
      %dma_wait3A_203 = tpu.memref_slice %arg13[%dma_wait3A, %dma_wait3A_202] : memref<4x64xi32, #tpu.memory_space<vmem>> -> memref<1x64xi32, #tpu.memory_space<vmem>>
      %dma_wait3A_204 = tpu.memref_squeeze %dma_wait3A_203 : memref<1x64xi32, #tpu.memory_space<vmem>> -> memref<64xi32, #tpu.memory_space<vmem>>
      %dma_wait3A_205 = arith.constant 0 : i32
      %dma_wait3A_206 = arith.constant 0 : i32
      %dma_wait3A_207 = tpu.memref_slice %arg2[%dma_wait3A_205, %dma_wait3A_206] : memref<10000x128xf32, #tpu.memory_space<hbm>> -> memref<10000x128xf32, #tpu.memory_space<hbm>>
      %dma_wait3A_208 = tpu.memref_slice %arg21[%dma_wait3A_197] : memref<2x!tpu.dma_semaphore, #tpu.memory_space<semaphore_mem>> -> memref<1x!tpu.dma_semaphore, #tpu.memory_space<semaphore_mem>>
      %dma_wait3A_209 = tpu.memref_squeeze %dma_wait3A_208 : memref<1x!tpu.dma_semaphore, #tpu.memory_space<semaphore_mem>> -> memref<!tpu.dma_semaphore, #tpu.memory_space<semaphore_mem>>
      tpu.wait_indirect_dma semaphore(%dma_wait3A_209 : memref<!tpu.dma_semaphore, #tpu.memory_space<semaphore_mem>>) src(%dma_wait3A_207 : memref<10000x128xf32, #tpu.memory_space<hbm>>) dst(%dma_wait3A_201 : memref<64x128xf32, #tpu.memory_space<vmem>>)
      %dma_start3A_210 = arith.constant 0 : i32
      %dma_start3A_211 = arith.constant 0 : i32
      %dma_start3A_212 = arith.constant 0 : i32
      %dma_start3A_213 = arith.constant 0 : i32
      %dma_start3A_214 = arith.constant 0 : i32
      %dma_start3A_215 = tpu.memref_slice %arg15[%dma_start3A_210, %dma_start3A_213, %dma_start3A_214] : memref<2x64x128xf32, #tpu.memory_space<vmem>> -> memref<1x64x128xf32, #tpu.memory_space<vmem>>
      %dma_start3A_216 = tpu.memref_squeeze %dma_start3A_215 : memref<1x64x128xf32, #tpu.memory_space<vmem>> -> memref<64x128xf32, #tpu.memory_space<vmem>>
      %dma_start3A_217 = arith.constant 0 : i32
      %dma_start3A_218 = tpu.memref_slice %arg14[%dma_start3A_211, %dma_start3A_217] : memref<4x64xi32, #tpu.memory_space<vmem>> -> memref<1x64xi32, #tpu.memory_space<vmem>>
      %dma_start3A_219 = tpu.memref_squeeze %dma_start3A_218 : memref<1x64xi32, #tpu.memory_space<vmem>> -> memref<64xi32, #tpu.memory_space<vmem>>
      %dma_start3A_220 = arith.constant 0 : i32
      %dma_start3A_221 = arith.constant 0 : i32
      %dma_start3A_222 = tpu.memref_slice %arg18[%dma_start3A_220, %dma_start3A_221] : memref<10000x128xf32, #tpu.memory_space<vmem_shared>> -> memref<10000x128xf32, #tpu.memory_space<vmem_shared>>
      %dma_start3A_223 = tpu.memref_slice %arg22[%dma_start3A_212] : memref<2x!tpu.dma_semaphore, #tpu.memory_space<semaphore_mem>> -> memref<1x!tpu.dma_semaphore, #tpu.memory_space<semaphore_mem>>
      %dma_start3A_224 = tpu.memref_squeeze %dma_start3A_223 : memref<1x!tpu.dma_semaphore, #tpu.memory_space<semaphore_mem>> -> memref<!tpu.dma_semaphore, #tpu.memory_space<semaphore_mem>>
      tpu.enqueue_indirect_dma source(%dma_start3A_216 : memref<64x128xf32, #tpu.memory_space<vmem>>) target(%dma_start3A_222 : memref<10000x128xf32, #tpu.memory_space<vmem_shared>>) offsets(%dma_start3A_219 : memref<64xi32, #tpu.memory_space<vmem>>) semaphore(%dma_start3A_224 : memref<!tpu.dma_semaphore, #tpu.memory_space<semaphore_mem>>) {add = true}
      %dma_wait3A_225 = arith.constant 1 : i32
      %dma_wait3A_226 = arith.constant 1 : i32
      %dma_wait3A_227 = arith.constant 1 : i32
      %dma_wait3A_228 = arith.constant 0 : i32
      %dma_wait3A_229 = arith.constant 0 : i32
      %dma_wait3A_230 = tpu.memref_slice %arg15[%dma_wait3A_226, %dma_wait3A_228, %dma_wait3A_229] : memref<2x64x128xf32, #tpu.memory_space<vmem>> -> memref<1x64x128xf32, #tpu.memory_space<vmem>>
      %dma_wait3A_231 = tpu.memref_squeeze %dma_wait3A_230 : memref<1x64x128xf32, #tpu.memory_space<vmem>> -> memref<64x128xf32, #tpu.memory_space<vmem>>
      %dma_wait3A_232 = arith.constant 0 : i32
      %dma_wait3A_233 = tpu.memref_slice %arg13[%dma_wait3A_225, %dma_wait3A_232] : memref<4x64xi32, #tpu.memory_space<vmem>> -> memref<1x64xi32, #tpu.memory_space<vmem>>
      %dma_wait3A_234 = tpu.memref_squeeze %dma_wait3A_233 : memref<1x64xi32, #tpu.memory_space<vmem>> -> memref<64xi32, #tpu.memory_space<vmem>>
      %dma_wait3A_235 = arith.constant 0 : i32
      %dma_wait3A_236 = arith.constant 0 : i32
      %dma_wait3A_237 = tpu.memref_slice %arg2[%dma_wait3A_235, %dma_wait3A_236] : memref<10000x128xf32, #tpu.memory_space<hbm>> -> memref<10000x128xf32, #tpu.memory_space<hbm>>
      %dma_wait3A_238 = tpu.memref_slice %arg21[%dma_wait3A_227] : memref<2x!tpu.dma_semaphore, #tpu.memory_space<semaphore_mem>> -> memref<1x!tpu.dma_semaphore, #tpu.memory_space<semaphore_mem>>
      %dma_wait3A_239 = tpu.memref_squeeze %dma_wait3A_238 : memref<1x!tpu.dma_semaphore, #tpu.memory_space<semaphore_mem>> -> memref<!tpu.dma_semaphore, #tpu.memory_space<semaphore_mem>>
      tpu.wait_indirect_dma semaphore(%dma_wait3A_239 : memref<!tpu.dma_semaphore, #tpu.memory_space<semaphore_mem>>) src(%dma_wait3A_237 : memref<10000x128xf32, #tpu.memory_space<hbm>>) dst(%dma_wait3A_231 : memref<64x128xf32, #tpu.memory_space<vmem>>)
      %dma_start3A_240 = arith.constant 1 : i32
      %dma_start3A_241 = arith.constant 1 : i32
      %dma_start3A_242 = arith.constant 1 : i32
      %dma_start3A_243 = arith.constant 0 : i32
      %dma_start3A_244 = arith.constant 0 : i32
      %dma_start3A_245 = tpu.memref_slice %arg15[%dma_start3A_240, %dma_start3A_243, %dma_start3A_244] : memref<2x64x128xf32, #tpu.memory_space<vmem>> -> memref<1x64x128xf32, #tpu.memory_space<vmem>>
      %dma_start3A_246 = tpu.memref_squeeze %dma_start3A_245 : memref<1x64x128xf32, #tpu.memory_space<vmem>> -> memref<64x128xf32, #tpu.memory_space<vmem>>
      %dma_start3A_247 = arith.constant 0 : i32
      %dma_start3A_248 = tpu.memref_slice %arg14[%dma_start3A_241, %dma_start3A_247] : memref<4x64xi32, #tpu.memory_space<vmem>> -> memref<1x64xi32, #tpu.memory_space<vmem>>
      %dma_start3A_249 = tpu.memref_squeeze %dma_start3A_248 : memref<1x64xi32, #tpu.memory_space<vmem>> -> memref<64xi32, #tpu.memory_space<vmem>>
      %dma_start3A_250 = arith.constant 0 : i32
      %dma_start3A_251 = arith.constant 0 : i32
      %dma_start3A_252 = tpu.memref_slice %arg18[%dma_start3A_250, %dma_start3A_251] : memref<10000x128xf32, #tpu.memory_space<vmem_shared>> -> memref<10000x128xf32, #tpu.memory_space<vmem_shared>>
      %dma_start3A_253 = tpu.memref_slice %arg22[%dma_start3A_242] : memref<2x!tpu.dma_semaphore, #tpu.memory_space<semaphore_mem>> -> memref<1x!tpu.dma_semaphore, #tpu.memory_space<semaphore_mem>>
      %dma_start3A_254 = tpu.memref_squeeze %dma_start3A_253 : memref<1x!tpu.dma_semaphore, #tpu.memory_space<semaphore_mem>> -> memref<!tpu.dma_semaphore, #tpu.memory_space<semaphore_mem>>
      tpu.enqueue_indirect_dma source(%dma_start3A_246 : memref<64x128xf32, #tpu.memory_space<vmem>>) target(%dma_start3A_252 : memref<10000x128xf32, #tpu.memory_space<vmem_shared>>) offsets(%dma_start3A_249 : memref<64xi32, #tpu.memory_space<vmem>>) semaphore(%dma_start3A_254 : memref<!tpu.dma_semaphore, #tpu.memory_space<semaphore_mem>>) {add = true}
      %dma_wait3A_255 = arith.constant 0 : i32
      %dma_wait3A_256 = arith.constant 0 : i32
      %dma_wait3A_257 = arith.constant 0 : i32
      %dma_wait3A_258 = arith.constant 0 : i32
      %dma_wait3A_259 = arith.constant 0 : i32
      %dma_wait3A_260 = tpu.memref_slice %arg15[%dma_wait3A_255, %dma_wait3A_258, %dma_wait3A_259] : memref<2x64x128xf32, #tpu.memory_space<vmem>> -> memref<1x64x128xf32, #tpu.memory_space<vmem>>
      %dma_wait3A_261 = tpu.memref_squeeze %dma_wait3A_260 : memref<1x64x128xf32, #tpu.memory_space<vmem>> -> memref<64x128xf32, #tpu.memory_space<vmem>>
      %dma_wait3A_262 = arith.constant 0 : i32
      %dma_wait3A_263 = tpu.memref_slice %arg14[%dma_wait3A_256, %dma_wait3A_262] : memref<4x64xi32, #tpu.memory_space<vmem>> -> memref<1x64xi32, #tpu.memory_space<vmem>>
      %dma_wait3A_264 = tpu.memref_squeeze %dma_wait3A_263 : memref<1x64xi32, #tpu.memory_space<vmem>> -> memref<64xi32, #tpu.memory_space<vmem>>
      %dma_wait3A_265 = arith.constant 0 : i32
      %dma_wait3A_266 = arith.constant 0 : i32
      %dma_wait3A_267 = tpu.memref_slice %arg18[%dma_wait3A_265, %dma_wait3A_266] : memref<10000x128xf32, #tpu.memory_space<vmem_shared>> -> memref<10000x128xf32, #tpu.memory_space<vmem_shared>>
      %dma_wait3A_268 = tpu.memref_slice %arg22[%dma_wait3A_257] : memref<2x!tpu.dma_semaphore, #tpu.memory_space<semaphore_mem>> -> memref<1x!tpu.dma_semaphore, #tpu.memory_space<semaphore_mem>>
      %dma_wait3A_269 = tpu.memref_squeeze %dma_wait3A_268 : memref<1x!tpu.dma_semaphore, #tpu.memory_space<semaphore_mem>> -> memref<!tpu.dma_semaphore, #tpu.memory_space<semaphore_mem>>
      tpu.wait_indirect_dma semaphore(%dma_wait3A_269 : memref<!tpu.dma_semaphore, #tpu.memory_space<semaphore_mem>>) src(%dma_wait3A_261 : memref<64x128xf32, #tpu.memory_space<vmem>>) dst(%dma_wait3A_267 : memref<10000x128xf32, #tpu.memory_space<vmem_shared>>)
      %dma_start3A_270 = arith.constant 2 : i32
      %dma_start3A_271 = arith.constant 0 : i32
      %dma_start3A_272 = arith.constant 0 : i32
      %dma_start3A_273 = arith.constant 0 : i32
      %dma_start3A_274 = arith.constant 0 : i32
      %dma_start3A_275 = tpu.memref_slice %arg15[%dma_start3A_271, %dma_start3A_273, %dma_start3A_274] : memref<2x64x128xf32, #tpu.memory_space<vmem>> -> memref<1x64x128xf32, #tpu.memory_space<vmem>>
      %dma_start3A_276 = tpu.memref_squeeze %dma_start3A_275 : memref<1x64x128xf32, #tpu.memory_space<vmem>> -> memref<64x128xf32, #tpu.memory_space<vmem>>
      %dma_start3A_277 = arith.constant 0 : i32
      %dma_start3A_278 = tpu.memref_slice %arg13[%dma_start3A_270, %dma_start3A_277] : memref<4x64xi32, #tpu.memory_space<vmem>> -> memref<1x64xi32, #tpu.memory_space<vmem>>
      %dma_start3A_279 = tpu.memref_squeeze %dma_start3A_278 : memref<1x64xi32, #tpu.memory_space<vmem>> -> memref<64xi32, #tpu.memory_space<vmem>>
      %dma_start3A_280 = arith.constant 0 : i32
      %dma_start3A_281 = arith.constant 0 : i32
      %dma_start3A_282 = tpu.memref_slice %arg2[%dma_start3A_280, %dma_start3A_281] : memref<10000x128xf32, #tpu.memory_space<hbm>> -> memref<10000x128xf32, #tpu.memory_space<hbm>>
      %dma_start3A_283 = tpu.memref_slice %arg21[%dma_start3A_272] : memref<2x!tpu.dma_semaphore, #tpu.memory_space<semaphore_mem>> -> memref<1x!tpu.dma_semaphore, #tpu.memory_space<semaphore_mem>>
      %dma_start3A_284 = tpu.memref_squeeze %dma_start3A_283 : memref<1x!tpu.dma_semaphore, #tpu.memory_space<semaphore_mem>> -> memref<!tpu.dma_semaphore, #tpu.memory_space<semaphore_mem>>
      tpu.enqueue_indirect_dma source(%dma_start3A_282 : memref<10000x128xf32, #tpu.memory_space<hbm>>) target(%dma_start3A_276 : memref<64x128xf32, #tpu.memory_space<vmem>>) offsets(%dma_start3A_279 : memref<64xi32, #tpu.memory_space<vmem>>) semaphore(%dma_start3A_284 : memref<!tpu.dma_semaphore, #tpu.memory_space<semaphore_mem>>)
      %dma_wait3A_285 = arith.constant 1 : i32
      %dma_wait3A_286 = arith.constant 1 : i32
      %dma_wait3A_287 = arith.constant 1 : i32
      %dma_wait3A_288 = arith.constant 0 : i32
      %dma_wait3A_289 = arith.constant 0 : i32
      %dma_wait3A_290 = tpu.memref_slice %arg15[%dma_wait3A_285, %dma_wait3A_288, %dma_wait3A_289] : memref<2x64x128xf32, #tpu.memory_space<vmem>> -> memref<1x64x128xf32, #tpu.memory_space<vmem>>
      %dma_wait3A_291 = tpu.memref_squeeze %dma_wait3A_290 : memref<1x64x128xf32, #tpu.memory_space<vmem>> -> memref<64x128xf32, #tpu.memory_space<vmem>>
      %dma_wait3A_292 = arith.constant 0 : i32
      %dma_wait3A_293 = tpu.memref_slice %arg14[%dma_wait3A_286, %dma_wait3A_292] : memref<4x64xi32, #tpu.memory_space<vmem>> -> memref<1x64xi32, #tpu.memory_space<vmem>>
      %dma_wait3A_294 = tpu.memref_squeeze %dma_wait3A_293 : memref<1x64xi32, #tpu.memory_space<vmem>> -> memref<64xi32, #tpu.memory_space<vmem>>
      %dma_wait3A_295 = arith.constant 0 : i32
      %dma_wait3A_296 = arith.constant 0 : i32
      %dma_wait3A_297 = tpu.memref_slice %arg18[%dma_wait3A_295, %dma_wait3A_296] : memref<10000x128xf32, #tpu.memory_space<vmem_shared>> -> memref<10000x128xf32, #tpu.memory_space<vmem_shared>>
      %dma_wait3A_298 = tpu.memref_slice %arg22[%dma_wait3A_287] : memref<2x!tpu.dma_semaphore, #tpu.memory_space<semaphore_mem>> -> memref<1x!tpu.dma_semaphore, #tpu.memory_space<semaphore_mem>>
      %dma_wait3A_299 = tpu.memref_squeeze %dma_wait3A_298 : memref<1x!tpu.dma_semaphore, #tpu.memory_space<semaphore_mem>> -> memref<!tpu.dma_semaphore, #tpu.memory_space<semaphore_mem>>
      tpu.wait_indirect_dma semaphore(%dma_wait3A_299 : memref<!tpu.dma_semaphore, #tpu.memory_space<semaphore_mem>>) src(%dma_wait3A_291 : memref<64x128xf32, #tpu.memory_space<vmem>>) dst(%dma_wait3A_297 : memref<10000x128xf32, #tpu.memory_space<vmem_shared>>)
      %dma_start3A_300 = arith.constant 3 : i32
      %dma_start3A_301 = arith.constant 1 : i32
      %dma_start3A_302 = arith.constant 1 : i32
      %dma_start3A_303 = arith.constant 0 : i32
      %dma_start3A_304 = arith.constant 0 : i32
      %dma_start3A_305 = tpu.memref_slice %arg15[%dma_start3A_301, %dma_start3A_303, %dma_start3A_304] : memref<2x64x128xf32, #tpu.memory_space<vmem>> -> memref<1x64x128xf32, #tpu.memory_space<vmem>>
      %dma_start3A_306 = tpu.memref_squeeze %dma_start3A_305 : memref<1x64x128xf32, #tpu.memory_space<vmem>> -> memref<64x128xf32, #tpu.memory_space<vmem>>
      %dma_start3A_307 = arith.constant 0 : i32
      %dma_start3A_308 = tpu.memref_slice %arg13[%dma_start3A_300, %dma_start3A_307] : memref<4x64xi32, #tpu.memory_space<vmem>> -> memref<1x64xi32, #tpu.memory_space<vmem>>
      %dma_start3A_309 = tpu.memref_squeeze %dma_start3A_308 : memref<1x64xi32, #tpu.memory_space<vmem>> -> memref<64xi32, #tpu.memory_space<vmem>>
      %dma_start3A_310 = arith.constant 0 : i32
      %dma_start3A_311 = arith.constant 0 : i32
      %dma_start3A_312 = tpu.memref_slice %arg2[%dma_start3A_310, %dma_start3A_311] : memref<10000x128xf32, #tpu.memory_space<hbm>> -> memref<10000x128xf32, #tpu.memory_space<hbm>>
      %dma_start3A_313 = tpu.memref_slice %arg21[%dma_start3A_302] : memref<2x!tpu.dma_semaphore, #tpu.memory_space<semaphore_mem>> -> memref<1x!tpu.dma_semaphore, #tpu.memory_space<semaphore_mem>>
      %dma_start3A_314 = tpu.memref_squeeze %dma_start3A_313 : memref<1x!tpu.dma_semaphore, #tpu.memory_space<semaphore_mem>> -> memref<!tpu.dma_semaphore, #tpu.memory_space<semaphore_mem>>
      tpu.enqueue_indirect_dma source(%dma_start3A_312 : memref<10000x128xf32, #tpu.memory_space<hbm>>) target(%dma_start3A_306 : memref<64x128xf32, #tpu.memory_space<vmem>>) offsets(%dma_start3A_309 : memref<64xi32, #tpu.memory_space<vmem>>) semaphore(%dma_start3A_314 : memref<!tpu.dma_semaphore, #tpu.memory_space<semaphore_mem>>)
      %dma_wait3A_315 = arith.constant 2 : i32
      %dma_wait3A_316 = arith.constant 0 : i32
      %dma_wait3A_317 = arith.constant 0 : i32
      %dma_wait3A_318 = arith.constant 0 : i32
      %dma_wait3A_319 = arith.constant 0 : i32
      %dma_wait3A_320 = tpu.memref_slice %arg15[%dma_wait3A_316, %dma_wait3A_318, %dma_wait3A_319] : memref<2x64x128xf32, #tpu.memory_space<vmem>> -> memref<1x64x128xf32, #tpu.memory_space<vmem>>
      %dma_wait3A_321 = tpu.memref_squeeze %dma_wait3A_320 : memref<1x64x128xf32, #tpu.memory_space<vmem>> -> memref<64x128xf32, #tpu.memory_space<vmem>>
      %dma_wait3A_322 = arith.constant 0 : i32
      %dma_wait3A_323 = tpu.memref_slice %arg13[%dma_wait3A_315, %dma_wait3A_322] : memref<4x64xi32, #tpu.memory_space<vmem>> -> memref<1x64xi32, #tpu.memory_space<vmem>>
      %dma_wait3A_324 = tpu.memref_squeeze %dma_wait3A_323 : memref<1x64xi32, #tpu.memory_space<vmem>> -> memref<64xi32, #tpu.memory_space<vmem>>
      %dma_wait3A_325 = arith.constant 0 : i32
      %dma_wait3A_326 = arith.constant 0 : i32
      %dma_wait3A_327 = tpu.memref_slice %arg2[%dma_wait3A_325, %dma_wait3A_326] : memref<10000x128xf32, #tpu.memory_space<hbm>> -> memref<10000x128xf32, #tpu.memory_space<hbm>>
      %dma_wait3A_328 = tpu.memref_slice %arg21[%dma_wait3A_317] : memref<2x!tpu.dma_semaphore, #tpu.memory_space<semaphore_mem>> -> memref<1x!tpu.dma_semaphore, #tpu.memory_space<semaphore_mem>>
      %dma_wait3A_329 = tpu.memref_squeeze %dma_wait3A_328 : memref<1x!tpu.dma_semaphore, #tpu.memory_space<semaphore_mem>> -> memref<!tpu.dma_semaphore, #tpu.memory_space<semaphore_mem>>
      tpu.wait_indirect_dma semaphore(%dma_wait3A_329 : memref<!tpu.dma_semaphore, #tpu.memory_space<semaphore_mem>>) src(%dma_wait3A_327 : memref<10000x128xf32, #tpu.memory_space<hbm>>) dst(%dma_wait3A_321 : memref<64x128xf32, #tpu.memory_space<vmem>>)
      %dma_start3A_330 = arith.constant 0 : i32
      %dma_start3A_331 = arith.constant 2 : i32
      %dma_start3A_332 = arith.constant 0 : i32
      %dma_start3A_333 = arith.constant 0 : i32
      %dma_start3A_334 = arith.constant 0 : i32
      %dma_start3A_335 = tpu.memref_slice %arg15[%dma_start3A_330, %dma_start3A_333, %dma_start3A_334] : memref<2x64x128xf32, #tpu.memory_space<vmem>> -> memref<1x64x128xf32, #tpu.memory_space<vmem>>
      %dma_start3A_336 = tpu.memref_squeeze %dma_start3A_335 : memref<1x64x128xf32, #tpu.memory_space<vmem>> -> memref<64x128xf32, #tpu.memory_space<vmem>>
      %dma_start3A_337 = arith.constant 0 : i32
      %dma_start3A_338 = tpu.memref_slice %arg14[%dma_start3A_331, %dma_start3A_337] : memref<4x64xi32, #tpu.memory_space<vmem>> -> memref<1x64xi32, #tpu.memory_space<vmem>>
      %dma_start3A_339 = tpu.memref_squeeze %dma_start3A_338 : memref<1x64xi32, #tpu.memory_space<vmem>> -> memref<64xi32, #tpu.memory_space<vmem>>
      %dma_start3A_340 = arith.constant 0 : i32
      %dma_start3A_341 = arith.constant 0 : i32
      %dma_start3A_342 = tpu.memref_slice %arg18[%dma_start3A_340, %dma_start3A_341] : memref<10000x128xf32, #tpu.memory_space<vmem_shared>> -> memref<10000x128xf32, #tpu.memory_space<vmem_shared>>
      %dma_start3A_343 = tpu.memref_slice %arg22[%dma_start3A_332] : memref<2x!tpu.dma_semaphore, #tpu.memory_space<semaphore_mem>> -> memref<1x!tpu.dma_semaphore, #tpu.memory_space<semaphore_mem>>
      %dma_start3A_344 = tpu.memref_squeeze %dma_start3A_343 : memref<1x!tpu.dma_semaphore, #tpu.memory_space<semaphore_mem>> -> memref<!tpu.dma_semaphore, #tpu.memory_space<semaphore_mem>>
      tpu.enqueue_indirect_dma source(%dma_start3A_336 : memref<64x128xf32, #tpu.memory_space<vmem>>) target(%dma_start3A_342 : memref<10000x128xf32, #tpu.memory_space<vmem_shared>>) offsets(%dma_start3A_339 : memref<64xi32, #tpu.memory_space<vmem>>) semaphore(%dma_start3A_344 : memref<!tpu.dma_semaphore, #tpu.memory_space<semaphore_mem>>) {add = true}
      %dma_wait3A_345 = arith.constant 3 : i32
      %dma_wait3A_346 = arith.constant 1 : i32
      %dma_wait3A_347 = arith.constant 1 : i32
      %dma_wait3A_348 = arith.constant 0 : i32
      %dma_wait3A_349 = arith.constant 0 : i32
      %dma_wait3A_350 = tpu.memref_slice %arg15[%dma_wait3A_346, %dma_wait3A_348, %dma_wait3A_349] : memref<2x64x128xf32, #tpu.memory_space<vmem>> -> memref<1x64x128xf32, #tpu.memory_space<vmem>>
      %dma_wait3A_351 = tpu.memref_squeeze %dma_wait3A_350 : memref<1x64x128xf32, #tpu.memory_space<vmem>> -> memref<64x128xf32, #tpu.memory_space<vmem>>
      %dma_wait3A_352 = arith.constant 0 : i32
      %dma_wait3A_353 = tpu.memref_slice %arg13[%dma_wait3A_345, %dma_wait3A_352] : memref<4x64xi32, #tpu.memory_space<vmem>> -> memref<1x64xi32, #tpu.memory_space<vmem>>
      %dma_wait3A_354 = tpu.memref_squeeze %dma_wait3A_353 : memref<1x64xi32, #tpu.memory_space<vmem>> -> memref<64xi32, #tpu.memory_space<vmem>>
      %dma_wait3A_355 = arith.constant 0 : i32
      %dma_wait3A_356 = arith.constant 0 : i32
      %dma_wait3A_357 = tpu.memref_slice %arg2[%dma_wait3A_355, %dma_wait3A_356] : memref<10000x128xf32, #tpu.memory_space<hbm>> -> memref<10000x128xf32, #tpu.memory_space<hbm>>
      %dma_wait3A_358 = tpu.memref_slice %arg21[%dma_wait3A_347] : memref<2x!tpu.dma_semaphore, #tpu.memory_space<semaphore_mem>> -> memref<1x!tpu.dma_semaphore, #tpu.memory_space<semaphore_mem>>
      %dma_wait3A_359 = tpu.memref_squeeze %dma_wait3A_358 : memref<1x!tpu.dma_semaphore, #tpu.memory_space<semaphore_mem>> -> memref<!tpu.dma_semaphore, #tpu.memory_space<semaphore_mem>>
      tpu.wait_indirect_dma semaphore(%dma_wait3A_359 : memref<!tpu.dma_semaphore, #tpu.memory_space<semaphore_mem>>) src(%dma_wait3A_357 : memref<10000x128xf32, #tpu.memory_space<hbm>>) dst(%dma_wait3A_351 : memref<64x128xf32, #tpu.memory_space<vmem>>)
      %dma_start3A_360 = arith.constant 1 : i32
      %dma_start3A_361 = arith.constant 3 : i32
      %dma_start3A_362 = arith.constant 1 : i32
      %dma_start3A_363 = arith.constant 0 : i32
      %dma_start3A_364 = arith.constant 0 : i32
      %dma_start3A_365 = tpu.memref_slice %arg15[%dma_start3A_360, %dma_start3A_363, %dma_start3A_364] : memref<2x64x128xf32, #tpu.memory_space<vmem>> -> memref<1x64x128xf32, #tpu.memory_space<vmem>>
      %dma_start3A_366 = tpu.memref_squeeze %dma_start3A_365 : memref<1x64x128xf32, #tpu.memory_space<vmem>> -> memref<64x128xf32, #tpu.memory_space<vmem>>
      %dma_start3A_367 = arith.constant 0 : i32
      %dma_start3A_368 = tpu.memref_slice %arg14[%dma_start3A_361, %dma_start3A_367] : memref<4x64xi32, #tpu.memory_space<vmem>> -> memref<1x64xi32, #tpu.memory_space<vmem>>
      %dma_start3A_369 = tpu.memref_squeeze %dma_start3A_368 : memref<1x64xi32, #tpu.memory_space<vmem>> -> memref<64xi32, #tpu.memory_space<vmem>>
      %dma_start3A_370 = arith.constant 0 : i32
      %dma_start3A_371 = arith.constant 0 : i32
      %dma_start3A_372 = tpu.memref_slice %arg18[%dma_start3A_370, %dma_start3A_371] : memref<10000x128xf32, #tpu.memory_space<vmem_shared>> -> memref<10000x128xf32, #tpu.memory_space<vmem_shared>>
      %dma_start3A_373 = tpu.memref_slice %arg22[%dma_start3A_362] : memref<2x!tpu.dma_semaphore, #tpu.memory_space<semaphore_mem>> -> memref<1x!tpu.dma_semaphore, #tpu.memory_space<semaphore_mem>>
      %dma_start3A_374 = tpu.memref_squeeze %dma_start3A_373 : memref<1x!tpu.dma_semaphore, #tpu.memory_space<semaphore_mem>> -> memref<!tpu.dma_semaphore, #tpu.memory_space<semaphore_mem>>
      tpu.enqueue_indirect_dma source(%dma_start3A_366 : memref<64x128xf32, #tpu.memory_space<vmem>>) target(%dma_start3A_372 : memref<10000x128xf32, #tpu.memory_space<vmem_shared>>) offsets(%dma_start3A_369 : memref<64xi32, #tpu.memory_space<vmem>>) semaphore(%dma_start3A_374 : memref<!tpu.dma_semaphore, #tpu.memory_space<semaphore_mem>>) {add = true}
      %dma_wait3A_375 = arith.constant 0 : i32
      %dma_wait3A_376 = arith.constant 2 : i32
      %dma_wait3A_377 = arith.constant 0 : i32
      %dma_wait3A_378 = arith.constant 0 : i32
      %dma_wait3A_379 = arith.constant 0 : i32
      %dma_wait3A_380 = tpu.memref_slice %arg15[%dma_wait3A_375, %dma_wait3A_378, %dma_wait3A_379] : memref<2x64x128xf32, #tpu.memory_space<vmem>> -> memref<1x64x128xf32, #tpu.memory_space<vmem>>
      %dma_wait3A_381 = tpu.memref_squeeze %dma_wait3A_380 : memref<1x64x128xf32, #tpu.memory_space<vmem>> -> memref<64x128xf32, #tpu.memory_space<vmem>>
      %dma_wait3A_382 = arith.constant 0 : i32
      %dma_wait3A_383 = tpu.memref_slice %arg14[%dma_wait3A_376, %dma_wait3A_382] : memref<4x64xi32, #tpu.memory_space<vmem>> -> memref<1x64xi32, #tpu.memory_space<vmem>>
      %dma_wait3A_384 = tpu.memref_squeeze %dma_wait3A_383 : memref<1x64xi32, #tpu.memory_space<vmem>> -> memref<64xi32, #tpu.memory_space<vmem>>
      %dma_wait3A_385 = arith.constant 0 : i32
      %dma_wait3A_386 = arith.constant 0 : i32
      %dma_wait3A_387 = tpu.memref_slice %arg18[%dma_wait3A_385, %dma_wait3A_386] : memref<10000x128xf32, #tpu.memory_space<vmem_shared>> -> memref<10000x128xf32, #tpu.memory_space<vmem_shared>>
      %dma_wait3A_388 = tpu.memref_slice %arg22[%dma_wait3A_377] : memref<2x!tpu.dma_semaphore, #tpu.memory_space<semaphore_mem>> -> memref<1x!tpu.dma_semaphore, #tpu.memory_space<semaphore_mem>>
      %dma_wait3A_389 = tpu.memref_squeeze %dma_wait3A_388 : memref<1x!tpu.dma_semaphore, #tpu.memory_space<semaphore_mem>> -> memref<!tpu.dma_semaphore, #tpu.memory_space<semaphore_mem>>
      tpu.wait_indirect_dma semaphore(%dma_wait3A_389 : memref<!tpu.dma_semaphore, #tpu.memory_space<semaphore_mem>>) src(%dma_wait3A_381 : memref<64x128xf32, #tpu.memory_space<vmem>>) dst(%dma_wait3A_387 : memref<10000x128xf32, #tpu.memory_space<vmem_shared>>)
      %dma_wait3A_390 = arith.constant 1 : i32
      %dma_wait3A_391 = arith.constant 3 : i32
      %dma_wait3A_392 = arith.constant 1 : i32
      %dma_wait3A_393 = arith.constant 0 : i32
      %dma_wait3A_394 = arith.constant 0 : i32
      %dma_wait3A_395 = tpu.memref_slice %arg15[%dma_wait3A_390, %dma_wait3A_393, %dma_wait3A_394] : memref<2x64x128xf32, #tpu.memory_space<vmem>> -> memref<1x64x128xf32, #tpu.memory_space<vmem>>
      %dma_wait3A_396 = tpu.memref_squeeze %dma_wait3A_395 : memref<1x64x128xf32, #tpu.memory_space<vmem>> -> memref<64x128xf32, #tpu.memory_space<vmem>>
      %dma_wait3A_397 = arith.constant 0 : i32
      %dma_wait3A_398 = tpu.memref_slice %arg14[%dma_wait3A_391, %dma_wait3A_397] : memref<4x64xi32, #tpu.memory_space<vmem>> -> memref<1x64xi32, #tpu.memory_space<vmem>>
      %dma_wait3A_399 = tpu.memref_squeeze %dma_wait3A_398 : memref<1x64xi32, #tpu.memory_space<vmem>> -> memref<64xi32, #tpu.memory_space<vmem>>
      %dma_wait3A_400 = arith.constant 0 : i32
      %dma_wait3A_401 = arith.constant 0 : i32
      %dma_wait3A_402 = tpu.memref_slice %arg18[%dma_wait3A_400, %dma_wait3A_401] : memref<10000x128xf32, #tpu.memory_space<vmem_shared>> -> memref<10000x128xf32, #tpu.memory_space<vmem_shared>>
      %dma_wait3A_403 = tpu.memref_slice %arg22[%dma_wait3A_392] : memref<2x!tpu.dma_semaphore, #tpu.memory_space<semaphore_mem>> -> memref<1x!tpu.dma_semaphore, #tpu.memory_space<semaphore_mem>>
      %dma_wait3A_404 = tpu.memref_squeeze %dma_wait3A_403 : memref<1x!tpu.dma_semaphore, #tpu.memory_space<semaphore_mem>> -> memref<!tpu.dma_semaphore, #tpu.memory_space<semaphore_mem>>
      tpu.wait_indirect_dma semaphore(%dma_wait3A_404 : memref<!tpu.dma_semaphore, #tpu.memory_space<semaphore_mem>>) src(%dma_wait3A_396 : memref<64x128xf32, #tpu.memory_space<vmem>>) dst(%dma_wait3A_402 : memref<10000x128xf32, #tpu.memory_space<vmem_shared>>)
      %dma_wait3A_405 = arith.constant 0 : i32
      %dma_wait3A_406 = arith.constant 0 : i32
      %dma_wait3A_407 = arith.constant 0 : i32
      %dma_wait3A_408 = arith.constant 0 : i32
      %dma_wait3A_409 = tpu.memref_slice %arg16[%dma_wait3A_407, %dma_wait3A_408] : memref<256x16xf32, #tpu.memory_space<vmem>> -> memref<64x16xf32, #tpu.memory_space<vmem>>
      %dma_wait3A_410 = arith.constant 0 : i32
      %dma_wait3A_411 = tpu.memref_slice %arg14[%dma_wait3A_405, %dma_wait3A_410] : memref<4x64xi32, #tpu.memory_space<vmem>> -> memref<1x64xi32, #tpu.memory_space<vmem>>
      %dma_wait3A_412 = tpu.memref_squeeze %dma_wait3A_411 : memref<1x64xi32, #tpu.memory_space<vmem>> -> memref<64xi32, #tpu.memory_space<vmem>>
      %dma_wait3A_413 = arith.constant 0 : i32
      %dma_wait3A_414 = arith.constant 0 : i32
      %dma_wait3A_415 = tpu.memref_slice %arg19[%dma_wait3A_413, %dma_wait3A_414] : memref<10000x16xf32, #tpu.memory_space<vmem_shared>> -> memref<10000x16xf32, #tpu.memory_space<vmem_shared>>
      %dma_wait3A_416 = tpu.memref_slice %arg23[%dma_wait3A_406] : memref<2x!tpu.dma_semaphore, #tpu.memory_space<semaphore_mem>> -> memref<1x!tpu.dma_semaphore, #tpu.memory_space<semaphore_mem>>
      %dma_wait3A_417 = tpu.memref_squeeze %dma_wait3A_416 : memref<1x!tpu.dma_semaphore, #tpu.memory_space<semaphore_mem>> -> memref<!tpu.dma_semaphore, #tpu.memory_space<semaphore_mem>>
      tpu.wait_indirect_dma semaphore(%dma_wait3A_417 : memref<!tpu.dma_semaphore, #tpu.memory_space<semaphore_mem>>) src(%dma_wait3A_409 : memref<64x16xf32, #tpu.memory_space<vmem>>) dst(%dma_wait3A_415 : memref<10000x16xf32, #tpu.memory_space<vmem_shared>>)
      %dma_wait3A_418 = arith.constant 0 : i32
      %dma_wait3A_419 = arith.constant 1 : i32
      %dma_wait3A_420 = arith.constant 0 : i32
      %dma_wait3A_421 = tpu.memref_slice %arg14[%dma_wait3A_418, %dma_wait3A_420] : memref<4x64xi32, #tpu.memory_space<vmem>> -> memref<1x64xi32, #tpu.memory_space<vmem>>
      %dma_wait3A_422 = tpu.memref_squeeze %dma_wait3A_421 : memref<1x64xi32, #tpu.memory_space<vmem>> -> memref<64xi32, #tpu.memory_space<vmem>>
      %dma_wait3A_423 = arith.constant 0 : i32
      %dma_wait3A_424 = arith.constant 0 : i32
      %dma_wait3A_425 = tpu.memref_slice %arg20[%dma_wait3A_423, %dma_wait3A_424] : memref<10000x8xf32, #tpu.memory_space<vmem_shared>> -> memref<10000x8xf32, #tpu.memory_space<vmem_shared>>
      %dma_wait3A_426 = tpu.memref_slice %arg23[%dma_wait3A_419] : memref<2x!tpu.dma_semaphore, #tpu.memory_space<semaphore_mem>> -> memref<1x!tpu.dma_semaphore, #tpu.memory_space<semaphore_mem>>
      %dma_wait3A_427 = tpu.memref_squeeze %dma_wait3A_426 : memref<1x!tpu.dma_semaphore, #tpu.memory_space<semaphore_mem>> -> memref<!tpu.dma_semaphore, #tpu.memory_space<semaphore_mem>>
      tpu.wait_indirect_dma semaphore(%dma_wait3A_427 : memref<!tpu.dma_semaphore, #tpu.memory_space<semaphore_mem>>) src(%arg17 : memref<64x8xf32, #tpu.memory_space<vmem>>) dst(%dma_wait3A_425 : memref<10000x8xf32, #tpu.memory_space<vmem_shared>>)
      %dma_wait3A_428 = arith.constant 1 : i32
      %dma_wait3A_429 = arith.constant 0 : i32
      %dma_wait3A_430 = arith.constant 64 : i32
      %dma_wait3A_431 = arith.constant 0 : i32
      %dma_wait3A_432 = tpu.memref_slice %arg16[%dma_wait3A_430, %dma_wait3A_431] : memref<256x16xf32, #tpu.memory_space<vmem>> -> memref<64x16xf32, #tpu.memory_space<vmem>>
      %dma_wait3A_433 = arith.constant 0 : i32
      %dma_wait3A_434 = tpu.memref_slice %arg14[%dma_wait3A_428, %dma_wait3A_433] : memref<4x64xi32, #tpu.memory_space<vmem>> -> memref<1x64xi32, #tpu.memory_space<vmem>>
      %dma_wait3A_435 = tpu.memref_squeeze %dma_wait3A_434 : memref<1x64xi32, #tpu.memory_space<vmem>> -> memref<64xi32, #tpu.memory_space<vmem>>
      %dma_wait3A_436 = arith.constant 0 : i32
      %dma_wait3A_437 = arith.constant 0 : i32
      %dma_wait3A_438 = tpu.memref_slice %arg19[%dma_wait3A_436, %dma_wait3A_437] : memref<10000x16xf32, #tpu.memory_space<vmem_shared>> -> memref<10000x16xf32, #tpu.memory_space<vmem_shared>>
      %dma_wait3A_439 = tpu.memref_slice %arg23[%dma_wait3A_429] : memref<2x!tpu.dma_semaphore, #tpu.memory_space<semaphore_mem>> -> memref<1x!tpu.dma_semaphore, #tpu.memory_space<semaphore_mem>>
      %dma_wait3A_440 = tpu.memref_squeeze %dma_wait3A_439 : memref<1x!tpu.dma_semaphore, #tpu.memory_space<semaphore_mem>> -> memref<!tpu.dma_semaphore, #tpu.memory_space<semaphore_mem>>
      tpu.wait_indirect_dma semaphore(%dma_wait3A_440 : memref<!tpu.dma_semaphore, #tpu.memory_space<semaphore_mem>>) src(%dma_wait3A_432 : memref<64x16xf32, #tpu.memory_space<vmem>>) dst(%dma_wait3A_438 : memref<10000x16xf32, #tpu.memory_space<vmem_shared>>)
      %dma_wait3A_441 = arith.constant 1 : i32
      %dma_wait3A_442 = arith.constant 1 : i32
      %dma_wait3A_443 = arith.constant 0 : i32
      %dma_wait3A_444 = tpu.memref_slice %arg14[%dma_wait3A_441, %dma_wait3A_443] : memref<4x64xi32, #tpu.memory_space<vmem>> -> memref<1x64xi32, #tpu.memory_space<vmem>>
      %dma_wait3A_445 = tpu.memref_squeeze %dma_wait3A_444 : memref<1x64xi32, #tpu.memory_space<vmem>> -> memref<64xi32, #tpu.memory_space<vmem>>
      %dma_wait3A_446 = arith.constant 0 : i32
      %dma_wait3A_447 = arith.constant 0 : i32
      %dma_wait3A_448 = tpu.memref_slice %arg20[%dma_wait3A_446, %dma_wait3A_447] : memref<10000x8xf32, #tpu.memory_space<vmem_shared>> -> memref<10000x8xf32, #tpu.memory_space<vmem_shared>>
      %dma_wait3A_449 = tpu.memref_slice %arg23[%dma_wait3A_442] : memref<2x!tpu.dma_semaphore, #tpu.memory_space<semaphore_mem>> -> memref<1x!tpu.dma_semaphore, #tpu.memory_space<semaphore_mem>>
      %dma_wait3A_450 = tpu.memref_squeeze %dma_wait3A_449 : memref<1x!tpu.dma_semaphore, #tpu.memory_space<semaphore_mem>> -> memref<!tpu.dma_semaphore, #tpu.memory_space<semaphore_mem>>
      tpu.wait_indirect_dma semaphore(%dma_wait3A_450 : memref<!tpu.dma_semaphore, #tpu.memory_space<semaphore_mem>>) src(%arg17 : memref<64x8xf32, #tpu.memory_space<vmem>>) dst(%dma_wait3A_448 : memref<10000x8xf32, #tpu.memory_space<vmem_shared>>)
      %dma_wait3A_451 = arith.constant 2 : i32
      %dma_wait3A_452 = arith.constant 0 : i32
      %dma_wait3A_453 = arith.constant 128 : i32
      %dma_wait3A_454 = arith.constant 0 : i32
      %dma_wait3A_455 = tpu.memref_slice %arg16[%dma_wait3A_453, %dma_wait3A_454] : memref<256x16xf32, #tpu.memory_space<vmem>> -> memref<64x16xf32, #tpu.memory_space<vmem>>
      %dma_wait3A_456 = arith.constant 0 : i32
      %dma_wait3A_457 = tpu.memref_slice %arg14[%dma_wait3A_451, %dma_wait3A_456] : memref<4x64xi32, #tpu.memory_space<vmem>> -> memref<1x64xi32, #tpu.memory_space<vmem>>
      %dma_wait3A_458 = tpu.memref_squeeze %dma_wait3A_457 : memref<1x64xi32, #tpu.memory_space<vmem>> -> memref<64xi32, #tpu.memory_space<vmem>>
      %dma_wait3A_459 = arith.constant 0 : i32
      %dma_wait3A_460 = arith.constant 0 : i32
      %dma_wait3A_461 = tpu.memref_slice %arg19[%dma_wait3A_459, %dma_wait3A_460] : memref<10000x16xf32, #tpu.memory_space<vmem_shared>> -> memref<10000x16xf32, #tpu.memory_space<vmem_shared>>
      %dma_wait3A_462 = tpu.memref_slice %arg23[%dma_wait3A_452] : memref<2x!tpu.dma_semaphore, #tpu.memory_space<semaphore_mem>> -> memref<1x!tpu.dma_semaphore, #tpu.memory_space<semaphore_mem>>
      %dma_wait3A_463 = tpu.memref_squeeze %dma_wait3A_462 : memref<1x!tpu.dma_semaphore, #tpu.memory_space<semaphore_mem>> -> memref<!tpu.dma_semaphore, #tpu.memory_space<semaphore_mem>>
      tpu.wait_indirect_dma semaphore(%dma_wait3A_463 : memref<!tpu.dma_semaphore, #tpu.memory_space<semaphore_mem>>) src(%dma_wait3A_455 : memref<64x16xf32, #tpu.memory_space<vmem>>) dst(%dma_wait3A_461 : memref<10000x16xf32, #tpu.memory_space<vmem_shared>>)
      %dma_wait3A_464 = arith.constant 2 : i32
      %dma_wait3A_465 = arith.constant 1 : i32
      %dma_wait3A_466 = arith.constant 0 : i32
      %dma_wait3A_467 = tpu.memref_slice %arg14[%dma_wait3A_464, %dma_wait3A_466] : memref<4x64xi32, #tpu.memory_space<vmem>> -> memref<1x64xi32, #tpu.memory_space<vmem>>
      %dma_wait3A_468 = tpu.memref_squeeze %dma_wait3A_467 : memref<1x64xi32, #tpu.memory_space<vmem>> -> memref<64xi32, #tpu.memory_space<vmem>>
      %dma_wait3A_469 = arith.constant 0 : i32
      %dma_wait3A_470 = arith.constant 0 : i32
      %dma_wait3A_471 = tpu.memref_slice %arg20[%dma_wait3A_469, %dma_wait3A_470] : memref<10000x8xf32, #tpu.memory_space<vmem_shared>> -> memref<10000x8xf32, #tpu.memory_space<vmem_shared>>
      %dma_wait3A_472 = tpu.memref_slice %arg23[%dma_wait3A_465] : memref<2x!tpu.dma_semaphore, #tpu.memory_space<semaphore_mem>> -> memref<1x!tpu.dma_semaphore, #tpu.memory_space<semaphore_mem>>
      %dma_wait3A_473 = tpu.memref_squeeze %dma_wait3A_472 : memref<1x!tpu.dma_semaphore, #tpu.memory_space<semaphore_mem>> -> memref<!tpu.dma_semaphore, #tpu.memory_space<semaphore_mem>>
      tpu.wait_indirect_dma semaphore(%dma_wait3A_473 : memref<!tpu.dma_semaphore, #tpu.memory_space<semaphore_mem>>) src(%arg17 : memref<64x8xf32, #tpu.memory_space<vmem>>) dst(%dma_wait3A_471 : memref<10000x8xf32, #tpu.memory_space<vmem_shared>>)
      %dma_wait3A_474 = arith.constant 3 : i32
      %dma_wait3A_475 = arith.constant 0 : i32
      %dma_wait3A_476 = arith.constant 192 : i32
      %dma_wait3A_477 = arith.constant 0 : i32
      %dma_wait3A_478 = tpu.memref_slice %arg16[%dma_wait3A_476, %dma_wait3A_477] : memref<256x16xf32, #tpu.memory_space<vmem>> -> memref<64x16xf32, #tpu.memory_space<vmem>>
      %dma_wait3A_479 = arith.constant 0 : i32
      %dma_wait3A_480 = tpu.memref_slice %arg14[%dma_wait3A_474, %dma_wait3A_479] : memref<4x64xi32, #tpu.memory_space<vmem>> -> memref<1x64xi32, #tpu.memory_space<vmem>>
      %dma_wait3A_481 = tpu.memref_squeeze %dma_wait3A_480 : memref<1x64xi32, #tpu.memory_space<vmem>> -> memref<64xi32, #tpu.memory_space<vmem>>
      %dma_wait3A_482 = arith.constant 0 : i32
      %dma_wait3A_483 = arith.constant 0 : i32
      %dma_wait3A_484 = tpu.memref_slice %arg19[%dma_wait3A_482, %dma_wait3A_483] : memref<10000x16xf32, #tpu.memory_space<vmem_shared>> -> memref<10000x16xf32, #tpu.memory_space<vmem_shared>>
      %dma_wait3A_485 = tpu.memref_slice %arg23[%dma_wait3A_475] : memref<2x!tpu.dma_semaphore, #tpu.memory_space<semaphore_mem>> -> memref<1x!tpu.dma_semaphore, #tpu.memory_space<semaphore_mem>>
      %dma_wait3A_486 = tpu.memref_squeeze %dma_wait3A_485 : memref<1x!tpu.dma_semaphore, #tpu.memory_space<semaphore_mem>> -> memref<!tpu.dma_semaphore, #tpu.memory_space<semaphore_mem>>
      tpu.wait_indirect_dma semaphore(%dma_wait3A_486 : memref<!tpu.dma_semaphore, #tpu.memory_space<semaphore_mem>>) src(%dma_wait3A_478 : memref<64x16xf32, #tpu.memory_space<vmem>>) dst(%dma_wait3A_484 : memref<10000x16xf32, #tpu.memory_space<vmem_shared>>)
      %dma_wait3A_487 = arith.constant 3 : i32
      %dma_wait3A_488 = arith.constant 1 : i32
      %dma_wait3A_489 = arith.constant 0 : i32
      %dma_wait3A_490 = tpu.memref_slice %arg14[%dma_wait3A_487, %dma_wait3A_489] : memref<4x64xi32, #tpu.memory_space<vmem>> -> memref<1x64xi32, #tpu.memory_space<vmem>>
      %dma_wait3A_491 = tpu.memref_squeeze %dma_wait3A_490 : memref<1x64xi32, #tpu.memory_space<vmem>> -> memref<64xi32, #tpu.memory_space<vmem>>
      %dma_wait3A_492 = arith.constant 0 : i32
      %dma_wait3A_493 = arith.constant 0 : i32
      %dma_wait3A_494 = tpu.memref_slice %arg20[%dma_wait3A_492, %dma_wait3A_493] : memref<10000x8xf32, #tpu.memory_space<vmem_shared>> -> memref<10000x8xf32, #tpu.memory_space<vmem_shared>>
      %dma_wait3A_495 = tpu.memref_slice %arg23[%dma_wait3A_488] : memref<2x!tpu.dma_semaphore, #tpu.memory_space<semaphore_mem>> -> memref<1x!tpu.dma_semaphore, #tpu.memory_space<semaphore_mem>>
      %dma_wait3A_496 = tpu.memref_squeeze %dma_wait3A_495 : memref<1x!tpu.dma_semaphore, #tpu.memory_space<semaphore_mem>> -> memref<!tpu.dma_semaphore, #tpu.memory_space<semaphore_mem>>
      tpu.wait_indirect_dma semaphore(%dma_wait3A_496 : memref<!tpu.dma_semaphore, #tpu.memory_space<semaphore_mem>>) src(%arg17 : memref<64x8xf32, #tpu.memory_space<vmem>>) dst(%dma_wait3A_494 : memref<10000x8xf32, #tpu.memory_space<vmem_shared>>)
    }
    %while3A_60 = arith.constant 1 : i32
    scf.for %while3A_72 = %while3A_58 to %while3A_54 step %while3A_60  : i32 {
      "tpu.region"() ({
        %run_scoped3A = tpu.sem_alloc : memref<!tpu.dma_semaphore, #tpu.memory_space<semaphore_mem>>
        %dma_start3A_497 = arith.constant 0 : i32
        %dma_start3A_498 = arith.constant 0 : i32
        %dma_start3A_499 = tpu.memref_slice %arg4[%while3A_72, %dma_start3A_497, %dma_start3A_498] : memref<1250x4x64xi32, #tpu.memory_space<hbm>> -> memref<1x4x64xi32, #tpu.memory_space<hbm>>
        %dma_start3A_500 = tpu.memref_squeeze %dma_start3A_499 : memref<1x4x64xi32, #tpu.memory_space<hbm>> -> memref<4x64xi32, #tpu.memory_space<hbm>>
        %dma_start3A_501 = arith.constant 0 : i32
        %dma_start3A_502 = arith.constant 0 : i32
        %dma_start3A_503 = tpu.memref_slice %arg4[%while3A_72, %dma_start3A_501, %dma_start3A_502] : memref<1250x4x64xi32, #tpu.memory_space<hbm>> -> memref<1x4x64xi32, #tpu.memory_space<hbm>>
        %dma_start3A_504 = tpu.memref_squeeze %dma_start3A_503 : memref<1x4x64xi32, #tpu.memory_space<hbm>> -> memref<4x64xi32, #tpu.memory_space<hbm>>
        tpu.enqueue_dma source(%dma_start3A_504 : memref<4x64xi32, #tpu.memory_space<hbm>>) target(%arg13 : memref<4x64xi32, #tpu.memory_space<vmem>>) target_semaphore(%run_scoped3A : memref<!tpu.dma_semaphore, #tpu.memory_space<semaphore_mem>>)
        %dma_wait3A_505 = arith.constant 0 : i32
        %dma_wait3A_506 = arith.constant 0 : i32
        %dma_wait3A_507 = tpu.memref_slice %arg4[%while3A_72, %dma_wait3A_505, %dma_wait3A_506] : memref<1250x4x64xi32, #tpu.memory_space<hbm>> -> memref<1x4x64xi32, #tpu.memory_space<hbm>>
        %dma_wait3A_508 = tpu.memref_squeeze %dma_wait3A_507 : memref<1x4x64xi32, #tpu.memory_space<hbm>> -> memref<4x64xi32, #tpu.memory_space<hbm>>
        %dma_wait3A_509 = arith.constant 0 : i32
        %dma_wait3A_510 = arith.constant 0 : i32
        %dma_wait3A_511 = tpu.memref_slice %arg4[%while3A_72, %dma_wait3A_509, %dma_wait3A_510] : memref<1250x4x64xi32, #tpu.memory_space<hbm>> -> memref<1x4x64xi32, #tpu.memory_space<hbm>>
        %dma_wait3A_512 = tpu.memref_squeeze %dma_wait3A_511 : memref<1x4x64xi32, #tpu.memory_space<hbm>> -> memref<4x64xi32, #tpu.memory_space<hbm>>
        tpu.wait_dma2 semaphore(%run_scoped3A : memref<!tpu.dma_semaphore, #tpu.memory_space<semaphore_mem>>) src(%dma_wait3A_512 : memref<4x64xi32, #tpu.memory_space<hbm>>) dst(%arg13 : memref<4x64xi32, #tpu.memory_space<vmem>>)
        tpu.yield
      }) : () -> ()
      "tpu.region"() ({
        %run_scoped3A = tpu.sem_alloc : memref<!tpu.dma_semaphore, #tpu.memory_space<semaphore_mem>>
        %dma_start3A_497 = arith.constant 0 : i32
        %dma_start3A_498 = arith.constant 0 : i32
        %dma_start3A_499 = tpu.memref_slice %arg5[%while3A_72, %dma_start3A_497, %dma_start3A_498] : memref<1250x4x64xi32, #tpu.memory_space<hbm>> -> memref<1x4x64xi32, #tpu.memory_space<hbm>>
        %dma_start3A_500 = tpu.memref_squeeze %dma_start3A_499 : memref<1x4x64xi32, #tpu.memory_space<hbm>> -> memref<4x64xi32, #tpu.memory_space<hbm>>
        %dma_start3A_501 = arith.constant 0 : i32
        %dma_start3A_502 = arith.constant 0 : i32
        %dma_start3A_503 = tpu.memref_slice %arg5[%while3A_72, %dma_start3A_501, %dma_start3A_502] : memref<1250x4x64xi32, #tpu.memory_space<hbm>> -> memref<1x4x64xi32, #tpu.memory_space<hbm>>
        %dma_start3A_504 = tpu.memref_squeeze %dma_start3A_503 : memref<1x4x64xi32, #tpu.memory_space<hbm>> -> memref<4x64xi32, #tpu.memory_space<hbm>>
        tpu.enqueue_dma source(%dma_start3A_504 : memref<4x64xi32, #tpu.memory_space<hbm>>) target(%arg14 : memref<4x64xi32, #tpu.memory_space<vmem>>) target_semaphore(%run_scoped3A : memref<!tpu.dma_semaphore, #tpu.memory_space<semaphore_mem>>)
        %dma_wait3A_505 = arith.constant 0 : i32
        %dma_wait3A_506 = arith.constant 0 : i32
        %dma_wait3A_507 = tpu.memref_slice %arg5[%while3A_72, %dma_wait3A_505, %dma_wait3A_506] : memref<1250x4x64xi32, #tpu.memory_space<hbm>> -> memref<1x4x64xi32, #tpu.memory_space<hbm>>
        %dma_wait3A_508 = tpu.memref_squeeze %dma_wait3A_507 : memref<1x4x64xi32, #tpu.memory_space<hbm>> -> memref<4x64xi32, #tpu.memory_space<hbm>>
        %dma_wait3A_509 = arith.constant 0 : i32
        %dma_wait3A_510 = arith.constant 0 : i32
        %dma_wait3A_511 = tpu.memref_slice %arg5[%while3A_72, %dma_wait3A_509, %dma_wait3A_510] : memref<1250x4x64xi32, #tpu.memory_space<hbm>> -> memref<1x4x64xi32, #tpu.memory_space<hbm>>
        %dma_wait3A_512 = tpu.memref_squeeze %dma_wait3A_511 : memref<1x4x64xi32, #tpu.memory_space<hbm>> -> memref<4x64xi32, #tpu.memory_space<hbm>>
        tpu.wait_dma2 semaphore(%run_scoped3A : memref<!tpu.dma_semaphore, #tpu.memory_space<semaphore_mem>>) src(%dma_wait3A_512 : memref<4x64xi32, #tpu.memory_space<hbm>>) dst(%arg14 : memref<4x64xi32, #tpu.memory_space<vmem>>)
        tpu.yield
      }) : () -> ()
      %mul3A_73 = arith.constant 256 : i32
      %mul3A_74 = arith.muli %while3A_72, %mul3A_73 : i32
      "tpu.region"() ({
        %run_scoped3A = tpu.sem_alloc : memref<!tpu.dma_semaphore, #tpu.memory_space<semaphore_mem>>
        %dma_start3A_497 = arith.constant 0 : i32
        %dma_start3A_498 = tpu.memref_slice %arg3[%mul3A_74, %dma_start3A_497] : memref<320000x16xf32, #tpu.memory_space<hbm>> -> memref<256x16xf32, #tpu.memory_space<hbm>>
        %dma_start3A_499 = arith.constant 0 : i32
        %dma_start3A_500 = tpu.memref_slice %arg3[%mul3A_74, %dma_start3A_499] : memref<320000x16xf32, #tpu.memory_space<hbm>> -> memref<256x16xf32, #tpu.memory_space<hbm>>
        tpu.enqueue_dma source(%dma_start3A_500 : memref<256x16xf32, #tpu.memory_space<hbm>>) target(%arg16 : memref<256x16xf32, #tpu.memory_space<vmem>>) target_semaphore(%run_scoped3A : memref<!tpu.dma_semaphore, #tpu.memory_space<semaphore_mem>>)
        %dma_wait3A_501 = arith.constant 0 : i32
        %dma_wait3A_502 = tpu.memref_slice %arg3[%mul3A_74, %dma_wait3A_501] : memref<320000x16xf32, #tpu.memory_space<hbm>> -> memref<256x16xf32, #tpu.memory_space<hbm>>
        %dma_wait3A_503 = arith.constant 0 : i32
        %dma_wait3A_504 = tpu.memref_slice %arg3[%mul3A_74, %dma_wait3A_503] : memref<320000x16xf32, #tpu.memory_space<hbm>> -> memref<256x16xf32, #tpu.memory_space<hbm>>
        tpu.wait_dma2 semaphore(%run_scoped3A : memref<!tpu.dma_semaphore, #tpu.memory_space<semaphore_mem>>) src(%dma_wait3A_504 : memref<256x16xf32, #tpu.memory_space<hbm>>) dst(%arg16 : memref<256x16xf32, #tpu.memory_space<vmem>>)
        tpu.yield
      }) : () -> ()
      %dma_start3A = arith.constant 0 : i32
      %dma_start3A_75 = arith.constant 0 : i32
      %dma_start3A_76 = arith.constant 0 : i32
      %dma_start3A_77 = arith.constant 0 : i32
      %dma_start3A_78 = tpu.memref_slice %arg16[%dma_start3A_76, %dma_start3A_77] : memref<256x16xf32, #tpu.memory_space<vmem>> -> memref<64x16xf32, #tpu.memory_space<vmem>>
      %dma_start3A_79 = arith.constant 0 : i32
      %dma_start3A_80 = tpu.memref_slice %arg14[%dma_start3A, %dma_start3A_79] : memref<4x64xi32, #tpu.memory_space<vmem>> -> memref<1x64xi32, #tpu.memory_space<vmem>>
      %dma_start3A_81 = tpu.memref_squeeze %dma_start3A_80 : memref<1x64xi32, #tpu.memory_space<vmem>> -> memref<64xi32, #tpu.memory_space<vmem>>
      %dma_start3A_82 = arith.constant 0 : i32
      %dma_start3A_83 = arith.constant 0 : i32
      %dma_start3A_84 = tpu.memref_slice %arg19[%dma_start3A_82, %dma_start3A_83] : memref<10000x16xf32, #tpu.memory_space<vmem_shared>> -> memref<10000x16xf32, #tpu.memory_space<vmem_shared>>
      %dma_start3A_85 = tpu.memref_slice %arg23[%dma_start3A_75] : memref<2x!tpu.dma_semaphore, #tpu.memory_space<semaphore_mem>> -> memref<1x!tpu.dma_semaphore, #tpu.memory_space<semaphore_mem>>
      %dma_start3A_86 = tpu.memref_squeeze %dma_start3A_85 : memref<1x!tpu.dma_semaphore, #tpu.memory_space<semaphore_mem>> -> memref<!tpu.dma_semaphore, #tpu.memory_space<semaphore_mem>>
      tpu.enqueue_indirect_dma source(%dma_start3A_78 : memref<64x16xf32, #tpu.memory_space<vmem>>) target(%dma_start3A_84 : memref<10000x16xf32, #tpu.memory_space<vmem_shared>>) offsets(%dma_start3A_81 : memref<64xi32, #tpu.memory_space<vmem>>) semaphore(%dma_start3A_86 : memref<!tpu.dma_semaphore, #tpu.memory_space<semaphore_mem>>) {add = true}
      %dma_start3A_87 = arith.constant 0 : i32
      %dma_start3A_88 = arith.constant 1 : i32
      %dma_start3A_89 = arith.constant 0 : i32
      %dma_start3A_90 = tpu.memref_slice %arg14[%dma_start3A_87, %dma_start3A_89] : memref<4x64xi32, #tpu.memory_space<vmem>> -> memref<1x64xi32, #tpu.memory_space<vmem>>
      %dma_start3A_91 = tpu.memref_squeeze %dma_start3A_90 : memref<1x64xi32, #tpu.memory_space<vmem>> -> memref<64xi32, #tpu.memory_space<vmem>>
      %dma_start3A_92 = arith.constant 0 : i32
      %dma_start3A_93 = arith.constant 0 : i32
      %dma_start3A_94 = tpu.memref_slice %arg20[%dma_start3A_92, %dma_start3A_93] : memref<10000x8xf32, #tpu.memory_space<vmem_shared>> -> memref<10000x8xf32, #tpu.memory_space<vmem_shared>>
      %dma_start3A_95 = tpu.memref_slice %arg23[%dma_start3A_88] : memref<2x!tpu.dma_semaphore, #tpu.memory_space<semaphore_mem>> -> memref<1x!tpu.dma_semaphore, #tpu.memory_space<semaphore_mem>>
      %dma_start3A_96 = tpu.memref_squeeze %dma_start3A_95 : memref<1x!tpu.dma_semaphore, #tpu.memory_space<semaphore_mem>> -> memref<!tpu.dma_semaphore, #tpu.memory_space<semaphore_mem>>
      tpu.enqueue_indirect_dma source(%arg17 : memref<64x8xf32, #tpu.memory_space<vmem>>) target(%dma_start3A_94 : memref<10000x8xf32, #tpu.memory_space<vmem_shared>>) offsets(%dma_start3A_91 : memref<64xi32, #tpu.memory_space<vmem>>) semaphore(%dma_start3A_96 : memref<!tpu.dma_semaphore, #tpu.memory_space<semaphore_mem>>) {add = true}
      %dma_start3A_97 = arith.constant 1 : i32
      %dma_start3A_98 = arith.constant 0 : i32
      %dma_start3A_99 = arith.constant 64 : i32
      %dma_start3A_100 = arith.constant 0 : i32
      %dma_start3A_101 = tpu.memref_slice %arg16[%dma_start3A_99, %dma_start3A_100] : memref<256x16xf32, #tpu.memory_space<vmem>> -> memref<64x16xf32, #tpu.memory_space<vmem>>
      %dma_start3A_102 = arith.constant 0 : i32
      %dma_start3A_103 = tpu.memref_slice %arg14[%dma_start3A_97, %dma_start3A_102] : memref<4x64xi32, #tpu.memory_space<vmem>> -> memref<1x64xi32, #tpu.memory_space<vmem>>
      %dma_start3A_104 = tpu.memref_squeeze %dma_start3A_103 : memref<1x64xi32, #tpu.memory_space<vmem>> -> memref<64xi32, #tpu.memory_space<vmem>>
      %dma_start3A_105 = arith.constant 0 : i32
      %dma_start3A_106 = arith.constant 0 : i32
      %dma_start3A_107 = tpu.memref_slice %arg19[%dma_start3A_105, %dma_start3A_106] : memref<10000x16xf32, #tpu.memory_space<vmem_shared>> -> memref<10000x16xf32, #tpu.memory_space<vmem_shared>>
      %dma_start3A_108 = tpu.memref_slice %arg23[%dma_start3A_98] : memref<2x!tpu.dma_semaphore, #tpu.memory_space<semaphore_mem>> -> memref<1x!tpu.dma_semaphore, #tpu.memory_space<semaphore_mem>>
      %dma_start3A_109 = tpu.memref_squeeze %dma_start3A_108 : memref<1x!tpu.dma_semaphore, #tpu.memory_space<semaphore_mem>> -> memref<!tpu.dma_semaphore, #tpu.memory_space<semaphore_mem>>
      tpu.enqueue_indirect_dma source(%dma_start3A_101 : memref<64x16xf32, #tpu.memory_space<vmem>>) target(%dma_start3A_107 : memref<10000x16xf32, #tpu.memory_space<vmem_shared>>) offsets(%dma_start3A_104 : memref<64xi32, #tpu.memory_space<vmem>>) semaphore(%dma_start3A_109 : memref<!tpu.dma_semaphore, #tpu.memory_space<semaphore_mem>>) {add = true}
      %dma_start3A_110 = arith.constant 1 : i32
      %dma_start3A_111 = arith.constant 1 : i32
      %dma_start3A_112 = arith.constant 0 : i32
      %dma_start3A_113 = tpu.memref_slice %arg14[%dma_start3A_110, %dma_start3A_112] : memref<4x64xi32, #tpu.memory_space<vmem>> -> memref<1x64xi32, #tpu.memory_space<vmem>>
      %dma_start3A_114 = tpu.memref_squeeze %dma_start3A_113 : memref<1x64xi32, #tpu.memory_space<vmem>> -> memref<64xi32, #tpu.memory_space<vmem>>
      %dma_start3A_115 = arith.constant 0 : i32
      %dma_start3A_116 = arith.constant 0 : i32
      %dma_start3A_117 = tpu.memref_slice %arg20[%dma_start3A_115, %dma_start3A_116] : memref<10000x8xf32, #tpu.memory_space<vmem_shared>> -> memref<10000x8xf32, #tpu.memory_space<vmem_shared>>
      %dma_start3A_118 = tpu.memref_slice %arg23[%dma_start3A_111] : memref<2x!tpu.dma_semaphore, #tpu.memory_space<semaphore_mem>> -> memref<1x!tpu.dma_semaphore, #tpu.memory_space<semaphore_mem>>
      %dma_start3A_119 = tpu.memref_squeeze %dma_start3A_118 : memref<1x!tpu.dma_semaphore, #tpu.memory_space<semaphore_mem>> -> memref<!tpu.dma_semaphore, #tpu.memory_space<semaphore_mem>>
      tpu.enqueue_indirect_dma source(%arg17 : memref<64x8xf32, #tpu.memory_space<vmem>>) target(%dma_start3A_117 : memref<10000x8xf32, #tpu.memory_space<vmem_shared>>) offsets(%dma_start3A_114 : memref<64xi32, #tpu.memory_space<vmem>>) semaphore(%dma_start3A_119 : memref<!tpu.dma_semaphore, #tpu.memory_space<semaphore_mem>>) {add = true}
      %dma_start3A_120 = arith.constant 2 : i32
      %dma_start3A_121 = arith.constant 0 : i32
      %dma_start3A_122 = arith.constant 128 : i32
      %dma_start3A_123 = arith.constant 0 : i32
      %dma_start3A_124 = tpu.memref_slice %arg16[%dma_start3A_122, %dma_start3A_123] : memref<256x16xf32, #tpu.memory_space<vmem>> -> memref<64x16xf32, #tpu.memory_space<vmem>>
      %dma_start3A_125 = arith.constant 0 : i32
      %dma_start3A_126 = tpu.memref_slice %arg14[%dma_start3A_120, %dma_start3A_125] : memref<4x64xi32, #tpu.memory_space<vmem>> -> memref<1x64xi32, #tpu.memory_space<vmem>>
      %dma_start3A_127 = tpu.memref_squeeze %dma_start3A_126 : memref<1x64xi32, #tpu.memory_space<vmem>> -> memref<64xi32, #tpu.memory_space<vmem>>
      %dma_start3A_128 = arith.constant 0 : i32
      %dma_start3A_129 = arith.constant 0 : i32
      %dma_start3A_130 = tpu.memref_slice %arg19[%dma_start3A_128, %dma_start3A_129] : memref<10000x16xf32, #tpu.memory_space<vmem_shared>> -> memref<10000x16xf32, #tpu.memory_space<vmem_shared>>
      %dma_start3A_131 = tpu.memref_slice %arg23[%dma_start3A_121] : memref<2x!tpu.dma_semaphore, #tpu.memory_space<semaphore_mem>> -> memref<1x!tpu.dma_semaphore, #tpu.memory_space<semaphore_mem>>
      %dma_start3A_132 = tpu.memref_squeeze %dma_start3A_131 : memref<1x!tpu.dma_semaphore, #tpu.memory_space<semaphore_mem>> -> memref<!tpu.dma_semaphore, #tpu.memory_space<semaphore_mem>>
      tpu.enqueue_indirect_dma source(%dma_start3A_124 : memref<64x16xf32, #tpu.memory_space<vmem>>) target(%dma_start3A_130 : memref<10000x16xf32, #tpu.memory_space<vmem_shared>>) offsets(%dma_start3A_127 : memref<64xi32, #tpu.memory_space<vmem>>) semaphore(%dma_start3A_132 : memref<!tpu.dma_semaphore, #tpu.memory_space<semaphore_mem>>) {add = true}
      %dma_start3A_133 = arith.constant 2 : i32
      %dma_start3A_134 = arith.constant 1 : i32
      %dma_start3A_135 = arith.constant 0 : i32
      %dma_start3A_136 = tpu.memref_slice %arg14[%dma_start3A_133, %dma_start3A_135] : memref<4x64xi32, #tpu.memory_space<vmem>> -> memref<1x64xi32, #tpu.memory_space<vmem>>
      %dma_start3A_137 = tpu.memref_squeeze %dma_start3A_136 : memref<1x64xi32, #tpu.memory_space<vmem>> -> memref<64xi32, #tpu.memory_space<vmem>>
      %dma_start3A_138 = arith.constant 0 : i32
      %dma_start3A_139 = arith.constant 0 : i32
      %dma_start3A_140 = tpu.memref_slice %arg20[%dma_start3A_138, %dma_start3A_139] : memref<10000x8xf32, #tpu.memory_space<vmem_shared>> -> memref<10000x8xf32, #tpu.memory_space<vmem_shared>>
      %dma_start3A_141 = tpu.memref_slice %arg23[%dma_start3A_134] : memref<2x!tpu.dma_semaphore, #tpu.memory_space<semaphore_mem>> -> memref<1x!tpu.dma_semaphore, #tpu.memory_space<semaphore_mem>>
      %dma_start3A_142 = tpu.memref_squeeze %dma_start3A_141 : memref<1x!tpu.dma_semaphore, #tpu.memory_space<semaphore_mem>> -> memref<!tpu.dma_semaphore, #tpu.memory_space<semaphore_mem>>
      tpu.enqueue_indirect_dma source(%arg17 : memref<64x8xf32, #tpu.memory_space<vmem>>) target(%dma_start3A_140 : memref<10000x8xf32, #tpu.memory_space<vmem_shared>>) offsets(%dma_start3A_137 : memref<64xi32, #tpu.memory_space<vmem>>) semaphore(%dma_start3A_142 : memref<!tpu.dma_semaphore, #tpu.memory_space<semaphore_mem>>) {add = true}
      %dma_start3A_143 = arith.constant 3 : i32
      %dma_start3A_144 = arith.constant 0 : i32
      %dma_start3A_145 = arith.constant 192 : i32
      %dma_start3A_146 = arith.constant 0 : i32
      %dma_start3A_147 = tpu.memref_slice %arg16[%dma_start3A_145, %dma_start3A_146] : memref<256x16xf32, #tpu.memory_space<vmem>> -> memref<64x16xf32, #tpu.memory_space<vmem>>
      %dma_start3A_148 = arith.constant 0 : i32
      %dma_start3A_149 = tpu.memref_slice %arg14[%dma_start3A_143, %dma_start3A_148] : memref<4x64xi32, #tpu.memory_space<vmem>> -> memref<1x64xi32, #tpu.memory_space<vmem>>
      %dma_start3A_150 = tpu.memref_squeeze %dma_start3A_149 : memref<1x64xi32, #tpu.memory_space<vmem>> -> memref<64xi32, #tpu.memory_space<vmem>>
      %dma_start3A_151 = arith.constant 0 : i32
      %dma_start3A_152 = arith.constant 0 : i32
      %dma_start3A_153 = tpu.memref_slice %arg19[%dma_start3A_151, %dma_start3A_152] : memref<10000x16xf32, #tpu.memory_space<vmem_shared>> -> memref<10000x16xf32, #tpu.memory_space<vmem_shared>>
      %dma_start3A_154 = tpu.memref_slice %arg23[%dma_start3A_144] : memref<2x!tpu.dma_semaphore, #tpu.memory_space<semaphore_mem>> -> memref<1x!tpu.dma_semaphore, #tpu.memory_space<semaphore_mem>>
      %dma_start3A_155 = tpu.memref_squeeze %dma_start3A_154 : memref<1x!tpu.dma_semaphore, #tpu.memory_space<semaphore_mem>> -> memref<!tpu.dma_semaphore, #tpu.memory_space<semaphore_mem>>
      tpu.enqueue_indirect_dma source(%dma_start3A_147 : memref<64x16xf32, #tpu.memory_space<vmem>>) target(%dma_start3A_153 : memref<10000x16xf32, #tpu.memory_space<vmem_shared>>) offsets(%dma_start3A_150 : memref<64xi32, #tpu.memory_space<vmem>>) semaphore(%dma_start3A_155 : memref<!tpu.dma_semaphore, #tpu.memory_space<semaphore_mem>>) {add = true}
      %dma_start3A_156 = arith.constant 3 : i32
      %dma_start3A_157 = arith.constant 1 : i32
      %dma_start3A_158 = arith.constant 0 : i32
      %dma_start3A_159 = tpu.memref_slice %arg14[%dma_start3A_156, %dma_start3A_158] : memref<4x64xi32, #tpu.memory_space<vmem>> -> memref<1x64xi32, #tpu.memory_space<vmem>>
      %dma_start3A_160 = tpu.memref_squeeze %dma_start3A_159 : memref<1x64xi32, #tpu.memory_space<vmem>> -> memref<64xi32, #tpu.memory_space<vmem>>
      %dma_start3A_161 = arith.constant 0 : i32
      %dma_start3A_162 = arith.constant 0 : i32
      %dma_start3A_163 = tpu.memref_slice %arg20[%dma_start3A_161, %dma_start3A_162] : memref<10000x8xf32, #tpu.memory_space<vmem_shared>> -> memref<10000x8xf32, #tpu.memory_space<vmem_shared>>
      %dma_start3A_164 = tpu.memref_slice %arg23[%dma_start3A_157] : memref<2x!tpu.dma_semaphore, #tpu.memory_space<semaphore_mem>> -> memref<1x!tpu.dma_semaphore, #tpu.memory_space<semaphore_mem>>
      %dma_start3A_165 = tpu.memref_squeeze %dma_start3A_164 : memref<1x!tpu.dma_semaphore, #tpu.memory_space<semaphore_mem>> -> memref<!tpu.dma_semaphore, #tpu.memory_space<semaphore_mem>>
      tpu.enqueue_indirect_dma source(%arg17 : memref<64x8xf32, #tpu.memory_space<vmem>>) target(%dma_start3A_163 : memref<10000x8xf32, #tpu.memory_space<vmem_shared>>) offsets(%dma_start3A_160 : memref<64xi32, #tpu.memory_space<vmem>>) semaphore(%dma_start3A_165 : memref<!tpu.dma_semaphore, #tpu.memory_space<semaphore_mem>>) {add = true}
      %dma_start3A_166 = arith.constant 0 : i32
      %dma_start3A_167 = arith.constant 0 : i32
      %dma_start3A_168 = arith.constant 0 : i32
      %dma_start3A_169 = arith.constant 0 : i32
      %dma_start3A_170 = arith.constant 0 : i32
      %dma_start3A_171 = tpu.memref_slice %arg15[%dma_start3A_167, %dma_start3A_169, %dma_start3A_170] : memref<2x64x128xf32, #tpu.memory_space<vmem>> -> memref<1x64x128xf32, #tpu.memory_space<vmem>>
      %dma_start3A_172 = tpu.memref_squeeze %dma_start3A_171 : memref<1x64x128xf32, #tpu.memory_space<vmem>> -> memref<64x128xf32, #tpu.memory_space<vmem>>
      %dma_start3A_173 = arith.constant 0 : i32
      %dma_start3A_174 = tpu.memref_slice %arg13[%dma_start3A_166, %dma_start3A_173] : memref<4x64xi32, #tpu.memory_space<vmem>> -> memref<1x64xi32, #tpu.memory_space<vmem>>
      %dma_start3A_175 = tpu.memref_squeeze %dma_start3A_174 : memref<1x64xi32, #tpu.memory_space<vmem>> -> memref<64xi32, #tpu.memory_space<vmem>>
      %dma_start3A_176 = arith.constant 0 : i32
      %dma_start3A_177 = arith.constant 0 : i32
      %dma_start3A_178 = tpu.memref_slice %arg2[%dma_start3A_176, %dma_start3A_177] : memref<10000x128xf32, #tpu.memory_space<hbm>> -> memref<10000x128xf32, #tpu.memory_space<hbm>>
      %dma_start3A_179 = tpu.memref_slice %arg21[%dma_start3A_168] : memref<2x!tpu.dma_semaphore, #tpu.memory_space<semaphore_mem>> -> memref<1x!tpu.dma_semaphore, #tpu.memory_space<semaphore_mem>>
      %dma_start3A_180 = tpu.memref_squeeze %dma_start3A_179 : memref<1x!tpu.dma_semaphore, #tpu.memory_space<semaphore_mem>> -> memref<!tpu.dma_semaphore, #tpu.memory_space<semaphore_mem>>
      tpu.enqueue_indirect_dma source(%dma_start3A_178 : memref<10000x128xf32, #tpu.memory_space<hbm>>) target(%dma_start3A_172 : memref<64x128xf32, #tpu.memory_space<vmem>>) offsets(%dma_start3A_175 : memref<64xi32, #tpu.memory_space<vmem>>) semaphore(%dma_start3A_180 : memref<!tpu.dma_semaphore, #tpu.memory_space<semaphore_mem>>)
      %dma_start3A_181 = arith.constant 1 : i32
      %dma_start3A_182 = arith.constant 1 : i32
      %dma_start3A_183 = arith.constant 1 : i32
      %dma_start3A_184 = arith.constant 0 : i32
      %dma_start3A_185 = arith.constant 0 : i32
      %dma_start3A_186 = tpu.memref_slice %arg15[%dma_start3A_182, %dma_start3A_184, %dma_start3A_185] : memref<2x64x128xf32, #tpu.memory_space<vmem>> -> memref<1x64x128xf32, #tpu.memory_space<vmem>>
      %dma_start3A_187 = tpu.memref_squeeze %dma_start3A_186 : memref<1x64x128xf32, #tpu.memory_space<vmem>> -> memref<64x128xf32, #tpu.memory_space<vmem>>
      %dma_start3A_188 = arith.constant 0 : i32
      %dma_start3A_189 = tpu.memref_slice %arg13[%dma_start3A_181, %dma_start3A_188] : memref<4x64xi32, #tpu.memory_space<vmem>> -> memref<1x64xi32, #tpu.memory_space<vmem>>
      %dma_start3A_190 = tpu.memref_squeeze %dma_start3A_189 : memref<1x64xi32, #tpu.memory_space<vmem>> -> memref<64xi32, #tpu.memory_space<vmem>>
      %dma_start3A_191 = arith.constant 0 : i32
      %dma_start3A_192 = arith.constant 0 : i32
      %dma_start3A_193 = tpu.memref_slice %arg2[%dma_start3A_191, %dma_start3A_192] : memref<10000x128xf32, #tpu.memory_space<hbm>> -> memref<10000x128xf32, #tpu.memory_space<hbm>>
      %dma_start3A_194 = tpu.memref_slice %arg21[%dma_start3A_183] : memref<2x!tpu.dma_semaphore, #tpu.memory_space<semaphore_mem>> -> memref<1x!tpu.dma_semaphore, #tpu.memory_space<semaphore_mem>>
      %dma_start3A_195 = tpu.memref_squeeze %dma_start3A_194 : memref<1x!tpu.dma_semaphore, #tpu.memory_space<semaphore_mem>> -> memref<!tpu.dma_semaphore, #tpu.memory_space<semaphore_mem>>
      tpu.enqueue_indirect_dma source(%dma_start3A_193 : memref<10000x128xf32, #tpu.memory_space<hbm>>) target(%dma_start3A_187 : memref<64x128xf32, #tpu.memory_space<vmem>>) offsets(%dma_start3A_190 : memref<64xi32, #tpu.memory_space<vmem>>) semaphore(%dma_start3A_195 : memref<!tpu.dma_semaphore, #tpu.memory_space<semaphore_mem>>)
      %dma_wait3A = arith.constant 0 : i32
      %dma_wait3A_196 = arith.constant 0 : i32
      %dma_wait3A_197 = arith.constant 0 : i32
      %dma_wait3A_198 = arith.constant 0 : i32
      %dma_wait3A_199 = arith.constant 0 : i32
      %dma_wait3A_200 = tpu.memref_slice %arg15[%dma_wait3A_196, %dma_wait3A_198, %dma_wait3A_199] : memref<2x64x128xf32, #tpu.memory_space<vmem>> -> memref<1x64x128xf32, #tpu.memory_space<vmem>>
      %dma_wait3A_201 = tpu.memref_squeeze %dma_wait3A_200 : memref<1x64x128xf32, #tpu.memory_space<vmem>> -> memref<64x128xf32, #tpu.memory_space<vmem>>
      %dma_wait3A_202 = arith.constant 0 : i32
      %dma_wait3A_203 = tpu.memref_slice %arg13[%dma_wait3A, %dma_wait3A_202] : memref<4x64xi32, #tpu.memory_space<vmem>> -> memref<1x64xi32, #tpu.memory_space<vmem>>
      %dma_wait3A_204 = tpu.memref_squeeze %dma_wait3A_203 : memref<1x64xi32, #tpu.memory_space<vmem>> -> memref<64xi32, #tpu.memory_space<vmem>>
      %dma_wait3A_205 = arith.constant 0 : i32
      %dma_wait3A_206 = arith.constant 0 : i32
      %dma_wait3A_207 = tpu.memref_slice %arg2[%dma_wait3A_205, %dma_wait3A_206] : memref<10000x128xf32, #tpu.memory_space<hbm>> -> memref<10000x128xf32, #tpu.memory_space<hbm>>
      %dma_wait3A_208 = tpu.memref_slice %arg21[%dma_wait3A_197] : memref<2x!tpu.dma_semaphore, #tpu.memory_space<semaphore_mem>> -> memref<1x!tpu.dma_semaphore, #tpu.memory_space<semaphore_mem>>
      %dma_wait3A_209 = tpu.memref_squeeze %dma_wait3A_208 : memref<1x!tpu.dma_semaphore, #tpu.memory_space<semaphore_mem>> -> memref<!tpu.dma_semaphore, #tpu.memory_space<semaphore_mem>>
      tpu.wait_indirect_dma semaphore(%dma_wait3A_209 : memref<!tpu.dma_semaphore, #tpu.memory_space<semaphore_mem>>) src(%dma_wait3A_207 : memref<10000x128xf32, #tpu.memory_space<hbm>>) dst(%dma_wait3A_201 : memref<64x128xf32, #tpu.memory_space<vmem>>)
      %dma_start3A_210 = arith.constant 0 : i32
      %dma_start3A_211 = arith.constant 0 : i32
      %dma_start3A_212 = arith.constant 0 : i32
      %dma_start3A_213 = arith.constant 0 : i32
      %dma_start3A_214 = arith.constant 0 : i32
      %dma_start3A_215 = tpu.memref_slice %arg15[%dma_start3A_210, %dma_start3A_213, %dma_start3A_214] : memref<2x64x128xf32, #tpu.memory_space<vmem>> -> memref<1x64x128xf32, #tpu.memory_space<vmem>>
      %dma_start3A_216 = tpu.memref_squeeze %dma_start3A_215 : memref<1x64x128xf32, #tpu.memory_space<vmem>> -> memref<64x128xf32, #tpu.memory_space<vmem>>
      %dma_start3A_217 = arith.constant 0 : i32
      %dma_start3A_218 = tpu.memref_slice %arg14[%dma_start3A_211, %dma_start3A_217] : memref<4x64xi32, #tpu.memory_space<vmem>> -> memref<1x64xi32, #tpu.memory_space<vmem>>
      %dma_start3A_219 = tpu.memref_squeeze %dma_start3A_218 : memref<1x64xi32, #tpu.memory_space<vmem>> -> memref<64xi32, #tpu.memory_space<vmem>>
      %dma_start3A_220 = arith.constant 0 : i32
      %dma_start3A_221 = arith.constant 0 : i32
      %dma_start3A_222 = tpu.memref_slice %arg18[%dma_start3A_220, %dma_start3A_221] : memref<10000x128xf32, #tpu.memory_space<vmem_shared>> -> memref<10000x128xf32, #tpu.memory_space<vmem_shared>>
      %dma_start3A_223 = tpu.memref_slice %arg22[%dma_start3A_212] : memref<2x!tpu.dma_semaphore, #tpu.memory_space<semaphore_mem>> -> memref<1x!tpu.dma_semaphore, #tpu.memory_space<semaphore_mem>>
      %dma_start3A_224 = tpu.memref_squeeze %dma_start3A_223 : memref<1x!tpu.dma_semaphore, #tpu.memory_space<semaphore_mem>> -> memref<!tpu.dma_semaphore, #tpu.memory_space<semaphore_mem>>
      tpu.enqueue_indirect_dma source(%dma_start3A_216 : memref<64x128xf32, #tpu.memory_space<vmem>>) target(%dma_start3A_222 : memref<10000x128xf32, #tpu.memory_space<vmem_shared>>) offsets(%dma_start3A_219 : memref<64xi32, #tpu.memory_space<vmem>>) semaphore(%dma_start3A_224 : memref<!tpu.dma_semaphore, #tpu.memory_space<semaphore_mem>>) {add = true}
      %dma_wait3A_225 = arith.constant 1 : i32
      %dma_wait3A_226 = arith.constant 1 : i32
      %dma_wait3A_227 = arith.constant 1 : i32
      %dma_wait3A_228 = arith.constant 0 : i32
      %dma_wait3A_229 = arith.constant 0 : i32
      %dma_wait3A_230 = tpu.memref_slice %arg15[%dma_wait3A_226, %dma_wait3A_228, %dma_wait3A_229] : memref<2x64x128xf32, #tpu.memory_space<vmem>> -> memref<1x64x128xf32, #tpu.memory_space<vmem>>
      %dma_wait3A_231 = tpu.memref_squeeze %dma_wait3A_230 : memref<1x64x128xf32, #tpu.memory_space<vmem>> -> memref<64x128xf32, #tpu.memory_space<vmem>>
      %dma_wait3A_232 = arith.constant 0 : i32
      %dma_wait3A_233 = tpu.memref_slice %arg13[%dma_wait3A_225, %dma_wait3A_232] : memref<4x64xi32, #tpu.memory_space<vmem>> -> memref<1x64xi32, #tpu.memory_space<vmem>>
      %dma_wait3A_234 = tpu.memref_squeeze %dma_wait3A_233 : memref<1x64xi32, #tpu.memory_space<vmem>> -> memref<64xi32, #tpu.memory_space<vmem>>
      %dma_wait3A_235 = arith.constant 0 : i32
      %dma_wait3A_236 = arith.constant 0 : i32
      %dma_wait3A_237 = tpu.memref_slice %arg2[%dma_wait3A_235, %dma_wait3A_236] : memref<10000x128xf32, #tpu.memory_space<hbm>> -> memref<10000x128xf32, #tpu.memory_space<hbm>>
      %dma_wait3A_238 = tpu.memref_slice %arg21[%dma_wait3A_227] : memref<2x!tpu.dma_semaphore, #tpu.memory_space<semaphore_mem>> -> memref<1x!tpu.dma_semaphore, #tpu.memory_space<semaphore_mem>>
      %dma_wait3A_239 = tpu.memref_squeeze %dma_wait3A_238 : memref<1x!tpu.dma_semaphore, #tpu.memory_space<semaphore_mem>> -> memref<!tpu.dma_semaphore, #tpu.memory_space<semaphore_mem>>
      tpu.wait_indirect_dma semaphore(%dma_wait3A_239 : memref<!tpu.dma_semaphore, #tpu.memory_space<semaphore_mem>>) src(%dma_wait3A_237 : memref<10000x128xf32, #tpu.memory_space<hbm>>) dst(%dma_wait3A_231 : memref<64x128xf32, #tpu.memory_space<vmem>>)
      %dma_start3A_240 = arith.constant 1 : i32
      %dma_start3A_241 = arith.constant 1 : i32
      %dma_start3A_242 = arith.constant 1 : i32
      %dma_start3A_243 = arith.constant 0 : i32
      %dma_start3A_244 = arith.constant 0 : i32
      %dma_start3A_245 = tpu.memref_slice %arg15[%dma_start3A_240, %dma_start3A_243, %dma_start3A_244] : memref<2x64x128xf32, #tpu.memory_space<vmem>> -> memref<1x64x128xf32, #tpu.memory_space<vmem>>
      %dma_start3A_246 = tpu.memref_squeeze %dma_start3A_245 : memref<1x64x128xf32, #tpu.memory_space<vmem>> -> memref<64x128xf32, #tpu.memory_space<vmem>>
      %dma_start3A_247 = arith.constant 0 : i32
      %dma_start3A_248 = tpu.memref_slice %arg14[%dma_start3A_241, %dma_start3A_247] : memref<4x64xi32, #tpu.memory_space<vmem>> -> memref<1x64xi32, #tpu.memory_space<vmem>>
      %dma_start3A_249 = tpu.memref_squeeze %dma_start3A_248 : memref<1x64xi32, #tpu.memory_space<vmem>> -> memref<64xi32, #tpu.memory_space<vmem>>
      %dma_start3A_250 = arith.constant 0 : i32
      %dma_start3A_251 = arith.constant 0 : i32
      %dma_start3A_252 = tpu.memref_slice %arg18[%dma_start3A_250, %dma_start3A_251] : memref<10000x128xf32, #tpu.memory_space<vmem_shared>> -> memref<10000x128xf32, #tpu.memory_space<vmem_shared>>
      %dma_start3A_253 = tpu.memref_slice %arg22[%dma_start3A_242] : memref<2x!tpu.dma_semaphore, #tpu.memory_space<semaphore_mem>> -> memref<1x!tpu.dma_semaphore, #tpu.memory_space<semaphore_mem>>
      %dma_start3A_254 = tpu.memref_squeeze %dma_start3A_253 : memref<1x!tpu.dma_semaphore, #tpu.memory_space<semaphore_mem>> -> memref<!tpu.dma_semaphore, #tpu.memory_space<semaphore_mem>>
      tpu.enqueue_indirect_dma source(%dma_start3A_246 : memref<64x128xf32, #tpu.memory_space<vmem>>) target(%dma_start3A_252 : memref<10000x128xf32, #tpu.memory_space<vmem_shared>>) offsets(%dma_start3A_249 : memref<64xi32, #tpu.memory_space<vmem>>) semaphore(%dma_start3A_254 : memref<!tpu.dma_semaphore, #tpu.memory_space<semaphore_mem>>) {add = true}
      %dma_wait3A_255 = arith.constant 0 : i32
      %dma_wait3A_256 = arith.constant 0 : i32
      %dma_wait3A_257 = arith.constant 0 : i32
      %dma_wait3A_258 = arith.constant 0 : i32
      %dma_wait3A_259 = arith.constant 0 : i32
      %dma_wait3A_260 = tpu.memref_slice %arg15[%dma_wait3A_255, %dma_wait3A_258, %dma_wait3A_259] : memref<2x64x128xf32, #tpu.memory_space<vmem>> -> memref<1x64x128xf32, #tpu.memory_space<vmem>>
      %dma_wait3A_261 = tpu.memref_squeeze %dma_wait3A_260 : memref<1x64x128xf32, #tpu.memory_space<vmem>> -> memref<64x128xf32, #tpu.memory_space<vmem>>
      %dma_wait3A_262 = arith.constant 0 : i32
      %dma_wait3A_263 = tpu.memref_slice %arg14[%dma_wait3A_256, %dma_wait3A_262] : memref<4x64xi32, #tpu.memory_space<vmem>> -> memref<1x64xi32, #tpu.memory_space<vmem>>
      %dma_wait3A_264 = tpu.memref_squeeze %dma_wait3A_263 : memref<1x64xi32, #tpu.memory_space<vmem>> -> memref<64xi32, #tpu.memory_space<vmem>>
      %dma_wait3A_265 = arith.constant 0 : i32
      %dma_wait3A_266 = arith.constant 0 : i32
      %dma_wait3A_267 = tpu.memref_slice %arg18[%dma_wait3A_265, %dma_wait3A_266] : memref<10000x128xf32, #tpu.memory_space<vmem_shared>> -> memref<10000x128xf32, #tpu.memory_space<vmem_shared>>
      %dma_wait3A_268 = tpu.memref_slice %arg22[%dma_wait3A_257] : memref<2x!tpu.dma_semaphore, #tpu.memory_space<semaphore_mem>> -> memref<1x!tpu.dma_semaphore, #tpu.memory_space<semaphore_mem>>
      %dma_wait3A_269 = tpu.memref_squeeze %dma_wait3A_268 : memref<1x!tpu.dma_semaphore, #tpu.memory_space<semaphore_mem>> -> memref<!tpu.dma_semaphore, #tpu.memory_space<semaphore_mem>>
      tpu.wait_indirect_dma semaphore(%dma_wait3A_269 : memref<!tpu.dma_semaphore, #tpu.memory_space<semaphore_mem>>) src(%dma_wait3A_261 : memref<64x128xf32, #tpu.memory_space<vmem>>) dst(%dma_wait3A_267 : memref<10000x128xf32, #tpu.memory_space<vmem_shared>>)
      %dma_start3A_270 = arith.constant 2 : i32
      %dma_start3A_271 = arith.constant 0 : i32
      %dma_start3A_272 = arith.constant 0 : i32
      %dma_start3A_273 = arith.constant 0 : i32
      %dma_start3A_274 = arith.constant 0 : i32
      %dma_start3A_275 = tpu.memref_slice %arg15[%dma_start3A_271, %dma_start3A_273, %dma_start3A_274] : memref<2x64x128xf32, #tpu.memory_space<vmem>> -> memref<1x64x128xf32, #tpu.memory_space<vmem>>
      %dma_start3A_276 = tpu.memref_squeeze %dma_start3A_275 : memref<1x64x128xf32, #tpu.memory_space<vmem>> -> memref<64x128xf32, #tpu.memory_space<vmem>>
      %dma_start3A_277 = arith.constant 0 : i32
      %dma_start3A_278 = tpu.memref_slice %arg13[%dma_start3A_270, %dma_start3A_277] : memref<4x64xi32, #tpu.memory_space<vmem>> -> memref<1x64xi32, #tpu.memory_space<vmem>>
      %dma_start3A_279 = tpu.memref_squeeze %dma_start3A_278 : memref<1x64xi32, #tpu.memory_space<vmem>> -> memref<64xi32, #tpu.memory_space<vmem>>
      %dma_start3A_280 = arith.constant 0 : i32
      %dma_start3A_281 = arith.constant 0 : i32
      %dma_start3A_282 = tpu.memref_slice %arg2[%dma_start3A_280, %dma_start3A_281] : memref<10000x128xf32, #tpu.memory_space<hbm>> -> memref<10000x128xf32, #tpu.memory_space<hbm>>
      %dma_start3A_283 = tpu.memref_slice %arg21[%dma_start3A_272] : memref<2x!tpu.dma_semaphore, #tpu.memory_space<semaphore_mem>> -> memref<1x!tpu.dma_semaphore, #tpu.memory_space<semaphore_mem>>
      %dma_start3A_284 = tpu.memref_squeeze %dma_start3A_283 : memref<1x!tpu.dma_semaphore, #tpu.memory_space<semaphore_mem>> -> memref<!tpu.dma_semaphore, #tpu.memory_space<semaphore_mem>>
      tpu.enqueue_indirect_dma source(%dma_start3A_282 : memref<10000x128xf32, #tpu.memory_space<hbm>>) target(%dma_start3A_276 : memref<64x128xf32, #tpu.memory_space<vmem>>) offsets(%dma_start3A_279 : memref<64xi32, #tpu.memory_space<vmem>>) semaphore(%dma_start3A_284 : memref<!tpu.dma_semaphore, #tpu.memory_space<semaphore_mem>>)
      %dma_wait3A_285 = arith.constant 1 : i32
      %dma_wait3A_286 = arith.constant 1 : i32
      %dma_wait3A_287 = arith.constant 1 : i32
      %dma_wait3A_288 = arith.constant 0 : i32
      %dma_wait3A_289 = arith.constant 0 : i32
      %dma_wait3A_290 = tpu.memref_slice %arg15[%dma_wait3A_285, %dma_wait3A_288, %dma_wait3A_289] : memref<2x64x128xf32, #tpu.memory_space<vmem>> -> memref<1x64x128xf32, #tpu.memory_space<vmem>>
      %dma_wait3A_291 = tpu.memref_squeeze %dma_wait3A_290 : memref<1x64x128xf32, #tpu.memory_space<vmem>> -> memref<64x128xf32, #tpu.memory_space<vmem>>
      %dma_wait3A_292 = arith.constant 0 : i32
      %dma_wait3A_293 = tpu.memref_slice %arg14[%dma_wait3A_286, %dma_wait3A_292] : memref<4x64xi32, #tpu.memory_space<vmem>> -> memref<1x64xi32, #tpu.memory_space<vmem>>
      %dma_wait3A_294 = tpu.memref_squeeze %dma_wait3A_293 : memref<1x64xi32, #tpu.memory_space<vmem>> -> memref<64xi32, #tpu.memory_space<vmem>>
      %dma_wait3A_295 = arith.constant 0 : i32
      %dma_wait3A_296 = arith.constant 0 : i32
      %dma_wait3A_297 = tpu.memref_slice %arg18[%dma_wait3A_295, %dma_wait3A_296] : memref<10000x128xf32, #tpu.memory_space<vmem_shared>> -> memref<10000x128xf32, #tpu.memory_space<vmem_shared>>
      %dma_wait3A_298 = tpu.memref_slice %arg22[%dma_wait3A_287] : memref<2x!tpu.dma_semaphore, #tpu.memory_space<semaphore_mem>> -> memref<1x!tpu.dma_semaphore, #tpu.memory_space<semaphore_mem>>
      %dma_wait3A_299 = tpu.memref_squeeze %dma_wait3A_298 : memref<1x!tpu.dma_semaphore, #tpu.memory_space<semaphore_mem>> -> memref<!tpu.dma_semaphore, #tpu.memory_space<semaphore_mem>>
      tpu.wait_indirect_dma semaphore(%dma_wait3A_299 : memref<!tpu.dma_semaphore, #tpu.memory_space<semaphore_mem>>) src(%dma_wait3A_291 : memref<64x128xf32, #tpu.memory_space<vmem>>) dst(%dma_wait3A_297 : memref<10000x128xf32, #tpu.memory_space<vmem_shared>>)
      %dma_start3A_300 = arith.constant 3 : i32
      %dma_start3A_301 = arith.constant 1 : i32
      %dma_start3A_302 = arith.constant 1 : i32
      %dma_start3A_303 = arith.constant 0 : i32
      %dma_start3A_304 = arith.constant 0 : i32
      %dma_start3A_305 = tpu.memref_slice %arg15[%dma_start3A_301, %dma_start3A_303, %dma_start3A_304] : memref<2x64x128xf32, #tpu.memory_space<vmem>> -> memref<1x64x128xf32, #tpu.memory_space<vmem>>
      %dma_start3A_306 = tpu.memref_squeeze %dma_start3A_305 : memref<1x64x128xf32, #tpu.memory_space<vmem>> -> memref<64x128xf32, #tpu.memory_space<vmem>>
      %dma_start3A_307 = arith.constant 0 : i32
      %dma_start3A_308 = tpu.memref_slice %arg13[%dma_start3A_300, %dma_start3A_307] : memref<4x64xi32, #tpu.memory_space<vmem>> -> memref<1x64xi32, #tpu.memory_space<vmem>>
      %dma_start3A_309 = tpu.memref_squeeze %dma_start3A_308 : memref<1x64xi32, #tpu.memory_space<vmem>> -> memref<64xi32, #tpu.memory_space<vmem>>
      %dma_start3A_310 = arith.constant 0 : i32
      %dma_start3A_311 = arith.constant 0 : i32
      %dma_start3A_312 = tpu.memref_slice %arg2[%dma_start3A_310, %dma_start3A_311] : memref<10000x128xf32, #tpu.memory_space<hbm>> -> memref<10000x128xf32, #tpu.memory_space<hbm>>
      %dma_start3A_313 = tpu.memref_slice %arg21[%dma_start3A_302] : memref<2x!tpu.dma_semaphore, #tpu.memory_space<semaphore_mem>> -> memref<1x!tpu.dma_semaphore, #tpu.memory_space<semaphore_mem>>
      %dma_start3A_314 = tpu.memref_squeeze %dma_start3A_313 : memref<1x!tpu.dma_semaphore, #tpu.memory_space<semaphore_mem>> -> memref<!tpu.dma_semaphore, #tpu.memory_space<semaphore_mem>>
      tpu.enqueue_indirect_dma source(%dma_start3A_312 : memref<10000x128xf32, #tpu.memory_space<hbm>>) target(%dma_start3A_306 : memref<64x128xf32, #tpu.memory_space<vmem>>) offsets(%dma_start3A_309 : memref<64xi32, #tpu.memory_space<vmem>>) semaphore(%dma_start3A_314 : memref<!tpu.dma_semaphore, #tpu.memory_space<semaphore_mem>>)
      %dma_wait3A_315 = arith.constant 2 : i32
      %dma_wait3A_316 = arith.constant 0 : i32
      %dma_wait3A_317 = arith.constant 0 : i32
      %dma_wait3A_318 = arith.constant 0 : i32
      %dma_wait3A_319 = arith.constant 0 : i32
      %dma_wait3A_320 = tpu.memref_slice %arg15[%dma_wait3A_316, %dma_wait3A_318, %dma_wait3A_319] : memref<2x64x128xf32, #tpu.memory_space<vmem>> -> memref<1x64x128xf32, #tpu.memory_space<vmem>>
      %dma_wait3A_321 = tpu.memref_squeeze %dma_wait3A_320 : memref<1x64x128xf32, #tpu.memory_space<vmem>> -> memref<64x128xf32, #tpu.memory_space<vmem>>
      %dma_wait3A_322 = arith.constant 0 : i32
      %dma_wait3A_323 = tpu.memref_slice %arg13[%dma_wait3A_315, %dma_wait3A_322] : memref<4x64xi32, #tpu.memory_space<vmem>> -> memref<1x64xi32, #tpu.memory_space<vmem>>
      %dma_wait3A_324 = tpu.memref_squeeze %dma_wait3A_323 : memref<1x64xi32, #tpu.memory_space<vmem>> -> memref<64xi32, #tpu.memory_space<vmem>>
      %dma_wait3A_325 = arith.constant 0 : i32
      %dma_wait3A_326 = arith.constant 0 : i32
      %dma_wait3A_327 = tpu.memref_slice %arg2[%dma_wait3A_325, %dma_wait3A_326] : memref<10000x128xf32, #tpu.memory_space<hbm>> -> memref<10000x128xf32, #tpu.memory_space<hbm>>
      %dma_wait3A_328 = tpu.memref_slice %arg21[%dma_wait3A_317] : memref<2x!tpu.dma_semaphore, #tpu.memory_space<semaphore_mem>> -> memref<1x!tpu.dma_semaphore, #tpu.memory_space<semaphore_mem>>
      %dma_wait3A_329 = tpu.memref_squeeze %dma_wait3A_328 : memref<1x!tpu.dma_semaphore, #tpu.memory_space<semaphore_mem>> -> memref<!tpu.dma_semaphore, #tpu.memory_space<semaphore_mem>>
      tpu.wait_indirect_dma semaphore(%dma_wait3A_329 : memref<!tpu.dma_semaphore, #tpu.memory_space<semaphore_mem>>) src(%dma_wait3A_327 : memref<10000x128xf32, #tpu.memory_space<hbm>>) dst(%dma_wait3A_321 : memref<64x128xf32, #tpu.memory_space<vmem>>)
      %dma_start3A_330 = arith.constant 0 : i32
      %dma_start3A_331 = arith.constant 2 : i32
      %dma_start3A_332 = arith.constant 0 : i32
      %dma_start3A_333 = arith.constant 0 : i32
      %dma_start3A_334 = arith.constant 0 : i32
      %dma_start3A_335 = tpu.memref_slice %arg15[%dma_start3A_330, %dma_start3A_333, %dma_start3A_334] : memref<2x64x128xf32, #tpu.memory_space<vmem>> -> memref<1x64x128xf32, #tpu.memory_space<vmem>>
      %dma_start3A_336 = tpu.memref_squeeze %dma_start3A_335 : memref<1x64x128xf32, #tpu.memory_space<vmem>> -> memref<64x128xf32, #tpu.memory_space<vmem>>
      %dma_start3A_337 = arith.constant 0 : i32
      %dma_start3A_338 = tpu.memref_slice %arg14[%dma_start3A_331, %dma_start3A_337] : memref<4x64xi32, #tpu.memory_space<vmem>> -> memref<1x64xi32, #tpu.memory_space<vmem>>
      %dma_start3A_339 = tpu.memref_squeeze %dma_start3A_338 : memref<1x64xi32, #tpu.memory_space<vmem>> -> memref<64xi32, #tpu.memory_space<vmem>>
      %dma_start3A_340 = arith.constant 0 : i32
      %dma_start3A_341 = arith.constant 0 : i32
      %dma_start3A_342 = tpu.memref_slice %arg18[%dma_start3A_340, %dma_start3A_341] : memref<10000x128xf32, #tpu.memory_space<vmem_shared>> -> memref<10000x128xf32, #tpu.memory_space<vmem_shared>>
      %dma_start3A_343 = tpu.memref_slice %arg22[%dma_start3A_332] : memref<2x!tpu.dma_semaphore, #tpu.memory_space<semaphore_mem>> -> memref<1x!tpu.dma_semaphore, #tpu.memory_space<semaphore_mem>>
      %dma_start3A_344 = tpu.memref_squeeze %dma_start3A_343 : memref<1x!tpu.dma_semaphore, #tpu.memory_space<semaphore_mem>> -> memref<!tpu.dma_semaphore, #tpu.memory_space<semaphore_mem>>
      tpu.enqueue_indirect_dma source(%dma_start3A_336 : memref<64x128xf32, #tpu.memory_space<vmem>>) target(%dma_start3A_342 : memref<10000x128xf32, #tpu.memory_space<vmem_shared>>) offsets(%dma_start3A_339 : memref<64xi32, #tpu.memory_space<vmem>>) semaphore(%dma_start3A_344 : memref<!tpu.dma_semaphore, #tpu.memory_space<semaphore_mem>>) {add = true}
      %dma_wait3A_345 = arith.constant 3 : i32
      %dma_wait3A_346 = arith.constant 1 : i32
      %dma_wait3A_347 = arith.constant 1 : i32
      %dma_wait3A_348 = arith.constant 0 : i32
      %dma_wait3A_349 = arith.constant 0 : i32
      %dma_wait3A_350 = tpu.memref_slice %arg15[%dma_wait3A_346, %dma_wait3A_348, %dma_wait3A_349] : memref<2x64x128xf32, #tpu.memory_space<vmem>> -> memref<1x64x128xf32, #tpu.memory_space<vmem>>
      %dma_wait3A_351 = tpu.memref_squeeze %dma_wait3A_350 : memref<1x64x128xf32, #tpu.memory_space<vmem>> -> memref<64x128xf32, #tpu.memory_space<vmem>>
      %dma_wait3A_352 = arith.constant 0 : i32
      %dma_wait3A_353 = tpu.memref_slice %arg13[%dma_wait3A_345, %dma_wait3A_352] : memref<4x64xi32, #tpu.memory_space<vmem>> -> memref<1x64xi32, #tpu.memory_space<vmem>>
      %dma_wait3A_354 = tpu.memref_squeeze %dma_wait3A_353 : memref<1x64xi32, #tpu.memory_space<vmem>> -> memref<64xi32, #tpu.memory_space<vmem>>
      %dma_wait3A_355 = arith.constant 0 : i32
      %dma_wait3A_356 = arith.constant 0 : i32
      %dma_wait3A_357 = tpu.memref_slice %arg2[%dma_wait3A_355, %dma_wait3A_356] : memref<10000x128xf32, #tpu.memory_space<hbm>> -> memref<10000x128xf32, #tpu.memory_space<hbm>>
      %dma_wait3A_358 = tpu.memref_slice %arg21[%dma_wait3A_347] : memref<2x!tpu.dma_semaphore, #tpu.memory_space<semaphore_mem>> -> memref<1x!tpu.dma_semaphore, #tpu.memory_space<semaphore_mem>>
      %dma_wait3A_359 = tpu.memref_squeeze %dma_wait3A_358 : memref<1x!tpu.dma_semaphore, #tpu.memory_space<semaphore_mem>> -> memref<!tpu.dma_semaphore, #tpu.memory_space<semaphore_mem>>
      tpu.wait_indirect_dma semaphore(%dma_wait3A_359 : memref<!tpu.dma_semaphore, #tpu.memory_space<semaphore_mem>>) src(%dma_wait3A_357 : memref<10000x128xf32, #tpu.memory_space<hbm>>) dst(%dma_wait3A_351 : memref<64x128xf32, #tpu.memory_space<vmem>>)
      %dma_start3A_360 = arith.constant 1 : i32
      %dma_start3A_361 = arith.constant 3 : i32
      %dma_start3A_362 = arith.constant 1 : i32
      %dma_start3A_363 = arith.constant 0 : i32
      %dma_start3A_364 = arith.constant 0 : i32
      %dma_start3A_365 = tpu.memref_slice %arg15[%dma_start3A_360, %dma_start3A_363, %dma_start3A_364] : memref<2x64x128xf32, #tpu.memory_space<vmem>> -> memref<1x64x128xf32, #tpu.memory_space<vmem>>
      %dma_start3A_366 = tpu.memref_squeeze %dma_start3A_365 : memref<1x64x128xf32, #tpu.memory_space<vmem>> -> memref<64x128xf32, #tpu.memory_space<vmem>>
      %dma_start3A_367 = arith.constant 0 : i32
      %dma_start3A_368 = tpu.memref_slice %arg14[%dma_start3A_361, %dma_start3A_367] : memref<4x64xi32, #tpu.memory_space<vmem>> -> memref<1x64xi32, #tpu.memory_space<vmem>>
      %dma_start3A_369 = tpu.memref_squeeze %dma_start3A_368 : memref<1x64xi32, #tpu.memory_space<vmem>> -> memref<64xi32, #tpu.memory_space<vmem>>
      %dma_start3A_370 = arith.constant 0 : i32
      %dma_start3A_371 = arith.constant 0 : i32
      %dma_start3A_372 = tpu.memref_slice %arg18[%dma_start3A_370, %dma_start3A_371] : memref<10000x128xf32, #tpu.memory_space<vmem_shared>> -> memref<10000x128xf32, #tpu.memory_space<vmem_shared>>
      %dma_start3A_373 = tpu.memref_slice %arg22[%dma_start3A_362] : memref<2x!tpu.dma_semaphore, #tpu.memory_space<semaphore_mem>> -> memref<1x!tpu.dma_semaphore, #tpu.memory_space<semaphore_mem>>
      %dma_start3A_374 = tpu.memref_squeeze %dma_start3A_373 : memref<1x!tpu.dma_semaphore, #tpu.memory_space<semaphore_mem>> -> memref<!tpu.dma_semaphore, #tpu.memory_space<semaphore_mem>>
      tpu.enqueue_indirect_dma source(%dma_start3A_366 : memref<64x128xf32, #tpu.memory_space<vmem>>) target(%dma_start3A_372 : memref<10000x128xf32, #tpu.memory_space<vmem_shared>>) offsets(%dma_start3A_369 : memref<64xi32, #tpu.memory_space<vmem>>) semaphore(%dma_start3A_374 : memref<!tpu.dma_semaphore, #tpu.memory_space<semaphore_mem>>) {add = true}
      %dma_wait3A_375 = arith.constant 0 : i32
      %dma_wait3A_376 = arith.constant 2 : i32
      %dma_wait3A_377 = arith.constant 0 : i32
      %dma_wait3A_378 = arith.constant 0 : i32
      %dma_wait3A_379 = arith.constant 0 : i32
      %dma_wait3A_380 = tpu.memref_slice %arg15[%dma_wait3A_375, %dma_wait3A_378, %dma_wait3A_379] : memref<2x64x128xf32, #tpu.memory_space<vmem>> -> memref<1x64x128xf32, #tpu.memory_space<vmem>>
      %dma_wait3A_381 = tpu.memref_squeeze %dma_wait3A_380 : memref<1x64x128xf32, #tpu.memory_space<vmem>> -> memref<64x128xf32, #tpu.memory_space<vmem>>
      %dma_wait3A_382 = arith.constant 0 : i32
      %dma_wait3A_383 = tpu.memref_slice %arg14[%dma_wait3A_376, %dma_wait3A_382] : memref<4x64xi32, #tpu.memory_space<vmem>> -> memref<1x64xi32, #tpu.memory_space<vmem>>
      %dma_wait3A_384 = tpu.memref_squeeze %dma_wait3A_383 : memref<1x64xi32, #tpu.memory_space<vmem>> -> memref<64xi32, #tpu.memory_space<vmem>>
      %dma_wait3A_385 = arith.constant 0 : i32
      %dma_wait3A_386 = arith.constant 0 : i32
      %dma_wait3A_387 = tpu.memref_slice %arg18[%dma_wait3A_385, %dma_wait3A_386] : memref<10000x128xf32, #tpu.memory_space<vmem_shared>> -> memref<10000x128xf32, #tpu.memory_space<vmem_shared>>
      %dma_wait3A_388 = tpu.memref_slice %arg22[%dma_wait3A_377] : memref<2x!tpu.dma_semaphore, #tpu.memory_space<semaphore_mem>> -> memref<1x!tpu.dma_semaphore, #tpu.memory_space<semaphore_mem>>
      %dma_wait3A_389 = tpu.memref_squeeze %dma_wait3A_388 : memref<1x!tpu.dma_semaphore, #tpu.memory_space<semaphore_mem>> -> memref<!tpu.dma_semaphore, #tpu.memory_space<semaphore_mem>>
      tpu.wait_indirect_dma semaphore(%dma_wait3A_389 : memref<!tpu.dma_semaphore, #tpu.memory_space<semaphore_mem>>) src(%dma_wait3A_381 : memref<64x128xf32, #tpu.memory_space<vmem>>) dst(%dma_wait3A_387 : memref<10000x128xf32, #tpu.memory_space<vmem_shared>>)
      %dma_wait3A_390 = arith.constant 1 : i32
      %dma_wait3A_391 = arith.constant 3 : i32
      %dma_wait3A_392 = arith.constant 1 : i32
      %dma_wait3A_393 = arith.constant 0 : i32
      %dma_wait3A_394 = arith.constant 0 : i32
      %dma_wait3A_395 = tpu.memref_slice %arg15[%dma_wait3A_390, %dma_wait3A_393, %dma_wait3A_394] : memref<2x64x128xf32, #tpu.memory_space<vmem>> -> memref<1x64x128xf32, #tpu.memory_space<vmem>>
      %dma_wait3A_396 = tpu.memref_squeeze %dma_wait3A_395 : memref<1x64x128xf32, #tpu.memory_space<vmem>> -> memref<64x128xf32, #tpu.memory_space<vmem>>
      %dma_wait3A_397 = arith.constant 0 : i32
      %dma_wait3A_398 = tpu.memref_slice %arg14[%dma_wait3A_391, %dma_wait3A_397] : memref<4x64xi32, #tpu.memory_space<vmem>> -> memref<1x64xi32, #tpu.memory_space<vmem>>
      %dma_wait3A_399 = tpu.memref_squeeze %dma_wait3A_398 : memref<1x64xi32, #tpu.memory_space<vmem>> -> memref<64xi32, #tpu.memory_space<vmem>>
      %dma_wait3A_400 = arith.constant 0 : i32
      %dma_wait3A_401 = arith.constant 0 : i32
      %dma_wait3A_402 = tpu.memref_slice %arg18[%dma_wait3A_400, %dma_wait3A_401] : memref<10000x128xf32, #tpu.memory_space<vmem_shared>> -> memref<10000x128xf32, #tpu.memory_space<vmem_shared>>
      %dma_wait3A_403 = tpu.memref_slice %arg22[%dma_wait3A_392] : memref<2x!tpu.dma_semaphore, #tpu.memory_space<semaphore_mem>> -> memref<1x!tpu.dma_semaphore, #tpu.memory_space<semaphore_mem>>
      %dma_wait3A_404 = tpu.memref_squeeze %dma_wait3A_403 : memref<1x!tpu.dma_semaphore, #tpu.memory_space<semaphore_mem>> -> memref<!tpu.dma_semaphore, #tpu.memory_space<semaphore_mem>>
      tpu.wait_indirect_dma semaphore(%dma_wait3A_404 : memref<!tpu.dma_semaphore, #tpu.memory_space<semaphore_mem>>) src(%dma_wait3A_396 : memref<64x128xf32, #tpu.memory_space<vmem>>) dst(%dma_wait3A_402 : memref<10000x128xf32, #tpu.memory_space<vmem_shared>>)
      %dma_wait3A_405 = arith.constant 0 : i32
      %dma_wait3A_406 = arith.constant 0 : i32
      %dma_wait3A_407 = arith.constant 0 : i32
      %dma_wait3A_408 = arith.constant 0 : i32
      %dma_wait3A_409 = tpu.memref_slice %arg16[%dma_wait3A_407, %dma_wait3A_408] : memref<256x16xf32, #tpu.memory_space<vmem>> -> memref<64x16xf32, #tpu.memory_space<vmem>>
      %dma_wait3A_410 = arith.constant 0 : i32
      %dma_wait3A_411 = tpu.memref_slice %arg14[%dma_wait3A_405, %dma_wait3A_410] : memref<4x64xi32, #tpu.memory_space<vmem>> -> memref<1x64xi32, #tpu.memory_space<vmem>>
      %dma_wait3A_412 = tpu.memref_squeeze %dma_wait3A_411 : memref<1x64xi32, #tpu.memory_space<vmem>> -> memref<64xi32, #tpu.memory_space<vmem>>
      %dma_wait3A_413 = arith.constant 0 : i32
      %dma_wait3A_414 = arith.constant 0 : i32
      %dma_wait3A_415 = tpu.memref_slice %arg19[%dma_wait3A_413, %dma_wait3A_414] : memref<10000x16xf32, #tpu.memory_space<vmem_shared>> -> memref<10000x16xf32, #tpu.memory_space<vmem_shared>>
      %dma_wait3A_416 = tpu.memref_slice %arg23[%dma_wait3A_406] : memref<2x!tpu.dma_semaphore, #tpu.memory_space<semaphore_mem>> -> memref<1x!tpu.dma_semaphore, #tpu.memory_space<semaphore_mem>>
      %dma_wait3A_417 = tpu.memref_squeeze %dma_wait3A_416 : memref<1x!tpu.dma_semaphore, #tpu.memory_space<semaphore_mem>> -> memref<!tpu.dma_semaphore, #tpu.memory_space<semaphore_mem>>
      tpu.wait_indirect_dma semaphore(%dma_wait3A_417 : memref<!tpu.dma_semaphore, #tpu.memory_space<semaphore_mem>>) src(%dma_wait3A_409 : memref<64x16xf32, #tpu.memory_space<vmem>>) dst(%dma_wait3A_415 : memref<10000x16xf32, #tpu.memory_space<vmem_shared>>)
      %dma_wait3A_418 = arith.constant 0 : i32
      %dma_wait3A_419 = arith.constant 1 : i32
      %dma_wait3A_420 = arith.constant 0 : i32
      %dma_wait3A_421 = tpu.memref_slice %arg14[%dma_wait3A_418, %dma_wait3A_420] : memref<4x64xi32, #tpu.memory_space<vmem>> -> memref<1x64xi32, #tpu.memory_space<vmem>>
      %dma_wait3A_422 = tpu.memref_squeeze %dma_wait3A_421 : memref<1x64xi32, #tpu.memory_space<vmem>> -> memref<64xi32, #tpu.memory_space<vmem>>
      %dma_wait3A_423 = arith.constant 0 : i32
      %dma_wait3A_424 = arith.constant 0 : i32
      %dma_wait3A_425 = tpu.memref_slice %arg20[%dma_wait3A_423, %dma_wait3A_424] : memref<10000x8xf32, #tpu.memory_space<vmem_shared>> -> memref<10000x8xf32, #tpu.memory_space<vmem_shared>>
      %dma_wait3A_426 = tpu.memref_slice %arg23[%dma_wait3A_419] : memref<2x!tpu.dma_semaphore, #tpu.memory_space<semaphore_mem>> -> memref<1x!tpu.dma_semaphore, #tpu.memory_space<semaphore_mem>>
      %dma_wait3A_427 = tpu.memref_squeeze %dma_wait3A_426 : memref<1x!tpu.dma_semaphore, #tpu.memory_space<semaphore_mem>> -> memref<!tpu.dma_semaphore, #tpu.memory_space<semaphore_mem>>
      tpu.wait_indirect_dma semaphore(%dma_wait3A_427 : memref<!tpu.dma_semaphore, #tpu.memory_space<semaphore_mem>>) src(%arg17 : memref<64x8xf32, #tpu.memory_space<vmem>>) dst(%dma_wait3A_425 : memref<10000x8xf32, #tpu.memory_space<vmem_shared>>)
      %dma_wait3A_428 = arith.constant 1 : i32
      %dma_wait3A_429 = arith.constant 0 : i32
      %dma_wait3A_430 = arith.constant 64 : i32
      %dma_wait3A_431 = arith.constant 0 : i32
      %dma_wait3A_432 = tpu.memref_slice %arg16[%dma_wait3A_430, %dma_wait3A_431] : memref<256x16xf32, #tpu.memory_space<vmem>> -> memref<64x16xf32, #tpu.memory_space<vmem>>
      %dma_wait3A_433 = arith.constant 0 : i32
      %dma_wait3A_434 = tpu.memref_slice %arg14[%dma_wait3A_428, %dma_wait3A_433] : memref<4x64xi32, #tpu.memory_space<vmem>> -> memref<1x64xi32, #tpu.memory_space<vmem>>
      %dma_wait3A_435 = tpu.memref_squeeze %dma_wait3A_434 : memref<1x64xi32, #tpu.memory_space<vmem>> -> memref<64xi32, #tpu.memory_space<vmem>>
      %dma_wait3A_436 = arith.constant 0 : i32
      %dma_wait3A_437 = arith.constant 0 : i32
      %dma_wait3A_438 = tpu.memref_slice %arg19[%dma_wait3A_436, %dma_wait3A_437] : memref<10000x16xf32, #tpu.memory_space<vmem_shared>> -> memref<10000x16xf32, #tpu.memory_space<vmem_shared>>
      %dma_wait3A_439 = tpu.memref_slice %arg23[%dma_wait3A_429] : memref<2x!tpu.dma_semaphore, #tpu.memory_space<semaphore_mem>> -> memref<1x!tpu.dma_semaphore, #tpu.memory_space<semaphore_mem>>
      %dma_wait3A_440 = tpu.memref_squeeze %dma_wait3A_439 : memref<1x!tpu.dma_semaphore, #tpu.memory_space<semaphore_mem>> -> memref<!tpu.dma_semaphore, #tpu.memory_space<semaphore_mem>>
      tpu.wait_indirect_dma semaphore(%dma_wait3A_440 : memref<!tpu.dma_semaphore, #tpu.memory_space<semaphore_mem>>) src(%dma_wait3A_432 : memref<64x16xf32, #tpu.memory_space<vmem>>) dst(%dma_wait3A_438 : memref<10000x16xf32, #tpu.memory_space<vmem_shared>>)
      %dma_wait3A_441 = arith.constant 1 : i32
      %dma_wait3A_442 = arith.constant 1 : i32
      %dma_wait3A_443 = arith.constant 0 : i32
      %dma_wait3A_444 = tpu.memref_slice %arg14[%dma_wait3A_441, %dma_wait3A_443] : memref<4x64xi32, #tpu.memory_space<vmem>> -> memref<1x64xi32, #tpu.memory_space<vmem>>
      %dma_wait3A_445 = tpu.memref_squeeze %dma_wait3A_444 : memref<1x64xi32, #tpu.memory_space<vmem>> -> memref<64xi32, #tpu.memory_space<vmem>>
      %dma_wait3A_446 = arith.constant 0 : i32
      %dma_wait3A_447 = arith.constant 0 : i32
      %dma_wait3A_448 = tpu.memref_slice %arg20[%dma_wait3A_446, %dma_wait3A_447] : memref<10000x8xf32, #tpu.memory_space<vmem_shared>> -> memref<10000x8xf32, #tpu.memory_space<vmem_shared>>
      %dma_wait3A_449 = tpu.memref_slice %arg23[%dma_wait3A_442] : memref<2x!tpu.dma_semaphore, #tpu.memory_space<semaphore_mem>> -> memref<1x!tpu.dma_semaphore, #tpu.memory_space<semaphore_mem>>
      %dma_wait3A_450 = tpu.memref_squeeze %dma_wait3A_449 : memref<1x!tpu.dma_semaphore, #tpu.memory_space<semaphore_mem>> -> memref<!tpu.dma_semaphore, #tpu.memory_space<semaphore_mem>>
      tpu.wait_indirect_dma semaphore(%dma_wait3A_450 : memref<!tpu.dma_semaphore, #tpu.memory_space<semaphore_mem>>) src(%arg17 : memref<64x8xf32, #tpu.memory_space<vmem>>) dst(%dma_wait3A_448 : memref<10000x8xf32, #tpu.memory_space<vmem_shared>>)
      %dma_wait3A_451 = arith.constant 2 : i32
      %dma_wait3A_452 = arith.constant 0 : i32
      %dma_wait3A_453 = arith.constant 128 : i32
      %dma_wait3A_454 = arith.constant 0 : i32
      %dma_wait3A_455 = tpu.memref_slice %arg16[%dma_wait3A_453, %dma_wait3A_454] : memref<256x16xf32, #tpu.memory_space<vmem>> -> memref<64x16xf32, #tpu.memory_space<vmem>>
      %dma_wait3A_456 = arith.constant 0 : i32
      %dma_wait3A_457 = tpu.memref_slice %arg14[%dma_wait3A_451, %dma_wait3A_456] : memref<4x64xi32, #tpu.memory_space<vmem>> -> memref<1x64xi32, #tpu.memory_space<vmem>>
      %dma_wait3A_458 = tpu.memref_squeeze %dma_wait3A_457 : memref<1x64xi32, #tpu.memory_space<vmem>> -> memref<64xi32, #tpu.memory_space<vmem>>
      %dma_wait3A_459 = arith.constant 0 : i32
      %dma_wait3A_460 = arith.constant 0 : i32
      %dma_wait3A_461 = tpu.memref_slice %arg19[%dma_wait3A_459, %dma_wait3A_460] : memref<10000x16xf32, #tpu.memory_space<vmem_shared>> -> memref<10000x16xf32, #tpu.memory_space<vmem_shared>>
      %dma_wait3A_462 = tpu.memref_slice %arg23[%dma_wait3A_452] : memref<2x!tpu.dma_semaphore, #tpu.memory_space<semaphore_mem>> -> memref<1x!tpu.dma_semaphore, #tpu.memory_space<semaphore_mem>>
      %dma_wait3A_463 = tpu.memref_squeeze %dma_wait3A_462 : memref<1x!tpu.dma_semaphore, #tpu.memory_space<semaphore_mem>> -> memref<!tpu.dma_semaphore, #tpu.memory_space<semaphore_mem>>
      tpu.wait_indirect_dma semaphore(%dma_wait3A_463 : memref<!tpu.dma_semaphore, #tpu.memory_space<semaphore_mem>>) src(%dma_wait3A_455 : memref<64x16xf32, #tpu.memory_space<vmem>>) dst(%dma_wait3A_461 : memref<10000x16xf32, #tpu.memory_space<vmem_shared>>)
      %dma_wait3A_464 = arith.constant 2 : i32
      %dma_wait3A_465 = arith.constant 1 : i32
      %dma_wait3A_466 = arith.constant 0 : i32
      %dma_wait3A_467 = tpu.memref_slice %arg14[%dma_wait3A_464, %dma_wait3A_466] : memref<4x64xi32, #tpu.memory_space<vmem>> -> memref<1x64xi32, #tpu.memory_space<vmem>>
      %dma_wait3A_468 = tpu.memref_squeeze %dma_wait3A_467 : memref<1x64xi32, #tpu.memory_space<vmem>> -> memref<64xi32, #tpu.memory_space<vmem>>
      %dma_wait3A_469 = arith.constant 0 : i32
      %dma_wait3A_470 = arith.constant 0 : i32
      %dma_wait3A_471 = tpu.memref_slice %arg20[%dma_wait3A_469, %dma_wait3A_470] : memref<10000x8xf32, #tpu.memory_space<vmem_shared>> -> memref<10000x8xf32, #tpu.memory_space<vmem_shared>>
      %dma_wait3A_472 = tpu.memref_slice %arg23[%dma_wait3A_465] : memref<2x!tpu.dma_semaphore, #tpu.memory_space<semaphore_mem>> -> memref<1x!tpu.dma_semaphore, #tpu.memory_space<semaphore_mem>>
      %dma_wait3A_473 = tpu.memref_squeeze %dma_wait3A_472 : memref<1x!tpu.dma_semaphore, #tpu.memory_space<semaphore_mem>> -> memref<!tpu.dma_semaphore, #tpu.memory_space<semaphore_mem>>
      tpu.wait_indirect_dma semaphore(%dma_wait3A_473 : memref<!tpu.dma_semaphore, #tpu.memory_space<semaphore_mem>>) src(%arg17 : memref<64x8xf32, #tpu.memory_space<vmem>>) dst(%dma_wait3A_471 : memref<10000x8xf32, #tpu.memory_space<vmem_shared>>)
      %dma_wait3A_474 = arith.constant 3 : i32
      %dma_wait3A_475 = arith.constant 0 : i32
      %dma_wait3A_476 = arith.constant 192 : i32
      %dma_wait3A_477 = arith.constant 0 : i32
      %dma_wait3A_478 = tpu.memref_slice %arg16[%dma_wait3A_476, %dma_wait3A_477] : memref<256x16xf32, #tpu.memory_space<vmem>> -> memref<64x16xf32, #tpu.memory_space<vmem>>
      %dma_wait3A_479 = arith.constant 0 : i32
      %dma_wait3A_480 = tpu.memref_slice %arg14[%dma_wait3A_474, %dma_wait3A_479] : memref<4x64xi32, #tpu.memory_space<vmem>> -> memref<1x64xi32, #tpu.memory_space<vmem>>
      %dma_wait3A_481 = tpu.memref_squeeze %dma_wait3A_480 : memref<1x64xi32, #tpu.memory_space<vmem>> -> memref<64xi32, #tpu.memory_space<vmem>>
      %dma_wait3A_482 = arith.constant 0 : i32
      %dma_wait3A_483 = arith.constant 0 : i32
      %dma_wait3A_484 = tpu.memref_slice %arg19[%dma_wait3A_482, %dma_wait3A_483] : memref<10000x16xf32, #tpu.memory_space<vmem_shared>> -> memref<10000x16xf32, #tpu.memory_space<vmem_shared>>
      %dma_wait3A_485 = tpu.memref_slice %arg23[%dma_wait3A_475] : memref<2x!tpu.dma_semaphore, #tpu.memory_space<semaphore_mem>> -> memref<1x!tpu.dma_semaphore, #tpu.memory_space<semaphore_mem>>
      %dma_wait3A_486 = tpu.memref_squeeze %dma_wait3A_485 : memref<1x!tpu.dma_semaphore, #tpu.memory_space<semaphore_mem>> -> memref<!tpu.dma_semaphore, #tpu.memory_space<semaphore_mem>>
      tpu.wait_indirect_dma semaphore(%dma_wait3A_486 : memref<!tpu.dma_semaphore, #tpu.memory_space<semaphore_mem>>) src(%dma_wait3A_478 : memref<64x16xf32, #tpu.memory_space<vmem>>) dst(%dma_wait3A_484 : memref<10000x16xf32, #tpu.memory_space<vmem_shared>>)
      %dma_wait3A_487 = arith.constant 3 : i32
      %dma_wait3A_488 = arith.constant 1 : i32
      %dma_wait3A_489 = arith.constant 0 : i32
      %dma_wait3A_490 = tpu.memref_slice %arg14[%dma_wait3A_487, %dma_wait3A_489] : memref<4x64xi32, #tpu.memory_space<vmem>> -> memref<1x64xi32, #tpu.memory_space<vmem>>
      %dma_wait3A_491 = tpu.memref_squeeze %dma_wait3A_490 : memref<1x64xi32, #tpu.memory_space<vmem>> -> memref<64xi32, #tpu.memory_space<vmem>>
      %dma_wait3A_492 = arith.constant 0 : i32
      %dma_wait3A_493 = arith.constant 0 : i32
      %dma_wait3A_494 = tpu.memref_slice %arg20[%dma_wait3A_492, %dma_wait3A_493] : memref<10000x8xf32, #tpu.memory_space<vmem_shared>> -> memref<10000x8xf32, #tpu.memory_space<vmem_shared>>
      %dma_wait3A_495 = tpu.memref_slice %arg23[%dma_wait3A_488] : memref<2x!tpu.dma_semaphore, #tpu.memory_space<semaphore_mem>> -> memref<1x!tpu.dma_semaphore, #tpu.memory_space<semaphore_mem>>
      %dma_wait3A_496 = tpu.memref_squeeze %dma_wait3A_495 : memref<1x!tpu.dma_semaphore, #tpu.memory_space<semaphore_mem>> -> memref<!tpu.dma_semaphore, #tpu.memory_space<semaphore_mem>>
      tpu.wait_indirect_dma semaphore(%dma_wait3A_496 : memref<!tpu.dma_semaphore, #tpu.memory_space<semaphore_mem>>) src(%arg17 : memref<64x8xf32, #tpu.memory_space<vmem>>) dst(%dma_wait3A_494 : memref<10000x8xf32, #tpu.memory_space<vmem_shared>>)
    }
    %barrier3A_61 = arith.constant 0 : index
    tpu.barrier barrier_id(%barrier3A_61)
    %lt3A_62 = arith.constant 15 : i32
    %lt3A_63 = arith.cmpi slt, %arg1, %lt3A_62 : i32
    %convert_element_type3A_64 = arith.extui %lt3A_63 : i1 to i32
    %cond3A_65 = arith.constant 0 : i32
    %cond3A_66 = arith.cmpi ne, %convert_element_type3A_64, %cond3A_65 : i32
    scf.if %cond3A_66 {
      %mul3A_72 = arith.constant 632 : i32
      %mul3A_73 = arith.muli %arg1, %mul3A_72 : i32
      "tpu.region"() ({
        %run_scoped3A = tpu.sem_alloc : memref<!tpu.dma_semaphore, #tpu.memory_space<semaphore_mem>>
        %dma_start3A = arith.constant 0 : i32
        %dma_start3A_74 = tpu.memref_slice %arg10[%arg0, %mul3A_73, %dma_start3A] : memref<2x10000x128xf32, #tpu.memory_space<hbm>> -> memref<1x632x128xf32, #tpu.memory_space<hbm>>
        %dma_start3A_75 = tpu.memref_squeeze %dma_start3A_74 : memref<1x632x128xf32, #tpu.memory_space<hbm>> -> memref<632x128xf32, #tpu.memory_space<hbm>>
        %dma_start3A_76 = arith.constant 0 : i32
        %dma_start3A_77 = tpu.memref_slice %arg18[%mul3A_73, %dma_start3A_76] : memref<10000x128xf32, #tpu.memory_space<vmem_shared>> -> memref<632x128xf32, #tpu.memory_space<vmem_shared>>
        tpu.enqueue_dma source(%dma_start3A_77 : memref<632x128xf32, #tpu.memory_space<vmem_shared>>) target(%dma_start3A_75 : memref<632x128xf32, #tpu.memory_space<hbm>>) target_semaphore(%run_scoped3A : memref<!tpu.dma_semaphore, #tpu.memory_space<semaphore_mem>>)
        %dma_wait3A = arith.constant 0 : i32
        %dma_wait3A_78 = tpu.memref_slice %arg10[%arg0, %mul3A_73, %dma_wait3A] : memref<2x10000x128xf32, #tpu.memory_space<hbm>> -> memref<1x632x128xf32, #tpu.memory_space<hbm>>
        %dma_wait3A_79 = tpu.memref_squeeze %dma_wait3A_78 : memref<1x632x128xf32, #tpu.memory_space<hbm>> -> memref<632x128xf32, #tpu.memory_space<hbm>>
        %dma_wait3A_80 = arith.constant 0 : i32
        %dma_wait3A_81 = tpu.memref_slice %arg18[%mul3A_73, %dma_wait3A_80] : memref<10000x128xf32, #tpu.memory_space<vmem_shared>> -> memref<632x128xf32, #tpu.memory_space<vmem_shared>>
        tpu.wait_dma2 semaphore(%run_scoped3A : memref<!tpu.dma_semaphore, #tpu.memory_space<semaphore_mem>>) src(%dma_wait3A_81 : memref<632x128xf32, #tpu.memory_space<vmem_shared>>) dst(%dma_wait3A_79 : memref<632x128xf32, #tpu.memory_space<hbm>>)
        tpu.yield
      }) : () -> ()
      "tpu.region"() ({
        %run_scoped3A = tpu.sem_alloc : memref<!tpu.dma_semaphore, #tpu.memory_space<semaphore_mem>>
        %dma_start3A = arith.constant 0 : i32
        %dma_start3A_74 = tpu.memref_slice %arg11[%arg0, %mul3A_73, %dma_start3A] : memref<2x10000x16xf32, #tpu.memory_space<hbm>> -> memref<1x632x16xf32, #tpu.memory_space<hbm>>
        %dma_start3A_75 = tpu.memref_squeeze %dma_start3A_74 : memref<1x632x16xf32, #tpu.memory_space<hbm>> -> memref<632x16xf32, #tpu.memory_space<hbm>>
        %dma_start3A_76 = arith.constant 0 : i32
        %dma_start3A_77 = tpu.memref_slice %arg19[%mul3A_73, %dma_start3A_76] : memref<10000x16xf32, #tpu.memory_space<vmem_shared>> -> memref<632x16xf32, #tpu.memory_space<vmem_shared>>
        tpu.enqueue_dma source(%dma_start3A_77 : memref<632x16xf32, #tpu.memory_space<vmem_shared>>) target(%dma_start3A_75 : memref<632x16xf32, #tpu.memory_space<hbm>>) target_semaphore(%run_scoped3A : memref<!tpu.dma_semaphore, #tpu.memory_space<semaphore_mem>>)
        %dma_wait3A = arith.constant 0 : i32
        %dma_wait3A_78 = tpu.memref_slice %arg11[%arg0, %mul3A_73, %dma_wait3A] : memref<2x10000x16xf32, #tpu.memory_space<hbm>> -> memref<1x632x16xf32, #tpu.memory_space<hbm>>
        %dma_wait3A_79 = tpu.memref_squeeze %dma_wait3A_78 : memref<1x632x16xf32, #tpu.memory_space<hbm>> -> memref<632x16xf32, #tpu.memory_space<hbm>>
        %dma_wait3A_80 = arith.constant 0 : i32
        %dma_wait3A_81 = tpu.memref_slice %arg19[%mul3A_73, %dma_wait3A_80] : memref<10000x16xf32, #tpu.memory_space<vmem_shared>> -> memref<632x16xf32, #tpu.memory_space<vmem_shared>>
        tpu.wait_dma2 semaphore(%run_scoped3A : memref<!tpu.dma_semaphore, #tpu.memory_space<semaphore_mem>>) src(%dma_wait3A_81 : memref<632x16xf32, #tpu.memory_space<vmem_shared>>) dst(%dma_wait3A_79 : memref<632x16xf32, #tpu.memory_space<hbm>>)
        tpu.yield
      }) : () -> ()
      "tpu.region"() ({
        %run_scoped3A = tpu.sem_alloc : memref<!tpu.dma_semaphore, #tpu.memory_space<semaphore_mem>>
        %dma_start3A = arith.constant 0 : i32
        %dma_start3A_74 = tpu.memref_slice %arg12[%arg0, %mul3A_73, %dma_start3A] : memref<2x10000x8xf32, #tpu.memory_space<hbm>> -> memref<1x632x8xf32, #tpu.memory_space<hbm>>
        %dma_start3A_75 = tpu.memref_squeeze %dma_start3A_74 : memref<1x632x8xf32, #tpu.memory_space<hbm>> -> memref<632x8xf32, #tpu.memory_space<hbm>>
        %dma_start3A_76 = arith.constant 0 : i32
        %dma_start3A_77 = tpu.memref_slice %arg20[%mul3A_73, %dma_start3A_76] : memref<10000x8xf32, #tpu.memory_space<vmem_shared>> -> memref<632x8xf32, #tpu.memory_space<vmem_shared>>
        tpu.enqueue_dma source(%dma_start3A_77 : memref<632x8xf32, #tpu.memory_space<vmem_shared>>) target(%dma_start3A_75 : memref<632x8xf32, #tpu.memory_space<hbm>>) target_semaphore(%run_scoped3A : memref<!tpu.dma_semaphore, #tpu.memory_space<semaphore_mem>>)
        %dma_wait3A = arith.constant 0 : i32
        %dma_wait3A_78 = tpu.memref_slice %arg12[%arg0, %mul3A_73, %dma_wait3A] : memref<2x10000x8xf32, #tpu.memory_space<hbm>> -> memref<1x632x8xf32, #tpu.memory_space<hbm>>
        %dma_wait3A_79 = tpu.memref_squeeze %dma_wait3A_78 : memref<1x632x8xf32, #tpu.memory_space<hbm>> -> memref<632x8xf32, #tpu.memory_space<hbm>>
        %dma_wait3A_80 = arith.constant 0 : i32
        %dma_wait3A_81 = tpu.memref_slice %arg20[%mul3A_73, %dma_wait3A_80] : memref<10000x8xf32, #tpu.memory_space<vmem_shared>> -> memref<632x8xf32, #tpu.memory_space<vmem_shared>>
        tpu.wait_dma2 semaphore(%run_scoped3A : memref<!tpu.dma_semaphore, #tpu.memory_space<semaphore_mem>>) src(%dma_wait3A_81 : memref<632x8xf32, #tpu.memory_space<vmem_shared>>) dst(%dma_wait3A_79 : memref<632x8xf32, #tpu.memory_space<hbm>>)
        tpu.yield
      }) : () -> ()
    } else {
    }
    %eq3A_67 = arith.constant 15 : i32
    %eq3A_68 = arith.cmpi eq, %arg1, %eq3A_67 : i32
    %convert_element_type3A_69 = arith.extui %eq3A_68 : i1 to i32
    %cond3A_70 = arith.constant 0 : i32
    %cond3A_71 = arith.cmpi ne, %convert_element_type3A_69, %cond3A_70 : i32
    scf.if %cond3A_71 {
      "tpu.region"() ({
        %run_scoped3A = tpu.sem_alloc : memref<!tpu.dma_semaphore, #tpu.memory_space<semaphore_mem>>
        %dma_start3A = arith.constant 9480 : i32
        %dma_start3A_72 = arith.constant 0 : i32
        %dma_start3A_73 = tpu.memref_slice %arg10[%arg0, %dma_start3A, %dma_start3A_72] : memref<2x10000x128xf32, #tpu.memory_space<hbm>> -> memref<1x520x128xf32, #tpu.memory_space<hbm>>
        %dma_start3A_74 = tpu.memref_squeeze %dma_start3A_73 : memref<1x520x128xf32, #tpu.memory_space<hbm>> -> memref<520x128xf32, #tpu.memory_space<hbm>>
        %dma_start3A_75 = arith.constant 9480 : i32
        %dma_start3A_76 = arith.constant 0 : i32
        %dma_start3A_77 = tpu.memref_slice %arg18[%dma_start3A_75, %dma_start3A_76] : memref<10000x128xf32, #tpu.memory_space<vmem_shared>> -> memref<520x128xf32, #tpu.memory_space<vmem_shared>>
        tpu.enqueue_dma source(%dma_start3A_77 : memref<520x128xf32, #tpu.memory_space<vmem_shared>>) target(%dma_start3A_74 : memref<520x128xf32, #tpu.memory_space<hbm>>) target_semaphore(%run_scoped3A : memref<!tpu.dma_semaphore, #tpu.memory_space<semaphore_mem>>)
        %dma_wait3A = arith.constant 9480 : i32
        %dma_wait3A_78 = arith.constant 0 : i32
        %dma_wait3A_79 = tpu.memref_slice %arg10[%arg0, %dma_wait3A, %dma_wait3A_78] : memref<2x10000x128xf32, #tpu.memory_space<hbm>> -> memref<1x520x128xf32, #tpu.memory_space<hbm>>
        %dma_wait3A_80 = tpu.memref_squeeze %dma_wait3A_79 : memref<1x520x128xf32, #tpu.memory_space<hbm>> -> memref<520x128xf32, #tpu.memory_space<hbm>>
        %dma_wait3A_81 = arith.constant 9480 : i32
        %dma_wait3A_82 = arith.constant 0 : i32
        %dma_wait3A_83 = tpu.memref_slice %arg18[%dma_wait3A_81, %dma_wait3A_82] : memref<10000x128xf32, #tpu.memory_space<vmem_shared>> -> memref<520x128xf32, #tpu.memory_space<vmem_shared>>
        tpu.wait_dma2 semaphore(%run_scoped3A : memref<!tpu.dma_semaphore, #tpu.memory_space<semaphore_mem>>) src(%dma_wait3A_83 : memref<520x128xf32, #tpu.memory_space<vmem_shared>>) dst(%dma_wait3A_80 : memref<520x128xf32, #tpu.memory_space<hbm>>)
        tpu.yield
      }) : () -> ()
      "tpu.region"() ({
        %run_scoped3A = tpu.sem_alloc : memref<!tpu.dma_semaphore, #tpu.memory_space<semaphore_mem>>
        %dma_start3A = arith.constant 9480 : i32
        %dma_start3A_72 = arith.constant 0 : i32
        %dma_start3A_73 = tpu.memref_slice %arg11[%arg0, %dma_start3A, %dma_start3A_72] : memref<2x10000x16xf32, #tpu.memory_space<hbm>> -> memref<1x520x16xf32, #tpu.memory_space<hbm>>
        %dma_start3A_74 = tpu.memref_squeeze %dma_start3A_73 : memref<1x520x16xf32, #tpu.memory_space<hbm>> -> memref<520x16xf32, #tpu.memory_space<hbm>>
        %dma_start3A_75 = arith.constant 9480 : i32
        %dma_start3A_76 = arith.constant 0 : i32
        %dma_start3A_77 = tpu.memref_slice %arg19[%dma_start3A_75, %dma_start3A_76] : memref<10000x16xf32, #tpu.memory_space<vmem_shared>> -> memref<520x16xf32, #tpu.memory_space<vmem_shared>>
        tpu.enqueue_dma source(%dma_start3A_77 : memref<520x16xf32, #tpu.memory_space<vmem_shared>>) target(%dma_start3A_74 : memref<520x16xf32, #tpu.memory_space<hbm>>) target_semaphore(%run_scoped3A : memref<!tpu.dma_semaphore, #tpu.memory_space<semaphore_mem>>)
        %dma_wait3A = arith.constant 9480 : i32
        %dma_wait3A_78 = arith.constant 0 : i32
        %dma_wait3A_79 = tpu.memref_slice %arg11[%arg0, %dma_wait3A, %dma_wait3A_78] : memref<2x10000x16xf32, #tpu.memory_space<hbm>> -> memref<1x520x16xf32, #tpu.memory_space<hbm>>
        %dma_wait3A_80 = tpu.memref_squeeze %dma_wait3A_79 : memref<1x520x16xf32, #tpu.memory_space<hbm>> -> memref<520x16xf32, #tpu.memory_space<hbm>>
        %dma_wait3A_81 = arith.constant 9480 : i32
        %dma_wait3A_82 = arith.constant 0 : i32
        %dma_wait3A_83 = tpu.memref_slice %arg19[%dma_wait3A_81, %dma_wait3A_82] : memref<10000x16xf32, #tpu.memory_space<vmem_shared>> -> memref<520x16xf32, #tpu.memory_space<vmem_shared>>
        tpu.wait_dma2 semaphore(%run_scoped3A : memref<!tpu.dma_semaphore, #tpu.memory_space<semaphore_mem>>) src(%dma_wait3A_83 : memref<520x16xf32, #tpu.memory_space<vmem_shared>>) dst(%dma_wait3A_80 : memref<520x16xf32, #tpu.memory_space<hbm>>)
        tpu.yield
      }) : () -> ()
      "tpu.region"() ({
        %run_scoped3A = tpu.sem_alloc : memref<!tpu.dma_semaphore, #tpu.memory_space<semaphore_mem>>
        %dma_start3A = arith.constant 9480 : i32
        %dma_start3A_72 = arith.constant 0 : i32
        %dma_start3A_73 = tpu.memref_slice %arg12[%arg0, %dma_start3A, %dma_start3A_72] : memref<2x10000x8xf32, #tpu.memory_space<hbm>> -> memref<1x520x8xf32, #tpu.memory_space<hbm>>
        %dma_start3A_74 = tpu.memref_squeeze %dma_start3A_73 : memref<1x520x8xf32, #tpu.memory_space<hbm>> -> memref<520x8xf32, #tpu.memory_space<hbm>>
        %dma_start3A_75 = arith.constant 9480 : i32
        %dma_start3A_76 = arith.constant 0 : i32
        %dma_start3A_77 = tpu.memref_slice %arg20[%dma_start3A_75, %dma_start3A_76] : memref<10000x8xf32, #tpu.memory_space<vmem_shared>> -> memref<520x8xf32, #tpu.memory_space<vmem_shared>>
        tpu.enqueue_dma source(%dma_start3A_77 : memref<520x8xf32, #tpu.memory_space<vmem_shared>>) target(%dma_start3A_74 : memref<520x8xf32, #tpu.memory_space<hbm>>) target_semaphore(%run_scoped3A : memref<!tpu.dma_semaphore, #tpu.memory_space<semaphore_mem>>)
        %dma_wait3A = arith.constant 9480 : i32
        %dma_wait3A_78 = arith.constant 0 : i32
        %dma_wait3A_79 = tpu.memref_slice %arg12[%arg0, %dma_wait3A, %dma_wait3A_78] : memref<2x10000x8xf32, #tpu.memory_space<hbm>> -> memref<1x520x8xf32, #tpu.memory_space<hbm>>
        %dma_wait3A_80 = tpu.memref_squeeze %dma_wait3A_79 : memref<1x520x8xf32, #tpu.memory_space<hbm>> -> memref<520x8xf32, #tpu.memory_space<hbm>>
        %dma_wait3A_81 = arith.constant 9480 : i32
        %dma_wait3A_82 = arith.constant 0 : i32
        %dma_wait3A_83 = tpu.memref_slice %arg20[%dma_wait3A_81, %dma_wait3A_82] : memref<10000x8xf32, #tpu.memory_space<vmem_shared>> -> memref<520x8xf32, #tpu.memory_space<vmem_shared>>
        tpu.wait_dma2 semaphore(%run_scoped3A : memref<!tpu.dma_semaphore, #tpu.memory_space<semaphore_mem>>) src(%dma_wait3A_83 : memref<520x8xf32, #tpu.memory_space<vmem_shared>>) dst(%dma_wait3A_80 : memref<520x8xf32, #tpu.memory_space<hbm>>)
        tpu.yield
      }) : () -> ()
    } else {
    }
    return
  }
}

#map = affine_map<(d0, d1) -> (0, 0)>
#map1 = affine_map<(d0, d1) -> (0, 0, 0)>
module attributes {stable_mosaic.version = 14 : i64} {
  func.func @_sc_edge_score(%arg0: i32, %arg1: i32, %arg2: memref<10000x8xf32, #tpu.memory_space<hbm>>, %arg3: memref<10000x8xf32, #tpu.memory_space<hbm>>, %arg4: memref<1250x4x64xi32, #tpu.memory_space<hbm>>, %arg5: memref<1250x4x64xi32, #tpu.memory_space<hbm>>, %arg6: memref<320000x8xf32, #tpu.memory_space<hbm>>, %arg7: memref<4x64xi32, #tpu.memory_space<vmem>>, %arg8: memref<4x64xi32, #tpu.memory_space<vmem>>, %arg9: memref<4x64x8xf32, #tpu.memory_space<vmem>>, %arg10: memref<2x!tpu.dma_semaphore, #tpu.memory_space<semaphore_mem>>) attributes {dimension_semantics = [#tpu.dimension_semantics<core_parallel>, #tpu.dimension_semantics<subcore_parallel>], iteration_bounds = array<i64: 2, 16>, scalar_prefetch = 0 : i64, scratch_operands = 4 : i64, tpu.core_type = #tpu.core_type<sc_vector_subcore>, window_params = [{transform_indices = #map}, {transform_indices = #map}, {transform_indices = #map1}, {transform_indices = #map1}, {transform_indices = #map}]} {
    %mul3A = arith.constant 16 : i32
    %mul3A_0 = arith.muli %arg0, %mul3A : i32
    %add3A = arith.addi %mul3A_0, %arg1 : i32
    %mul3A_1 = arith.constant 1250 : i32
    %mul3A_2 = arith.muli %add3A, %mul3A_1 : i32
    %jit3A = arith.constant 32 : i32
    %div3A = arith.divsi %mul3A_2, %jit3A : i32
    %sign3A = arith.constant 0 : i32
    %sign3A_3 = arith.cmpi sgt, %mul3A_2, %sign3A : i32
    %sign3A_4 = arith.extui %sign3A_3 : i1 to i32
    %sign3A_5 = arith.constant 0 : i32
    %sign3A_6 = arith.cmpi slt, %mul3A_2, %sign3A_5 : i32
    %sign3A_7 = arith.extui %sign3A_6 : i1 to i32
    %sign3A_8 = arith.subi %sign3A_4, %sign3A_7 : i32
    %sign3A_9 = arith.constant 0 : i32
    %sign3A_10 = arith.cmpi sgt, %jit3A, %sign3A_9 : i32
    %sign3A_11 = arith.extui %sign3A_10 : i1 to i32
    %sign3A_12 = arith.constant 0 : i32
    %sign3A_13 = arith.cmpi slt, %jit3A, %sign3A_12 : i32
    %sign3A_14 = arith.extui %sign3A_13 : i1 to i32
    %sign3A_15 = arith.subi %sign3A_11, %sign3A_14 : i32
    %ne3A = arith.cmpi ne, %sign3A_8, %sign3A_15 : i32
    %rem3A = arith.remsi %mul3A_2, %jit3A : i32
    %ne3A_16 = arith.constant 0 : i32
    %ne3A_17 = arith.cmpi ne, %rem3A, %ne3A_16 : i32
    %and3A = arith.andi %ne3A, %ne3A_17 : i1
    %sub3A = arith.constant 1 : i32
    %sub3A_18 = arith.subi %div3A, %sub3A : i32
    %select_n3A = arith.select %and3A, %sub3A_18, %div3A : i32
    %add3A_19 = arith.constant 1 : i32
    %add3A_20 = arith.addi %add3A, %add3A_19 : i32
    %mul3A_21 = arith.constant 1250 : i32
    %mul3A_22 = arith.muli %add3A_20, %mul3A_21 : i32
    %jit3A_23 = arith.constant 32 : i32
    %div3A_24 = arith.divsi %mul3A_22, %jit3A_23 : i32
    %sign3A_25 = arith.constant 0 : i32
    %sign3A_26 = arith.cmpi sgt, %mul3A_22, %sign3A_25 : i32
    %sign3A_27 = arith.extui %sign3A_26 : i1 to i32
    %sign3A_28 = arith.constant 0 : i32
    %sign3A_29 = arith.cmpi slt, %mul3A_22, %sign3A_28 : i32
    %sign3A_30 = arith.extui %sign3A_29 : i1 to i32
    %sign3A_31 = arith.subi %sign3A_27, %sign3A_30 : i32
    %sign3A_32 = arith.constant 0 : i32
    %sign3A_33 = arith.cmpi sgt, %jit3A_23, %sign3A_32 : i32
    %sign3A_34 = arith.extui %sign3A_33 : i1 to i32
    %sign3A_35 = arith.constant 0 : i32
    %sign3A_36 = arith.cmpi slt, %jit3A_23, %sign3A_35 : i32
    %sign3A_37 = arith.extui %sign3A_36 : i1 to i32
    %sign3A_38 = arith.subi %sign3A_34, %sign3A_37 : i32
    %ne3A_39 = arith.cmpi ne, %sign3A_31, %sign3A_38 : i32
    %rem3A_40 = arith.remsi %mul3A_22, %jit3A_23 : i32
    %ne3A_41 = arith.constant 0 : i32
    %ne3A_42 = arith.cmpi ne, %rem3A_40, %ne3A_41 : i32
    %and3A_43 = arith.andi %ne3A_39, %ne3A_42 : i1
    %sub3A_44 = arith.constant 1 : i32
    %sub3A_45 = arith.subi %div3A_24, %sub3A_44 : i32
    %select_n3A_46 = arith.select %and3A_43, %sub3A_45, %div3A_24 : i32
    %while3A = arith.constant 0 : i32
    %while3A_47 = arith.subi %select_n3A_46, %select_n3A : i32
    %while3A_48 = arith.addi %select_n3A, %while3A_47 : i32
    %while3A_49 = arith.constant 1 : i32
    %while3A_50 = arith.divsi %while3A_47, %while3A_49 : i32
    %while3A_51 = arith.muli %while3A_50, %while3A_49 : i32
    %while3A_52 = arith.addi %select_n3A, %while3A_51 : i32
    %while3A_53 = arith.constant 1 : i32
    scf.for %while3A_55 = %select_n3A to %while3A_52 step %while3A_53  : i32 {
      "tpu.region"() ({
        %run_scoped3A_307 = tpu.sem_alloc : memref<!tpu.dma_semaphore, #tpu.memory_space<semaphore_mem>>
        %dma_start3A_308 = arith.constant 0 : i32
        %dma_start3A_309 = arith.constant 0 : i32
        %dma_start3A_310 = tpu.memref_slice %arg4[%while3A_55, %dma_start3A_308, %dma_start3A_309] : memref<1250x4x64xi32, #tpu.memory_space<hbm>> -> memref<1x4x64xi32, #tpu.memory_space<hbm>>
        %dma_start3A_311 = tpu.memref_squeeze %dma_start3A_310 : memref<1x4x64xi32, #tpu.memory_space<hbm>> -> memref<4x64xi32, #tpu.memory_space<hbm>>
        %dma_start3A_312 = arith.constant 0 : i32
        %dma_start3A_313 = arith.constant 0 : i32
        %dma_start3A_314 = tpu.memref_slice %arg4[%while3A_55, %dma_start3A_312, %dma_start3A_313] : memref<1250x4x64xi32, #tpu.memory_space<hbm>> -> memref<1x4x64xi32, #tpu.memory_space<hbm>>
        %dma_start3A_315 = tpu.memref_squeeze %dma_start3A_314 : memref<1x4x64xi32, #tpu.memory_space<hbm>> -> memref<4x64xi32, #tpu.memory_space<hbm>>
        tpu.enqueue_dma source(%dma_start3A_315 : memref<4x64xi32, #tpu.memory_space<hbm>>) target(%arg7 : memref<4x64xi32, #tpu.memory_space<vmem>>) target_semaphore(%run_scoped3A_307 : memref<!tpu.dma_semaphore, #tpu.memory_space<semaphore_mem>>)
        %dma_wait3A_316 = arith.constant 0 : i32
        %dma_wait3A_317 = arith.constant 0 : i32
        %dma_wait3A_318 = tpu.memref_slice %arg4[%while3A_55, %dma_wait3A_316, %dma_wait3A_317] : memref<1250x4x64xi32, #tpu.memory_space<hbm>> -> memref<1x4x64xi32, #tpu.memory_space<hbm>>
        %dma_wait3A_319 = tpu.memref_squeeze %dma_wait3A_318 : memref<1x4x64xi32, #tpu.memory_space<hbm>> -> memref<4x64xi32, #tpu.memory_space<hbm>>
        %dma_wait3A_320 = arith.constant 0 : i32
        %dma_wait3A_321 = arith.constant 0 : i32
        %dma_wait3A_322 = tpu.memref_slice %arg4[%while3A_55, %dma_wait3A_320, %dma_wait3A_321] : memref<1250x4x64xi32, #tpu.memory_space<hbm>> -> memref<1x4x64xi32, #tpu.memory_space<hbm>>
        %dma_wait3A_323 = tpu.memref_squeeze %dma_wait3A_322 : memref<1x4x64xi32, #tpu.memory_space<hbm>> -> memref<4x64xi32, #tpu.memory_space<hbm>>
        tpu.wait_dma2 semaphore(%run_scoped3A_307 : memref<!tpu.dma_semaphore, #tpu.memory_space<semaphore_mem>>) src(%dma_wait3A_323 : memref<4x64xi32, #tpu.memory_space<hbm>>) dst(%arg7 : memref<4x64xi32, #tpu.memory_space<vmem>>)
        tpu.yield
      }) : () -> ()
      "tpu.region"() ({
        %run_scoped3A_307 = tpu.sem_alloc : memref<!tpu.dma_semaphore, #tpu.memory_space<semaphore_mem>>
        %dma_start3A_308 = arith.constant 0 : i32
        %dma_start3A_309 = arith.constant 0 : i32
        %dma_start3A_310 = tpu.memref_slice %arg5[%while3A_55, %dma_start3A_308, %dma_start3A_309] : memref<1250x4x64xi32, #tpu.memory_space<hbm>> -> memref<1x4x64xi32, #tpu.memory_space<hbm>>
        %dma_start3A_311 = tpu.memref_squeeze %dma_start3A_310 : memref<1x4x64xi32, #tpu.memory_space<hbm>> -> memref<4x64xi32, #tpu.memory_space<hbm>>
        %dma_start3A_312 = arith.constant 0 : i32
        %dma_start3A_313 = arith.constant 0 : i32
        %dma_start3A_314 = tpu.memref_slice %arg5[%while3A_55, %dma_start3A_312, %dma_start3A_313] : memref<1250x4x64xi32, #tpu.memory_space<hbm>> -> memref<1x4x64xi32, #tpu.memory_space<hbm>>
        %dma_start3A_315 = tpu.memref_squeeze %dma_start3A_314 : memref<1x4x64xi32, #tpu.memory_space<hbm>> -> memref<4x64xi32, #tpu.memory_space<hbm>>
        tpu.enqueue_dma source(%dma_start3A_315 : memref<4x64xi32, #tpu.memory_space<hbm>>) target(%arg8 : memref<4x64xi32, #tpu.memory_space<vmem>>) target_semaphore(%run_scoped3A_307 : memref<!tpu.dma_semaphore, #tpu.memory_space<semaphore_mem>>)
        %dma_wait3A_316 = arith.constant 0 : i32
        %dma_wait3A_317 = arith.constant 0 : i32
        %dma_wait3A_318 = tpu.memref_slice %arg5[%while3A_55, %dma_wait3A_316, %dma_wait3A_317] : memref<1250x4x64xi32, #tpu.memory_space<hbm>> -> memref<1x4x64xi32, #tpu.memory_space<hbm>>
        %dma_wait3A_319 = tpu.memref_squeeze %dma_wait3A_318 : memref<1x4x64xi32, #tpu.memory_space<hbm>> -> memref<4x64xi32, #tpu.memory_space<hbm>>
        %dma_wait3A_320 = arith.constant 0 : i32
        %dma_wait3A_321 = arith.constant 0 : i32
        %dma_wait3A_322 = tpu.memref_slice %arg5[%while3A_55, %dma_wait3A_320, %dma_wait3A_321] : memref<1250x4x64xi32, #tpu.memory_space<hbm>> -> memref<1x4x64xi32, #tpu.memory_space<hbm>>
        %dma_wait3A_323 = tpu.memref_squeeze %dma_wait3A_322 : memref<1x4x64xi32, #tpu.memory_space<hbm>> -> memref<4x64xi32, #tpu.memory_space<hbm>>
        tpu.wait_dma2 semaphore(%run_scoped3A_307 : memref<!tpu.dma_semaphore, #tpu.memory_space<semaphore_mem>>) src(%dma_wait3A_323 : memref<4x64xi32, #tpu.memory_space<hbm>>) dst(%arg8 : memref<4x64xi32, #tpu.memory_space<vmem>>)
        tpu.yield
      }) : () -> ()
      %mul3A_56 = arith.constant 256 : i32
      %mul3A_57 = arith.muli %while3A_55, %mul3A_56 : i32
      %dma_start3A = arith.constant 0 : i32
      %dma_start3A_58 = arith.constant 0 : i32
      %dma_start3A_59 = arith.constant 0 : i32
      %dma_start3A_60 = arith.constant 0 : i32
      %dma_start3A_61 = arith.constant 0 : i32
      %dma_start3A_62 = tpu.memref_slice %arg9[%dma_start3A_58, %dma_start3A_60, %dma_start3A_61] : memref<4x64x8xf32, #tpu.memory_space<vmem>> -> memref<1x64x8xf32, #tpu.memory_space<vmem>>
      %dma_start3A_63 = tpu.memref_squeeze %dma_start3A_62 : memref<1x64x8xf32, #tpu.memory_space<vmem>> -> memref<64x8xf32, #tpu.memory_space<vmem>>
      %dma_start3A_64 = arith.constant 0 : i32
      %dma_start3A_65 = tpu.memref_slice %arg7[%dma_start3A, %dma_start3A_64] : memref<4x64xi32, #tpu.memory_space<vmem>> -> memref<1x64xi32, #tpu.memory_space<vmem>>
      %dma_start3A_66 = tpu.memref_squeeze %dma_start3A_65 : memref<1x64xi32, #tpu.memory_space<vmem>> -> memref<64xi32, #tpu.memory_space<vmem>>
      %dma_start3A_67 = arith.constant 0 : i32
      %dma_start3A_68 = arith.constant 0 : i32
      %dma_start3A_69 = tpu.memref_slice %arg2[%dma_start3A_67, %dma_start3A_68] : memref<10000x8xf32, #tpu.memory_space<hbm>> -> memref<10000x8xf32, #tpu.memory_space<hbm>>
      %dma_start3A_70 = tpu.memref_slice %arg10[%dma_start3A_59] : memref<2x!tpu.dma_semaphore, #tpu.memory_space<semaphore_mem>> -> memref<1x!tpu.dma_semaphore, #tpu.memory_space<semaphore_mem>>
      %dma_start3A_71 = tpu.memref_squeeze %dma_start3A_70 : memref<1x!tpu.dma_semaphore, #tpu.memory_space<semaphore_mem>> -> memref<!tpu.dma_semaphore, #tpu.memory_space<semaphore_mem>>
      tpu.enqueue_indirect_dma source(%dma_start3A_69 : memref<10000x8xf32, #tpu.memory_space<hbm>>) target(%dma_start3A_63 : memref<64x8xf32, #tpu.memory_space<vmem>>) offsets(%dma_start3A_66 : memref<64xi32, #tpu.memory_space<vmem>>) semaphore(%dma_start3A_71 : memref<!tpu.dma_semaphore, #tpu.memory_space<semaphore_mem>>)
      %dma_start3A_72 = arith.constant 1 : i32
      %dma_start3A_73 = arith.constant 1 : i32
      %dma_start3A_74 = arith.constant 0 : i32
      %dma_start3A_75 = arith.constant 0 : i32
      %dma_start3A_76 = arith.constant 0 : i32
      %dma_start3A_77 = tpu.memref_slice %arg9[%dma_start3A_73, %dma_start3A_75, %dma_start3A_76] : memref<4x64x8xf32, #tpu.memory_space<vmem>> -> memref<1x64x8xf32, #tpu.memory_space<vmem>>
      %dma_start3A_78 = tpu.memref_squeeze %dma_start3A_77 : memref<1x64x8xf32, #tpu.memory_space<vmem>> -> memref<64x8xf32, #tpu.memory_space<vmem>>
      %dma_start3A_79 = arith.constant 0 : i32
      %dma_start3A_80 = tpu.memref_slice %arg7[%dma_start3A_72, %dma_start3A_79] : memref<4x64xi32, #tpu.memory_space<vmem>> -> memref<1x64xi32, #tpu.memory_space<vmem>>
      %dma_start3A_81 = tpu.memref_squeeze %dma_start3A_80 : memref<1x64xi32, #tpu.memory_space<vmem>> -> memref<64xi32, #tpu.memory_space<vmem>>
      %dma_start3A_82 = arith.constant 0 : i32
      %dma_start3A_83 = arith.constant 0 : i32
      %dma_start3A_84 = tpu.memref_slice %arg2[%dma_start3A_82, %dma_start3A_83] : memref<10000x8xf32, #tpu.memory_space<hbm>> -> memref<10000x8xf32, #tpu.memory_space<hbm>>
      %dma_start3A_85 = tpu.memref_slice %arg10[%dma_start3A_74] : memref<2x!tpu.dma_semaphore, #tpu.memory_space<semaphore_mem>> -> memref<1x!tpu.dma_semaphore, #tpu.memory_space<semaphore_mem>>
      %dma_start3A_86 = tpu.memref_squeeze %dma_start3A_85 : memref<1x!tpu.dma_semaphore, #tpu.memory_space<semaphore_mem>> -> memref<!tpu.dma_semaphore, #tpu.memory_space<semaphore_mem>>
      tpu.enqueue_indirect_dma source(%dma_start3A_84 : memref<10000x8xf32, #tpu.memory_space<hbm>>) target(%dma_start3A_78 : memref<64x8xf32, #tpu.memory_space<vmem>>) offsets(%dma_start3A_81 : memref<64xi32, #tpu.memory_space<vmem>>) semaphore(%dma_start3A_86 : memref<!tpu.dma_semaphore, #tpu.memory_space<semaphore_mem>>)
      %dma_start3A_87 = arith.constant 2 : i32
      %dma_start3A_88 = arith.constant 2 : i32
      %dma_start3A_89 = arith.constant 0 : i32
      %dma_start3A_90 = arith.constant 0 : i32
      %dma_start3A_91 = arith.constant 0 : i32
      %dma_start3A_92 = tpu.memref_slice %arg9[%dma_start3A_88, %dma_start3A_90, %dma_start3A_91] : memref<4x64x8xf32, #tpu.memory_space<vmem>> -> memref<1x64x8xf32, #tpu.memory_space<vmem>>
      %dma_start3A_93 = tpu.memref_squeeze %dma_start3A_92 : memref<1x64x8xf32, #tpu.memory_space<vmem>> -> memref<64x8xf32, #tpu.memory_space<vmem>>
      %dma_start3A_94 = arith.constant 0 : i32
      %dma_start3A_95 = tpu.memref_slice %arg7[%dma_start3A_87, %dma_start3A_94] : memref<4x64xi32, #tpu.memory_space<vmem>> -> memref<1x64xi32, #tpu.memory_space<vmem>>
      %dma_start3A_96 = tpu.memref_squeeze %dma_start3A_95 : memref<1x64xi32, #tpu.memory_space<vmem>> -> memref<64xi32, #tpu.memory_space<vmem>>
      %dma_start3A_97 = arith.constant 0 : i32
      %dma_start3A_98 = arith.constant 0 : i32
      %dma_start3A_99 = tpu.memref_slice %arg2[%dma_start3A_97, %dma_start3A_98] : memref<10000x8xf32, #tpu.memory_space<hbm>> -> memref<10000x8xf32, #tpu.memory_space<hbm>>
      %dma_start3A_100 = tpu.memref_slice %arg10[%dma_start3A_89] : memref<2x!tpu.dma_semaphore, #tpu.memory_space<semaphore_mem>> -> memref<1x!tpu.dma_semaphore, #tpu.memory_space<semaphore_mem>>
      %dma_start3A_101 = tpu.memref_squeeze %dma_start3A_100 : memref<1x!tpu.dma_semaphore, #tpu.memory_space<semaphore_mem>> -> memref<!tpu.dma_semaphore, #tpu.memory_space<semaphore_mem>>
      tpu.enqueue_indirect_dma source(%dma_start3A_99 : memref<10000x8xf32, #tpu.memory_space<hbm>>) target(%dma_start3A_93 : memref<64x8xf32, #tpu.memory_space<vmem>>) offsets(%dma_start3A_96 : memref<64xi32, #tpu.memory_space<vmem>>) semaphore(%dma_start3A_101 : memref<!tpu.dma_semaphore, #tpu.memory_space<semaphore_mem>>)
      %dma_start3A_102 = arith.constant 3 : i32
      %dma_start3A_103 = arith.constant 3 : i32
      %dma_start3A_104 = arith.constant 0 : i32
      %dma_start3A_105 = arith.constant 0 : i32
      %dma_start3A_106 = arith.constant 0 : i32
      %dma_start3A_107 = tpu.memref_slice %arg9[%dma_start3A_103, %dma_start3A_105, %dma_start3A_106] : memref<4x64x8xf32, #tpu.memory_space<vmem>> -> memref<1x64x8xf32, #tpu.memory_space<vmem>>
      %dma_start3A_108 = tpu.memref_squeeze %dma_start3A_107 : memref<1x64x8xf32, #tpu.memory_space<vmem>> -> memref<64x8xf32, #tpu.memory_space<vmem>>
      %dma_start3A_109 = arith.constant 0 : i32
      %dma_start3A_110 = tpu.memref_slice %arg7[%dma_start3A_102, %dma_start3A_109] : memref<4x64xi32, #tpu.memory_space<vmem>> -> memref<1x64xi32, #tpu.memory_space<vmem>>
      %dma_start3A_111 = tpu.memref_squeeze %dma_start3A_110 : memref<1x64xi32, #tpu.memory_space<vmem>> -> memref<64xi32, #tpu.memory_space<vmem>>
      %dma_start3A_112 = arith.constant 0 : i32
      %dma_start3A_113 = arith.constant 0 : i32
      %dma_start3A_114 = tpu.memref_slice %arg2[%dma_start3A_112, %dma_start3A_113] : memref<10000x8xf32, #tpu.memory_space<hbm>> -> memref<10000x8xf32, #tpu.memory_space<hbm>>
      %dma_start3A_115 = tpu.memref_slice %arg10[%dma_start3A_104] : memref<2x!tpu.dma_semaphore, #tpu.memory_space<semaphore_mem>> -> memref<1x!tpu.dma_semaphore, #tpu.memory_space<semaphore_mem>>
      %dma_start3A_116 = tpu.memref_squeeze %dma_start3A_115 : memref<1x!tpu.dma_semaphore, #tpu.memory_space<semaphore_mem>> -> memref<!tpu.dma_semaphore, #tpu.memory_space<semaphore_mem>>
      tpu.enqueue_indirect_dma source(%dma_start3A_114 : memref<10000x8xf32, #tpu.memory_space<hbm>>) target(%dma_start3A_108 : memref<64x8xf32, #tpu.memory_space<vmem>>) offsets(%dma_start3A_111 : memref<64xi32, #tpu.memory_space<vmem>>) semaphore(%dma_start3A_116 : memref<!tpu.dma_semaphore, #tpu.memory_space<semaphore_mem>>)
      %dma_wait3A = arith.constant 0 : i32
      %dma_wait3A_117 = arith.constant 0 : i32
      %dma_wait3A_118 = arith.constant 0 : i32
      %dma_wait3A_119 = arith.constant 0 : i32
      %dma_wait3A_120 = arith.constant 0 : i32
      %dma_wait3A_121 = tpu.memref_slice %arg9[%dma_wait3A_117, %dma_wait3A_119, %dma_wait3A_120] : memref<4x64x8xf32, #tpu.memory_space<vmem>> -> memref<1x64x8xf32, #tpu.memory_space<vmem>>
      %dma_wait3A_122 = tpu.memref_squeeze %dma_wait3A_121 : memref<1x64x8xf32, #tpu.memory_space<vmem>> -> memref<64x8xf32, #tpu.memory_space<vmem>>
      %dma_wait3A_123 = arith.constant 0 : i32
      %dma_wait3A_124 = tpu.memref_slice %arg7[%dma_wait3A, %dma_wait3A_123] : memref<4x64xi32, #tpu.memory_space<vmem>> -> memref<1x64xi32, #tpu.memory_space<vmem>>
      %dma_wait3A_125 = tpu.memref_squeeze %dma_wait3A_124 : memref<1x64xi32, #tpu.memory_space<vmem>> -> memref<64xi32, #tpu.memory_space<vmem>>
      %dma_wait3A_126 = arith.constant 0 : i32
      %dma_wait3A_127 = arith.constant 0 : i32
      %dma_wait3A_128 = tpu.memref_slice %arg2[%dma_wait3A_126, %dma_wait3A_127] : memref<10000x8xf32, #tpu.memory_space<hbm>> -> memref<10000x8xf32, #tpu.memory_space<hbm>>
      %dma_wait3A_129 = tpu.memref_slice %arg10[%dma_wait3A_118] : memref<2x!tpu.dma_semaphore, #tpu.memory_space<semaphore_mem>> -> memref<1x!tpu.dma_semaphore, #tpu.memory_space<semaphore_mem>>
      %dma_wait3A_130 = tpu.memref_squeeze %dma_wait3A_129 : memref<1x!tpu.dma_semaphore, #tpu.memory_space<semaphore_mem>> -> memref<!tpu.dma_semaphore, #tpu.memory_space<semaphore_mem>>
      tpu.wait_indirect_dma semaphore(%dma_wait3A_130 : memref<!tpu.dma_semaphore, #tpu.memory_space<semaphore_mem>>) src(%dma_wait3A_128 : memref<10000x8xf32, #tpu.memory_space<hbm>>) dst(%dma_wait3A_122 : memref<64x8xf32, #tpu.memory_space<vmem>>)
      %dma_start3A_131 = arith.constant 0 : i32
      %dma_start3A_132 = arith.constant 0 : i32
      %dma_start3A_133 = arith.constant 1 : i32
      %dma_start3A_134 = arith.constant 0 : i32
      %dma_start3A_135 = arith.constant 0 : i32
      %dma_start3A_136 = tpu.memref_slice %arg9[%dma_start3A_132, %dma_start3A_134, %dma_start3A_135] : memref<4x64x8xf32, #tpu.memory_space<vmem>> -> memref<1x64x8xf32, #tpu.memory_space<vmem>>
      %dma_start3A_137 = tpu.memref_squeeze %dma_start3A_136 : memref<1x64x8xf32, #tpu.memory_space<vmem>> -> memref<64x8xf32, #tpu.memory_space<vmem>>
      %dma_start3A_138 = arith.constant 0 : i32
      %dma_start3A_139 = tpu.memref_slice %arg8[%dma_start3A_131, %dma_start3A_138] : memref<4x64xi32, #tpu.memory_space<vmem>> -> memref<1x64xi32, #tpu.memory_space<vmem>>
      %dma_start3A_140 = tpu.memref_squeeze %dma_start3A_139 : memref<1x64xi32, #tpu.memory_space<vmem>> -> memref<64xi32, #tpu.memory_space<vmem>>
      %dma_start3A_141 = arith.constant 0 : i32
      %dma_start3A_142 = arith.constant 0 : i32
      %dma_start3A_143 = tpu.memref_slice %arg3[%dma_start3A_141, %dma_start3A_142] : memref<10000x8xf32, #tpu.memory_space<hbm>> -> memref<10000x8xf32, #tpu.memory_space<hbm>>
      %dma_start3A_144 = tpu.memref_slice %arg10[%dma_start3A_133] : memref<2x!tpu.dma_semaphore, #tpu.memory_space<semaphore_mem>> -> memref<1x!tpu.dma_semaphore, #tpu.memory_space<semaphore_mem>>
      %dma_start3A_145 = tpu.memref_squeeze %dma_start3A_144 : memref<1x!tpu.dma_semaphore, #tpu.memory_space<semaphore_mem>> -> memref<!tpu.dma_semaphore, #tpu.memory_space<semaphore_mem>>
      tpu.enqueue_indirect_dma source(%dma_start3A_143 : memref<10000x8xf32, #tpu.memory_space<hbm>>) target(%dma_start3A_137 : memref<64x8xf32, #tpu.memory_space<vmem>>) offsets(%dma_start3A_140 : memref<64xi32, #tpu.memory_space<vmem>>) semaphore(%dma_start3A_145 : memref<!tpu.dma_semaphore, #tpu.memory_space<semaphore_mem>>) {add = true}
      %dma_wait3A_146 = arith.constant 1 : i32
      %dma_wait3A_147 = arith.constant 1 : i32
      %dma_wait3A_148 = arith.constant 0 : i32
      %dma_wait3A_149 = arith.constant 0 : i32
      %dma_wait3A_150 = arith.constant 0 : i32
      %dma_wait3A_151 = tpu.memref_slice %arg9[%dma_wait3A_147, %dma_wait3A_149, %dma_wait3A_150] : memref<4x64x8xf32, #tpu.memory_space<vmem>> -> memref<1x64x8xf32, #tpu.memory_space<vmem>>
      %dma_wait3A_152 = tpu.memref_squeeze %dma_wait3A_151 : memref<1x64x8xf32, #tpu.memory_space<vmem>> -> memref<64x8xf32, #tpu.memory_space<vmem>>
      %dma_wait3A_153 = arith.constant 0 : i32
      %dma_wait3A_154 = tpu.memref_slice %arg7[%dma_wait3A_146, %dma_wait3A_153] : memref<4x64xi32, #tpu.memory_space<vmem>> -> memref<1x64xi32, #tpu.memory_space<vmem>>
      %dma_wait3A_155 = tpu.memref_squeeze %dma_wait3A_154 : memref<1x64xi32, #tpu.memory_space<vmem>> -> memref<64xi32, #tpu.memory_space<vmem>>
      %dma_wait3A_156 = arith.constant 0 : i32
      %dma_wait3A_157 = arith.constant 0 : i32
      %dma_wait3A_158 = tpu.memref_slice %arg2[%dma_wait3A_156, %dma_wait3A_157] : memref<10000x8xf32, #tpu.memory_space<hbm>> -> memref<10000x8xf32, #tpu.memory_space<hbm>>
      %dma_wait3A_159 = tpu.memref_slice %arg10[%dma_wait3A_148] : memref<2x!tpu.dma_semaphore, #tpu.memory_space<semaphore_mem>> -> memref<1x!tpu.dma_semaphore, #tpu.memory_space<semaphore_mem>>
      %dma_wait3A_160 = tpu.memref_squeeze %dma_wait3A_159 : memref<1x!tpu.dma_semaphore, #tpu.memory_space<semaphore_mem>> -> memref<!tpu.dma_semaphore, #tpu.memory_space<semaphore_mem>>
      tpu.wait_indirect_dma semaphore(%dma_wait3A_160 : memref<!tpu.dma_semaphore, #tpu.memory_space<semaphore_mem>>) src(%dma_wait3A_158 : memref<10000x8xf32, #tpu.memory_space<hbm>>) dst(%dma_wait3A_152 : memref<64x8xf32, #tpu.memory_space<vmem>>)
      %dma_start3A_161 = arith.constant 1 : i32
      %dma_start3A_162 = arith.constant 1 : i32
      %dma_start3A_163 = arith.constant 1 : i32
      %dma_start3A_164 = arith.constant 0 : i32
      %dma_start3A_165 = arith.constant 0 : i32
      %dma_start3A_166 = tpu.memref_slice %arg9[%dma_start3A_162, %dma_start3A_164, %dma_start3A_165] : memref<4x64x8xf32, #tpu.memory_space<vmem>> -> memref<1x64x8xf32, #tpu.memory_space<vmem>>
      %dma_start3A_167 = tpu.memref_squeeze %dma_start3A_166 : memref<1x64x8xf32, #tpu.memory_space<vmem>> -> memref<64x8xf32, #tpu.memory_space<vmem>>
      %dma_start3A_168 = arith.constant 0 : i32
      %dma_start3A_169 = tpu.memref_slice %arg8[%dma_start3A_161, %dma_start3A_168] : memref<4x64xi32, #tpu.memory_space<vmem>> -> memref<1x64xi32, #tpu.memory_space<vmem>>
      %dma_start3A_170 = tpu.memref_squeeze %dma_start3A_169 : memref<1x64xi32, #tpu.memory_space<vmem>> -> memref<64xi32, #tpu.memory_space<vmem>>
      %dma_start3A_171 = arith.constant 0 : i32
      %dma_start3A_172 = arith.constant 0 : i32
      %dma_start3A_173 = tpu.memref_slice %arg3[%dma_start3A_171, %dma_start3A_172] : memref<10000x8xf32, #tpu.memory_space<hbm>> -> memref<10000x8xf32, #tpu.memory_space<hbm>>
      %dma_start3A_174 = tpu.memref_slice %arg10[%dma_start3A_163] : memref<2x!tpu.dma_semaphore, #tpu.memory_space<semaphore_mem>> -> memref<1x!tpu.dma_semaphore, #tpu.memory_space<semaphore_mem>>
      %dma_start3A_175 = tpu.memref_squeeze %dma_start3A_174 : memref<1x!tpu.dma_semaphore, #tpu.memory_space<semaphore_mem>> -> memref<!tpu.dma_semaphore, #tpu.memory_space<semaphore_mem>>
      tpu.enqueue_indirect_dma source(%dma_start3A_173 : memref<10000x8xf32, #tpu.memory_space<hbm>>) target(%dma_start3A_167 : memref<64x8xf32, #tpu.memory_space<vmem>>) offsets(%dma_start3A_170 : memref<64xi32, #tpu.memory_space<vmem>>) semaphore(%dma_start3A_175 : memref<!tpu.dma_semaphore, #tpu.memory_space<semaphore_mem>>) {add = true}
      %dma_wait3A_176 = arith.constant 2 : i32
      %dma_wait3A_177 = arith.constant 2 : i32
      %dma_wait3A_178 = arith.constant 0 : i32
      %dma_wait3A_179 = arith.constant 0 : i32
      %dma_wait3A_180 = arith.constant 0 : i32
      %dma_wait3A_181 = tpu.memref_slice %arg9[%dma_wait3A_177, %dma_wait3A_179, %dma_wait3A_180] : memref<4x64x8xf32, #tpu.memory_space<vmem>> -> memref<1x64x8xf32, #tpu.memory_space<vmem>>
      %dma_wait3A_182 = tpu.memref_squeeze %dma_wait3A_181 : memref<1x64x8xf32, #tpu.memory_space<vmem>> -> memref<64x8xf32, #tpu.memory_space<vmem>>
      %dma_wait3A_183 = arith.constant 0 : i32
      %dma_wait3A_184 = tpu.memref_slice %arg7[%dma_wait3A_176, %dma_wait3A_183] : memref<4x64xi32, #tpu.memory_space<vmem>> -> memref<1x64xi32, #tpu.memory_space<vmem>>
      %dma_wait3A_185 = tpu.memref_squeeze %dma_wait3A_184 : memref<1x64xi32, #tpu.memory_space<vmem>> -> memref<64xi32, #tpu.memory_space<vmem>>
      %dma_wait3A_186 = arith.constant 0 : i32
      %dma_wait3A_187 = arith.constant 0 : i32
      %dma_wait3A_188 = tpu.memref_slice %arg2[%dma_wait3A_186, %dma_wait3A_187] : memref<10000x8xf32, #tpu.memory_space<hbm>> -> memref<10000x8xf32, #tpu.memory_space<hbm>>
      %dma_wait3A_189 = tpu.memref_slice %arg10[%dma_wait3A_178] : memref<2x!tpu.dma_semaphore, #tpu.memory_space<semaphore_mem>> -> memref<1x!tpu.dma_semaphore, #tpu.memory_space<semaphore_mem>>
      %dma_wait3A_190 = tpu.memref_squeeze %dma_wait3A_189 : memref<1x!tpu.dma_semaphore, #tpu.memory_space<semaphore_mem>> -> memref<!tpu.dma_semaphore, #tpu.memory_space<semaphore_mem>>
      tpu.wait_indirect_dma semaphore(%dma_wait3A_190 : memref<!tpu.dma_semaphore, #tpu.memory_space<semaphore_mem>>) src(%dma_wait3A_188 : memref<10000x8xf32, #tpu.memory_space<hbm>>) dst(%dma_wait3A_182 : memref<64x8xf32, #tpu.memory_space<vmem>>)
      %dma_start3A_191 = arith.constant 2 : i32
      %dma_start3A_192 = arith.constant 2 : i32
      %dma_start3A_193 = arith.constant 1 : i32
      %dma_start3A_194 = arith.constant 0 : i32
      %dma_start3A_195 = arith.constant 0 : i32
      %dma_start3A_196 = tpu.memref_slice %arg9[%dma_start3A_192, %dma_start3A_194, %dma_start3A_195] : memref<4x64x8xf32, #tpu.memory_space<vmem>> -> memref<1x64x8xf32, #tpu.memory_space<vmem>>
      %dma_start3A_197 = tpu.memref_squeeze %dma_start3A_196 : memref<1x64x8xf32, #tpu.memory_space<vmem>> -> memref<64x8xf32, #tpu.memory_space<vmem>>
      %dma_start3A_198 = arith.constant 0 : i32
      %dma_start3A_199 = tpu.memref_slice %arg8[%dma_start3A_191, %dma_start3A_198] : memref<4x64xi32, #tpu.memory_space<vmem>> -> memref<1x64xi32, #tpu.memory_space<vmem>>
      %dma_start3A_200 = tpu.memref_squeeze %dma_start3A_199 : memref<1x64xi32, #tpu.memory_space<vmem>> -> memref<64xi32, #tpu.memory_space<vmem>>
      %dma_start3A_201 = arith.constant 0 : i32
      %dma_start3A_202 = arith.constant 0 : i32
      %dma_start3A_203 = tpu.memref_slice %arg3[%dma_start3A_201, %dma_start3A_202] : memref<10000x8xf32, #tpu.memory_space<hbm>> -> memref<10000x8xf32, #tpu.memory_space<hbm>>
      %dma_start3A_204 = tpu.memref_slice %arg10[%dma_start3A_193] : memref<2x!tpu.dma_semaphore, #tpu.memory_space<semaphore_mem>> -> memref<1x!tpu.dma_semaphore, #tpu.memory_space<semaphore_mem>>
      %dma_start3A_205 = tpu.memref_squeeze %dma_start3A_204 : memref<1x!tpu.dma_semaphore, #tpu.memory_space<semaphore_mem>> -> memref<!tpu.dma_semaphore, #tpu.memory_space<semaphore_mem>>
      tpu.enqueue_indirect_dma source(%dma_start3A_203 : memref<10000x8xf32, #tpu.memory_space<hbm>>) target(%dma_start3A_197 : memref<64x8xf32, #tpu.memory_space<vmem>>) offsets(%dma_start3A_200 : memref<64xi32, #tpu.memory_space<vmem>>) semaphore(%dma_start3A_205 : memref<!tpu.dma_semaphore, #tpu.memory_space<semaphore_mem>>) {add = true}
      %dma_wait3A_206 = arith.constant 3 : i32
      %dma_wait3A_207 = arith.constant 3 : i32
      %dma_wait3A_208 = arith.constant 0 : i32
      %dma_wait3A_209 = arith.constant 0 : i32
      %dma_wait3A_210 = arith.constant 0 : i32
      %dma_wait3A_211 = tpu.memref_slice %arg9[%dma_wait3A_207, %dma_wait3A_209, %dma_wait3A_210] : memref<4x64x8xf32, #tpu.memory_space<vmem>> -> memref<1x64x8xf32, #tpu.memory_space<vmem>>
      %dma_wait3A_212 = tpu.memref_squeeze %dma_wait3A_211 : memref<1x64x8xf32, #tpu.memory_space<vmem>> -> memref<64x8xf32, #tpu.memory_space<vmem>>
      %dma_wait3A_213 = arith.constant 0 : i32
      %dma_wait3A_214 = tpu.memref_slice %arg7[%dma_wait3A_206, %dma_wait3A_213] : memref<4x64xi32, #tpu.memory_space<vmem>> -> memref<1x64xi32, #tpu.memory_space<vmem>>
      %dma_wait3A_215 = tpu.memref_squeeze %dma_wait3A_214 : memref<1x64xi32, #tpu.memory_space<vmem>> -> memref<64xi32, #tpu.memory_space<vmem>>
      %dma_wait3A_216 = arith.constant 0 : i32
      %dma_wait3A_217 = arith.constant 0 : i32
      %dma_wait3A_218 = tpu.memref_slice %arg2[%dma_wait3A_216, %dma_wait3A_217] : memref<10000x8xf32, #tpu.memory_space<hbm>> -> memref<10000x8xf32, #tpu.memory_space<hbm>>
      %dma_wait3A_219 = tpu.memref_slice %arg10[%dma_wait3A_208] : memref<2x!tpu.dma_semaphore, #tpu.memory_space<semaphore_mem>> -> memref<1x!tpu.dma_semaphore, #tpu.memory_space<semaphore_mem>>
      %dma_wait3A_220 = tpu.memref_squeeze %dma_wait3A_219 : memref<1x!tpu.dma_semaphore, #tpu.memory_space<semaphore_mem>> -> memref<!tpu.dma_semaphore, #tpu.memory_space<semaphore_mem>>
      tpu.wait_indirect_dma semaphore(%dma_wait3A_220 : memref<!tpu.dma_semaphore, #tpu.memory_space<semaphore_mem>>) src(%dma_wait3A_218 : memref<10000x8xf32, #tpu.memory_space<hbm>>) dst(%dma_wait3A_212 : memref<64x8xf32, #tpu.memory_space<vmem>>)
      %dma_start3A_221 = arith.constant 3 : i32
      %dma_start3A_222 = arith.constant 3 : i32
      %dma_start3A_223 = arith.constant 1 : i32
      %dma_start3A_224 = arith.constant 0 : i32
      %dma_start3A_225 = arith.constant 0 : i32
      %dma_start3A_226 = tpu.memref_slice %arg9[%dma_start3A_222, %dma_start3A_224, %dma_start3A_225] : memref<4x64x8xf32, #tpu.memory_space<vmem>> -> memref<1x64x8xf32, #tpu.memory_space<vmem>>
      %dma_start3A_227 = tpu.memref_squeeze %dma_start3A_226 : memref<1x64x8xf32, #tpu.memory_space<vmem>> -> memref<64x8xf32, #tpu.memory_space<vmem>>
      %dma_start3A_228 = arith.constant 0 : i32
      %dma_start3A_229 = tpu.memref_slice %arg8[%dma_start3A_221, %dma_start3A_228] : memref<4x64xi32, #tpu.memory_space<vmem>> -> memref<1x64xi32, #tpu.memory_space<vmem>>
      %dma_start3A_230 = tpu.memref_squeeze %dma_start3A_229 : memref<1x64xi32, #tpu.memory_space<vmem>> -> memref<64xi32, #tpu.memory_space<vmem>>
      %dma_start3A_231 = arith.constant 0 : i32
      %dma_start3A_232 = arith.constant 0 : i32
      %dma_start3A_233 = tpu.memref_slice %arg3[%dma_start3A_231, %dma_start3A_232] : memref<10000x8xf32, #tpu.memory_space<hbm>> -> memref<10000x8xf32, #tpu.memory_space<hbm>>
      %dma_start3A_234 = tpu.memref_slice %arg10[%dma_start3A_223] : memref<2x!tpu.dma_semaphore, #tpu.memory_space<semaphore_mem>> -> memref<1x!tpu.dma_semaphore, #tpu.memory_space<semaphore_mem>>
      %dma_start3A_235 = tpu.memref_squeeze %dma_start3A_234 : memref<1x!tpu.dma_semaphore, #tpu.memory_space<semaphore_mem>> -> memref<!tpu.dma_semaphore, #tpu.memory_space<semaphore_mem>>
      tpu.enqueue_indirect_dma source(%dma_start3A_233 : memref<10000x8xf32, #tpu.memory_space<hbm>>) target(%dma_start3A_227 : memref<64x8xf32, #tpu.memory_space<vmem>>) offsets(%dma_start3A_230 : memref<64xi32, #tpu.memory_space<vmem>>) semaphore(%dma_start3A_235 : memref<!tpu.dma_semaphore, #tpu.memory_space<semaphore_mem>>) {add = true}
      %dma_wait3A_236 = arith.constant 0 : i32
      %dma_wait3A_237 = arith.constant 0 : i32
      %dma_wait3A_238 = arith.constant 1 : i32
      %dma_wait3A_239 = arith.constant 0 : i32
      %dma_wait3A_240 = arith.constant 0 : i32
      %dma_wait3A_241 = tpu.memref_slice %arg9[%dma_wait3A_237, %dma_wait3A_239, %dma_wait3A_240] : memref<4x64x8xf32, #tpu.memory_space<vmem>> -> memref<1x64x8xf32, #tpu.memory_space<vmem>>
      %dma_wait3A_242 = tpu.memref_squeeze %dma_wait3A_241 : memref<1x64x8xf32, #tpu.memory_space<vmem>> -> memref<64x8xf32, #tpu.memory_space<vmem>>
      %dma_wait3A_243 = arith.constant 0 : i32
      %dma_wait3A_244 = tpu.memref_slice %arg8[%dma_wait3A_236, %dma_wait3A_243] : memref<4x64xi32, #tpu.memory_space<vmem>> -> memref<1x64xi32, #tpu.memory_space<vmem>>
      %dma_wait3A_245 = tpu.memref_squeeze %dma_wait3A_244 : memref<1x64xi32, #tpu.memory_space<vmem>> -> memref<64xi32, #tpu.memory_space<vmem>>
      %dma_wait3A_246 = arith.constant 0 : i32
      %dma_wait3A_247 = arith.constant 0 : i32
      %dma_wait3A_248 = tpu.memref_slice %arg3[%dma_wait3A_246, %dma_wait3A_247] : memref<10000x8xf32, #tpu.memory_space<hbm>> -> memref<10000x8xf32, #tpu.memory_space<hbm>>
      %dma_wait3A_249 = tpu.memref_slice %arg10[%dma_wait3A_238] : memref<2x!tpu.dma_semaphore, #tpu.memory_space<semaphore_mem>> -> memref<1x!tpu.dma_semaphore, #tpu.memory_space<semaphore_mem>>
      %dma_wait3A_250 = tpu.memref_squeeze %dma_wait3A_249 : memref<1x!tpu.dma_semaphore, #tpu.memory_space<semaphore_mem>> -> memref<!tpu.dma_semaphore, #tpu.memory_space<semaphore_mem>>
      tpu.wait_indirect_dma semaphore(%dma_wait3A_250 : memref<!tpu.dma_semaphore, #tpu.memory_space<semaphore_mem>>) src(%dma_wait3A_248 : memref<10000x8xf32, #tpu.memory_space<hbm>>) dst(%dma_wait3A_242 : memref<64x8xf32, #tpu.memory_space<vmem>>)
      %add3A_251 = arith.constant 0 : i32
      %add3A_252 = arith.addi %mul3A_57, %add3A_251 : i32
      %run_scoped3A = arith.constant 0 : i32
      "tpu.region"() ({
        %run_scoped3A_307 = tpu.sem_alloc : memref<!tpu.dma_semaphore, #tpu.memory_space<semaphore_mem>>
        %dma_start3A_308 = arith.constant 0 : i32
        %dma_start3A_309 = arith.constant 0 : i32
        %dma_start3A_310 = tpu.memref_slice %arg9[%run_scoped3A, %dma_start3A_308, %dma_start3A_309] : memref<4x64x8xf32, #tpu.memory_space<vmem>> -> memref<1x64x8xf32, #tpu.memory_space<vmem>>
        %dma_start3A_311 = tpu.memref_squeeze %dma_start3A_310 : memref<1x64x8xf32, #tpu.memory_space<vmem>> -> memref<64x8xf32, #tpu.memory_space<vmem>>
        %dma_start3A_312 = arith.constant 0 : i32
        %dma_start3A_313 = tpu.memref_slice %arg6[%add3A_252, %dma_start3A_312] : memref<320000x8xf32, #tpu.memory_space<hbm>> -> memref<64x8xf32, #tpu.memory_space<hbm>>
        %dma_start3A_314 = arith.constant 0 : i32
        %dma_start3A_315 = tpu.memref_slice %arg6[%add3A_252, %dma_start3A_314] : memref<320000x8xf32, #tpu.memory_space<hbm>> -> memref<64x8xf32, #tpu.memory_space<hbm>>
        %dma_start3A_316 = arith.constant 0 : i32
        %dma_start3A_317 = arith.constant 0 : i32
        %dma_start3A_318 = tpu.memref_slice %arg9[%run_scoped3A, %dma_start3A_316, %dma_start3A_317] : memref<4x64x8xf32, #tpu.memory_space<vmem>> -> memref<1x64x8xf32, #tpu.memory_space<vmem>>
        %dma_start3A_319 = tpu.memref_squeeze %dma_start3A_318 : memref<1x64x8xf32, #tpu.memory_space<vmem>> -> memref<64x8xf32, #tpu.memory_space<vmem>>
        tpu.enqueue_dma source(%dma_start3A_319 : memref<64x8xf32, #tpu.memory_space<vmem>>) target(%dma_start3A_315 : memref<64x8xf32, #tpu.memory_space<hbm>>) target_semaphore(%run_scoped3A_307 : memref<!tpu.dma_semaphore, #tpu.memory_space<semaphore_mem>>)
        %dma_wait3A_320 = arith.constant 0 : i32
        %dma_wait3A_321 = arith.constant 0 : i32
        %dma_wait3A_322 = tpu.memref_slice %arg9[%run_scoped3A, %dma_wait3A_320, %dma_wait3A_321] : memref<4x64x8xf32, #tpu.memory_space<vmem>> -> memref<1x64x8xf32, #tpu.memory_space<vmem>>
        %dma_wait3A_323 = tpu.memref_squeeze %dma_wait3A_322 : memref<1x64x8xf32, #tpu.memory_space<vmem>> -> memref<64x8xf32, #tpu.memory_space<vmem>>
        %dma_wait3A_324 = arith.constant 0 : i32
        %dma_wait3A_325 = tpu.memref_slice %arg6[%add3A_252, %dma_wait3A_324] : memref<320000x8xf32, #tpu.memory_space<hbm>> -> memref<64x8xf32, #tpu.memory_space<hbm>>
        %dma_wait3A_326 = arith.constant 0 : i32
        %dma_wait3A_327 = tpu.memref_slice %arg6[%add3A_252, %dma_wait3A_326] : memref<320000x8xf32, #tpu.memory_space<hbm>> -> memref<64x8xf32, #tpu.memory_space<hbm>>
        %dma_wait3A_328 = arith.constant 0 : i32
        %dma_wait3A_329 = arith.constant 0 : i32
        %dma_wait3A_330 = tpu.memref_slice %arg9[%run_scoped3A, %dma_wait3A_328, %dma_wait3A_329] : memref<4x64x8xf32, #tpu.memory_space<vmem>> -> memref<1x64x8xf32, #tpu.memory_space<vmem>>
        %dma_wait3A_331 = tpu.memref_squeeze %dma_wait3A_330 : memref<1x64x8xf32, #tpu.memory_space<vmem>> -> memref<64x8xf32, #tpu.memory_space<vmem>>
        tpu.wait_dma2 semaphore(%run_scoped3A_307 : memref<!tpu.dma_semaphore, #tpu.memory_space<semaphore_mem>>) src(%dma_wait3A_331 : memref<64x8xf32, #tpu.memory_space<vmem>>) dst(%dma_wait3A_327 : memref<64x8xf32, #tpu.memory_space<hbm>>)
        tpu.yield
      }) : () -> ()
      %dma_wait3A_253 = arith.constant 1 : i32
      %dma_wait3A_254 = arith.constant 1 : i32
      %dma_wait3A_255 = arith.constant 1 : i32
      %dma_wait3A_256 = arith.constant 0 : i32
      %dma_wait3A_257 = arith.constant 0 : i32
      %dma_wait3A_258 = tpu.memref_slice %arg9[%dma_wait3A_254, %dma_wait3A_256, %dma_wait3A_257] : memref<4x64x8xf32, #tpu.memory_space<vmem>> -> memref<1x64x8xf32, #tpu.memory_space<vmem>>
      %dma_wait3A_259 = tpu.memref_squeeze %dma_wait3A_258 : memref<1x64x8xf32, #tpu.memory_space<vmem>> -> memref<64x8xf32, #tpu.memory_space<vmem>>
      %dma_wait3A_260 = arith.constant 0 : i32
      %dma_wait3A_261 = tpu.memref_slice %arg8[%dma_wait3A_253, %dma_wait3A_260] : memref<4x64xi32, #tpu.memory_space<vmem>> -> memref<1x64xi32, #tpu.memory_space<vmem>>
      %dma_wait3A_262 = tpu.memref_squeeze %dma_wait3A_261 : memref<1x64xi32, #tpu.memory_space<vmem>> -> memref<64xi32, #tpu.memory_space<vmem>>
      %dma_wait3A_263 = arith.constant 0 : i32
      %dma_wait3A_264 = arith.constant 0 : i32
      %dma_wait3A_265 = tpu.memref_slice %arg3[%dma_wait3A_263, %dma_wait3A_264] : memref<10000x8xf32, #tpu.memory_space<hbm>> -> memref<10000x8xf32, #tpu.memory_space<hbm>>
      %dma_wait3A_266 = tpu.memref_slice %arg10[%dma_wait3A_255] : memref<2x!tpu.dma_semaphore, #tpu.memory_space<semaphore_mem>> -> memref<1x!tpu.dma_semaphore, #tpu.memory_space<semaphore_mem>>
      %dma_wait3A_267 = tpu.memref_squeeze %dma_wait3A_266 : memref<1x!tpu.dma_semaphore, #tpu.memory_space<semaphore_mem>> -> memref<!tpu.dma_semaphore, #tpu.memory_space<semaphore_mem>>
      tpu.wait_indirect_dma semaphore(%dma_wait3A_267 : memref<!tpu.dma_semaphore, #tpu.memory_space<semaphore_mem>>) src(%dma_wait3A_265 : memref<10000x8xf32, #tpu.memory_space<hbm>>) dst(%dma_wait3A_259 : memref<64x8xf32, #tpu.memory_space<vmem>>)
      %add3A_268 = arith.constant 64 : i32
      %add3A_269 = arith.addi %mul3A_57, %add3A_268 : i32
      %run_scoped3A_270 = arith.constant 1 : i32
      "tpu.region"() ({
        %run_scoped3A_307 = tpu.sem_alloc : memref<!tpu.dma_semaphore, #tpu.memory_space<semaphore_mem>>
        %dma_start3A_308 = arith.constant 0 : i32
        %dma_start3A_309 = arith.constant 0 : i32
        %dma_start3A_310 = tpu.memref_slice %arg9[%run_scoped3A_270, %dma_start3A_308, %dma_start3A_309] : memref<4x64x8xf32, #tpu.memory_space<vmem>> -> memref<1x64x8xf32, #tpu.memory_space<vmem>>
        %dma_start3A_311 = tpu.memref_squeeze %dma_start3A_310 : memref<1x64x8xf32, #tpu.memory_space<vmem>> -> memref<64x8xf32, #tpu.memory_space<vmem>>
        %dma_start3A_312 = arith.constant 0 : i32
        %dma_start3A_313 = tpu.memref_slice %arg6[%add3A_269, %dma_start3A_312] : memref<320000x8xf32, #tpu.memory_space<hbm>> -> memref<64x8xf32, #tpu.memory_space<hbm>>
        %dma_start3A_314 = arith.constant 0 : i32
        %dma_start3A_315 = tpu.memref_slice %arg6[%add3A_269, %dma_start3A_314] : memref<320000x8xf32, #tpu.memory_space<hbm>> -> memref<64x8xf32, #tpu.memory_space<hbm>>
        %dma_start3A_316 = arith.constant 0 : i32
        %dma_start3A_317 = arith.constant 0 : i32
        %dma_start3A_318 = tpu.memref_slice %arg9[%run_scoped3A_270, %dma_start3A_316, %dma_start3A_317] : memref<4x64x8xf32, #tpu.memory_space<vmem>> -> memref<1x64x8xf32, #tpu.memory_space<vmem>>
        %dma_start3A_319 = tpu.memref_squeeze %dma_start3A_318 : memref<1x64x8xf32, #tpu.memory_space<vmem>> -> memref<64x8xf32, #tpu.memory_space<vmem>>
        tpu.enqueue_dma source(%dma_start3A_319 : memref<64x8xf32, #tpu.memory_space<vmem>>) target(%dma_start3A_315 : memref<64x8xf32, #tpu.memory_space<hbm>>) target_semaphore(%run_scoped3A_307 : memref<!tpu.dma_semaphore, #tpu.memory_space<semaphore_mem>>)
        %dma_wait3A_320 = arith.constant 0 : i32
        %dma_wait3A_321 = arith.constant 0 : i32
        %dma_wait3A_322 = tpu.memref_slice %arg9[%run_scoped3A_270, %dma_wait3A_320, %dma_wait3A_321] : memref<4x64x8xf32, #tpu.memory_space<vmem>> -> memref<1x64x8xf32, #tpu.memory_space<vmem>>
        %dma_wait3A_323 = tpu.memref_squeeze %dma_wait3A_322 : memref<1x64x8xf32, #tpu.memory_space<vmem>> -> memref<64x8xf32, #tpu.memory_space<vmem>>
        %dma_wait3A_324 = arith.constant 0 : i32
        %dma_wait3A_325 = tpu.memref_slice %arg6[%add3A_269, %dma_wait3A_324] : memref<320000x8xf32, #tpu.memory_space<hbm>> -> memref<64x8xf32, #tpu.memory_space<hbm>>
        %dma_wait3A_326 = arith.constant 0 : i32
        %dma_wait3A_327 = tpu.memref_slice %arg6[%add3A_269, %dma_wait3A_326] : memref<320000x8xf32, #tpu.memory_space<hbm>> -> memref<64x8xf32, #tpu.memory_space<hbm>>
        %dma_wait3A_328 = arith.constant 0 : i32
        %dma_wait3A_329 = arith.constant 0 : i32
        %dma_wait3A_330 = tpu.memref_slice %arg9[%run_scoped3A_270, %dma_wait3A_328, %dma_wait3A_329] : memref<4x64x8xf32, #tpu.memory_space<vmem>> -> memref<1x64x8xf32, #tpu.memory_space<vmem>>
        %dma_wait3A_331 = tpu.memref_squeeze %dma_wait3A_330 : memref<1x64x8xf32, #tpu.memory_space<vmem>> -> memref<64x8xf32, #tpu.memory_space<vmem>>
        tpu.wait_dma2 semaphore(%run_scoped3A_307 : memref<!tpu.dma_semaphore, #tpu.memory_space<semaphore_mem>>) src(%dma_wait3A_331 : memref<64x8xf32, #tpu.memory_space<vmem>>) dst(%dma_wait3A_327 : memref<64x8xf32, #tpu.memory_space<hbm>>)
        tpu.yield
      }) : () -> ()
      %dma_wait3A_271 = arith.constant 2 : i32
      %dma_wait3A_272 = arith.constant 2 : i32
      %dma_wait3A_273 = arith.constant 1 : i32
      %dma_wait3A_274 = arith.constant 0 : i32
      %dma_wait3A_275 = arith.constant 0 : i32
      %dma_wait3A_276 = tpu.memref_slice %arg9[%dma_wait3A_272, %dma_wait3A_274, %dma_wait3A_275] : memref<4x64x8xf32, #tpu.memory_space<vmem>> -> memref<1x64x8xf32, #tpu.memory_space<vmem>>
      %dma_wait3A_277 = tpu.memref_squeeze %dma_wait3A_276 : memref<1x64x8xf32, #tpu.memory_space<vmem>> -> memref<64x8xf32, #tpu.memory_space<vmem>>
      %dma_wait3A_278 = arith.constant 0 : i32
      %dma_wait3A_279 = tpu.memref_slice %arg8[%dma_wait3A_271, %dma_wait3A_278] : memref<4x64xi32, #tpu.memory_space<vmem>> -> memref<1x64xi32, #tpu.memory_space<vmem>>
      %dma_wait3A_280 = tpu.memref_squeeze %dma_wait3A_279 : memref<1x64xi32, #tpu.memory_space<vmem>> -> memref<64xi32, #tpu.memory_space<vmem>>
      %dma_wait3A_281 = arith.constant 0 : i32
      %dma_wait3A_282 = arith.constant 0 : i32
      %dma_wait3A_283 = tpu.memref_slice %arg3[%dma_wait3A_281, %dma_wait3A_282] : memref<10000x8xf32, #tpu.memory_space<hbm>> -> memref<10000x8xf32, #tpu.memory_space<hbm>>
      %dma_wait3A_284 = tpu.memref_slice %arg10[%dma_wait3A_273] : memref<2x!tpu.dma_semaphore, #tpu.memory_space<semaphore_mem>> -> memref<1x!tpu.dma_semaphore, #tpu.memory_space<semaphore_mem>>
      %dma_wait3A_285 = tpu.memref_squeeze %dma_wait3A_284 : memref<1x!tpu.dma_semaphore, #tpu.memory_space<semaphore_mem>> -> memref<!tpu.dma_semaphore, #tpu.memory_space<semaphore_mem>>
      tpu.wait_indirect_dma semaphore(%dma_wait3A_285 : memref<!tpu.dma_semaphore, #tpu.memory_space<semaphore_mem>>) src(%dma_wait3A_283 : memref<10000x8xf32, #tpu.memory_space<hbm>>) dst(%dma_wait3A_277 : memref<64x8xf32, #tpu.memory_space<vmem>>)
      %add3A_286 = arith.constant 128 : i32
      %add3A_287 = arith.addi %mul3A_57, %add3A_286 : i32
      %run_scoped3A_288 = arith.constant 2 : i32
      "tpu.region"() ({
        %run_scoped3A_307 = tpu.sem_alloc : memref<!tpu.dma_semaphore, #tpu.memory_space<semaphore_mem>>
        %dma_start3A_308 = arith.constant 0 : i32
        %dma_start3A_309 = arith.constant 0 : i32
        %dma_start3A_310 = tpu.memref_slice %arg9[%run_scoped3A_288, %dma_start3A_308, %dma_start3A_309] : memref<4x64x8xf32, #tpu.memory_space<vmem>> -> memref<1x64x8xf32, #tpu.memory_space<vmem>>
        %dma_start3A_311 = tpu.memref_squeeze %dma_start3A_310 : memref<1x64x8xf32, #tpu.memory_space<vmem>> -> memref<64x8xf32, #tpu.memory_space<vmem>>
        %dma_start3A_312 = arith.constant 0 : i32
        %dma_start3A_313 = tpu.memref_slice %arg6[%add3A_287, %dma_start3A_312] : memref<320000x8xf32, #tpu.memory_space<hbm>> -> memref<64x8xf32, #tpu.memory_space<hbm>>
        %dma_start3A_314 = arith.constant 0 : i32
        %dma_start3A_315 = tpu.memref_slice %arg6[%add3A_287, %dma_start3A_314] : memref<320000x8xf32, #tpu.memory_space<hbm>> -> memref<64x8xf32, #tpu.memory_space<hbm>>
        %dma_start3A_316 = arith.constant 0 : i32
        %dma_start3A_317 = arith.constant 0 : i32
        %dma_start3A_318 = tpu.memref_slice %arg9[%run_scoped3A_288, %dma_start3A_316, %dma_start3A_317] : memref<4x64x8xf32, #tpu.memory_space<vmem>> -> memref<1x64x8xf32, #tpu.memory_space<vmem>>
        %dma_start3A_319 = tpu.memref_squeeze %dma_start3A_318 : memref<1x64x8xf32, #tpu.memory_space<vmem>> -> memref<64x8xf32, #tpu.memory_space<vmem>>
        tpu.enqueue_dma source(%dma_start3A_319 : memref<64x8xf32, #tpu.memory_space<vmem>>) target(%dma_start3A_315 : memref<64x8xf32, #tpu.memory_space<hbm>>) target_semaphore(%run_scoped3A_307 : memref<!tpu.dma_semaphore, #tpu.memory_space<semaphore_mem>>)
        %dma_wait3A_320 = arith.constant 0 : i32
        %dma_wait3A_321 = arith.constant 0 : i32
        %dma_wait3A_322 = tpu.memref_slice %arg9[%run_scoped3A_288, %dma_wait3A_320, %dma_wait3A_321] : memref<4x64x8xf32, #tpu.memory_space<vmem>> -> memref<1x64x8xf32, #tpu.memory_space<vmem>>
        %dma_wait3A_323 = tpu.memref_squeeze %dma_wait3A_322 : memref<1x64x8xf32, #tpu.memory_space<vmem>> -> memref<64x8xf32, #tpu.memory_space<vmem>>
        %dma_wait3A_324 = arith.constant 0 : i32
        %dma_wait3A_325 = tpu.memref_slice %arg6[%add3A_287, %dma_wait3A_324] : memref<320000x8xf32, #tpu.memory_space<hbm>> -> memref<64x8xf32, #tpu.memory_space<hbm>>
        %dma_wait3A_326 = arith.constant 0 : i32
        %dma_wait3A_327 = tpu.memref_slice %arg6[%add3A_287, %dma_wait3A_326] : memref<320000x8xf32, #tpu.memory_space<hbm>> -> memref<64x8xf32, #tpu.memory_space<hbm>>
        %dma_wait3A_328 = arith.constant 0 : i32
        %dma_wait3A_329 = arith.constant 0 : i32
        %dma_wait3A_330 = tpu.memref_slice %arg9[%run_scoped3A_288, %dma_wait3A_328, %dma_wait3A_329] : memref<4x64x8xf32, #tpu.memory_space<vmem>> -> memref<1x64x8xf32, #tpu.memory_space<vmem>>
        %dma_wait3A_331 = tpu.memref_squeeze %dma_wait3A_330 : memref<1x64x8xf32, #tpu.memory_space<vmem>> -> memref<64x8xf32, #tpu.memory_space<vmem>>
        tpu.wait_dma2 semaphore(%run_scoped3A_307 : memref<!tpu.dma_semaphore, #tpu.memory_space<semaphore_mem>>) src(%dma_wait3A_331 : memref<64x8xf32, #tpu.memory_space<vmem>>) dst(%dma_wait3A_327 : memref<64x8xf32, #tpu.memory_space<hbm>>)
        tpu.yield
      }) : () -> ()
      %dma_wait3A_289 = arith.constant 3 : i32
      %dma_wait3A_290 = arith.constant 3 : i32
      %dma_wait3A_291 = arith.constant 1 : i32
      %dma_wait3A_292 = arith.constant 0 : i32
      %dma_wait3A_293 = arith.constant 0 : i32
      %dma_wait3A_294 = tpu.memref_slice %arg9[%dma_wait3A_290, %dma_wait3A_292, %dma_wait3A_293] : memref<4x64x8xf32, #tpu.memory_space<vmem>> -> memref<1x64x8xf32, #tpu.memory_space<vmem>>
      %dma_wait3A_295 = tpu.memref_squeeze %dma_wait3A_294 : memref<1x64x8xf32, #tpu.memory_space<vmem>> -> memref<64x8xf32, #tpu.memory_space<vmem>>
      %dma_wait3A_296 = arith.constant 0 : i32
      %dma_wait3A_297 = tpu.memref_slice %arg8[%dma_wait3A_289, %dma_wait3A_296] : memref<4x64xi32, #tpu.memory_space<vmem>> -> memref<1x64xi32, #tpu.memory_space<vmem>>
      %dma_wait3A_298 = tpu.memref_squeeze %dma_wait3A_297 : memref<1x64xi32, #tpu.memory_space<vmem>> -> memref<64xi32, #tpu.memory_space<vmem>>
      %dma_wait3A_299 = arith.constant 0 : i32
      %dma_wait3A_300 = arith.constant 0 : i32
      %dma_wait3A_301 = tpu.memref_slice %arg3[%dma_wait3A_299, %dma_wait3A_300] : memref<10000x8xf32, #tpu.memory_space<hbm>> -> memref<10000x8xf32, #tpu.memory_space<hbm>>
      %dma_wait3A_302 = tpu.memref_slice %arg10[%dma_wait3A_291] : memref<2x!tpu.dma_semaphore, #tpu.memory_space<semaphore_mem>> -> memref<1x!tpu.dma_semaphore, #tpu.memory_space<semaphore_mem>>
      %dma_wait3A_303 = tpu.memref_squeeze %dma_wait3A_302 : memref<1x!tpu.dma_semaphore, #tpu.memory_space<semaphore_mem>> -> memref<!tpu.dma_semaphore, #tpu.memory_space<semaphore_mem>>
      tpu.wait_indirect_dma semaphore(%dma_wait3A_303 : memref<!tpu.dma_semaphore, #tpu.memory_space<semaphore_mem>>) src(%dma_wait3A_301 : memref<10000x8xf32, #tpu.memory_space<hbm>>) dst(%dma_wait3A_295 : memref<64x8xf32, #tpu.memory_space<vmem>>)
      %add3A_304 = arith.constant 192 : i32
      %add3A_305 = arith.addi %mul3A_57, %add3A_304 : i32
      %run_scoped3A_306 = arith.constant 3 : i32
      "tpu.region"() ({
        %run_scoped3A_307 = tpu.sem_alloc : memref<!tpu.dma_semaphore, #tpu.memory_space<semaphore_mem>>
        %dma_start3A_308 = arith.constant 0 : i32
        %dma_start3A_309 = arith.constant 0 : i32
        %dma_start3A_310 = tpu.memref_slice %arg9[%run_scoped3A_306, %dma_start3A_308, %dma_start3A_309] : memref<4x64x8xf32, #tpu.memory_space<vmem>> -> memref<1x64x8xf32, #tpu.memory_space<vmem>>
        %dma_start3A_311 = tpu.memref_squeeze %dma_start3A_310 : memref<1x64x8xf32, #tpu.memory_space<vmem>> -> memref<64x8xf32, #tpu.memory_space<vmem>>
        %dma_start3A_312 = arith.constant 0 : i32
        %dma_start3A_313 = tpu.memref_slice %arg6[%add3A_305, %dma_start3A_312] : memref<320000x8xf32, #tpu.memory_space<hbm>> -> memref<64x8xf32, #tpu.memory_space<hbm>>
        %dma_start3A_314 = arith.constant 0 : i32
        %dma_start3A_315 = tpu.memref_slice %arg6[%add3A_305, %dma_start3A_314] : memref<320000x8xf32, #tpu.memory_space<hbm>> -> memref<64x8xf32, #tpu.memory_space<hbm>>
        %dma_start3A_316 = arith.constant 0 : i32
        %dma_start3A_317 = arith.constant 0 : i32
        %dma_start3A_318 = tpu.memref_slice %arg9[%run_scoped3A_306, %dma_start3A_316, %dma_start3A_317] : memref<4x64x8xf32, #tpu.memory_space<vmem>> -> memref<1x64x8xf32, #tpu.memory_space<vmem>>
        %dma_start3A_319 = tpu.memref_squeeze %dma_start3A_318 : memref<1x64x8xf32, #tpu.memory_space<vmem>> -> memref<64x8xf32, #tpu.memory_space<vmem>>
        tpu.enqueue_dma source(%dma_start3A_319 : memref<64x8xf32, #tpu.memory_space<vmem>>) target(%dma_start3A_315 : memref<64x8xf32, #tpu.memory_space<hbm>>) target_semaphore(%run_scoped3A_307 : memref<!tpu.dma_semaphore, #tpu.memory_space<semaphore_mem>>)
        %dma_wait3A_320 = arith.constant 0 : i32
        %dma_wait3A_321 = arith.constant 0 : i32
        %dma_wait3A_322 = tpu.memref_slice %arg9[%run_scoped3A_306, %dma_wait3A_320, %dma_wait3A_321] : memref<4x64x8xf32, #tpu.memory_space<vmem>> -> memref<1x64x8xf32, #tpu.memory_space<vmem>>
        %dma_wait3A_323 = tpu.memref_squeeze %dma_wait3A_322 : memref<1x64x8xf32, #tpu.memory_space<vmem>> -> memref<64x8xf32, #tpu.memory_space<vmem>>
        %dma_wait3A_324 = arith.constant 0 : i32
        %dma_wait3A_325 = tpu.memref_slice %arg6[%add3A_305, %dma_wait3A_324] : memref<320000x8xf32, #tpu.memory_space<hbm>> -> memref<64x8xf32, #tpu.memory_space<hbm>>
        %dma_wait3A_326 = arith.constant 0 : i32
        %dma_wait3A_327 = tpu.memref_slice %arg6[%add3A_305, %dma_wait3A_326] : memref<320000x8xf32, #tpu.memory_space<hbm>> -> memref<64x8xf32, #tpu.memory_space<hbm>>
        %dma_wait3A_328 = arith.constant 0 : i32
        %dma_wait3A_329 = arith.constant 0 : i32
        %dma_wait3A_330 = tpu.memref_slice %arg9[%run_scoped3A_306, %dma_wait3A_328, %dma_wait3A_329] : memref<4x64x8xf32, #tpu.memory_space<vmem>> -> memref<1x64x8xf32, #tpu.memory_space<vmem>>
        %dma_wait3A_331 = tpu.memref_squeeze %dma_wait3A_330 : memref<1x64x8xf32, #tpu.memory_space<vmem>> -> memref<64x8xf32, #tpu.memory_space<vmem>>
        tpu.wait_dma2 semaphore(%run_scoped3A_307 : memref<!tpu.dma_semaphore, #tpu.memory_space<semaphore_mem>>) src(%dma_wait3A_331 : memref<64x8xf32, #tpu.memory_space<vmem>>) dst(%dma_wait3A_327 : memref<64x8xf32, #tpu.memory_space<hbm>>)
        tpu.yield
      }) : () -> ()
    }
    %while3A_54 = arith.constant 1 : i32
    scf.for %while3A_55 = %while3A_52 to %while3A_48 step %while3A_54  : i32 {
      "tpu.region"() ({
        %run_scoped3A_307 = tpu.sem_alloc : memref<!tpu.dma_semaphore, #tpu.memory_space<semaphore_mem>>
        %dma_start3A_308 = arith.constant 0 : i32
        %dma_start3A_309 = arith.constant 0 : i32
        %dma_start3A_310 = tpu.memref_slice %arg4[%while3A_55, %dma_start3A_308, %dma_start3A_309] : memref<1250x4x64xi32, #tpu.memory_space<hbm>> -> memref<1x4x64xi32, #tpu.memory_space<hbm>>
        %dma_start3A_311 = tpu.memref_squeeze %dma_start3A_310 : memref<1x4x64xi32, #tpu.memory_space<hbm>> -> memref<4x64xi32, #tpu.memory_space<hbm>>
        %dma_start3A_312 = arith.constant 0 : i32
        %dma_start3A_313 = arith.constant 0 : i32
        %dma_start3A_314 = tpu.memref_slice %arg4[%while3A_55, %dma_start3A_312, %dma_start3A_313] : memref<1250x4x64xi32, #tpu.memory_space<hbm>> -> memref<1x4x64xi32, #tpu.memory_space<hbm>>
        %dma_start3A_315 = tpu.memref_squeeze %dma_start3A_314 : memref<1x4x64xi32, #tpu.memory_space<hbm>> -> memref<4x64xi32, #tpu.memory_space<hbm>>
        tpu.enqueue_dma source(%dma_start3A_315 : memref<4x64xi32, #tpu.memory_space<hbm>>) target(%arg7 : memref<4x64xi32, #tpu.memory_space<vmem>>) target_semaphore(%run_scoped3A_307 : memref<!tpu.dma_semaphore, #tpu.memory_space<semaphore_mem>>)
        %dma_wait3A_316 = arith.constant 0 : i32
        %dma_wait3A_317 = arith.constant 0 : i32
        %dma_wait3A_318 = tpu.memref_slice %arg4[%while3A_55, %dma_wait3A_316, %dma_wait3A_317] : memref<1250x4x64xi32, #tpu.memory_space<hbm>> -> memref<1x4x64xi32, #tpu.memory_space<hbm>>
        %dma_wait3A_319 = tpu.memref_squeeze %dma_wait3A_318 : memref<1x4x64xi32, #tpu.memory_space<hbm>> -> memref<4x64xi32, #tpu.memory_space<hbm>>
        %dma_wait3A_320 = arith.constant 0 : i32
        %dma_wait3A_321 = arith.constant 0 : i32
        %dma_wait3A_322 = tpu.memref_slice %arg4[%while3A_55, %dma_wait3A_320, %dma_wait3A_321] : memref<1250x4x64xi32, #tpu.memory_space<hbm>> -> memref<1x4x64xi32, #tpu.memory_space<hbm>>
        %dma_wait3A_323 = tpu.memref_squeeze %dma_wait3A_322 : memref<1x4x64xi32, #tpu.memory_space<hbm>> -> memref<4x64xi32, #tpu.memory_space<hbm>>
        tpu.wait_dma2 semaphore(%run_scoped3A_307 : memref<!tpu.dma_semaphore, #tpu.memory_space<semaphore_mem>>) src(%dma_wait3A_323 : memref<4x64xi32, #tpu.memory_space<hbm>>) dst(%arg7 : memref<4x64xi32, #tpu.memory_space<vmem>>)
        tpu.yield
      }) : () -> ()
      "tpu.region"() ({
        %run_scoped3A_307 = tpu.sem_alloc : memref<!tpu.dma_semaphore, #tpu.memory_space<semaphore_mem>>
        %dma_start3A_308 = arith.constant 0 : i32
        %dma_start3A_309 = arith.constant 0 : i32
        %dma_start3A_310 = tpu.memref_slice %arg5[%while3A_55, %dma_start3A_308, %dma_start3A_309] : memref<1250x4x64xi32, #tpu.memory_space<hbm>> -> memref<1x4x64xi32, #tpu.memory_space<hbm>>
        %dma_start3A_311 = tpu.memref_squeeze %dma_start3A_310 : memref<1x4x64xi32, #tpu.memory_space<hbm>> -> memref<4x64xi32, #tpu.memory_space<hbm>>
        %dma_start3A_312 = arith.constant 0 : i32
        %dma_start3A_313 = arith.constant 0 : i32
        %dma_start3A_314 = tpu.memref_slice %arg5[%while3A_55, %dma_start3A_312, %dma_start3A_313] : memref<1250x4x64xi32, #tpu.memory_space<hbm>> -> memref<1x4x64xi32, #tpu.memory_space<hbm>>
        %dma_start3A_315 = tpu.memref_squeeze %dma_start3A_314 : memref<1x4x64xi32, #tpu.memory_space<hbm>> -> memref<4x64xi32, #tpu.memory_space<hbm>>
        tpu.enqueue_dma source(%dma_start3A_315 : memref<4x64xi32, #tpu.memory_space<hbm>>) target(%arg8 : memref<4x64xi32, #tpu.memory_space<vmem>>) target_semaphore(%run_scoped3A_307 : memref<!tpu.dma_semaphore, #tpu.memory_space<semaphore_mem>>)
        %dma_wait3A_316 = arith.constant 0 : i32
        %dma_wait3A_317 = arith.constant 0 : i32
        %dma_wait3A_318 = tpu.memref_slice %arg5[%while3A_55, %dma_wait3A_316, %dma_wait3A_317] : memref<1250x4x64xi32, #tpu.memory_space<hbm>> -> memref<1x4x64xi32, #tpu.memory_space<hbm>>
        %dma_wait3A_319 = tpu.memref_squeeze %dma_wait3A_318 : memref<1x4x64xi32, #tpu.memory_space<hbm>> -> memref<4x64xi32, #tpu.memory_space<hbm>>
        %dma_wait3A_320 = arith.constant 0 : i32
        %dma_wait3A_321 = arith.constant 0 : i32
        %dma_wait3A_322 = tpu.memref_slice %arg5[%while3A_55, %dma_wait3A_320, %dma_wait3A_321] : memref<1250x4x64xi32, #tpu.memory_space<hbm>> -> memref<1x4x64xi32, #tpu.memory_space<hbm>>
        %dma_wait3A_323 = tpu.memref_squeeze %dma_wait3A_322 : memref<1x4x64xi32, #tpu.memory_space<hbm>> -> memref<4x64xi32, #tpu.memory_space<hbm>>
        tpu.wait_dma2 semaphore(%run_scoped3A_307 : memref<!tpu.dma_semaphore, #tpu.memory_space<semaphore_mem>>) src(%dma_wait3A_323 : memref<4x64xi32, #tpu.memory_space<hbm>>) dst(%arg8 : memref<4x64xi32, #tpu.memory_space<vmem>>)
        tpu.yield
      }) : () -> ()
      %mul3A_56 = arith.constant 256 : i32
      %mul3A_57 = arith.muli %while3A_55, %mul3A_56 : i32
      %dma_start3A = arith.constant 0 : i32
      %dma_start3A_58 = arith.constant 0 : i32
      %dma_start3A_59 = arith.constant 0 : i32
      %dma_start3A_60 = arith.constant 0 : i32
      %dma_start3A_61 = arith.constant 0 : i32
      %dma_start3A_62 = tpu.memref_slice %arg9[%dma_start3A_58, %dma_start3A_60, %dma_start3A_61] : memref<4x64x8xf32, #tpu.memory_space<vmem>> -> memref<1x64x8xf32, #tpu.memory_space<vmem>>
      %dma_start3A_63 = tpu.memref_squeeze %dma_start3A_62 : memref<1x64x8xf32, #tpu.memory_space<vmem>> -> memref<64x8xf32, #tpu.memory_space<vmem>>
      %dma_start3A_64 = arith.constant 0 : i32
      %dma_start3A_65 = tpu.memref_slice %arg7[%dma_start3A, %dma_start3A_64] : memref<4x64xi32, #tpu.memory_space<vmem>> -> memref<1x64xi32, #tpu.memory_space<vmem>>
      %dma_start3A_66 = tpu.memref_squeeze %dma_start3A_65 : memref<1x64xi32, #tpu.memory_space<vmem>> -> memref<64xi32, #tpu.memory_space<vmem>>
      %dma_start3A_67 = arith.constant 0 : i32
      %dma_start3A_68 = arith.constant 0 : i32
      %dma_start3A_69 = tpu.memref_slice %arg2[%dma_start3A_67, %dma_start3A_68] : memref<10000x8xf32, #tpu.memory_space<hbm>> -> memref<10000x8xf32, #tpu.memory_space<hbm>>
      %dma_start3A_70 = tpu.memref_slice %arg10[%dma_start3A_59] : memref<2x!tpu.dma_semaphore, #tpu.memory_space<semaphore_mem>> -> memref<1x!tpu.dma_semaphore, #tpu.memory_space<semaphore_mem>>
      %dma_start3A_71 = tpu.memref_squeeze %dma_start3A_70 : memref<1x!tpu.dma_semaphore, #tpu.memory_space<semaphore_mem>> -> memref<!tpu.dma_semaphore, #tpu.memory_space<semaphore_mem>>
      tpu.enqueue_indirect_dma source(%dma_start3A_69 : memref<10000x8xf32, #tpu.memory_space<hbm>>) target(%dma_start3A_63 : memref<64x8xf32, #tpu.memory_space<vmem>>) offsets(%dma_start3A_66 : memref<64xi32, #tpu.memory_space<vmem>>) semaphore(%dma_start3A_71 : memref<!tpu.dma_semaphore, #tpu.memory_space<semaphore_mem>>)
      %dma_start3A_72 = arith.constant 1 : i32
      %dma_start3A_73 = arith.constant 1 : i32
      %dma_start3A_74 = arith.constant 0 : i32
      %dma_start3A_75 = arith.constant 0 : i32
      %dma_start3A_76 = arith.constant 0 : i32
      %dma_start3A_77 = tpu.memref_slice %arg9[%dma_start3A_73, %dma_start3A_75, %dma_start3A_76] : memref<4x64x8xf32, #tpu.memory_space<vmem>> -> memref<1x64x8xf32, #tpu.memory_space<vmem>>
      %dma_start3A_78 = tpu.memref_squeeze %dma_start3A_77 : memref<1x64x8xf32, #tpu.memory_space<vmem>> -> memref<64x8xf32, #tpu.memory_space<vmem>>
      %dma_start3A_79 = arith.constant 0 : i32
      %dma_start3A_80 = tpu.memref_slice %arg7[%dma_start3A_72, %dma_start3A_79] : memref<4x64xi32, #tpu.memory_space<vmem>> -> memref<1x64xi32, #tpu.memory_space<vmem>>
      %dma_start3A_81 = tpu.memref_squeeze %dma_start3A_80 : memref<1x64xi32, #tpu.memory_space<vmem>> -> memref<64xi32, #tpu.memory_space<vmem>>
      %dma_start3A_82 = arith.constant 0 : i32
      %dma_start3A_83 = arith.constant 0 : i32
      %dma_start3A_84 = tpu.memref_slice %arg2[%dma_start3A_82, %dma_start3A_83] : memref<10000x8xf32, #tpu.memory_space<hbm>> -> memref<10000x8xf32, #tpu.memory_space<hbm>>
      %dma_start3A_85 = tpu.memref_slice %arg10[%dma_start3A_74] : memref<2x!tpu.dma_semaphore, #tpu.memory_space<semaphore_mem>> -> memref<1x!tpu.dma_semaphore, #tpu.memory_space<semaphore_mem>>
      %dma_start3A_86 = tpu.memref_squeeze %dma_start3A_85 : memref<1x!tpu.dma_semaphore, #tpu.memory_space<semaphore_mem>> -> memref<!tpu.dma_semaphore, #tpu.memory_space<semaphore_mem>>
      tpu.enqueue_indirect_dma source(%dma_start3A_84 : memref<10000x8xf32, #tpu.memory_space<hbm>>) target(%dma_start3A_78 : memref<64x8xf32, #tpu.memory_space<vmem>>) offsets(%dma_start3A_81 : memref<64xi32, #tpu.memory_space<vmem>>) semaphore(%dma_start3A_86 : memref<!tpu.dma_semaphore, #tpu.memory_space<semaphore_mem>>)
      %dma_start3A_87 = arith.constant 2 : i32
      %dma_start3A_88 = arith.constant 2 : i32
      %dma_start3A_89 = arith.constant 0 : i32
      %dma_start3A_90 = arith.constant 0 : i32
      %dma_start3A_91 = arith.constant 0 : i32
      %dma_start3A_92 = tpu.memref_slice %arg9[%dma_start3A_88, %dma_start3A_90, %dma_start3A_91] : memref<4x64x8xf32, #tpu.memory_space<vmem>> -> memref<1x64x8xf32, #tpu.memory_space<vmem>>
      %dma_start3A_93 = tpu.memref_squeeze %dma_start3A_92 : memref<1x64x8xf32, #tpu.memory_space<vmem>> -> memref<64x8xf32, #tpu.memory_space<vmem>>
      %dma_start3A_94 = arith.constant 0 : i32
      %dma_start3A_95 = tpu.memref_slice %arg7[%dma_start3A_87, %dma_start3A_94] : memref<4x64xi32, #tpu.memory_space<vmem>> -> memref<1x64xi32, #tpu.memory_space<vmem>>
      %dma_start3A_96 = tpu.memref_squeeze %dma_start3A_95 : memref<1x64xi32, #tpu.memory_space<vmem>> -> memref<64xi32, #tpu.memory_space<vmem>>
      %dma_start3A_97 = arith.constant 0 : i32
      %dma_start3A_98 = arith.constant 0 : i32
      %dma_start3A_99 = tpu.memref_slice %arg2[%dma_start3A_97, %dma_start3A_98] : memref<10000x8xf32, #tpu.memory_space<hbm>> -> memref<10000x8xf32, #tpu.memory_space<hbm>>
      %dma_start3A_100 = tpu.memref_slice %arg10[%dma_start3A_89] : memref<2x!tpu.dma_semaphore, #tpu.memory_space<semaphore_mem>> -> memref<1x!tpu.dma_semaphore, #tpu.memory_space<semaphore_mem>>
      %dma_start3A_101 = tpu.memref_squeeze %dma_start3A_100 : memref<1x!tpu.dma_semaphore, #tpu.memory_space<semaphore_mem>> -> memref<!tpu.dma_semaphore, #tpu.memory_space<semaphore_mem>>
      tpu.enqueue_indirect_dma source(%dma_start3A_99 : memref<10000x8xf32, #tpu.memory_space<hbm>>) target(%dma_start3A_93 : memref<64x8xf32, #tpu.memory_space<vmem>>) offsets(%dma_start3A_96 : memref<64xi32, #tpu.memory_space<vmem>>) semaphore(%dma_start3A_101 : memref<!tpu.dma_semaphore, #tpu.memory_space<semaphore_mem>>)
      %dma_start3A_102 = arith.constant 3 : i32
      %dma_start3A_103 = arith.constant 3 : i32
      %dma_start3A_104 = arith.constant 0 : i32
      %dma_start3A_105 = arith.constant 0 : i32
      %dma_start3A_106 = arith.constant 0 : i32
      %dma_start3A_107 = tpu.memref_slice %arg9[%dma_start3A_103, %dma_start3A_105, %dma_start3A_106] : memref<4x64x8xf32, #tpu.memory_space<vmem>> -> memref<1x64x8xf32, #tpu.memory_space<vmem>>
      %dma_start3A_108 = tpu.memref_squeeze %dma_start3A_107 : memref<1x64x8xf32, #tpu.memory_space<vmem>> -> memref<64x8xf32, #tpu.memory_space<vmem>>
      %dma_start3A_109 = arith.constant 0 : i32
      %dma_start3A_110 = tpu.memref_slice %arg7[%dma_start3A_102, %dma_start3A_109] : memref<4x64xi32, #tpu.memory_space<vmem>> -> memref<1x64xi32, #tpu.memory_space<vmem>>
      %dma_start3A_111 = tpu.memref_squeeze %dma_start3A_110 : memref<1x64xi32, #tpu.memory_space<vmem>> -> memref<64xi32, #tpu.memory_space<vmem>>
      %dma_start3A_112 = arith.constant 0 : i32
      %dma_start3A_113 = arith.constant 0 : i32
      %dma_start3A_114 = tpu.memref_slice %arg2[%dma_start3A_112, %dma_start3A_113] : memref<10000x8xf32, #tpu.memory_space<hbm>> -> memref<10000x8xf32, #tpu.memory_space<hbm>>
      %dma_start3A_115 = tpu.memref_slice %arg10[%dma_start3A_104] : memref<2x!tpu.dma_semaphore, #tpu.memory_space<semaphore_mem>> -> memref<1x!tpu.dma_semaphore, #tpu.memory_space<semaphore_mem>>
      %dma_start3A_116 = tpu.memref_squeeze %dma_start3A_115 : memref<1x!tpu.dma_semaphore, #tpu.memory_space<semaphore_mem>> -> memref<!tpu.dma_semaphore, #tpu.memory_space<semaphore_mem>>
      tpu.enqueue_indirect_dma source(%dma_start3A_114 : memref<10000x8xf32, #tpu.memory_space<hbm>>) target(%dma_start3A_108 : memref<64x8xf32, #tpu.memory_space<vmem>>) offsets(%dma_start3A_111 : memref<64xi32, #tpu.memory_space<vmem>>) semaphore(%dma_start3A_116 : memref<!tpu.dma_semaphore, #tpu.memory_space<semaphore_mem>>)
      %dma_wait3A = arith.constant 0 : i32
      %dma_wait3A_117 = arith.constant 0 : i32
      %dma_wait3A_118 = arith.constant 0 : i32
      %dma_wait3A_119 = arith.constant 0 : i32
      %dma_wait3A_120 = arith.constant 0 : i32
      %dma_wait3A_121 = tpu.memref_slice %arg9[%dma_wait3A_117, %dma_wait3A_119, %dma_wait3A_120] : memref<4x64x8xf32, #tpu.memory_space<vmem>> -> memref<1x64x8xf32, #tpu.memory_space<vmem>>
      %dma_wait3A_122 = tpu.memref_squeeze %dma_wait3A_121 : memref<1x64x8xf32, #tpu.memory_space<vmem>> -> memref<64x8xf32, #tpu.memory_space<vmem>>
      %dma_wait3A_123 = arith.constant 0 : i32
      %dma_wait3A_124 = tpu.memref_slice %arg7[%dma_wait3A, %dma_wait3A_123] : memref<4x64xi32, #tpu.memory_space<vmem>> -> memref<1x64xi32, #tpu.memory_space<vmem>>
      %dma_wait3A_125 = tpu.memref_squeeze %dma_wait3A_124 : memref<1x64xi32, #tpu.memory_space<vmem>> -> memref<64xi32, #tpu.memory_space<vmem>>
      %dma_wait3A_126 = arith.constant 0 : i32
      %dma_wait3A_127 = arith.constant 0 : i32
      %dma_wait3A_128 = tpu.memref_slice %arg2[%dma_wait3A_126, %dma_wait3A_127] : memref<10000x8xf32, #tpu.memory_space<hbm>> -> memref<10000x8xf32, #tpu.memory_space<hbm>>
      %dma_wait3A_129 = tpu.memref_slice %arg10[%dma_wait3A_118] : memref<2x!tpu.dma_semaphore, #tpu.memory_space<semaphore_mem>> -> memref<1x!tpu.dma_semaphore, #tpu.memory_space<semaphore_mem>>
      %dma_wait3A_130 = tpu.memref_squeeze %dma_wait3A_129 : memref<1x!tpu.dma_semaphore, #tpu.memory_space<semaphore_mem>> -> memref<!tpu.dma_semaphore, #tpu.memory_space<semaphore_mem>>
      tpu.wait_indirect_dma semaphore(%dma_wait3A_130 : memref<!tpu.dma_semaphore, #tpu.memory_space<semaphore_mem>>) src(%dma_wait3A_128 : memref<10000x8xf32, #tpu.memory_space<hbm>>) dst(%dma_wait3A_122 : memref<64x8xf32, #tpu.memory_space<vmem>>)
      %dma_start3A_131 = arith.constant 0 : i32
      %dma_start3A_132 = arith.constant 0 : i32
      %dma_start3A_133 = arith.constant 1 : i32
      %dma_start3A_134 = arith.constant 0 : i32
      %dma_start3A_135 = arith.constant 0 : i32
      %dma_start3A_136 = tpu.memref_slice %arg9[%dma_start3A_132, %dma_start3A_134, %dma_start3A_135] : memref<4x64x8xf32, #tpu.memory_space<vmem>> -> memref<1x64x8xf32, #tpu.memory_space<vmem>>
      %dma_start3A_137 = tpu.memref_squeeze %dma_start3A_136 : memref<1x64x8xf32, #tpu.memory_space<vmem>> -> memref<64x8xf32, #tpu.memory_space<vmem>>
      %dma_start3A_138 = arith.constant 0 : i32
      %dma_start3A_139 = tpu.memref_slice %arg8[%dma_start3A_131, %dma_start3A_138] : memref<4x64xi32, #tpu.memory_space<vmem>> -> memref<1x64xi32, #tpu.memory_space<vmem>>
      %dma_start3A_140 = tpu.memref_squeeze %dma_start3A_139 : memref<1x64xi32, #tpu.memory_space<vmem>> -> memref<64xi32, #tpu.memory_space<vmem>>
      %dma_start3A_141 = arith.constant 0 : i32
      %dma_start3A_142 = arith.constant 0 : i32
      %dma_start3A_143 = tpu.memref_slice %arg3[%dma_start3A_141, %dma_start3A_142] : memref<10000x8xf32, #tpu.memory_space<hbm>> -> memref<10000x8xf32, #tpu.memory_space<hbm>>
      %dma_start3A_144 = tpu.memref_slice %arg10[%dma_start3A_133] : memref<2x!tpu.dma_semaphore, #tpu.memory_space<semaphore_mem>> -> memref<1x!tpu.dma_semaphore, #tpu.memory_space<semaphore_mem>>
      %dma_start3A_145 = tpu.memref_squeeze %dma_start3A_144 : memref<1x!tpu.dma_semaphore, #tpu.memory_space<semaphore_mem>> -> memref<!tpu.dma_semaphore, #tpu.memory_space<semaphore_mem>>
      tpu.enqueue_indirect_dma source(%dma_start3A_143 : memref<10000x8xf32, #tpu.memory_space<hbm>>) target(%dma_start3A_137 : memref<64x8xf32, #tpu.memory_space<vmem>>) offsets(%dma_start3A_140 : memref<64xi32, #tpu.memory_space<vmem>>) semaphore(%dma_start3A_145 : memref<!tpu.dma_semaphore, #tpu.memory_space<semaphore_mem>>) {add = true}
      %dma_wait3A_146 = arith.constant 1 : i32
      %dma_wait3A_147 = arith.constant 1 : i32
      %dma_wait3A_148 = arith.constant 0 : i32
      %dma_wait3A_149 = arith.constant 0 : i32
      %dma_wait3A_150 = arith.constant 0 : i32
      %dma_wait3A_151 = tpu.memref_slice %arg9[%dma_wait3A_147, %dma_wait3A_149, %dma_wait3A_150] : memref<4x64x8xf32, #tpu.memory_space<vmem>> -> memref<1x64x8xf32, #tpu.memory_space<vmem>>
      %dma_wait3A_152 = tpu.memref_squeeze %dma_wait3A_151 : memref<1x64x8xf32, #tpu.memory_space<vmem>> -> memref<64x8xf32, #tpu.memory_space<vmem>>
      %dma_wait3A_153 = arith.constant 0 : i32
      %dma_wait3A_154 = tpu.memref_slice %arg7[%dma_wait3A_146, %dma_wait3A_153] : memref<4x64xi32, #tpu.memory_space<vmem>> -> memref<1x64xi32, #tpu.memory_space<vmem>>
      %dma_wait3A_155 = tpu.memref_squeeze %dma_wait3A_154 : memref<1x64xi32, #tpu.memory_space<vmem>> -> memref<64xi32, #tpu.memory_space<vmem>>
      %dma_wait3A_156 = arith.constant 0 : i32
      %dma_wait3A_157 = arith.constant 0 : i32
      %dma_wait3A_158 = tpu.memref_slice %arg2[%dma_wait3A_156, %dma_wait3A_157] : memref<10000x8xf32, #tpu.memory_space<hbm>> -> memref<10000x8xf32, #tpu.memory_space<hbm>>
      %dma_wait3A_159 = tpu.memref_slice %arg10[%dma_wait3A_148] : memref<2x!tpu.dma_semaphore, #tpu.memory_space<semaphore_mem>> -> memref<1x!tpu.dma_semaphore, #tpu.memory_space<semaphore_mem>>
      %dma_wait3A_160 = tpu.memref_squeeze %dma_wait3A_159 : memref<1x!tpu.dma_semaphore, #tpu.memory_space<semaphore_mem>> -> memref<!tpu.dma_semaphore, #tpu.memory_space<semaphore_mem>>
      tpu.wait_indirect_dma semaphore(%dma_wait3A_160 : memref<!tpu.dma_semaphore, #tpu.memory_space<semaphore_mem>>) src(%dma_wait3A_158 : memref<10000x8xf32, #tpu.memory_space<hbm>>) dst(%dma_wait3A_152 : memref<64x8xf32, #tpu.memory_space<vmem>>)
      %dma_start3A_161 = arith.constant 1 : i32
      %dma_start3A_162 = arith.constant 1 : i32
      %dma_start3A_163 = arith.constant 1 : i32
      %dma_start3A_164 = arith.constant 0 : i32
      %dma_start3A_165 = arith.constant 0 : i32
      %dma_start3A_166 = tpu.memref_slice %arg9[%dma_start3A_162, %dma_start3A_164, %dma_start3A_165] : memref<4x64x8xf32, #tpu.memory_space<vmem>> -> memref<1x64x8xf32, #tpu.memory_space<vmem>>
      %dma_start3A_167 = tpu.memref_squeeze %dma_start3A_166 : memref<1x64x8xf32, #tpu.memory_space<vmem>> -> memref<64x8xf32, #tpu.memory_space<vmem>>
      %dma_start3A_168 = arith.constant 0 : i32
      %dma_start3A_169 = tpu.memref_slice %arg8[%dma_start3A_161, %dma_start3A_168] : memref<4x64xi32, #tpu.memory_space<vmem>> -> memref<1x64xi32, #tpu.memory_space<vmem>>
      %dma_start3A_170 = tpu.memref_squeeze %dma_start3A_169 : memref<1x64xi32, #tpu.memory_space<vmem>> -> memref<64xi32, #tpu.memory_space<vmem>>
      %dma_start3A_171 = arith.constant 0 : i32
      %dma_start3A_172 = arith.constant 0 : i32
      %dma_start3A_173 = tpu.memref_slice %arg3[%dma_start3A_171, %dma_start3A_172] : memref<10000x8xf32, #tpu.memory_space<hbm>> -> memref<10000x8xf32, #tpu.memory_space<hbm>>
      %dma_start3A_174 = tpu.memref_slice %arg10[%dma_start3A_163] : memref<2x!tpu.dma_semaphore, #tpu.memory_space<semaphore_mem>> -> memref<1x!tpu.dma_semaphore, #tpu.memory_space<semaphore_mem>>
      %dma_start3A_175 = tpu.memref_squeeze %dma_start3A_174 : memref<1x!tpu.dma_semaphore, #tpu.memory_space<semaphore_mem>> -> memref<!tpu.dma_semaphore, #tpu.memory_space<semaphore_mem>>
      tpu.enqueue_indirect_dma source(%dma_start3A_173 : memref<10000x8xf32, #tpu.memory_space<hbm>>) target(%dma_start3A_167 : memref<64x8xf32, #tpu.memory_space<vmem>>) offsets(%dma_start3A_170 : memref<64xi32, #tpu.memory_space<vmem>>) semaphore(%dma_start3A_175 : memref<!tpu.dma_semaphore, #tpu.memory_space<semaphore_mem>>) {add = true}
      %dma_wait3A_176 = arith.constant 2 : i32
      %dma_wait3A_177 = arith.constant 2 : i32
      %dma_wait3A_178 = arith.constant 0 : i32
      %dma_wait3A_179 = arith.constant 0 : i32
      %dma_wait3A_180 = arith.constant 0 : i32
      %dma_wait3A_181 = tpu.memref_slice %arg9[%dma_wait3A_177, %dma_wait3A_179, %dma_wait3A_180] : memref<4x64x8xf32, #tpu.memory_space<vmem>> -> memref<1x64x8xf32, #tpu.memory_space<vmem>>
      %dma_wait3A_182 = tpu.memref_squeeze %dma_wait3A_181 : memref<1x64x8xf32, #tpu.memory_space<vmem>> -> memref<64x8xf32, #tpu.memory_space<vmem>>
      %dma_wait3A_183 = arith.constant 0 : i32
      %dma_wait3A_184 = tpu.memref_slice %arg7[%dma_wait3A_176, %dma_wait3A_183] : memref<4x64xi32, #tpu.memory_space<vmem>> -> memref<1x64xi32, #tpu.memory_space<vmem>>
      %dma_wait3A_185 = tpu.memref_squeeze %dma_wait3A_184 : memref<1x64xi32, #tpu.memory_space<vmem>> -> memref<64xi32, #tpu.memory_space<vmem>>
      %dma_wait3A_186 = arith.constant 0 : i32
      %dma_wait3A_187 = arith.constant 0 : i32
      %dma_wait3A_188 = tpu.memref_slice %arg2[%dma_wait3A_186, %dma_wait3A_187] : memref<10000x8xf32, #tpu.memory_space<hbm>> -> memref<10000x8xf32, #tpu.memory_space<hbm>>
      %dma_wait3A_189 = tpu.memref_slice %arg10[%dma_wait3A_178] : memref<2x!tpu.dma_semaphore, #tpu.memory_space<semaphore_mem>> -> memref<1x!tpu.dma_semaphore, #tpu.memory_space<semaphore_mem>>
      %dma_wait3A_190 = tpu.memref_squeeze %dma_wait3A_189 : memref<1x!tpu.dma_semaphore, #tpu.memory_space<semaphore_mem>> -> memref<!tpu.dma_semaphore, #tpu.memory_space<semaphore_mem>>
      tpu.wait_indirect_dma semaphore(%dma_wait3A_190 : memref<!tpu.dma_semaphore, #tpu.memory_space<semaphore_mem>>) src(%dma_wait3A_188 : memref<10000x8xf32, #tpu.memory_space<hbm>>) dst(%dma_wait3A_182 : memref<64x8xf32, #tpu.memory_space<vmem>>)
      %dma_start3A_191 = arith.constant 2 : i32
      %dma_start3A_192 = arith.constant 2 : i32
      %dma_start3A_193 = arith.constant 1 : i32
      %dma_start3A_194 = arith.constant 0 : i32
      %dma_start3A_195 = arith.constant 0 : i32
      %dma_start3A_196 = tpu.memref_slice %arg9[%dma_start3A_192, %dma_start3A_194, %dma_start3A_195] : memref<4x64x8xf32, #tpu.memory_space<vmem>> -> memref<1x64x8xf32, #tpu.memory_space<vmem>>
      %dma_start3A_197 = tpu.memref_squeeze %dma_start3A_196 : memref<1x64x8xf32, #tpu.memory_space<vmem>> -> memref<64x8xf32, #tpu.memory_space<vmem>>
      %dma_start3A_198 = arith.constant 0 : i32
      %dma_start3A_199 = tpu.memref_slice %arg8[%dma_start3A_191, %dma_start3A_198] : memref<4x64xi32, #tpu.memory_space<vmem>> -> memref<1x64xi32, #tpu.memory_space<vmem>>
      %dma_start3A_200 = tpu.memref_squeeze %dma_start3A_199 : memref<1x64xi32, #tpu.memory_space<vmem>> -> memref<64xi32, #tpu.memory_space<vmem>>
      %dma_start3A_201 = arith.constant 0 : i32
      %dma_start3A_202 = arith.constant 0 : i32
      %dma_start3A_203 = tpu.memref_slice %arg3[%dma_start3A_201, %dma_start3A_202] : memref<10000x8xf32, #tpu.memory_space<hbm>> -> memref<10000x8xf32, #tpu.memory_space<hbm>>
      %dma_start3A_204 = tpu.memref_slice %arg10[%dma_start3A_193] : memref<2x!tpu.dma_semaphore, #tpu.memory_space<semaphore_mem>> -> memref<1x!tpu.dma_semaphore, #tpu.memory_space<semaphore_mem>>
      %dma_start3A_205 = tpu.memref_squeeze %dma_start3A_204 : memref<1x!tpu.dma_semaphore, #tpu.memory_space<semaphore_mem>> -> memref<!tpu.dma_semaphore, #tpu.memory_space<semaphore_mem>>
      tpu.enqueue_indirect_dma source(%dma_start3A_203 : memref<10000x8xf32, #tpu.memory_space<hbm>>) target(%dma_start3A_197 : memref<64x8xf32, #tpu.memory_space<vmem>>) offsets(%dma_start3A_200 : memref<64xi32, #tpu.memory_space<vmem>>) semaphore(%dma_start3A_205 : memref<!tpu.dma_semaphore, #tpu.memory_space<semaphore_mem>>) {add = true}
      %dma_wait3A_206 = arith.constant 3 : i32
      %dma_wait3A_207 = arith.constant 3 : i32
      %dma_wait3A_208 = arith.constant 0 : i32
      %dma_wait3A_209 = arith.constant 0 : i32
      %dma_wait3A_210 = arith.constant 0 : i32
      %dma_wait3A_211 = tpu.memref_slice %arg9[%dma_wait3A_207, %dma_wait3A_209, %dma_wait3A_210] : memref<4x64x8xf32, #tpu.memory_space<vmem>> -> memref<1x64x8xf32, #tpu.memory_space<vmem>>
      %dma_wait3A_212 = tpu.memref_squeeze %dma_wait3A_211 : memref<1x64x8xf32, #tpu.memory_space<vmem>> -> memref<64x8xf32, #tpu.memory_space<vmem>>
      %dma_wait3A_213 = arith.constant 0 : i32
      %dma_wait3A_214 = tpu.memref_slice %arg7[%dma_wait3A_206, %dma_wait3A_213] : memref<4x64xi32, #tpu.memory_space<vmem>> -> memref<1x64xi32, #tpu.memory_space<vmem>>
      %dma_wait3A_215 = tpu.memref_squeeze %dma_wait3A_214 : memref<1x64xi32, #tpu.memory_space<vmem>> -> memref<64xi32, #tpu.memory_space<vmem>>
      %dma_wait3A_216 = arith.constant 0 : i32
      %dma_wait3A_217 = arith.constant 0 : i32
      %dma_wait3A_218 = tpu.memref_slice %arg2[%dma_wait3A_216, %dma_wait3A_217] : memref<10000x8xf32, #tpu.memory_space<hbm>> -> memref<10000x8xf32, #tpu.memory_space<hbm>>
      %dma_wait3A_219 = tpu.memref_slice %arg10[%dma_wait3A_208] : memref<2x!tpu.dma_semaphore, #tpu.memory_space<semaphore_mem>> -> memref<1x!tpu.dma_semaphore, #tpu.memory_space<semaphore_mem>>
      %dma_wait3A_220 = tpu.memref_squeeze %dma_wait3A_219 : memref<1x!tpu.dma_semaphore, #tpu.memory_space<semaphore_mem>> -> memref<!tpu.dma_semaphore, #tpu.memory_space<semaphore_mem>>
      tpu.wait_indirect_dma semaphore(%dma_wait3A_220 : memref<!tpu.dma_semaphore, #tpu.memory_space<semaphore_mem>>) src(%dma_wait3A_218 : memref<10000x8xf32, #tpu.memory_space<hbm>>) dst(%dma_wait3A_212 : memref<64x8xf32, #tpu.memory_space<vmem>>)
      %dma_start3A_221 = arith.constant 3 : i32
      %dma_start3A_222 = arith.constant 3 : i32
      %dma_start3A_223 = arith.constant 1 : i32
      %dma_start3A_224 = arith.constant 0 : i32
      %dma_start3A_225 = arith.constant 0 : i32
      %dma_start3A_226 = tpu.memref_slice %arg9[%dma_start3A_222, %dma_start3A_224, %dma_start3A_225] : memref<4x64x8xf32, #tpu.memory_space<vmem>> -> memref<1x64x8xf32, #tpu.memory_space<vmem>>
      %dma_start3A_227 = tpu.memref_squeeze %dma_start3A_226 : memref<1x64x8xf32, #tpu.memory_space<vmem>> -> memref<64x8xf32, #tpu.memory_space<vmem>>
      %dma_start3A_228 = arith.constant 0 : i32
      %dma_start3A_229 = tpu.memref_slice %arg8[%dma_start3A_221, %dma_start3A_228] : memref<4x64xi32, #tpu.memory_space<vmem>> -> memref<1x64xi32, #tpu.memory_space<vmem>>
      %dma_start3A_230 = tpu.memref_squeeze %dma_start3A_229 : memref<1x64xi32, #tpu.memory_space<vmem>> -> memref<64xi32, #tpu.memory_space<vmem>>
      %dma_start3A_231 = arith.constant 0 : i32
      %dma_start3A_232 = arith.constant 0 : i32
      %dma_start3A_233 = tpu.memref_slice %arg3[%dma_start3A_231, %dma_start3A_232] : memref<10000x8xf32, #tpu.memory_space<hbm>> -> memref<10000x8xf32, #tpu.memory_space<hbm>>
      %dma_start3A_234 = tpu.memref_slice %arg10[%dma_start3A_223] : memref<2x!tpu.dma_semaphore, #tpu.memory_space<semaphore_mem>> -> memref<1x!tpu.dma_semaphore, #tpu.memory_space<semaphore_mem>>
      %dma_start3A_235 = tpu.memref_squeeze %dma_start3A_234 : memref<1x!tpu.dma_semaphore, #tpu.memory_space<semaphore_mem>> -> memref<!tpu.dma_semaphore, #tpu.memory_space<semaphore_mem>>
      tpu.enqueue_indirect_dma source(%dma_start3A_233 : memref<10000x8xf32, #tpu.memory_space<hbm>>) target(%dma_start3A_227 : memref<64x8xf32, #tpu.memory_space<vmem>>) offsets(%dma_start3A_230 : memref<64xi32, #tpu.memory_space<vmem>>) semaphore(%dma_start3A_235 : memref<!tpu.dma_semaphore, #tpu.memory_space<semaphore_mem>>) {add = true}
      %dma_wait3A_236 = arith.constant 0 : i32
      %dma_wait3A_237 = arith.constant 0 : i32
      %dma_wait3A_238 = arith.constant 1 : i32
      %dma_wait3A_239 = arith.constant 0 : i32
      %dma_wait3A_240 = arith.constant 0 : i32
      %dma_wait3A_241 = tpu.memref_slice %arg9[%dma_wait3A_237, %dma_wait3A_239, %dma_wait3A_240] : memref<4x64x8xf32, #tpu.memory_space<vmem>> -> memref<1x64x8xf32, #tpu.memory_space<vmem>>
      %dma_wait3A_242 = tpu.memref_squeeze %dma_wait3A_241 : memref<1x64x8xf32, #tpu.memory_space<vmem>> -> memref<64x8xf32, #tpu.memory_space<vmem>>
      %dma_wait3A_243 = arith.constant 0 : i32
      %dma_wait3A_244 = tpu.memref_slice %arg8[%dma_wait3A_236, %dma_wait3A_243] : memref<4x64xi32, #tpu.memory_space<vmem>> -> memref<1x64xi32, #tpu.memory_space<vmem>>
      %dma_wait3A_245 = tpu.memref_squeeze %dma_wait3A_244 : memref<1x64xi32, #tpu.memory_space<vmem>> -> memref<64xi32, #tpu.memory_space<vmem>>
      %dma_wait3A_246 = arith.constant 0 : i32
      %dma_wait3A_247 = arith.constant 0 : i32
      %dma_wait3A_248 = tpu.memref_slice %arg3[%dma_wait3A_246, %dma_wait3A_247] : memref<10000x8xf32, #tpu.memory_space<hbm>> -> memref<10000x8xf32, #tpu.memory_space<hbm>>
      %dma_wait3A_249 = tpu.memref_slice %arg10[%dma_wait3A_238] : memref<2x!tpu.dma_semaphore, #tpu.memory_space<semaphore_mem>> -> memref<1x!tpu.dma_semaphore, #tpu.memory_space<semaphore_mem>>
      %dma_wait3A_250 = tpu.memref_squeeze %dma_wait3A_249 : memref<1x!tpu.dma_semaphore, #tpu.memory_space<semaphore_mem>> -> memref<!tpu.dma_semaphore, #tpu.memory_space<semaphore_mem>>
      tpu.wait_indirect_dma semaphore(%dma_wait3A_250 : memref<!tpu.dma_semaphore, #tpu.memory_space<semaphore_mem>>) src(%dma_wait3A_248 : memref<10000x8xf32, #tpu.memory_space<hbm>>) dst(%dma_wait3A_242 : memref<64x8xf32, #tpu.memory_space<vmem>>)
      %add3A_251 = arith.constant 0 : i32
      %add3A_252 = arith.addi %mul3A_57, %add3A_251 : i32
      %run_scoped3A = arith.constant 0 : i32
      "tpu.region"() ({
        %run_scoped3A_307 = tpu.sem_alloc : memref<!tpu.dma_semaphore, #tpu.memory_space<semaphore_mem>>
        %dma_start3A_308 = arith.constant 0 : i32
        %dma_start3A_309 = arith.constant 0 : i32
        %dma_start3A_310 = tpu.memref_slice %arg9[%run_scoped3A, %dma_start3A_308, %dma_start3A_309] : memref<4x64x8xf32, #tpu.memory_space<vmem>> -> memref<1x64x8xf32, #tpu.memory_space<vmem>>
        %dma_start3A_311 = tpu.memref_squeeze %dma_start3A_310 : memref<1x64x8xf32, #tpu.memory_space<vmem>> -> memref<64x8xf32, #tpu.memory_space<vmem>>
        %dma_start3A_312 = arith.constant 0 : i32
        %dma_start3A_313 = tpu.memref_slice %arg6[%add3A_252, %dma_start3A_312] : memref<320000x8xf32, #tpu.memory_space<hbm>> -> memref<64x8xf32, #tpu.memory_space<hbm>>
        %dma_start3A_314 = arith.constant 0 : i32
        %dma_start3A_315 = tpu.memref_slice %arg6[%add3A_252, %dma_start3A_314] : memref<320000x8xf32, #tpu.memory_space<hbm>> -> memref<64x8xf32, #tpu.memory_space<hbm>>
        %dma_start3A_316 = arith.constant 0 : i32
        %dma_start3A_317 = arith.constant 0 : i32
        %dma_start3A_318 = tpu.memref_slice %arg9[%run_scoped3A, %dma_start3A_316, %dma_start3A_317] : memref<4x64x8xf32, #tpu.memory_space<vmem>> -> memref<1x64x8xf32, #tpu.memory_space<vmem>>
        %dma_start3A_319 = tpu.memref_squeeze %dma_start3A_318 : memref<1x64x8xf32, #tpu.memory_space<vmem>> -> memref<64x8xf32, #tpu.memory_space<vmem>>
        tpu.enqueue_dma source(%dma_start3A_319 : memref<64x8xf32, #tpu.memory_space<vmem>>) target(%dma_start3A_315 : memref<64x8xf32, #tpu.memory_space<hbm>>) target_semaphore(%run_scoped3A_307 : memref<!tpu.dma_semaphore, #tpu.memory_space<semaphore_mem>>)
        %dma_wait3A_320 = arith.constant 0 : i32
        %dma_wait3A_321 = arith.constant 0 : i32
        %dma_wait3A_322 = tpu.memref_slice %arg9[%run_scoped3A, %dma_wait3A_320, %dma_wait3A_321] : memref<4x64x8xf32, #tpu.memory_space<vmem>> -> memref<1x64x8xf32, #tpu.memory_space<vmem>>
        %dma_wait3A_323 = tpu.memref_squeeze %dma_wait3A_322 : memref<1x64x8xf32, #tpu.memory_space<vmem>> -> memref<64x8xf32, #tpu.memory_space<vmem>>
        %dma_wait3A_324 = arith.constant 0 : i32
        %dma_wait3A_325 = tpu.memref_slice %arg6[%add3A_252, %dma_wait3A_324] : memref<320000x8xf32, #tpu.memory_space<hbm>> -> memref<64x8xf32, #tpu.memory_space<hbm>>
        %dma_wait3A_326 = arith.constant 0 : i32
        %dma_wait3A_327 = tpu.memref_slice %arg6[%add3A_252, %dma_wait3A_326] : memref<320000x8xf32, #tpu.memory_space<hbm>> -> memref<64x8xf32, #tpu.memory_space<hbm>>
        %dma_wait3A_328 = arith.constant 0 : i32
        %dma_wait3A_329 = arith.constant 0 : i32
        %dma_wait3A_330 = tpu.memref_slice %arg9[%run_scoped3A, %dma_wait3A_328, %dma_wait3A_329] : memref<4x64x8xf32, #tpu.memory_space<vmem>> -> memref<1x64x8xf32, #tpu.memory_space<vmem>>
        %dma_wait3A_331 = tpu.memref_squeeze %dma_wait3A_330 : memref<1x64x8xf32, #tpu.memory_space<vmem>> -> memref<64x8xf32, #tpu.memory_space<vmem>>
        tpu.wait_dma2 semaphore(%run_scoped3A_307 : memref<!tpu.dma_semaphore, #tpu.memory_space<semaphore_mem>>) src(%dma_wait3A_331 : memref<64x8xf32, #tpu.memory_space<vmem>>) dst(%dma_wait3A_327 : memref<64x8xf32, #tpu.memory_space<hbm>>)
        tpu.yield
      }) : () -> ()
      %dma_wait3A_253 = arith.constant 1 : i32
      %dma_wait3A_254 = arith.constant 1 : i32
      %dma_wait3A_255 = arith.constant 1 : i32
      %dma_wait3A_256 = arith.constant 0 : i32
      %dma_wait3A_257 = arith.constant 0 : i32
      %dma_wait3A_258 = tpu.memref_slice %arg9[%dma_wait3A_254, %dma_wait3A_256, %dma_wait3A_257] : memref<4x64x8xf32, #tpu.memory_space<vmem>> -> memref<1x64x8xf32, #tpu.memory_space<vmem>>
      %dma_wait3A_259 = tpu.memref_squeeze %dma_wait3A_258 : memref<1x64x8xf32, #tpu.memory_space<vmem>> -> memref<64x8xf32, #tpu.memory_space<vmem>>
      %dma_wait3A_260 = arith.constant 0 : i32
      %dma_wait3A_261 = tpu.memref_slice %arg8[%dma_wait3A_253, %dma_wait3A_260] : memref<4x64xi32, #tpu.memory_space<vmem>> -> memref<1x64xi32, #tpu.memory_space<vmem>>
      %dma_wait3A_262 = tpu.memref_squeeze %dma_wait3A_261 : memref<1x64xi32, #tpu.memory_space<vmem>> -> memref<64xi32, #tpu.memory_space<vmem>>
      %dma_wait3A_263 = arith.constant 0 : i32
      %dma_wait3A_264 = arith.constant 0 : i32
      %dma_wait3A_265 = tpu.memref_slice %arg3[%dma_wait3A_263, %dma_wait3A_264] : memref<10000x8xf32, #tpu.memory_space<hbm>> -> memref<10000x8xf32, #tpu.memory_space<hbm>>
      %dma_wait3A_266 = tpu.memref_slice %arg10[%dma_wait3A_255] : memref<2x!tpu.dma_semaphore, #tpu.memory_space<semaphore_mem>> -> memref<1x!tpu.dma_semaphore, #tpu.memory_space<semaphore_mem>>
      %dma_wait3A_267 = tpu.memref_squeeze %dma_wait3A_266 : memref<1x!tpu.dma_semaphore, #tpu.memory_space<semaphore_mem>> -> memref<!tpu.dma_semaphore, #tpu.memory_space<semaphore_mem>>
      tpu.wait_indirect_dma semaphore(%dma_wait3A_267 : memref<!tpu.dma_semaphore, #tpu.memory_space<semaphore_mem>>) src(%dma_wait3A_265 : memref<10000x8xf32, #tpu.memory_space<hbm>>) dst(%dma_wait3A_259 : memref<64x8xf32, #tpu.memory_space<vmem>>)
      %add3A_268 = arith.constant 64 : i32
      %add3A_269 = arith.addi %mul3A_57, %add3A_268 : i32
      %run_scoped3A_270 = arith.constant 1 : i32
      "tpu.region"() ({
        %run_scoped3A_307 = tpu.sem_alloc : memref<!tpu.dma_semaphore, #tpu.memory_space<semaphore_mem>>
        %dma_start3A_308 = arith.constant 0 : i32
        %dma_start3A_309 = arith.constant 0 : i32
        %dma_start3A_310 = tpu.memref_slice %arg9[%run_scoped3A_270, %dma_start3A_308, %dma_start3A_309] : memref<4x64x8xf32, #tpu.memory_space<vmem>> -> memref<1x64x8xf32, #tpu.memory_space<vmem>>
        %dma_start3A_311 = tpu.memref_squeeze %dma_start3A_310 : memref<1x64x8xf32, #tpu.memory_space<vmem>> -> memref<64x8xf32, #tpu.memory_space<vmem>>
        %dma_start3A_312 = arith.constant 0 : i32
        %dma_start3A_313 = tpu.memref_slice %arg6[%add3A_269, %dma_start3A_312] : memref<320000x8xf32, #tpu.memory_space<hbm>> -> memref<64x8xf32, #tpu.memory_space<hbm>>
        %dma_start3A_314 = arith.constant 0 : i32
        %dma_start3A_315 = tpu.memref_slice %arg6[%add3A_269, %dma_start3A_314] : memref<320000x8xf32, #tpu.memory_space<hbm>> -> memref<64x8xf32, #tpu.memory_space<hbm>>
        %dma_start3A_316 = arith.constant 0 : i32
        %dma_start3A_317 = arith.constant 0 : i32
        %dma_start3A_318 = tpu.memref_slice %arg9[%run_scoped3A_270, %dma_start3A_316, %dma_start3A_317] : memref<4x64x8xf32, #tpu.memory_space<vmem>> -> memref<1x64x8xf32, #tpu.memory_space<vmem>>
        %dma_start3A_319 = tpu.memref_squeeze %dma_start3A_318 : memref<1x64x8xf32, #tpu.memory_space<vmem>> -> memref<64x8xf32, #tpu.memory_space<vmem>>
        tpu.enqueue_dma source(%dma_start3A_319 : memref<64x8xf32, #tpu.memory_space<vmem>>) target(%dma_start3A_315 : memref<64x8xf32, #tpu.memory_space<hbm>>) target_semaphore(%run_scoped3A_307 : memref<!tpu.dma_semaphore, #tpu.memory_space<semaphore_mem>>)
        %dma_wait3A_320 = arith.constant 0 : i32
        %dma_wait3A_321 = arith.constant 0 : i32
        %dma_wait3A_322 = tpu.memref_slice %arg9[%run_scoped3A_270, %dma_wait3A_320, %dma_wait3A_321] : memref<4x64x8xf32, #tpu.memory_space<vmem>> -> memref<1x64x8xf32, #tpu.memory_space<vmem>>
        %dma_wait3A_323 = tpu.memref_squeeze %dma_wait3A_322 : memref<1x64x8xf32, #tpu.memory_space<vmem>> -> memref<64x8xf32, #tpu.memory_space<vmem>>
        %dma_wait3A_324 = arith.constant 0 : i32
        %dma_wait3A_325 = tpu.memref_slice %arg6[%add3A_269, %dma_wait3A_324] : memref<320000x8xf32, #tpu.memory_space<hbm>> -> memref<64x8xf32, #tpu.memory_space<hbm>>
        %dma_wait3A_326 = arith.constant 0 : i32
        %dma_wait3A_327 = tpu.memref_slice %arg6[%add3A_269, %dma_wait3A_326] : memref<320000x8xf32, #tpu.memory_space<hbm>> -> memref<64x8xf32, #tpu.memory_space<hbm>>
        %dma_wait3A_328 = arith.constant 0 : i32
        %dma_wait3A_329 = arith.constant 0 : i32
        %dma_wait3A_330 = tpu.memref_slice %arg9[%run_scoped3A_270, %dma_wait3A_328, %dma_wait3A_329] : memref<4x64x8xf32, #tpu.memory_space<vmem>> -> memref<1x64x8xf32, #tpu.memory_space<vmem>>
        %dma_wait3A_331 = tpu.memref_squeeze %dma_wait3A_330 : memref<1x64x8xf32, #tpu.memory_space<vmem>> -> memref<64x8xf32, #tpu.memory_space<vmem>>
        tpu.wait_dma2 semaphore(%run_scoped3A_307 : memref<!tpu.dma_semaphore, #tpu.memory_space<semaphore_mem>>) src(%dma_wait3A_331 : memref<64x8xf32, #tpu.memory_space<vmem>>) dst(%dma_wait3A_327 : memref<64x8xf32, #tpu.memory_space<hbm>>)
        tpu.yield
      }) : () -> ()
      %dma_wait3A_271 = arith.constant 2 : i32
      %dma_wait3A_272 = arith.constant 2 : i32
      %dma_wait3A_273 = arith.constant 1 : i32
      %dma_wait3A_274 = arith.constant 0 : i32
      %dma_wait3A_275 = arith.constant 0 : i32
      %dma_wait3A_276 = tpu.memref_slice %arg9[%dma_wait3A_272, %dma_wait3A_274, %dma_wait3A_275] : memref<4x64x8xf32, #tpu.memory_space<vmem>> -> memref<1x64x8xf32, #tpu.memory_space<vmem>>
      %dma_wait3A_277 = tpu.memref_squeeze %dma_wait3A_276 : memref<1x64x8xf32, #tpu.memory_space<vmem>> -> memref<64x8xf32, #tpu.memory_space<vmem>>
      %dma_wait3A_278 = arith.constant 0 : i32
      %dma_wait3A_279 = tpu.memref_slice %arg8[%dma_wait3A_271, %dma_wait3A_278] : memref<4x64xi32, #tpu.memory_space<vmem>> -> memref<1x64xi32, #tpu.memory_space<vmem>>
      %dma_wait3A_280 = tpu.memref_squeeze %dma_wait3A_279 : memref<1x64xi32, #tpu.memory_space<vmem>> -> memref<64xi32, #tpu.memory_space<vmem>>
      %dma_wait3A_281 = arith.constant 0 : i32
      %dma_wait3A_282 = arith.constant 0 : i32
      %dma_wait3A_283 = tpu.memref_slice %arg3[%dma_wait3A_281, %dma_wait3A_282] : memref<10000x8xf32, #tpu.memory_space<hbm>> -> memref<10000x8xf32, #tpu.memory_space<hbm>>
      %dma_wait3A_284 = tpu.memref_slice %arg10[%dma_wait3A_273] : memref<2x!tpu.dma_semaphore, #tpu.memory_space<semaphore_mem>> -> memref<1x!tpu.dma_semaphore, #tpu.memory_space<semaphore_mem>>
      %dma_wait3A_285 = tpu.memref_squeeze %dma_wait3A_284 : memref<1x!tpu.dma_semaphore, #tpu.memory_space<semaphore_mem>> -> memref<!tpu.dma_semaphore, #tpu.memory_space<semaphore_mem>>
      tpu.wait_indirect_dma semaphore(%dma_wait3A_285 : memref<!tpu.dma_semaphore, #tpu.memory_space<semaphore_mem>>) src(%dma_wait3A_283 : memref<10000x8xf32, #tpu.memory_space<hbm>>) dst(%dma_wait3A_277 : memref<64x8xf32, #tpu.memory_space<vmem>>)
      %add3A_286 = arith.constant 128 : i32
      %add3A_287 = arith.addi %mul3A_57, %add3A_286 : i32
      %run_scoped3A_288 = arith.constant 2 : i32
      "tpu.region"() ({
        %run_scoped3A_307 = tpu.sem_alloc : memref<!tpu.dma_semaphore, #tpu.memory_space<semaphore_mem>>
        %dma_start3A_308 = arith.constant 0 : i32
        %dma_start3A_309 = arith.constant 0 : i32
        %dma_start3A_310 = tpu.memref_slice %arg9[%run_scoped3A_288, %dma_start3A_308, %dma_start3A_309] : memref<4x64x8xf32, #tpu.memory_space<vmem>> -> memref<1x64x8xf32, #tpu.memory_space<vmem>>
        %dma_start3A_311 = tpu.memref_squeeze %dma_start3A_310 : memref<1x64x8xf32, #tpu.memory_space<vmem>> -> memref<64x8xf32, #tpu.memory_space<vmem>>
        %dma_start3A_312 = arith.constant 0 : i32
        %dma_start3A_313 = tpu.memref_slice %arg6[%add3A_287, %dma_start3A_312] : memref<320000x8xf32, #tpu.memory_space<hbm>> -> memref<64x8xf32, #tpu.memory_space<hbm>>
        %dma_start3A_314 = arith.constant 0 : i32
        %dma_start3A_315 = tpu.memref_slice %arg6[%add3A_287, %dma_start3A_314] : memref<320000x8xf32, #tpu.memory_space<hbm>> -> memref<64x8xf32, #tpu.memory_space<hbm>>
        %dma_start3A_316 = arith.constant 0 : i32
        %dma_start3A_317 = arith.constant 0 : i32
        %dma_start3A_318 = tpu.memref_slice %arg9[%run_scoped3A_288, %dma_start3A_316, %dma_start3A_317] : memref<4x64x8xf32, #tpu.memory_space<vmem>> -> memref<1x64x8xf32, #tpu.memory_space<vmem>>
        %dma_start3A_319 = tpu.memref_squeeze %dma_start3A_318 : memref<1x64x8xf32, #tpu.memory_space<vmem>> -> memref<64x8xf32, #tpu.memory_space<vmem>>
        tpu.enqueue_dma source(%dma_start3A_319 : memref<64x8xf32, #tpu.memory_space<vmem>>) target(%dma_start3A_315 : memref<64x8xf32, #tpu.memory_space<hbm>>) target_semaphore(%run_scoped3A_307 : memref<!tpu.dma_semaphore, #tpu.memory_space<semaphore_mem>>)
        %dma_wait3A_320 = arith.constant 0 : i32
        %dma_wait3A_321 = arith.constant 0 : i32
        %dma_wait3A_322 = tpu.memref_slice %arg9[%run_scoped3A_288, %dma_wait3A_320, %dma_wait3A_321] : memref<4x64x8xf32, #tpu.memory_space<vmem>> -> memref<1x64x8xf32, #tpu.memory_space<vmem>>
        %dma_wait3A_323 = tpu.memref_squeeze %dma_wait3A_322 : memref<1x64x8xf32, #tpu.memory_space<vmem>> -> memref<64x8xf32, #tpu.memory_space<vmem>>
        %dma_wait3A_324 = arith.constant 0 : i32
        %dma_wait3A_325 = tpu.memref_slice %arg6[%add3A_287, %dma_wait3A_324] : memref<320000x8xf32, #tpu.memory_space<hbm>> -> memref<64x8xf32, #tpu.memory_space<hbm>>
        %dma_wait3A_326 = arith.constant 0 : i32
        %dma_wait3A_327 = tpu.memref_slice %arg6[%add3A_287, %dma_wait3A_326] : memref<320000x8xf32, #tpu.memory_space<hbm>> -> memref<64x8xf32, #tpu.memory_space<hbm>>
        %dma_wait3A_328 = arith.constant 0 : i32
        %dma_wait3A_329 = arith.constant 0 : i32
        %dma_wait3A_330 = tpu.memref_slice %arg9[%run_scoped3A_288, %dma_wait3A_328, %dma_wait3A_329] : memref<4x64x8xf32, #tpu.memory_space<vmem>> -> memref<1x64x8xf32, #tpu.memory_space<vmem>>
        %dma_wait3A_331 = tpu.memref_squeeze %dma_wait3A_330 : memref<1x64x8xf32, #tpu.memory_space<vmem>> -> memref<64x8xf32, #tpu.memory_space<vmem>>
        tpu.wait_dma2 semaphore(%run_scoped3A_307 : memref<!tpu.dma_semaphore, #tpu.memory_space<semaphore_mem>>) src(%dma_wait3A_331 : memref<64x8xf32, #tpu.memory_space<vmem>>) dst(%dma_wait3A_327 : memref<64x8xf32, #tpu.memory_space<hbm>>)
        tpu.yield
      }) : () -> ()
      %dma_wait3A_289 = arith.constant 3 : i32
      %dma_wait3A_290 = arith.constant 3 : i32
      %dma_wait3A_291 = arith.constant 1 : i32
      %dma_wait3A_292 = arith.constant 0 : i32
      %dma_wait3A_293 = arith.constant 0 : i32
      %dma_wait3A_294 = tpu.memref_slice %arg9[%dma_wait3A_290, %dma_wait3A_292, %dma_wait3A_293] : memref<4x64x8xf32, #tpu.memory_space<vmem>> -> memref<1x64x8xf32, #tpu.memory_space<vmem>>
      %dma_wait3A_295 = tpu.memref_squeeze %dma_wait3A_294 : memref<1x64x8xf32, #tpu.memory_space<vmem>> -> memref<64x8xf32, #tpu.memory_space<vmem>>
      %dma_wait3A_296 = arith.constant 0 : i32
      %dma_wait3A_297 = tpu.memref_slice %arg8[%dma_wait3A_289, %dma_wait3A_296] : memref<4x64xi32, #tpu.memory_space<vmem>> -> memref<1x64xi32, #tpu.memory_space<vmem>>
      %dma_wait3A_298 = tpu.memref_squeeze %dma_wait3A_297 : memref<1x64xi32, #tpu.memory_space<vmem>> -> memref<64xi32, #tpu.memory_space<vmem>>
      %dma_wait3A_299 = arith.constant 0 : i32
      %dma_wait3A_300 = arith.constant 0 : i32
      %dma_wait3A_301 = tpu.memref_slice %arg3[%dma_wait3A_299, %dma_wait3A_300] : memref<10000x8xf32, #tpu.memory_space<hbm>> -> memref<10000x8xf32, #tpu.memory_space<hbm>>
      %dma_wait3A_302 = tpu.memref_slice %arg10[%dma_wait3A_291] : memref<2x!tpu.dma_semaphore, #tpu.memory_space<semaphore_mem>> -> memref<1x!tpu.dma_semaphore, #tpu.memory_space<semaphore_mem>>
      %dma_wait3A_303 = tpu.memref_squeeze %dma_wait3A_302 : memref<1x!tpu.dma_semaphore, #tpu.memory_space<semaphore_mem>> -> memref<!tpu.dma_semaphore, #tpu.memory_space<semaphore_mem>>
      tpu.wait_indirect_dma semaphore(%dma_wait3A_303 : memref<!tpu.dma_semaphore, #tpu.memory_space<semaphore_mem>>) src(%dma_wait3A_301 : memref<10000x8xf32, #tpu.memory_space<hbm>>) dst(%dma_wait3A_295 : memref<64x8xf32, #tpu.memory_space<vmem>>)
      %add3A_304 = arith.constant 192 : i32
      %add3A_305 = arith.addi %mul3A_57, %add3A_304 : i32
      %run_scoped3A_306 = arith.constant 3 : i32
      "tpu.region"() ({
        %run_scoped3A_307 = tpu.sem_alloc : memref<!tpu.dma_semaphore, #tpu.memory_space<semaphore_mem>>
        %dma_start3A_308 = arith.constant 0 : i32
        %dma_start3A_309 = arith.constant 0 : i32
        %dma_start3A_310 = tpu.memref_slice %arg9[%run_scoped3A_306, %dma_start3A_308, %dma_start3A_309] : memref<4x64x8xf32, #tpu.memory_space<vmem>> -> memref<1x64x8xf32, #tpu.memory_space<vmem>>
        %dma_start3A_311 = tpu.memref_squeeze %dma_start3A_310 : memref<1x64x8xf32, #tpu.memory_space<vmem>> -> memref<64x8xf32, #tpu.memory_space<vmem>>
        %dma_start3A_312 = arith.constant 0 : i32
        %dma_start3A_313 = tpu.memref_slice %arg6[%add3A_305, %dma_start3A_312] : memref<320000x8xf32, #tpu.memory_space<hbm>> -> memref<64x8xf32, #tpu.memory_space<hbm>>
        %dma_start3A_314 = arith.constant 0 : i32
        %dma_start3A_315 = tpu.memref_slice %arg6[%add3A_305, %dma_start3A_314] : memref<320000x8xf32, #tpu.memory_space<hbm>> -> memref<64x8xf32, #tpu.memory_space<hbm>>
        %dma_start3A_316 = arith.constant 0 : i32
        %dma_start3A_317 = arith.constant 0 : i32
        %dma_start3A_318 = tpu.memref_slice %arg9[%run_scoped3A_306, %dma_start3A_316, %dma_start3A_317] : memref<4x64x8xf32, #tpu.memory_space<vmem>> -> memref<1x64x8xf32, #tpu.memory_space<vmem>>
        %dma_start3A_319 = tpu.memref_squeeze %dma_start3A_318 : memref<1x64x8xf32, #tpu.memory_space<vmem>> -> memref<64x8xf32, #tpu.memory_space<vmem>>
        tpu.enqueue_dma source(%dma_start3A_319 : memref<64x8xf32, #tpu.memory_space<vmem>>) target(%dma_start3A_315 : memref<64x8xf32, #tpu.memory_space<hbm>>) target_semaphore(%run_scoped3A_307 : memref<!tpu.dma_semaphore, #tpu.memory_space<semaphore_mem>>)
        %dma_wait3A_320 = arith.constant 0 : i32
        %dma_wait3A_321 = arith.constant 0 : i32
        %dma_wait3A_322 = tpu.memref_slice %arg9[%run_scoped3A_306, %dma_wait3A_320, %dma_wait3A_321] : memref<4x64x8xf32, #tpu.memory_space<vmem>> -> memref<1x64x8xf32, #tpu.memory_space<vmem>>
        %dma_wait3A_323 = tpu.memref_squeeze %dma_wait3A_322 : memref<1x64x8xf32, #tpu.memory_space<vmem>> -> memref<64x8xf32, #tpu.memory_space<vmem>>
        %dma_wait3A_324 = arith.constant 0 : i32
        %dma_wait3A_325 = tpu.memref_slice %arg6[%add3A_305, %dma_wait3A_324] : memref<320000x8xf32, #tpu.memory_space<hbm>> -> memref<64x8xf32, #tpu.memory_space<hbm>>
        %dma_wait3A_326 = arith.constant 0 : i32
        %dma_wait3A_327 = tpu.memref_slice %arg6[%add3A_305, %dma_wait3A_326] : memref<320000x8xf32, #tpu.memory_space<hbm>> -> memref<64x8xf32, #tpu.memory_space<hbm>>
        %dma_wait3A_328 = arith.constant 0 : i32
        %dma_wait3A_329 = arith.constant 0 : i32
        %dma_wait3A_330 = tpu.memref_slice %arg9[%run_scoped3A_306, %dma_wait3A_328, %dma_wait3A_329] : memref<4x64x8xf32, #tpu.memory_space<vmem>> -> memref<1x64x8xf32, #tpu.memory_space<vmem>>
        %dma_wait3A_331 = tpu.memref_squeeze %dma_wait3A_330 : memref<1x64x8xf32, #tpu.memory_space<vmem>> -> memref<64x8xf32, #tpu.memory_space<vmem>>
        tpu.wait_dma2 semaphore(%run_scoped3A_307 : memref<!tpu.dma_semaphore, #tpu.memory_space<semaphore_mem>>) src(%dma_wait3A_331 : memref<64x8xf32, #tpu.memory_space<vmem>>) dst(%dma_wait3A_327 : memref<64x8xf32, #tpu.memory_space<hbm>>)
        tpu.yield
      }) : () -> ()
    }
    return
  }
}

module attributes {stable_mosaic.version = 14 : i64} {
  func.func @body(%arg0: i32, %arg1: memref<1x400x128xf32, #tpu.memory_space<vmem>>, %arg2: memref<1x400x128xf32, #tpu.memory_space<vmem>>, %arg3: memref<1x400x16xf32, #tpu.memory_space<vmem>>, %arg4: memref<1x400x16xf32, #tpu.memory_space<vmem>>, %arg5: memref<1x400x8xf32, #tpu.memory_space<vmem>>, %arg6: memref<1x400x8xf32, #tpu.memory_space<vmem>>, %arg7: memref<400x128xf32, #tpu.memory_space<vmem>>, %arg8: memref<128x128xf32, #tpu.memory_space<vmem>>, %arg9: memref<16x128xf32, #tpu.memory_space<vmem>>, %arg10: memref<1x128xf32, #tpu.memory_space<vmem>>, %arg11: memref<128x128xf32, #tpu.memory_space<vmem>>, %arg12: memref<128x128xf32, #tpu.memory_space<vmem>>, %arg13: memref<1x128xf32, #tpu.memory_space<vmem>>, %arg14: memref<128x16xf32, #tpu.memory_space<vmem>>, %arg15: memref<1x8xf32, #tpu.memory_space<vmem>>, %arg16: memref<400x128xf32, #tpu.memory_space<vmem>>) attributes {dimension_semantics = [#tpu.dimension_semantics<arbitrary>], iteration_bounds = array<i64: 25>, scalar_prefetch = 0 : i64, scratch_operands = 0 : i64, tpu.core_type = #tpu.core_type<tc>, window_params = [{transform_indices = @transform_0, window_bounds = array<i64: 1, 400, 128>}, {transform_indices = @transform_1, window_bounds = array<i64: 1, 400, 128>}, {transform_indices = @transform_2, window_bounds = array<i64: 1, 400, 16>}, {transform_indices = @transform_3, window_bounds = array<i64: 1, 400, 16>}, {transform_indices = @transform_4, window_bounds = array<i64: 1, 400, 8>}, {transform_indices = @transform_5, window_bounds = array<i64: 1, 400, 8>}, {transform_indices = @transform_6, window_bounds = array<i64: 400, 128>}, {pipeline_mode = #tpu.pipeline_mode<synchronous>, transform_indices = @transform_7, window_bounds = array<i64: 128, 128>}, {pipeline_mode = #tpu.pipeline_mode<synchronous>, transform_indices = @transform_8, window_bounds = array<i64: 16, 128>}, {pipeline_mode = #tpu.pipeline_mode<synchronous>, transform_indices = @transform_9, window_bounds = array<i64: 1, 128>}, {pipeline_mode = #tpu.pipeline_mode<synchronous>, transform_indices = @transform_10, window_bounds = array<i64: 128, 128>}, {pipeline_mode = #tpu.pipeline_mode<synchronous>, transform_indices = @transform_11, window_bounds = array<i64: 128, 128>}, {pipeline_mode = #tpu.pipeline_mode<synchronous>, transform_indices = @transform_12, window_bounds = array<i64: 1, 128>}, {pipeline_mode = #tpu.pipeline_mode<synchronous>, transform_indices = @transform_13, window_bounds = array<i64: 128, 16>}, {pipeline_mode = #tpu.pipeline_mode<synchronous>, transform_indices = @transform_14, window_bounds = array<i64: 1, 8>}, {transform_indices = @transform_15, window_bounds = array<i64: 400, 128>}]} {
    %get3A = arith.constant 0 : index
    %get3A_0 = arith.constant 0 : index
    %get3A_1 = arith.constant 0 : index
    %get3A_2 = vector.load %arg1[%get3A, %get3A_0, %get3A_1] : memref<1x400x128xf32, #tpu.memory_space<vmem>>, vector<1x400x128xf32>
    %get3A_3 = vector.shape_cast %get3A_2 : vector<1x400x128xf32> to vector<400x128xf32>
    %get3A_4 = arith.constant 0 : index
    %get3A_5 = arith.constant 0 : index
    %get3A_6 = arith.constant 0 : index
    %get3A_7 = vector.load %arg2[%get3A_4, %get3A_5, %get3A_6] : memref<1x400x128xf32, #tpu.memory_space<vmem>>, vector<1x400x128xf32>
    %get3A_8 = vector.shape_cast %get3A_7 : vector<1x400x128xf32> to vector<400x128xf32>
    %add3A = arith.addf %get3A_3, %get3A_8 : vector<400x128xf32>
    %get3A_9 = arith.constant 0 : index
    %get3A_10 = arith.constant 0 : index
    %get3A_11 = arith.constant 0 : index
    %get3A_12 = vector.load %arg3[%get3A_9, %get3A_10, %get3A_11] : memref<1x400x16xf32, #tpu.memory_space<vmem>>, vector<1x400x16xf32>
    %get3A_13 = vector.shape_cast %get3A_12 : vector<1x400x16xf32> to vector<400x16xf32>
    %get3A_14 = arith.constant 0 : index
    %get3A_15 = arith.constant 0 : index
    %get3A_16 = arith.constant 0 : index
    %get3A_17 = vector.load %arg4[%get3A_14, %get3A_15, %get3A_16] : memref<1x400x16xf32, #tpu.memory_space<vmem>>, vector<1x400x16xf32>
    %get3A_18 = vector.shape_cast %get3A_17 : vector<1x400x16xf32> to vector<400x16xf32>
    %add3A_19 = arith.addf %get3A_13, %get3A_18 : vector<400x16xf32>
    %get3A_20 = arith.constant 0 : index
    %get3A_21 = arith.constant 0 : index
    %get3A_22 = arith.constant 0 : index
    %get3A_23 = vector.load %arg5[%get3A_20, %get3A_21, %get3A_22] : memref<1x400x8xf32, #tpu.memory_space<vmem>>, vector<1x400x8xf32>
    %get3A_24 = vector.shape_cast %get3A_23 : vector<1x400x8xf32> to vector<400x8xf32>
    %slice3A = vector.extract_strided_slice %get3A_24 {offsets = [0, 0], sizes = [400, 1], strides = [1, 1]} : vector<400x8xf32> to vector<400x1xf32>
    %get3A_25 = arith.constant 0 : index
    %get3A_26 = arith.constant 0 : index
    %get3A_27 = arith.constant 0 : index
    %get3A_28 = vector.load %arg6[%get3A_25, %get3A_26, %get3A_27] : memref<1x400x8xf32, #tpu.memory_space<vmem>>, vector<1x400x8xf32>
    %get3A_29 = vector.shape_cast %get3A_28 : vector<1x400x8xf32> to vector<400x8xf32>
    %slice3A_30 = vector.extract_strided_slice %get3A_29 {offsets = [0, 0], sizes = [400, 1], strides = [1, 1]} : vector<400x8xf32> to vector<400x1xf32>
    %add3A_31 = arith.addf %slice3A, %slice3A_30 : vector<400x1xf32>
    %get3A_32 = arith.constant 0 : index
    %get3A_33 = arith.constant 0 : index
    %get3A_34 = vector.load %arg8[%get3A_32, %get3A_33] : memref<128x128xf32, #tpu.memory_space<vmem>>, vector<128x128xf32>
    %dot_general3A = arith.constant dense<0.000000e+00> : vector<400x128xf32>
    %dot_general3A_35 = tpu.matmul %add3A, %get3A_34, %dot_general3A {dimension_numbers = #tpu.dot_dimension_numbers<[1], [0], [0], [1], [0, 0, 1, 1], [], []>, transpose_lhs_hint = false} : vector<400x128xf32>, vector<128x128xf32>, vector<400x128xf32> -> vector<400x128xf32>
    %get3A_36 = arith.constant 0 : index
    %get3A_37 = arith.constant 0 : index
    %get3A_38 = vector.load %arg9[%get3A_36, %get3A_37] : memref<16x128xf32, #tpu.memory_space<vmem>>, vector<16x128xf32>
    %dot_general3A_39 = arith.constant dense<0.000000e+00> : vector<400x128xf32>
    %dot_general3A_40 = tpu.matmul %add3A_19, %get3A_38, %dot_general3A_39 {dimension_numbers = #tpu.dot_dimension_numbers<[1], [0], [0], [1], [0, 0, 1, 1], [], []>, transpose_lhs_hint = false} : vector<400x16xf32>, vector<16x128xf32>, vector<400x128xf32> -> vector<400x128xf32>
    %add3A_41 = arith.addf %dot_general3A_35, %dot_general3A_40 : vector<400x128xf32>
    %get3A_42 = arith.constant 0 : index
    %get3A_43 = arith.constant 0 : index
    %get3A_44 = vector.load %arg10[%get3A_42, %get3A_43] : memref<1x128xf32, #tpu.memory_space<vmem>>, vector<1x128xf32>
    %mul3A = vector.broadcast %add3A_31 : vector<400x1xf32> to vector<400x128xf32>
    %mul3A_45 = vector.broadcast %get3A_44 : vector<1x128xf32> to vector<400x128xf32>
    %mul3A_46 = arith.mulf %mul3A, %mul3A_45 : vector<400x128xf32>
    %add3A_47 = arith.addf %add3A_41, %mul3A_46 : vector<400x128xf32>
    %gt3A = arith.constant 0.000000e+00 : f32
    %gt3A_48 = vector.broadcast %gt3A : f32 to vector<400x1xf32>
    %gt3A_49 = arith.cmpf ogt, %add3A_31, %gt3A_48 : vector<400x1xf32>
    %max3A = arith.constant 1.000000e+00 : f32
    %max3A_50 = vector.broadcast %max3A : f32 to vector<400x1xf32>
    %max3A_51 = arith.maximumf %add3A_31, %max3A_50 : vector<400x1xf32>
    %div3A = vector.broadcast %max3A_51 : vector<400x1xf32> to vector<400x128xf32>
    %div3A_52 = arith.divf %add3A_47, %div3A : vector<400x128xf32>
    %jit3A = arith.constant 0.000000e+00 : f32
    %broadcast_in_dim3A = vector.shape_cast %gt3A_49 : vector<400x1xi1> to vector<400x1xi1>
    %broadcast_in_dim3A_53 = vector.broadcast %broadcast_in_dim3A : vector<400x1xi1> to vector<400x128xi1>
    %broadcast_in_dim3A_54 = vector.broadcast %jit3A : f32 to vector<400x128xf32>
    %select_n3A = arith.select %broadcast_in_dim3A_53, %div3A_52, %broadcast_in_dim3A_54 : vector<400x128xi1>, vector<400x128xf32>
    %get3A_55 = arith.constant 0 : index
    %get3A_56 = arith.constant 0 : index
    %get3A_57 = vector.load %arg7[%get3A_55, %get3A_56] : memref<400x128xf32, #tpu.memory_space<vmem>>, vector<400x128xf32>
    %get3A_58 = arith.constant 0 : index
    %get3A_59 = arith.constant 0 : index
    %get3A_60 = vector.load %arg11[%get3A_58, %get3A_59] : memref<128x128xf32, #tpu.memory_space<vmem>>, vector<128x128xf32>
    %dot_general3A_61 = arith.constant dense<0.000000e+00> : vector<400x128xf32>
    %dot_general3A_62 = tpu.matmul %get3A_57, %get3A_60, %dot_general3A_61 {dimension_numbers = #tpu.dot_dimension_numbers<[1], [0], [0], [1], [0, 0, 1, 1], [], []>, transpose_lhs_hint = false} : vector<400x128xf32>, vector<128x128xf32>, vector<400x128xf32> -> vector<400x128xf32>
    %get3A_63 = arith.constant 0 : index
    %get3A_64 = arith.constant 0 : index
    %get3A_65 = vector.load %arg12[%get3A_63, %get3A_64] : memref<128x128xf32, #tpu.memory_space<vmem>>, vector<128x128xf32>
    %dot_general3A_66 = arith.constant dense<0.000000e+00> : vector<400x128xf32>
    %dot_general3A_67 = tpu.matmul %select_n3A, %get3A_65, %dot_general3A_66 {dimension_numbers = #tpu.dot_dimension_numbers<[1], [0], [0], [1], [0, 0, 1, 1], [], []>, transpose_lhs_hint = false} : vector<400x128xf32>, vector<128x128xf32>, vector<400x128xf32> -> vector<400x128xf32>
    %add3A_68 = arith.addf %dot_general3A_62, %dot_general3A_67 : vector<400x128xf32>
    %get3A_69 = arith.constant 0 : index
    %get3A_70 = arith.constant 0 : index
    %get3A_71 = vector.load %arg13[%get3A_69, %get3A_70] : memref<1x128xf32, #tpu.memory_space<vmem>>, vector<1x128xf32>
    %add3A_72 = vector.broadcast %get3A_71 : vector<1x128xf32> to vector<400x128xf32>
    %add3A_73 = arith.addf %add3A_68, %add3A_72 : vector<400x128xf32>
    %max3A_74 = arith.constant 0.000000e+00 : f32
    %max3A_75 = vector.broadcast %max3A_74 : f32 to vector<400x128xf32>
    %max3A_76 = arith.maximumf %add3A_73, %max3A_75 : vector<400x128xf32>
    %swap3A = arith.constant 0 : index
    %swap3A_77 = arith.constant 0 : index
    %swap3A_78 = vector.load %arg16[%swap3A, %swap3A_77] : memref<400x128xf32, #tpu.memory_space<vmem>>, vector<400x128xf32>
    tpu.vector_store %arg16[%swap3A, %swap3A_77], %max3A_76 {strides = array<i32>} : memref<400x128xf32, #tpu.memory_space<vmem>>, vector<400x128xf32>,
    return
  }
  func.func @transform_0(%arg0: i32) -> (i32, i32, i32) {
    %c0_i32 = arith.constant 0 : i32
    %c0_i32_0 = arith.constant 0 : i32
    %c0_i32_1 = arith.constant 0 : i32
    return %c0_i32, %arg0, %c0_i32_0 : i32, i32, i32
  }
  func.func @transform_1(%arg0: i32) -> (i32, i32, i32) {
    %c1_i32 = arith.constant 1 : i32
    %c0_i32 = arith.constant 0 : i32
    %c0_i32_0 = arith.constant 0 : i32
    return %c1_i32, %arg0, %c0_i32 : i32, i32, i32
  }
  func.func @transform_2(%arg0: i32) -> (i32, i32, i32) {
    %c0_i32 = arith.constant 0 : i32
    %c0_i32_0 = arith.constant 0 : i32
    %c0_i32_1 = arith.constant 0 : i32
    return %c0_i32, %arg0, %c0_i32_0 : i32, i32, i32
  }
  func.func @transform_3(%arg0: i32) -> (i32, i32, i32) {
    %c1_i32 = arith.constant 1 : i32
    %c0_i32 = arith.constant 0 : i32
    %c0_i32_0 = arith.constant 0 : i32
    return %c1_i32, %arg0, %c0_i32 : i32, i32, i32
  }
  func.func @transform_4(%arg0: i32) -> (i32, i32, i32) {
    %c0_i32 = arith.constant 0 : i32
    %c0_i32_0 = arith.constant 0 : i32
    %c0_i32_1 = arith.constant 0 : i32
    return %c0_i32, %arg0, %c0_i32_0 : i32, i32, i32
  }
  func.func @transform_5(%arg0: i32) -> (i32, i32, i32) {
    %c1_i32 = arith.constant 1 : i32
    %c0_i32 = arith.constant 0 : i32
    %c0_i32_0 = arith.constant 0 : i32
    return %c1_i32, %arg0, %c0_i32 : i32, i32, i32
  }
  func.func @transform_6(%arg0: i32) -> (i32, i32) {
    %c0_i32 = arith.constant 0 : i32
    %c0_i32_0 = arith.constant 0 : i32
    return %arg0, %c0_i32 : i32, i32
  }
  func.func @transform_7(%arg0: i32) -> (i32, i32) {
    %c0_i32 = arith.constant 0 : i32
    %c0_i32_0 = arith.constant 0 : i32
    %c0_i32_1 = arith.constant 0 : i32
    return %c0_i32, %c0_i32_0 : i32, i32
  }
  func.func @transform_8(%arg0: i32) -> (i32, i32) {
    %c0_i32 = arith.constant 0 : i32
    %c0_i32_0 = arith.constant 0 : i32
    %c0_i32_1 = arith.constant 0 : i32
    return %c0_i32, %c0_i32_0 : i32, i32
  }
  func.func @transform_9(%arg0: i32) -> (i32, i32) {
    %c0_i32 = arith.constant 0 : i32
    %c0_i32_0 = arith.constant 0 : i32
    %c0_i32_1 = arith.constant 0 : i32
    return %c0_i32, %c0_i32_0 : i32, i32
  }
  func.func @transform_10(%arg0: i32) -> (i32, i32) {
    %c0_i32 = arith.constant 0 : i32
    %c0_i32_0 = arith.constant 0 : i32
    %c0_i32_1 = arith.constant 0 : i32
    return %c0_i32, %c0_i32_0 : i32, i32
  }
  func.func @transform_11(%arg0: i32) -> (i32, i32) {
    %c0_i32 = arith.constant 0 : i32
    %c0_i32_0 = arith.constant 0 : i32
    %c0_i32_1 = arith.constant 0 : i32
    return %c0_i32, %c0_i32_0 : i32, i32
  }
  func.func @transform_12(%arg0: i32) -> (i32, i32) {
    %c0_i32 = arith.constant 0 : i32
    %c0_i32_0 = arith.constant 0 : i32
    %c0_i32_1 = arith.constant 0 : i32
    return %c0_i32, %c0_i32_0 : i32, i32
  }
  func.func @transform_13(%arg0: i32) -> (i32, i32) {
    %c0_i32 = arith.constant 0 : i32
    %c0_i32_0 = arith.constant 0 : i32
    %c0_i32_1 = arith.constant 0 : i32
    return %c0_i32, %c0_i32_0 : i32, i32
  }
  func.func @transform_14(%arg0: i32) -> (i32, i32) {
    %c0_i32 = arith.constant 0 : i32
    %c0_i32_0 = arith.constant 0 : i32
    %c0_i32_1 = arith.constant 0 : i32
    return %c0_i32, %c0_i32_0 : i32, i32
  }
  func.func @transform_15(%arg0: i32) -> (i32, i32) {
    %c0_i32 = arith.constant 0 : i32
    %c0_i32_0 = arith.constant 0 : i32
    return %arg0, %c0_i32 : i32, i32
  }
}

module attributes {stable_mosaic.version = 14 : i64} {
  func.func @body(%arg0: i32, %arg1: memref<1x400x128xf32, #tpu.memory_space<vmem>>, %arg2: memref<1x400x128xf32, #tpu.memory_space<vmem>>, %arg3: memref<1x400x16xf32, #tpu.memory_space<vmem>>, %arg4: memref<1x400x16xf32, #tpu.memory_space<vmem>>, %arg5: memref<1x400x8xf32, #tpu.memory_space<vmem>>, %arg6: memref<1x400x8xf32, #tpu.memory_space<vmem>>, %arg7: memref<400x128xf32, #tpu.memory_space<vmem>>, %arg8: memref<128x128xf32, #tpu.memory_space<vmem>>, %arg9: memref<16x128xf32, #tpu.memory_space<vmem>>, %arg10: memref<1x128xf32, #tpu.memory_space<vmem>>, %arg11: memref<128x128xf32, #tpu.memory_space<vmem>>, %arg12: memref<128x128xf32, #tpu.memory_space<vmem>>, %arg13: memref<1x128xf32, #tpu.memory_space<vmem>>, %arg14: memref<128x16xf32, #tpu.memory_space<vmem>>, %arg15: memref<1x8xf32, #tpu.memory_space<vmem>>, %arg16: memref<400x128xf32, #tpu.memory_space<vmem>>, %arg17: memref<400x8xf32, #tpu.memory_space<vmem>>, %arg18: memref<400x8xf32, #tpu.memory_space<vmem>>) attributes {dimension_semantics = [#tpu.dimension_semantics<arbitrary>], iteration_bounds = array<i64: 25>, scalar_prefetch = 0 : i64, scratch_operands = 0 : i64, tpu.core_type = #tpu.core_type<tc>, window_params = [{transform_indices = @transform_0, window_bounds = array<i64: 1, 400, 128>}, {transform_indices = @transform_1, window_bounds = array<i64: 1, 400, 128>}, {transform_indices = @transform_2, window_bounds = array<i64: 1, 400, 16>}, {transform_indices = @transform_3, window_bounds = array<i64: 1, 400, 16>}, {transform_indices = @transform_4, window_bounds = array<i64: 1, 400, 8>}, {transform_indices = @transform_5, window_bounds = array<i64: 1, 400, 8>}, {transform_indices = @transform_6, window_bounds = array<i64: 400, 128>}, {pipeline_mode = #tpu.pipeline_mode<synchronous>, transform_indices = @transform_7, window_bounds = array<i64: 128, 128>}, {pipeline_mode = #tpu.pipeline_mode<synchronous>, transform_indices = @transform_8, window_bounds = array<i64: 16, 128>}, {pipeline_mode = #tpu.pipeline_mode<synchronous>, transform_indices = @transform_9, window_bounds = array<i64: 1, 128>}, {pipeline_mode = #tpu.pipeline_mode<synchronous>, transform_indices = @transform_10, window_bounds = array<i64: 128, 128>}, {pipeline_mode = #tpu.pipeline_mode<synchronous>, transform_indices = @transform_11, window_bounds = array<i64: 128, 128>}, {pipeline_mode = #tpu.pipeline_mode<synchronous>, transform_indices = @transform_12, window_bounds = array<i64: 1, 128>}, {pipeline_mode = #tpu.pipeline_mode<synchronous>, transform_indices = @transform_13, window_bounds = array<i64: 128, 16>}, {pipeline_mode = #tpu.pipeline_mode<synchronous>, transform_indices = @transform_14, window_bounds = array<i64: 1, 8>}, {transform_indices = @transform_15, window_bounds = array<i64: 400, 128>}, {transform_indices = @transform_16, window_bounds = array<i64: 400, 8>}, {transform_indices = @transform_17, window_bounds = array<i64: 400, 8>}]} {
    %get3A = arith.constant 0 : index
    %get3A_0 = arith.constant 0 : index
    %get3A_1 = arith.constant 0 : index
    %get3A_2 = vector.load %arg1[%get3A, %get3A_0, %get3A_1] : memref<1x400x128xf32, #tpu.memory_space<vmem>>, vector<1x400x128xf32>
    %get3A_3 = vector.shape_cast %get3A_2 : vector<1x400x128xf32> to vector<400x128xf32>
    %get3A_4 = arith.constant 0 : index
    %get3A_5 = arith.constant 0 : index
    %get3A_6 = arith.constant 0 : index
    %get3A_7 = vector.load %arg2[%get3A_4, %get3A_5, %get3A_6] : memref<1x400x128xf32, #tpu.memory_space<vmem>>, vector<1x400x128xf32>
    %get3A_8 = vector.shape_cast %get3A_7 : vector<1x400x128xf32> to vector<400x128xf32>
    %add3A = arith.addf %get3A_3, %get3A_8 : vector<400x128xf32>
    %get3A_9 = arith.constant 0 : index
    %get3A_10 = arith.constant 0 : index
    %get3A_11 = arith.constant 0 : index
    %get3A_12 = vector.load %arg3[%get3A_9, %get3A_10, %get3A_11] : memref<1x400x16xf32, #tpu.memory_space<vmem>>, vector<1x400x16xf32>
    %get3A_13 = vector.shape_cast %get3A_12 : vector<1x400x16xf32> to vector<400x16xf32>
    %get3A_14 = arith.constant 0 : index
    %get3A_15 = arith.constant 0 : index
    %get3A_16 = arith.constant 0 : index
    %get3A_17 = vector.load %arg4[%get3A_14, %get3A_15, %get3A_16] : memref<1x400x16xf32, #tpu.memory_space<vmem>>, vector<1x400x16xf32>
    %get3A_18 = vector.shape_cast %get3A_17 : vector<1x400x16xf32> to vector<400x16xf32>
    %add3A_19 = arith.addf %get3A_13, %get3A_18 : vector<400x16xf32>
    %get3A_20 = arith.constant 0 : index
    %get3A_21 = arith.constant 0 : index
    %get3A_22 = arith.constant 0 : index
    %get3A_23 = vector.load %arg5[%get3A_20, %get3A_21, %get3A_22] : memref<1x400x8xf32, #tpu.memory_space<vmem>>, vector<1x400x8xf32>
    %get3A_24 = vector.shape_cast %get3A_23 : vector<1x400x8xf32> to vector<400x8xf32>
    %slice3A = vector.extract_strided_slice %get3A_24 {offsets = [0, 0], sizes = [400, 1], strides = [1, 1]} : vector<400x8xf32> to vector<400x1xf32>
    %get3A_25 = arith.constant 0 : index
    %get3A_26 = arith.constant 0 : index
    %get3A_27 = arith.constant 0 : index
    %get3A_28 = vector.load %arg6[%get3A_25, %get3A_26, %get3A_27] : memref<1x400x8xf32, #tpu.memory_space<vmem>>, vector<1x400x8xf32>
    %get3A_29 = vector.shape_cast %get3A_28 : vector<1x400x8xf32> to vector<400x8xf32>
    %slice3A_30 = vector.extract_strided_slice %get3A_29 {offsets = [0, 0], sizes = [400, 1], strides = [1, 1]} : vector<400x8xf32> to vector<400x1xf32>
    %add3A_31 = arith.addf %slice3A, %slice3A_30 : vector<400x1xf32>
    %get3A_32 = arith.constant 0 : index
    %get3A_33 = arith.constant 0 : index
    %get3A_34 = vector.load %arg8[%get3A_32, %get3A_33] : memref<128x128xf32, #tpu.memory_space<vmem>>, vector<128x128xf32>
    %dot_general3A = arith.constant dense<0.000000e+00> : vector<400x128xf32>
    %dot_general3A_35 = tpu.matmul %add3A, %get3A_34, %dot_general3A {dimension_numbers = #tpu.dot_dimension_numbers<[1], [0], [0], [1], [0, 0, 1, 1], [], []>, transpose_lhs_hint = false} : vector<400x128xf32>, vector<128x128xf32>, vector<400x128xf32> -> vector<400x128xf32>
    %get3A_36 = arith.constant 0 : index
    %get3A_37 = arith.constant 0 : index
    %get3A_38 = vector.load %arg9[%get3A_36, %get3A_37] : memref<16x128xf32, #tpu.memory_space<vmem>>, vector<16x128xf32>
    %dot_general3A_39 = arith.constant dense<0.000000e+00> : vector<400x128xf32>
    %dot_general3A_40 = tpu.matmul %add3A_19, %get3A_38, %dot_general3A_39 {dimension_numbers = #tpu.dot_dimension_numbers<[1], [0], [0], [1], [0, 0, 1, 1], [], []>, transpose_lhs_hint = false} : vector<400x16xf32>, vector<16x128xf32>, vector<400x128xf32> -> vector<400x128xf32>
    %add3A_41 = arith.addf %dot_general3A_35, %dot_general3A_40 : vector<400x128xf32>
    %get3A_42 = arith.constant 0 : index
    %get3A_43 = arith.constant 0 : index
    %get3A_44 = vector.load %arg10[%get3A_42, %get3A_43] : memref<1x128xf32, #tpu.memory_space<vmem>>, vector<1x128xf32>
    %mul3A = vector.broadcast %add3A_31 : vector<400x1xf32> to vector<400x128xf32>
    %mul3A_45 = vector.broadcast %get3A_44 : vector<1x128xf32> to vector<400x128xf32>
    %mul3A_46 = arith.mulf %mul3A, %mul3A_45 : vector<400x128xf32>
    %add3A_47 = arith.addf %add3A_41, %mul3A_46 : vector<400x128xf32>
    %gt3A = arith.constant 0.000000e+00 : f32
    %gt3A_48 = vector.broadcast %gt3A : f32 to vector<400x1xf32>
    %gt3A_49 = arith.cmpf ogt, %add3A_31, %gt3A_48 : vector<400x1xf32>
    %max3A = arith.constant 1.000000e+00 : f32
    %max3A_50 = vector.broadcast %max3A : f32 to vector<400x1xf32>
    %max3A_51 = arith.maximumf %add3A_31, %max3A_50 : vector<400x1xf32>
    %div3A = vector.broadcast %max3A_51 : vector<400x1xf32> to vector<400x128xf32>
    %div3A_52 = arith.divf %add3A_47, %div3A : vector<400x128xf32>
    %jit3A = arith.constant 0.000000e+00 : f32
    %broadcast_in_dim3A = vector.shape_cast %gt3A_49 : vector<400x1xi1> to vector<400x1xi1>
    %broadcast_in_dim3A_53 = vector.broadcast %broadcast_in_dim3A : vector<400x1xi1> to vector<400x128xi1>
    %broadcast_in_dim3A_54 = vector.broadcast %jit3A : f32 to vector<400x128xf32>
    %select_n3A = arith.select %broadcast_in_dim3A_53, %div3A_52, %broadcast_in_dim3A_54 : vector<400x128xi1>, vector<400x128xf32>
    %get3A_55 = arith.constant 0 : index
    %get3A_56 = arith.constant 0 : index
    %get3A_57 = vector.load %arg7[%get3A_55, %get3A_56] : memref<400x128xf32, #tpu.memory_space<vmem>>, vector<400x128xf32>
    %get3A_58 = arith.constant 0 : index
    %get3A_59 = arith.constant 0 : index
    %get3A_60 = vector.load %arg11[%get3A_58, %get3A_59] : memref<128x128xf32, #tpu.memory_space<vmem>>, vector<128x128xf32>
    %dot_general3A_61 = arith.constant dense<0.000000e+00> : vector<400x128xf32>
    %dot_general3A_62 = tpu.matmul %get3A_57, %get3A_60, %dot_general3A_61 {dimension_numbers = #tpu.dot_dimension_numbers<[1], [0], [0], [1], [0, 0, 1, 1], [], []>, transpose_lhs_hint = false} : vector<400x128xf32>, vector<128x128xf32>, vector<400x128xf32> -> vector<400x128xf32>
    %get3A_63 = arith.constant 0 : index
    %get3A_64 = arith.constant 0 : index
    %get3A_65 = vector.load %arg12[%get3A_63, %get3A_64] : memref<128x128xf32, #tpu.memory_space<vmem>>, vector<128x128xf32>
    %dot_general3A_66 = arith.constant dense<0.000000e+00> : vector<400x128xf32>
    %dot_general3A_67 = tpu.matmul %select_n3A, %get3A_65, %dot_general3A_66 {dimension_numbers = #tpu.dot_dimension_numbers<[1], [0], [0], [1], [0, 0, 1, 1], [], []>, transpose_lhs_hint = false} : vector<400x128xf32>, vector<128x128xf32>, vector<400x128xf32> -> vector<400x128xf32>
    %add3A_68 = arith.addf %dot_general3A_62, %dot_general3A_67 : vector<400x128xf32>
    %get3A_69 = arith.constant 0 : index
    %get3A_70 = arith.constant 0 : index
    %get3A_71 = vector.load %arg13[%get3A_69, %get3A_70] : memref<1x128xf32, #tpu.memory_space<vmem>>, vector<1x128xf32>
    %add3A_72 = vector.broadcast %get3A_71 : vector<1x128xf32> to vector<400x128xf32>
    %add3A_73 = arith.addf %add3A_68, %add3A_72 : vector<400x128xf32>
    %max3A_74 = arith.constant 0.000000e+00 : f32
    %max3A_75 = vector.broadcast %max3A_74 : f32 to vector<400x128xf32>
    %max3A_76 = arith.maximumf %add3A_73, %max3A_75 : vector<400x128xf32>
    %swap3A = arith.constant 0 : index
    %swap3A_77 = arith.constant 0 : index
    %swap3A_78 = vector.load %arg16[%swap3A, %swap3A_77] : memref<400x128xf32, #tpu.memory_space<vmem>>, vector<400x128xf32>
    tpu.vector_store %arg16[%swap3A, %swap3A_77], %max3A_76 {strides = array<i32>} : memref<400x128xf32, #tpu.memory_space<vmem>>, vector<400x128xf32>,
    %get3A_79 = arith.constant 0 : index
    %get3A_80 = arith.constant 0 : index
    %get3A_81 = vector.load %arg14[%get3A_79, %get3A_80] : memref<128x16xf32, #tpu.memory_space<vmem>>, vector<128x16xf32>
    %dot_general3A_82 = arith.constant dense<0.000000e+00> : vector<400x16xf32>
    %dot_general3A_83 = tpu.matmul %max3A_76, %get3A_81, %dot_general3A_82 {dimension_numbers = #tpu.dot_dimension_numbers<[1], [0], [0], [1], [0, 0, 1, 1], [], []>, transpose_lhs_hint = false} : vector<400x128xf32>, vector<128x16xf32>, vector<400x16xf32> -> vector<400x16xf32>
    %slice3A_84 = vector.extract_strided_slice %dot_general3A_83 {offsets = [0, 0], sizes = [400, 8], strides = [1, 1]} : vector<400x16xf32> to vector<400x8xf32>
    %swap3A_85 = arith.constant 0 : index
    %swap3A_86 = arith.constant 0 : index
    %swap3A_87 = vector.load %arg17[%swap3A_85, %swap3A_86] : memref<400x8xf32, #tpu.memory_space<vmem>>, vector<400x8xf32>
    tpu.vector_store %arg17[%swap3A_85, %swap3A_86], %slice3A_84 {strides = array<i32>} : memref<400x8xf32, #tpu.memory_space<vmem>>, vector<400x8xf32>,
    %slice3A_88 = vector.extract_strided_slice %dot_general3A_83 {offsets = [0, 8], sizes = [400, 8], strides = [1, 1]} : vector<400x16xf32> to vector<400x8xf32>
    %get3A_89 = arith.constant 0 : index
    %get3A_90 = arith.constant 0 : index
    %get3A_91 = vector.load %arg15[%get3A_89, %get3A_90] : memref<1x8xf32, #tpu.memory_space<vmem>>, vector<1x8xf32>
    %add3A_92 = vector.broadcast %get3A_91 : vector<1x8xf32> to vector<400x8xf32>
    %add3A_93 = arith.addf %slice3A_88, %add3A_92 : vector<400x8xf32>
    %swap3A_94 = arith.constant 0 : index
    %swap3A_95 = arith.constant 0 : index
    %swap3A_96 = vector.load %arg18[%swap3A_94, %swap3A_95] : memref<400x8xf32, #tpu.memory_space<vmem>>, vector<400x8xf32>
    tpu.vector_store %arg18[%swap3A_94, %swap3A_95], %add3A_93 {strides = array<i32>} : memref<400x8xf32, #tpu.memory_space<vmem>>, vector<400x8xf32>,
    return
  }
  func.func @transform_0(%arg0: i32) -> (i32, i32, i32) {
    %c0_i32 = arith.constant 0 : i32
    %c0_i32_0 = arith.constant 0 : i32
    %c0_i32_1 = arith.constant 0 : i32
    return %c0_i32, %arg0, %c0_i32_0 : i32, i32, i32
  }
  func.func @transform_1(%arg0: i32) -> (i32, i32, i32) {
    %c1_i32 = arith.constant 1 : i32
    %c0_i32 = arith.constant 0 : i32
    %c0_i32_0 = arith.constant 0 : i32
    return %c1_i32, %arg0, %c0_i32 : i32, i32, i32
  }
  func.func @transform_2(%arg0: i32) -> (i32, i32, i32) {
    %c0_i32 = arith.constant 0 : i32
    %c0_i32_0 = arith.constant 0 : i32
    %c0_i32_1 = arith.constant 0 : i32
    return %c0_i32, %arg0, %c0_i32_0 : i32, i32, i32
  }
  func.func @transform_3(%arg0: i32) -> (i32, i32, i32) {
    %c1_i32 = arith.constant 1 : i32
    %c0_i32 = arith.constant 0 : i32
    %c0_i32_0 = arith.constant 0 : i32
    return %c1_i32, %arg0, %c0_i32 : i32, i32, i32
  }
  func.func @transform_4(%arg0: i32) -> (i32, i32, i32) {
    %c0_i32 = arith.constant 0 : i32
    %c0_i32_0 = arith.constant 0 : i32
    %c0_i32_1 = arith.constant 0 : i32
    return %c0_i32, %arg0, %c0_i32_0 : i32, i32, i32
  }
  func.func @transform_5(%arg0: i32) -> (i32, i32, i32) {
    %c1_i32 = arith.constant 1 : i32
    %c0_i32 = arith.constant 0 : i32
    %c0_i32_0 = arith.constant 0 : i32
    return %c1_i32, %arg0, %c0_i32 : i32, i32, i32
  }
  func.func @transform_6(%arg0: i32) -> (i32, i32) {
    %c0_i32 = arith.constant 0 : i32
    %c0_i32_0 = arith.constant 0 : i32
    return %arg0, %c0_i32 : i32, i32
  }
  func.func @transform_7(%arg0: i32) -> (i32, i32) {
    %c0_i32 = arith.constant 0 : i32
    %c0_i32_0 = arith.constant 0 : i32
    %c0_i32_1 = arith.constant 0 : i32
    return %c0_i32, %c0_i32_0 : i32, i32
  }
  func.func @transform_8(%arg0: i32) -> (i32, i32) {
    %c0_i32 = arith.constant 0 : i32
    %c0_i32_0 = arith.constant 0 : i32
    %c0_i32_1 = arith.constant 0 : i32
    return %c0_i32, %c0_i32_0 : i32, i32
  }
  func.func @transform_9(%arg0: i32) -> (i32, i32) {
    %c0_i32 = arith.constant 0 : i32
    %c0_i32_0 = arith.constant 0 : i32
    %c0_i32_1 = arith.constant 0 : i32
    return %c0_i32, %c0_i32_0 : i32, i32
  }
  func.func @transform_10(%arg0: i32) -> (i32, i32) {
    %c0_i32 = arith.constant 0 : i32
    %c0_i32_0 = arith.constant 0 : i32
    %c0_i32_1 = arith.constant 0 : i32
    return %c0_i32, %c0_i32_0 : i32, i32
  }
  func.func @transform_11(%arg0: i32) -> (i32, i32) {
    %c0_i32 = arith.constant 0 : i32
    %c0_i32_0 = arith.constant 0 : i32
    %c0_i32_1 = arith.constant 0 : i32
    return %c0_i32, %c0_i32_0 : i32, i32
  }
  func.func @transform_12(%arg0: i32) -> (i32, i32) {
    %c0_i32 = arith.constant 0 : i32
    %c0_i32_0 = arith.constant 0 : i32
    %c0_i32_1 = arith.constant 0 : i32
    return %c0_i32, %c0_i32_0 : i32, i32
  }
  func.func @transform_13(%arg0: i32) -> (i32, i32) {
    %c0_i32 = arith.constant 0 : i32
    %c0_i32_0 = arith.constant 0 : i32
    %c0_i32_1 = arith.constant 0 : i32
    return %c0_i32, %c0_i32_0 : i32, i32
  }
  func.func @transform_14(%arg0: i32) -> (i32, i32) {
    %c0_i32 = arith.constant 0 : i32
    %c0_i32_0 = arith.constant 0 : i32
    %c0_i32_1 = arith.constant 0 : i32
    return %c0_i32, %c0_i32_0 : i32, i32
  }
  func.func @transform_15(%arg0: i32) -> (i32, i32) {
    %c0_i32 = arith.constant 0 : i32
    %c0_i32_0 = arith.constant 0 : i32
    return %arg0, %c0_i32 : i32, i32
  }
  func.func @transform_16(%arg0: i32) -> (i32, i32) {
    %c0_i32 = arith.constant 0 : i32
    %c0_i32_0 = arith.constant 0 : i32
    return %arg0, %c0_i32 : i32, i32
  }
  func.func @transform_17(%arg0: i32) -> (i32, i32) {
    %c0_i32 = arith.constant 0 : i32
    %c0_i32_0 = arith.constant 0 : i32
    return %arg0, %c0_i32 : i32, i32
  }
}

module attributes {stable_mosaic.version = 14 : i64} {
  func.func @body(%arg0: i32, %arg1: memref<2000x128xf32, #tpu.memory_space<vmem>>, %arg2: memref<128x32xf32, #tpu.memory_space<vmem>>, %arg3: memref<2000x32xf32, #tpu.memory_space<vmem>>) attributes {dimension_semantics = [#tpu.dimension_semantics<arbitrary>], iteration_bounds = array<i64: 10>, scalar_prefetch = 0 : i64, scratch_operands = 0 : i64, tpu.core_type = #tpu.core_type<tc>, window_params = [{transform_indices = @transform_0, window_bounds = array<i64: 2000, 128>}, {pipeline_mode = #tpu.pipeline_mode<synchronous>, transform_indices = @transform_1, window_bounds = array<i64: 128, 32>}, {transform_indices = @transform_2, window_bounds = array<i64: 2000, 32>}]} {
    %get3A = arith.constant 0 : index
    %get3A_0 = arith.constant 0 : index
    %get3A_1 = vector.load %arg1[%get3A, %get3A_0] : memref<2000x128xf32, #tpu.memory_space<vmem>>, vector<2000x128xf32>
    %get3A_2 = arith.constant 0 : index
    %get3A_3 = arith.constant 0 : index
    %get3A_4 = vector.load %arg2[%get3A_2, %get3A_3] : memref<128x32xf32, #tpu.memory_space<vmem>>, vector<128x32xf32>
    %dot_general3A = arith.constant dense<0.000000e+00> : vector<2000x32xf32>
    %dot_general3A_5 = tpu.matmul %get3A_1, %get3A_4, %dot_general3A {dimension_numbers = #tpu.dot_dimension_numbers<[1], [0], [0], [1], [0, 0, 1, 1], [], []>, transpose_lhs_hint = false} : vector<2000x128xf32>, vector<128x32xf32>, vector<2000x32xf32> -> vector<2000x32xf32>
    %swap3A = arith.constant 0 : index
    %swap3A_6 = arith.constant 0 : index
    %swap3A_7 = vector.load %arg3[%swap3A, %swap3A_6] : memref<2000x32xf32, #tpu.memory_space<vmem>>, vector<2000x32xf32>
    tpu.vector_store %arg3[%swap3A, %swap3A_6], %dot_general3A_5 {strides = array<i32>} : memref<2000x32xf32, #tpu.memory_space<vmem>>, vector<2000x32xf32>,
    return
  }
  func.func @transform_0(%arg0: i32) -> (i32, i32) {
    %c0_i32 = arith.constant 0 : i32
    %c0_i32_0 = arith.constant 0 : i32
    return %arg0, %c0_i32 : i32, i32
  }
  func.func @transform_1(%arg0: i32) -> (i32, i32) {
    %c0_i32 = arith.constant 0 : i32
    %c0_i32_0 = arith.constant 0 : i32
    %c0_i32_1 = arith.constant 0 : i32
    return %c0_i32, %c0_i32_0 : i32, i32
  }
  func.func @transform_2(%arg0: i32) -> (i32, i32) {
    %c0_i32 = arith.constant 0 : i32
    %c0_i32_0 = arith.constant 0 : i32
    return %arg0, %c0_i32 : i32, i32
  }
}

</mosaic_0001>

<sc_bundles>
// kernel: kernel.11.cloned.1.call-start
scs
__scs_entry_jumppad:
0x0: {  	(pc) =	sbr.rel $0x88, $3  }
0x1: {  	(tag) =	ssettag $0x0;
	lr =	simm.s32 $0x1  }
0x2: {  	[smem:$0x3F94] =	sst lr;
	_ =	strace $0xD0000000  }
0x3: {  	_ = 	snop  }
0x4: {  	_ = 	snop  }
0x5: {  	_ = 	snop  }
0x6: {  	_ = 	snop  }
0x7: {  	_ = 	snop  }
__scs_overlays_trampoline_lowered:
0x8: {  	[smem:$0x3FA3] =	sst s0  }
0x9: {  	[smem:$0x3FA4] =	sst s1  }
0xa: {  	[smem:$0x3FA5] =	sst s2  }
0xb: {  	[smem:$0x3FA6] =	sst s3  }
0xc: {  	[smem:$0x3FA7] =	sst s4  }
0xd: {  	[smem:$0x3FA8] =	sst s5  }
0xe: {  	[smem:$0x3FA9] =	sst s6  }
0xf: {  	[smem:$0x3FAA] =	sst s7  }
0x10: {  	[smem:$0x3FAB] =	sst s8  }
0x11: {  	[smem:$0x3FAC] =	sst s9;
	s0 =	simm.s32 @!p0 $0x0  }
0x12: {  	s1 =	sld [smem:$0x3F92];
	s0 =	simm.s32 @p0 $0x1  }
0x13: {  	[smem:$0x3FAD] =	sst s0;
	s0 =	simm.s32 @!p1 $0x0  }
0x14: {  	s2 =	sld [smem:$0x3F91];
	s0 =	simm.s32 @p1 $0x1  }
0x15: {  	[smem:$0x3FAE] =	sst s0;
	s0 =	simm.s32 @!p2 $0x0  }
0x16: {  	s3 =	sld [smem:$0x3FDB];
	s0 =	simm.s32 @p2 $0x1  }
0x17: {  	s4 =	simm.s32 $0x1BF5;
	[smem:$0x3FB0] =	sst s0  }
0x18: {  	s0 =	sld [smem:$0x3F93];
	_ =	swait.ge [sflag:s4], $0x0  }
0x19: {  	s7 =	sld [smem:$0x3F94]  }
0x1a: {  	s8 =	sadd.s32 $0xFFFFE003, lr  }
0x1b: {  	s9 =	sadd.s32 $0xFFFFFEF7, lr;
	s5 =	simm.s32 $0xFFFFFFFF;
	p2 =	slt.u32 s8, $0xFFFFF086  }
0x1c: {  	p1 =	slt.u32 s9, $0xF7A;
	s5 =	simm.s32 @!p2 $0x0  }
0x1d: {  	s5 =	simm.s32 @p1 $0x1;
	p0 =	seq.s32 s7, s2  }
0x1e: {  	s7 =	smul.u32 @!p0 $0xF7A, s2;
	p2 =	seq.s32 @!p0 s5, $0x0  }
0x1f: {  	s9 =	smul.u32 $0xF7A, s1;
	s8 =	simm.s32 @!p0 $0x1BF5;
	p2 =	por !p2, p0  }
0x20: {  	[sflag:s8] =	ssyncset.s32 @!p0 $0xFFFFF086;
	s6 =	sadd.s32 @!p0 s3, s7;
	s7 =	simm.s32 @!p0 $0x108  }
0x21: {  	s3 =	sadd.s32 s3, s9;
	s6 =	sadd.s32 @!p0 $0x88, s6;
	s7 =	simm.s32 @p2 $0x1082  }
0x22: {  	[simem:s7], [sflag:s8] =	dma.local @!p0 [hbm:s6], $0xF7A  }
0x23: {  	s9 =	sor.u32 $0xD0000000, s2;
	s6 =	simm.s32 $0x108;
	_ =	swait.ge @!p0 [sflag:s8], $0x0  }
0x24: {  	s3 =	sadd.s32 $0x88, s3;
	s6 =	simm.s32 @!p1 $0x1082;
	[sflag:s4] =	ssyncset.s32 $0xFFFFF086  }
0x25: {  	[simem:s6], [sflag:s4] =	dma.local [hbm:s3], $0xF7A  }
0x26: {  	[smem:$0x3F94] =	sst s1;
	(tag) =	ssettag s2;
	_ =	strace s9  }
0x27: {  	s1 =	sld [smem:$0x3FA4]  }
0x28: {  	s2 =	sld [smem:$0x3FA5]  }
0x29: {  	s4 =	sld [smem:$0x3FA7]  }
0x2a: {  	p0 =	seq.s32 s5, $0x0;
	s5 =	sld [smem:$0x3FA8]  }
0x2b: {  	s6 =	sld [smem:$0x3FA9]  }
0x2c: {  	s7 =	sld [smem:$0x3FAA]  }
0x2d: {  	s3 =	simm.s32 $0x108;
	s8 =	sld [smem:$0x3FAB]  }
0x2e: {  	s3 =	simm.s32 @!p0 $0x1082;
	s9 =	sld [smem:$0x3FAC]  }
0x2f: {  	lr =	sadd.s32 s0, s3;
	s0 =	sld [smem:$0x3FA3]  }
0x30: {  	s3 =	sld [smem:$0x3FA6]  }
0x31: {  	[smem:$0x3FAF] =	sst s10  }
0x32: {  	s10 =	sld [smem:$0x3FAD];
	_ =	sdelay $0x3  }
0x33: {  	p0 =	seq.s32 s10, $0x1;
	s10 =	sld [smem:$0x3FAF];
	_ =	sdelay $0x3  }
0x34: {  	[smem:$0x3FAF] =	sst s10  }
0x35: {  	s10 =	sld [smem:$0x3FAE];
	_ =	sdelay $0x3  }
0x36: {  	p1 =	seq.s32 s10, $0x1;
	s10 =	sld [smem:$0x3FAF];
	_ =	sdelay $0x3  }
0x37: {  	[smem:$0x3FAF] =	sst s10  }
0x38: {  	s10 =	sld [smem:$0x3FB0]  }
0x39: {  	_ = 	snop;
	(pc) =	sbr.ind lr, $3  }
0x3a: {  	_ = 	snop  }
0x3b: {  	_ = 	snop  }
0x3c: {  	p2 =	seq.s32 s10, $0x1;
	s10 =	sld [smem:$0x3FAF]  }
0x3d: {  	_ =	shalt  }
0x3e: {  	_ =	shalt  }
0x3f: {  	_ =	shalt  }
0x40: {  	_ =	shalt  }
0x41: {  	_ =	shalt  }
0x42: {  	_ =	shalt  }
0x43: {  	_ =	shalt  }
0x44: {  	_ =	shalt  }
0x45: {  	_ =	shalt  }
0x46: {  	_ =	shalt  }
0x47: {  	_ =	shalt  }
0x48: {  	_ =	shalt  }
0x49: {  	_ =	shalt  }
0x4a: {  	_ =	shalt  }
0x4b: {  	_ =	shalt  }
0x4c: {  	_ =	shalt  }
0x4d: {  	_ =	shalt  }
0x4e: {  	_ =	shalt  }
0x4f: {  	_ =	shalt  }
0x50: {  	_ =	shalt  }
0x51: {  	_ =	shalt  }
0x52: {  	_ =	shalt  }
0x53: {  	_ =	shalt  }
0x54: {  	_ =	shalt  }
0x55: {  	_ =	shalt  }
0x56: {  	_ =	shalt  }
0x57: {  	_ =	shalt  }
0x58: {  	_ =	shalt  }
0x59: {  	_ =	shalt  }
0x5a: {  	_ =	shalt  }
0x5b: {  	_ =	shalt  }
0x5c: {  	_ =	shalt  }
0x5d: {  	_ =	shalt  }
0x5e: {  	_ =	shalt  }
0x5f: {  	_ =	shalt  }
0x60: {  	_ =	shalt  }
0x61: {  	_ =	shalt  }
0x62: {  	_ =	shalt  }
0x63: {  	_ =	shalt  }
0x64: {  	_ =	shalt  }
0x65: {  	_ =	shalt  }
0x66: {  	_ =	shalt  }
0x67: {  	_ =	shalt  }
0x68: {  	_ =	shalt  }
0x69: {  	_ =	shalt  }
0x6a: {  	_ =	shalt  }
0x6b: {  	_ =	shalt  }
0x6c: {  	_ =	shalt  }
0x6d: {  	_ =	shalt  }
0x6e: {  	_ =	shalt  }
0x6f: {  	_ =	shalt  }
0x70: {  	_ =	shalt  }
0x71: {  	_ =	shalt  }
0x72: {  	_ =	shalt  }
0x73: {  	_ =	shalt  }
0x74: {  	_ =	shalt  }
0x75: {  	_ =	shalt  }
0x76: {  	_ =	shalt  }
0x77: {  	_ =	shalt  }
0x78: {  	_ =	shalt  }
0x79: {  	_ =	shalt  }
0x7a: {  	_ =	shalt  }
0x7b: {  	_ =	shalt  }
0x7c: {  	_ =	shalt  }
0x7d: {  	_ =	shalt  }
0x7e: {  	_ =	shalt  }
0x7f: {  	_ =	shalt  }
0x80: {  	_ =	shalt  }
0x81: {  	_ =	shalt  }
0x82: {  	_ =	shalt  }
0x83: {  	_ =	shalt  }
0x84: {  	_ =	shalt  }
0x85: {  	_ =	shalt  }
0x86: {  	_ =	shalt  }
0x87: {  	_ =	shalt  }
.Lfunc_end0:
.L_simem_size_0:
called_computation.1_lowered:
.L_overlay_start_0:
0x88: {  	s2 =	sld [smem:$0x3FD9]  }
0x89: {  	s3 =	sld [smem:$0x3FFE];
	_ =	sdelay $0x1  }
0x8a: {  	s1 =	srdreg.scid  }
0x8b: {  	s0 =	sand.u32 $0x1, s1  }
0x8c: {  	s17 =	sshll.u32 s0, $0xA;
	s2 =	sadd.s32 s3, s2  }
0x8d: {  	s2 =	sadd.s32 s2, s17  }
0x8e: {  	[smem:$0x3FBB] =	sst s2  }
0x8f: {  	_ = 	snop  }
0x90: {  	s2 =	sld [smem:$0x3FD0];
	(tm) =	ssettm $0x1  }
0x91: {  	s18 =	sld [smem:$0x3FFB];
	_ =	sdelay $0x3  }
0x92: {  	_ =	strace s18  }
0x93: {  	s3 =	sld [smem:$0x3FFC];
	_ =	sdelay $0x3  }
0x94: {  	_ =	strace s3  }
0x95: {  	s3 =	sld [smem:$0x3FFD];
	_ =	sdelay $0x3  }
0x96: {  	_ =	strace s3  }
0x97: {  	_ =	strace $0x8FFFFFFF  }
0x98: {  	s19 =	sld [smem:$0x3FDB];
	_ =	sdelay $0x1  }
0x99: {  	s4 =	simm.s32 $_scs_section_size  }
0x9a: {  	s5 =	simm.s32 $_size__tile_overlayer_lowered;
	s6 =	simm.s32 $_tile_overlayer_lowered  }
0x9b: {  	s22 =	simm.s32 $0x1BFF;
	s21 =	sshll.u32 s6, $0x1;
	s3 =	sadd.s32 s4, s19  }
0x9c: {  	s7 =	simm.s32 $0x0;
	s20 =	sshll.u32 s5, $0x1;
	s5 =	sadd.s32 s21, s3  }
0x9d: {  	[timem:s7], [sflag:s22] =	dma.local [hbm:s5], s20  }
0x9e: {  	_ =	swait.ge [sflag:s22], s20  }
0x9f: {  	s4 =	ssub.s32 $0x0, s20;
	[sflag:s22] =	ssyncset.done $0x0  }
0xa0: {  	[sflag:s22] =	ssyncadd.s32 s4;
	_ =	sdelay $0x1  }
0xa1: {  	s23 =	simm.s32 $0x1B8B  }
0xa2: {  	_ =	swait.ge [sflag:s23], $0x1  }
0xa3: {  	[sflag:s23] =	ssyncset.done $0x0  }
0xa4: {  	s25 =	simm.s32 $0x1B8E;
	s24 =	sld [smem:$0x3FFE];
	[sflag:s23] =	ssyncadd.s32 $0xFFFFFFFF  }
0xa5: {  	s26 =	simm.s32 $execute0_lowered;
	[smem:$0x3FD2] =	sst s25  }
0xa6: {  	s5 =	sshll.u32 s26, $0x1;
	_ =	strace $0x80000049;
	[dreg:$0x1] =	wrdreg $0xFFFFFFFF  }
0xa7: {  	s28 =	simm.s32 $_size_execute0_lowered;
	s3 =	sadd.s32 s3, s5;
	[dreg:$0x0] =	wrdreg $0x0  }
0xa8: {  	s5 =	sshll.u32 s28, $0x1;
	[dreg:$0x2] =	wrdreg s3  }
0xa9: {  	[dreg:$0x3] =	wrdreg s5  }
0xaa: {  	[dreg:$0x4] =	wrdreg $0xC0  }
0xab: {  	_ =	task [dreg:s7], $0x5FFFF  }
0xac: {  	[dreg:$0x1] =	wrdreg $0xFFFFFFFF  }
0xad: {  	[dreg:$0x0] =	wrdreg $0x60  }
0xae: {  	[dreg:$0x2] =	wrdreg s24  }
0xaf: {  	[dreg:$0x3] =	wrdreg s2  }
0xb0: {  	[dreg:$0x4] =	wrdreg $0x42000  }
0xb1: {  	[dreg:$0x5] =	wrdreg $0x9  }
0xb2: {  	_ =	task.clear_ibuf [dreg:s7], $0x6FFFF;
	_ =	strace $0x90000049  }
0xb3: {  	s29 =	simm.s32 $0x9;
	_ =	strace $0x8000004B  }
0xb4: {  	_ =	swait.ge [sflag:s29], $0x1  }
0xb5: {  	[sflag:s29] =	ssyncadd.s32 $0xFFFFFFFF  }
0xb6: {  	_ =	strace $0x9000004B  }
0xb7: {  	_ =	sfence  }
0xb8: {  	s30 =	sld [smem:$0x0];
	_ =	sdelay $0x2  }
0xb9: {  	s31 =	sshll.u32 s1, $0xD;
	s1 =	sshrl.u32 s1, $0x2  }
0xba: {  	s3 =	sand.u32 $0x4000, s31;
	s1 =	sadd.s32 s1, s30  }
0xbb: {  	s0 =	sor.u32 s3, s0;
	s1 =	sshll.u32 s1, $0x11  }
0xbc: {  	s0 =	sor.u32 s1, s0  }
0xbd: {  	s0 =	sadd.s32 $0x8F2B, s0  }
0xbe: {  	[sflag:s0] =	ssyncadd.remote.s32 $0x1  }
0xbf: {  	_ =	sfence.sel $0xFFFF  }
0xc0: {  	[dreg:$0x0] =	wrdreg $0xFFFFFFFF;
	(pc) =	sbr.abs _section_cstart, $3  }
0xc1: {  	[dreg:$0x1] =	wrdreg $0xFFFFFFFF  }
0xc2: {  	_ =	task.clear_ibuf [dreg:s7], $0x2FFFF;
	_ =	strace $0x9FFFFFFF  }
0xc3: {  	(tm) =	ssettm $0x7FFFFFFF  }
tec
execute0_lowered:
.L_overlay_start_1:
0x0: {  	(tag) =	ssettag $0x1  }
0x1: {  	s0 =	rddreg [dreg:$0x0]  }
0x2: {  	s1 =	srdreg.scid;
	s5 =	rddreg [dreg:$0x1]  }
0x3: {  	s15 =	stileid.u32;
	s2 =	rddreg [dreg:$0x2];
	s3 =	simm.s32 $0x0  }
0x4: {  	s18 =	simm.s32 $0x100;
	s19 =	simm.s32 $0x40;
	s20 =	simm.s32 $0x200  }
0x5: {  	s21 =	simm.s32 $0x2200;
	s22 =	simm.s32 $0x1;
	s28 =	simm.s32 $0x4  }
0x6: {  	s29 =	simm.s32 $0xC0;
	s30 =	simm.s32 $0x180;
	s6 =	smul.u32 $0x4E2, s15  }
0x7: {  	s31 =	simm.s32 $0x1C0;
	[smem:$0x7FF] =	sst s3;
	s7 =	smul.u32 $0x13C00, s15  }
0x8: {  	s1 =	sand.u32 $0x1, s1;
	s12 =	sadd.s32 $0x133C00, s0;
	s14 =	sadd.s32 $0x128400, s2  }
0x9: {  	p0 =	seq.s32 s15, $0xF;
	s4 =	smul.u32 $0x4E20, s1;
	_ =	strace $0x8000004A  }
0xa: {  	s10 =	sshll.u32 s1, $0x4;
	s11 =	ssub.s32 $0x2, s1;
	s1 =	smul.u32 $0x138800, s1  }
0xb: {  	s14 =	sshrl.u32 @p0 s14, $0x3;
	s8 =	sshrl.u32 s7, $0x3;
	s10 =	sor.u32 s15, s10  }
0xc: {  	s13 =	sshrl.u32 s11, $0x1;
	s16 =	sadd.s32 s7, s2;
	s6 =	sadd.s32 s6, s4  }
0xd: {  	s4 =	sadd.s32 $0x33000, s0;
	s8 =	sadd.s32 s8, s0;
	s10 =	smul.u32 $0x4E2, s10  }
0xe: {  	s11 =	ssub.s32 s11, s13;
	s23 =	sadd.s32 s7, s1;
	s1 =	sshrl.u32 s1, $0x3  }
0xf: {  	s16 =	sshrl.u32 @!p0 s16, $0x3;
	s6 =	sand.u32 $0xFFE0, s6;
	s8 =	sadd.s32 $0xBE00, s8  }
0x10: {  	s1 =	sadd.s32 s12, s1;
	s13 =	smax.u32 s11, $0x1;
	s9 =	sadd.s32 s6, s0  }
0x11: {  	[dreg:$0x4] =	wrdreg s8;
	s0 =	sadd.s32 $0x30E80, s0;
	s17 =	sshrl.u32 s10, $0x5  }
0x12: {  	s24 =	sadd.s32 $0x4E2, s10;
	s25 =	sadd.s32 $0x25080, s1;
	s10 =	sadd.s32 s6, s5  }
0x13: {  	s1 =	simm.s32 $0x0;
	[dreg:$0x5] =	wrdreg s0;
	s0 =	sshrl.u32 s23, $0x3  }
.Ltmp0:
0x14: {  	s8 =	sshrl.u32 s24, $0x5;
	[dreg:$0x7] =	wrdreg s25;
	(pc) =	sbr.rel .LBB2_1-.Ltmp0, $4  }
0x15: {  	s26 =	sadd.s32 $0x1E00, s9;
	[dreg:$0x6] =	wrdreg s17;
	s23 =	simm.s32 $0x2  }
0x16: {  	s24 =	simm.s32 $0x140;
	s25 =	simm.s32 $0x3;
	s12 =	sadd.s32 s12, s0  }
0x17: {  	[dreg:$0x8] =	wrdreg s26;
	s0 =	sshll.u32 @!p0 s15, $0x6;
	p1 =	sge.u32 s17, s8  }
0x18: {  	s17 =	simm.s32 $0x5;
	s26 =	simm.s32 $0x80;
	s15 =	sor.u32 @!p0 $0x1C05, s0  }
.LBB2_4:
0x19: {  	[sflag:s28] =	ssyncadd.s32 $0xFFFFE000;
	s12 =	smov.u32 s11  }
.LBB2_5:
0x1a: {  	[bflag:$0x0] =	sbarrier.arrive $0xFFFF  }
0x1b: {  	s6 =	rddreg [dreg:$0x7]  }
0x1c: {  	[hbm:s6], [sflag:s5] =	dma.local @p0 [spmem:s14], $0x2080  }
0x1d: {  	s1 =	sadd.s32 $0x1, s1;
	_ =	swait.ge @p0 [sflag:s7], $0x2080  }
0x1e: {  	p2 =	sne.s32 s1, s13;
	[sflag:s7] =	ssyncset.done @p0 $0x0  }
.Ltmp1:
0x1f: {  	[sflag:s7] =	ssyncadd.s32 @p0 $0xFFFFDF80;
	(pc) =	sbr.rel @!p2 .LBB2_6-.Ltmp1, $4  }
0x20: {  	[hbm:s12], [sflag:s15] =	dma.local @!p0 [spmem:s16], $0x2780  }
0x21: {  	_ =	swait.ge @!p0 [sflag:s0], $0x2780  }
0x22: {  	[sflag:s0] =	ssyncset.done @!p0 $0x0  }
0x23: {  	[sflag:s0] =	ssyncadd.s32 @!p0 $0xFFFFD880  }
.LBB2_1:
0x24: {  	s5 =	simm.s32 @p0 $0x1FC5;
	s0 =	rddreg [dreg:$0x5];
	s7 =	simm.s32 @p0 $0x5  }
0x25: {  	[spmem:s14], [sflag:s5] =	dma.local @p0 [hbm:s0], $0x2080  }
0x26: {  	_ =	swait.ge @p0 [sflag:s7], $0x2080  }
0x27: {  	[sflag:s7] =	ssyncset.done @p0 $0x0  }
0x28: {  	s0 =	rddreg [dreg:$0x4];
	[sflag:s7] =	ssyncadd.s32 @p0 $0xFFFFDF80  }
0x29: {  	[spmem:s16], [sflag:s15] =	dma.local @!p0 [hbm:s0], $0x2780  }
0x2a: {  	s0 =	simm.s32 @!p0 $0x5  }
.Ltmp2:
0x2b: {  	_ =	swait.ge @!p0 [sflag:s0], $0x2780;
	(pc) =	sbr.rel @p1 .LBB2_5-.Ltmp2, $3  }
0x2c: {  	[sflag:s0] =	ssyncset.done @!p0 $0x0  }
0x2d: {  	[sflag:s0] =	ssyncadd.s32 @!p0 $0xFFFFD880  }
0x2e: {  	[bflag:$0x0] =	sbarrier.arrive $0xFFFF;
	_ =	sdelay $0x1  }
0x2f: {  	s9 =	rddreg [dreg:$0x8]  }
0x30: {  	[tilespmem:s3], [sflag:$0x5] =	stream.linear.gather [hbm4b:s9+s3], $0x100, $0x38;
	[tilespmem:$0x17A80] =	vst v63  }
0x31: {  	_ =	swait.ge [sflag:s17], $0x100  }
0x32: {  	[sflag:s17] =	ssyncset.done $0x0  }
0x33: {  	[sflag:s17] =	ssyncadd.s32 $0xFFFFFF00  }
0x34: {  	[tilespmem:s18], [sflag:$0x5] =	stream.linear.gather [hbm4b:s10+s3], $0x100, $0x38;
	[tilespmem:$0x17A80] =	vst v63  }
0x35: {  	_ =	swait.ge [sflag:s17], $0x100  }
0x36: {  	[sflag:s17] =	ssyncset.done $0x0  }
0x37: {  	[sflag:s17] =	ssyncadd.s32 $0xFFFFFF00  }
0x38: {  	[tilespmem:s20], [sflag:$0x1] =	stream.indirect.gather [hbm4b:s4+s19], $0x80, s3, s19, $0xb8;
	[tilespmem:$0x17A80] =	vst v63  }
0x39: {  	_ = 	snop  }
0x3a: {  	[tilespmem:s21], [sflag:$0x2] =	stream.indirect.gather [hbm4b:s4+s19], $0x80, s19, s19, $0xb8;
	[tilespmem:$0x17A80] =	vst v63  }
0x3b: {  	_ =	swait.ge [sflag:s22], $0x2000  }
0x3c: {  	[sflag:s22] =	ssyncset.done $0x0  }
0x3d: {  	[sflag:s22] =	ssyncadd.s32 $0xFFFFE000  }
0x3e: {  	[spmem:s2] =	stream.indirect.scatter.add.f32 [tilespmem:s20], [sflag:$0x3], $0x80, s18, s19, $0xb8;
	[tilespmem:$0x17A80] =	vst v63  }
0x3f: {  	_ =	swait.ge [sflag:s23], $0x2000  }
0x40: {  	[sflag:s23] =	ssyncset.done $0x0  }
0x41: {  	[sflag:s23] =	ssyncadd.s32 $0xFFFFE000  }
0x42: {  	[spmem:s2] =	stream.indirect.scatter.add.f32 [tilespmem:s21], [sflag:$0x4], $0x80, s24, s19, $0xb8;
	[tilespmem:$0x17A80] =	vst v63  }
0x43: {  	_ =	swait.ge [sflag:s25], $0x2000  }
0x44: {  	[sflag:s25] =	ssyncset.done $0x0  }
0x45: {  	[sflag:s25] =	ssyncadd.s32 $0xFFFFE000  }
0x46: {  	[tilespmem:s20], [sflag:$0x1] =	stream.indirect.gather [hbm4b:s4+s19], $0x80, s26, s19, $0xb8;
	[tilespmem:$0x17A80] =	vst v63  }
0x47: {  	_ =	swait.ge [sflag:s28], $0x2000  }
0x48: {  	[sflag:s28] =	ssyncset.done $0x0  }
0x49: {  	[sflag:s28] =	ssyncadd.s32 $0xFFFFE000  }
0x4a: {  	[tilespmem:s21], [sflag:$0x2] =	stream.indirect.gather [hbm4b:s4+s19], $0x80, s29, s19, $0xb8;
	[tilespmem:$0x17A80] =	vst v63  }
0x4b: {  	_ =	swait.ge [sflag:s22], $0x2000  }
0x4c: {  	[sflag:s22] =	ssyncset.done $0x0  }
0x4d: {  	[sflag:s22] =	ssyncadd.s32 $0xFFFFE000  }
0x4e: {  	[spmem:s2] =	stream.indirect.scatter.add.f32 [tilespmem:s20], [sflag:$0x3], $0x80, s30, s19, $0xb8;
	[tilespmem:$0x17A80] =	vst v63  }
0x4f: {  	_ =	swait.ge [sflag:s23], $0x2000  }
0x50: {  	[sflag:s23] =	ssyncset.done $0x0  }
0x51: {  	[sflag:s23] =	ssyncadd.s32 $0xFFFFE000  }
0x52: {  	[spmem:s2] =	stream.indirect.scatter.add.f32 [tilespmem:s21], [sflag:$0x4], $0x80, s31, s19, $0xb8;
	[tilespmem:$0x17A80] =	vst v63  }
0x53: {  	_ =	swait.ge [sflag:s25], $0x2000  }
0x54: {  	s6 =	rddreg [dreg:$0x6]  }
0x55: {  	s6 =	sadd.s32 $0x1, s6  }
0x56: {  	p2 =	slt.u32 s6, s8  }
.Ltmp3:
0x57: {  	_ = 	snop;
	(pc) =	sbr.rel @!p2 .LBB2_4-.Ltmp3, $4  }
0x58: {  	[sflag:s25] =	ssyncset.done $0x0  }
0x59: {  	[sflag:s25] =	ssyncadd.s32 $0xFFFFE000  }
0x5a: {  	s11 =	smov.u32 s12;
	_ =	swait.ge [sflag:s28], $0x2000  }
0x5b: {  	s12 =	smov.u32 s10;
	s9 =	sadd.s32 $0x20, s9;
	[sflag:s28] =	ssyncset.done $0x0  }
.LBB2_3:
0x5c: {  	s6 =	sadd.s32 $0x1, s6;
	[sflag:s28] =	ssyncadd.s32 $0xFFFFE000;
	s12 =	sadd.s32 $0x20, s12  }
0x5d: {  	[tilespmem:s3], [sflag:$0x5] =	stream.linear.gather [hbm4b:s9+s3], $0x100, $0x38;
	[tilespmem:$0x17A80] =	vst v63  }
0x5e: {  	p2 =	slt.u32 s6, s8;
	_ =	swait.ge [sflag:s17], $0x100  }
0x5f: {  	[sflag:s17] =	ssyncset.done $0x0  }
0x60: {  	[sflag:s17] =	ssyncadd.s32 $0xFFFFFF00  }
0x61: {  	[tilespmem:s18], [sflag:$0x5] =	stream.linear.gather [hbm4b:s12+s3], $0x100, $0x38;
	[tilespmem:$0x17A80] =	vst v63  }
0x62: {  	_ =	swait.ge [sflag:s17], $0x100  }
0x63: {  	[sflag:s17] =	ssyncset.done $0x0  }
0x64: {  	[sflag:s17] =	ssyncadd.s32 $0xFFFFFF00  }
0x65: {  	[tilespmem:s20], [sflag:$0x1] =	stream.indirect.gather [hbm4b:s4+s19], $0x80, s3, s19, $0xb8;
	[tilespmem:$0x17A80] =	vst v63  }
0x66: {  	_ = 	snop  }
0x67: {  	[tilespmem:s21], [sflag:$0x2] =	stream.indirect.gather [hbm4b:s4+s19], $0x80, s19, s19, $0xb8;
	[tilespmem:$0x17A80] =	vst v63  }
0x68: {  	_ =	swait.ge [sflag:s22], $0x2000  }
0x69: {  	[sflag:s22] =	ssyncset.done $0x0  }
0x6a: {  	[sflag:s22] =	ssyncadd.s32 $0xFFFFE000  }
0x6b: {  	[spmem:s2] =	stream.indirect.scatter.add.f32 [tilespmem:s20], [sflag:$0x3], $0x80, s18, s19, $0xb8;
	[tilespmem:$0x17A80] =	vst v63  }
0x6c: {  	_ =	swait.ge [sflag:s23], $0x2000  }
0x6d: {  	[sflag:s23] =	ssyncset.done $0x0  }
0x6e: {  	[sflag:s23] =	ssyncadd.s32 $0xFFFFE000  }
0x6f: {  	[spmem:s2] =	stream.indirect.scatter.add.f32 [tilespmem:s21], [sflag:$0x4], $0x80, s24, s19, $0xb8;
	[tilespmem:$0x17A80] =	vst v63  }
0x70: {  	_ =	swait.ge [sflag:s25], $0x2000  }
0x71: {  	[sflag:s25] =	ssyncset.done $0x0  }
0x72: {  	[sflag:s25] =	ssyncadd.s32 $0xFFFFE000  }
0x73: {  	[tilespmem:s20], [sflag:$0x1] =	stream.indirect.gather [hbm4b:s4+s19], $0x80, s26, s19, $0xb8;
	[tilespmem:$0x17A80] =	vst v63  }
0x74: {  	_ =	swait.ge [sflag:s28], $0x2000  }
0x75: {  	[sflag:s28] =	ssyncset.done $0x0  }
0x76: {  	[sflag:s28] =	ssyncadd.s32 $0xFFFFE000  }
0x77: {  	[tilespmem:s21], [sflag:$0x2] =	stream.indirect.gather [hbm4b:s4+s19], $0x80, s29, s19, $0xb8;
	[tilespmem:$0x17A80] =	vst v63  }
0x78: {  	_ =	swait.ge [sflag:s22], $0x2000  }
0x79: {  	[sflag:s22] =	ssyncset.done $0x0  }
0x7a: {  	[sflag:s22] =	ssyncadd.s32 $0xFFFFE000  }
0x7b: {  	[spmem:s2] =	stream.indirect.scatter.add.f32 [tilespmem:s20], [sflag:$0x3], $0x80, s30, s19, $0xb8;
	[tilespmem:$0x17A80] =	vst v63  }
0x7c: {  	_ =	swait.ge [sflag:s23], $0x2000  }
0x7d: {  	[sflag:s23] =	ssyncset.done $0x0  }
0x7e: {  	[sflag:s23] =	ssyncadd.s32 $0xFFFFE000  }
0x7f: {  	[spmem:s2] =	stream.indirect.scatter.add.f32 [tilespmem:s21], [sflag:$0x4], $0x80, s31, s19, $0xb8;
	[tilespmem:$0x17A80] =	vst v63  }
.Ltmp4:
0x80: {  	_ =	swait.ge [sflag:s25], $0x2000;
	(pc) =	sbr.rel @p2 .LBB2_3-.Ltmp4, $4  }
0x81: {  	[sflag:s25] =	ssyncset.done $0x0  }
0x82: {  	[sflag:s25] =	ssyncadd.s32 $0xFFFFE000  }
0x83: {  	_ =	swait.ge [sflag:s28], $0x2000  }
0x84: {  	s9 =	sadd.s32 $0x20, s9;
	[sflag:s28] =	ssyncset.done $0x0  }
.Ltmp5:
0x85: {  	_ = 	snop;
	(pc) =	sbr.rel .LBB2_4-.Ltmp5, $1  }
0x86: {  	_ =	sdelay $0x3  }
.LBB2_6:
0x87: {  	_ =	sfence.sel $0x180000  }
0x88: {  	[bflag:$0x0] =	sbarrier.arrive $0xFFFF  }
0x89: {  	_ =	strace $0x9000004A  }
0x8a: {  	s0 =	stileid.u32;
	[bflag:$0x2] =	sbarrier.arrive $0xFFFF  }
0x8b: {  	p0 =	sne.s32 s0, $0x0;
	s0 =	rddreg [dreg:$0x3]  }
0x8c: {  	s0 =	sadd.s32 @!p0 $0x100000, s0  }
0x8d: {  	[sflag:s0] =	ssyncadd.tile.s32 @!p0 $0x1;
	_ =	shalt  }
.Lfunc_end2:
_tile_overlayer_lowered:
.L_overlay_start_2:
0x8e: {  	(tag) =	ssettag $0x2  }
0x8f: {  	s0 =	rddreg [dreg:$0x0];
	s2 =	stileid.u32  }
0x90: {  	s1 =	rddreg [dreg:$0x1];
	p0 =	sne.s32 s2, $0x0  }
0x91: {  	s3 =	rddreg [dreg:$0x2];
	[bflag:$0x3] =	sbarrier.arrive $0xFFFF;
	s2 =	simm.s32 @!p0 $0x1C05  }
0x92: {  	[timem:s3], [sflag:s2] =	dma.local @!p0 [hbm:s0], s1  }
0x93: {  	s0 =	simm.s32 @!p0 $0x5  }
0x94: {  	_ =	swait.ge @!p0 [sflag:s0], s1  }
0x95: {  	s1 =	ssub.s32 @!p0 $0x0, s1;
	[sflag:s0] =	ssyncset.done @!p0 $0x0  }
0x96: {  	[sflag:s0] =	ssyncadd.s32 @!p0 s1  }
0x97: {  	[bflag:$0x3] =	sbarrier.arrive $0xFFFF  }
0x98: {  	_ =	shalt  }

// kernel: kernel.14.cloned.1.call-start
scs
__scs_entry_jumppad:
0x0: {  	(pc) =	sbr.rel $0x88, $3  }
0x1: {  	(tag) =	ssettag $0x0;
	lr =	simm.s32 $0x1  }
0x2: {  	[smem:$0x3F94] =	sst lr;
	_ =	strace $0xD0000000  }
0x3: {  	_ = 	snop  }
0x4: {  	_ = 	snop  }
0x5: {  	_ = 	snop  }
0x6: {  	_ = 	snop  }
0x7: {  	_ = 	snop  }
__scs_overlays_trampoline_lowered:
0x8: {  	[smem:$0x3FA3] =	sst s0  }
0x9: {  	[smem:$0x3FA4] =	sst s1  }
0xa: {  	[smem:$0x3FA5] =	sst s2  }
0xb: {  	[smem:$0x3FA6] =	sst s3  }
0xc: {  	[smem:$0x3FA7] =	sst s4  }
0xd: {  	[smem:$0x3FA8] =	sst s5  }
0xe: {  	[smem:$0x3FA9] =	sst s6  }
0xf: {  	[smem:$0x3FAA] =	sst s7  }
0x10: {  	[smem:$0x3FAB] =	sst s8  }
0x11: {  	[smem:$0x3FAC] =	sst s9;
	s0 =	simm.s32 @!p0 $0x0  }
0x12: {  	s1 =	sld [smem:$0x3F92];
	s0 =	simm.s32 @p0 $0x1  }
0x13: {  	[smem:$0x3FAD] =	sst s0;
	s0 =	simm.s32 @!p1 $0x0  }
0x14: {  	s2 =	sld [smem:$0x3F91];
	s0 =	simm.s32 @p1 $0x1  }
0x15: {  	[smem:$0x3FAE] =	sst s0;
	s0 =	simm.s32 @!p2 $0x0  }
0x16: {  	s3 =	sld [smem:$0x3FDB];
	s0 =	simm.s32 @p2 $0x1  }
0x17: {  	s4 =	simm.s32 $0x1BF5;
	[smem:$0x3FB0] =	sst s0  }
0x18: {  	s0 =	sld [smem:$0x3F93];
	_ =	swait.ge [sflag:s4], $0x0  }
0x19: {  	s7 =	sld [smem:$0x3F94]  }
0x1a: {  	s8 =	sadd.s32 $0xFFFFE003, lr  }
0x1b: {  	s9 =	sadd.s32 $0xFFFFFEF7, lr;
	s5 =	simm.s32 $0xFFFFFFFF;
	p2 =	slt.u32 s8, $0xFFFFF086  }
0x1c: {  	p1 =	slt.u32 s9, $0xF7A;
	s5 =	simm.s32 @!p2 $0x0  }
0x1d: {  	s5 =	simm.s32 @p1 $0x1;
	p0 =	seq.s32 s7, s2  }
0x1e: {  	s7 =	smul.u32 @!p0 $0xF7A, s2;
	p2 =	seq.s32 @!p0 s5, $0x0  }
0x1f: {  	s9 =	smul.u32 $0xF7A, s1;
	s8 =	simm.s32 @!p0 $0x1BF5;
	p2 =	por !p2, p0  }
0x20: {  	[sflag:s8] =	ssyncset.s32 @!p0 $0xFFFFF086;
	s6 =	sadd.s32 @!p0 s3, s7;
	s7 =	simm.s32 @!p0 $0x108  }
0x21: {  	s3 =	sadd.s32 s3, s9;
	s6 =	sadd.s32 @!p0 $0x88, s6;
	s7 =	simm.s32 @p2 $0x1082  }
0x22: {  	[simem:s7], [sflag:s8] =	dma.local @!p0 [hbm:s6], $0xF7A  }
0x23: {  	s9 =	sor.u32 $0xD0000000, s2;
	s6 =	simm.s32 $0x108;
	_ =	swait.ge @!p0 [sflag:s8], $0x0  }
0x24: {  	s3 =	sadd.s32 $0x88, s3;
	s6 =	simm.s32 @!p1 $0x1082;
	[sflag:s4] =	ssyncset.s32 $0xFFFFF086  }
0x25: {  	[simem:s6], [sflag:s4] =	dma.local [hbm:s3], $0xF7A  }
0x26: {  	[smem:$0x3F94] =	sst s1;
	(tag) =	ssettag s2;
	_ =	strace s9  }
0x27: {  	s1 =	sld [smem:$0x3FA4]  }
0x28: {  	s2 =	sld [smem:$0x3FA5]  }
0x29: {  	s4 =	sld [smem:$0x3FA7]  }
0x2a: {  	p0 =	seq.s32 s5, $0x0;
	s5 =	sld [smem:$0x3FA8]  }
0x2b: {  	s6 =	sld [smem:$0x3FA9]  }
0x2c: {  	s7 =	sld [smem:$0x3FAA]  }
0x2d: {  	s3 =	simm.s32 $0x108;
	s8 =	sld [smem:$0x3FAB]  }
0x2e: {  	s3 =	simm.s32 @!p0 $0x1082;
	s9 =	sld [smem:$0x3FAC]  }
0x2f: {  	lr =	sadd.s32 s0, s3;
	s0 =	sld [smem:$0x3FA3]  }
0x30: {  	s3 =	sld [smem:$0x3FA6]  }
0x31: {  	[smem:$0x3FAF] =	sst s10  }
0x32: {  	s10 =	sld [smem:$0x3FAD];
	_ =	sdelay $0x3  }
0x33: {  	p0 =	seq.s32 s10, $0x1;
	s10 =	sld [smem:$0x3FAF];
	_ =	sdelay $0x3  }
0x34: {  	[smem:$0x3FAF] =	sst s10  }
0x35: {  	s10 =	sld [smem:$0x3FAE];
	_ =	sdelay $0x3  }
0x36: {  	p1 =	seq.s32 s10, $0x1;
	s10 =	sld [smem:$0x3FAF];
	_ =	sdelay $0x3  }
0x37: {  	[smem:$0x3FAF] =	sst s10  }
0x38: {  	s10 =	sld [smem:$0x3FB0]  }
0x39: {  	_ = 	snop;
	(pc) =	sbr.ind lr, $3  }
0x3a: {  	_ = 	snop  }
0x3b: {  	_ = 	snop  }
0x3c: {  	p2 =	seq.s32 s10, $0x1;
	s10 =	sld [smem:$0x3FAF]  }
0x3d: {  	_ =	shalt  }
0x3e: {  	_ =	shalt  }
0x3f: {  	_ =	shalt  }
0x40: {  	_ =	shalt  }
0x41: {  	_ =	shalt  }
0x42: {  	_ =	shalt  }
0x43: {  	_ =	shalt  }
0x44: {  	_ =	shalt  }
0x45: {  	_ =	shalt  }
0x46: {  	_ =	shalt  }
0x47: {  	_ =	shalt  }
0x48: {  	_ =	shalt  }
0x49: {  	_ =	shalt  }
0x4a: {  	_ =	shalt  }
0x4b: {  	_ =	shalt  }
0x4c: {  	_ =	shalt  }
0x4d: {  	_ =	shalt  }
0x4e: {  	_ =	shalt  }
0x4f: {  	_ =	shalt  }
0x50: {  	_ =	shalt  }
0x51: {  	_ =	shalt  }
0x52: {  	_ =	shalt  }
0x53: {  	_ =	shalt  }
0x54: {  	_ =	shalt  }
0x55: {  	_ =	shalt  }
0x56: {  	_ =	shalt  }
0x57: {  	_ =	shalt  }
0x58: {  	_ =	shalt  }
0x59: {  	_ =	shalt  }
0x5a: {  	_ =	shalt  }
0x5b: {  	_ =	shalt  }
0x5c: {  	_ =	shalt  }
0x5d: {  	_ =	shalt  }
0x5e: {  	_ =	shalt  }
0x5f: {  	_ =	shalt  }
0x60: {  	_ =	shalt  }
0x61: {  	_ =	shalt  }
0x62: {  	_ =	shalt  }
0x63: {  	_ =	shalt  }
0x64: {  	_ =	shalt  }
0x65: {  	_ =	shalt  }
0x66: {  	_ =	shalt  }
0x67: {  	_ =	shalt  }
0x68: {  	_ =	shalt  }
0x69: {  	_ =	shalt  }
0x6a: {  	_ =	shalt  }
0x6b: {  	_ =	shalt  }
0x6c: {  	_ =	shalt  }
0x6d: {  	_ =	shalt  }
0x6e: {  	_ =	shalt  }
0x6f: {  	_ =	shalt  }
0x70: {  	_ =	shalt  }
0x71: {  	_ =	shalt  }
0x72: {  	_ =	shalt  }
0x73: {  	_ =	shalt  }
0x74: {  	_ =	shalt  }
0x75: {  	_ =	shalt  }
0x76: {  	_ =	shalt  }
0x77: {  	_ =	shalt  }
0x78: {  	_ =	shalt  }
0x79: {  	_ =	shalt  }
0x7a: {  	_ =	shalt  }
0x7b: {  	_ =	shalt  }
0x7c: {  	_ =	shalt  }
0x7d: {  	_ =	shalt  }
0x7e: {  	_ =	shalt  }
0x7f: {  	_ =	shalt  }
0x80: {  	_ =	shalt  }
0x81: {  	_ =	shalt  }
0x82: {  	_ =	shalt  }
0x83: {  	_ =	shalt  }
0x84: {  	_ =	shalt  }
0x85: {  	_ =	shalt  }
0x86: {  	_ =	shalt  }
0x87: {  	_ =	shalt  }
.Lfunc_end0:
.L_simem_size_0:
called_computation.2_lowered:
.L_overlay_start_0:
0x88: {  	s2 =	sld [smem:$0x3FD9]  }
0x89: {  	s3 =	sld [smem:$0x3FFE];
	_ =	sdelay $0x1  }
0x8a: {  	s1 =	srdreg.scid  }
0x8b: {  	s0 =	sand.u32 $0x1, s1  }
0x8c: {  	s17 =	sshll.u32 s0, $0xA;
	s2 =	sadd.s32 s3, s2  }
0x8d: {  	s2 =	sadd.s32 s2, s17  }
0x8e: {  	[smem:$0x3FBB] =	sst s2  }
0x8f: {  	_ = 	snop  }
0x90: {  	s2 =	sld [smem:$0x3FD0];
	(tm) =	ssettm $0x1  }
0x91: {  	s18 =	sld [smem:$0x3FFB];
	_ =	sdelay $0x3  }
0x92: {  	_ =	strace s18  }
0x93: {  	s3 =	sld [smem:$0x3FFC];
	_ =	sdelay $0x3  }
0x94: {  	_ =	strace s3  }
0x95: {  	s3 =	sld [smem:$0x3FFD];
	_ =	sdelay $0x3  }
0x96: {  	_ =	strace s3  }
0x97: {  	_ =	strace $0x8FFFFFFF  }
0x98: {  	s19 =	sld [smem:$0x3FDB];
	_ =	sdelay $0x1  }
0x99: {  	s4 =	simm.s32 $_scs_section_size  }
0x9a: {  	s5 =	simm.s32 $_size__tile_overlayer_lowered;
	s6 =	simm.s32 $_tile_overlayer_lowered  }
0x9b: {  	s22 =	simm.s32 $0x1BFF;
	s21 =	sshll.u32 s6, $0x1;
	s3 =	sadd.s32 s4, s19  }
0x9c: {  	s7 =	simm.s32 $0x0;
	s20 =	sshll.u32 s5, $0x1;
	s5 =	sadd.s32 s21, s3  }
0x9d: {  	[timem:s7], [sflag:s22] =	dma.local [hbm:s5], s20  }
0x9e: {  	_ =	swait.ge [sflag:s22], s20  }
0x9f: {  	s4 =	ssub.s32 $0x0, s20;
	[sflag:s22] =	ssyncset.done $0x0  }
0xa0: {  	[sflag:s22] =	ssyncadd.s32 s4;
	_ =	sdelay $0x1  }
0xa1: {  	s23 =	simm.s32 $0x1B8B  }
0xa2: {  	_ =	swait.ge [sflag:s23], $0x1  }
0xa3: {  	[sflag:s23] =	ssyncset.done $0x0  }
0xa4: {  	s25 =	simm.s32 $0x1B8E;
	s24 =	sld [smem:$0x3FFE];
	[sflag:s23] =	ssyncadd.s32 $0xFFFFFFFF  }
0xa5: {  	s26 =	simm.s32 $execute0_lowered;
	[smem:$0x3FD2] =	sst s25  }
0xa6: {  	s5 =	sshll.u32 s26, $0x1;
	_ =	strace $0x8000004C;
	[dreg:$0x1] =	wrdreg $0xFFFFFFFF  }
0xa7: {  	s28 =	simm.s32 $_size_execute0_lowered;
	s3 =	sadd.s32 s3, s5;
	[dreg:$0x0] =	wrdreg $0x0  }
0xa8: {  	s5 =	sshll.u32 s28, $0x1;
	[dreg:$0x2] =	wrdreg s3  }
0xa9: {  	[dreg:$0x3] =	wrdreg s5  }
0xaa: {  	[dreg:$0x4] =	wrdreg $0xC0  }
0xab: {  	_ =	task [dreg:s7], $0x5FFFF  }
0xac: {  	[dreg:$0x1] =	wrdreg $0xFFFFFFFF  }
0xad: {  	[dreg:$0x0] =	wrdreg $0x60  }
0xae: {  	[dreg:$0x2] =	wrdreg s24  }
0xaf: {  	[dreg:$0x3] =	wrdreg s2  }
0xb0: {  	[dreg:$0x4] =	wrdreg $0x9  }
0xb1: {  	_ =	task.clear_ibuf [dreg:s7], $0x5FFFF;
	_ =	strace $0x9000004C  }
0xb2: {  	s29 =	simm.s32 $0x9;
	_ =	strace $0x8000004E  }
0xb3: {  	_ =	swait.ge [sflag:s29], $0x1  }
0xb4: {  	[sflag:s29] =	ssyncadd.s32 $0xFFFFFFFF  }
0xb5: {  	_ =	strace $0x9000004E  }
0xb6: {  	_ =	sfence  }
0xb7: {  	s30 =	sld [smem:$0x0];
	_ =	sdelay $0x2  }
0xb8: {  	s31 =	sshll.u32 s1, $0xD;
	s1 =	sshrl.u32 s1, $0x2  }
0xb9: {  	s3 =	sand.u32 $0x4000, s31;
	s1 =	sadd.s32 s1, s30  }
0xba: {  	s0 =	sor.u32 s3, s0;
	s1 =	sshll.u32 s1, $0x11  }
0xbb: {  	s0 =	sor.u32 s1, s0  }
0xbc: {  	s0 =	sadd.s32 $0x8F2B, s0  }
0xbd: {  	[sflag:s0] =	ssyncadd.remote.s32 $0x1  }
0xbe: {  	_ =	sfence.sel $0xFFFF  }
0xbf: {  	[dreg:$0x0] =	wrdreg $0xFFFFFFFF;
	(pc) =	sbr.abs _section_cstart, $3  }
0xc0: {  	[dreg:$0x1] =	wrdreg $0xFFFFFFFF  }
0xc1: {  	_ =	task.clear_ibuf [dreg:s7], $0x2FFFF;
	_ =	strace $0x9FFFFFFF  }
0xc2: {  	(tm) =	ssettm $0x7FFFFFFF  }
0xc3: {  	_ =	shalt  }
tec
execute0_lowered:
.L_overlay_start_1:
0x0: {  	(tag) =	ssettag $0x1  }
0x1: {  	s0 =	srdreg.scid  }
0x2: {  	s3 =	sand.u32 $0x1, s0  }
0x3: {  	s0 =	stileid.u32;
	s1 =	sshll.u32 s3, $0x4  }
0x4: {  	s1 =	sor.u32 s0, s1  }
0x5: {  	s4 =	smul.u32 $0x4E2, s1;
	_ =	sdelay $0x1  }
0x6: {  	s6 =	sadd.s32 $0x4E2, s4  }
0x7: {  	s7 =	sshrl.u32 s4, $0x5;
	s6 =	sshrl.u32 s6, $0x5  }
0x8: {  	p0 =	sle.u32 s6, s7  }
.Ltmp0:
0x9: {  	_ = 	snop;
	(pc) =	sbr.rel @p0 .LBB2_5-.Ltmp0, $4  }
0xa: {  	s5 =	rddreg [dreg:$0x0]  }
0xb: {  	s8 =	rddreg [dreg:$0x1];
	s2 =	simm.s32 $0x0  }
0xc: {  	[smem:$0x7FF] =	sst s2  }
0xd: {  	s1 =	rddreg [dreg:$0x2];
	_ =	strace $0x8000004D  }
0xe: {  	s9 =	ssub.s32 $0x2, s3;
	s3 =	sadd.s32 $0xBC00, s5  }
0xf: {  	s4 =	sadd.s32 $0xE400, s5;
	s30 =	sadd.s32 $0x1E00, s5;
	s11 =	sadd.s32 $0x10C00, s5  }
0x10: {  	s6 =	ssub.s32 s6, s7;
	s31 =	sshll.u32 s7, $0x8;
	s12 =	sshll.u32 s7, $0x5  }
0x11: {  	s13 =	simm.s32 $0x200;
	s14 =	simm.s32 $0x400;
	s15 =	simm.s32 $0x80  }
0x12: {  	s16 =	simm.s32 $0x600;
	s17 =	simm.s32 $0xC0;
	s18 =	simm.s32 $0x800  }
0x13: {  	s19 =	simm.s32 $0x1;
	s20 =	simm.s32 $0x140;
	s21 =	simm.s32 $0x180  }
0x14: {  	s22 =	simm.s32 $0x1C0;
	s23 =	simm.s32 $0x2;
	s24 =	simm.s32 $0x0  }
0x15: {  	s10 =	sshrl.u32 s9, $0x1;
	s7 =	sadd.s32 s31, s11;
	s8 =	sadd.s32 s12, s8  }
0x16: {  	s11 =	simm.s32 $0x100;
	s9 =	ssub.s32 s9, s10;
	s10 =	simm.s32 $0x3  }
0x17: {  	s5 =	smax.u32 s9, $0x1;
	s9 =	sadd.s32 s12, s30;
	s12 =	simm.s32 $0x40  }
.LBB2_2:
0x18: {  	[tilespmem:s2], [sflag:$0x3] =	stream.linear.gather [hbm4b:s9+s2], $0x100, $0x38;
	[tilespmem:$0xA00] =	vst v63  }
0x19: {  	_ =	swait.ge [sflag:s10], $0x100  }
0x1a: {  	[sflag:s10] =	ssyncset.done $0x0  }
0x1b: {  	[sflag:s10] =	ssyncadd.s32 $0xFFFFFF00  }
0x1c: {  	[tilespmem:s11], [sflag:$0x3] =	stream.linear.gather [hbm4b:s8+s2], $0x100, $0x38;
	[tilespmem:$0xA00] =	vst v63  }
0x1d: {  	_ =	swait.ge [sflag:s10], $0x100  }
0x1e: {  	[sflag:s10] =	ssyncset.done $0x0  }
0x1f: {  	[sflag:s10] =	ssyncadd.s32 $0xFFFFFF00  }
0x20: {  	[tilespmem:s13], [sflag:$0x1] =	stream.indirect.gather [hbm4b:s3+s12], $0x8, s2, s12, $0xb8;
	[tilespmem:$0xA00] =	vst v63  }
0x21: {  	_ = 	snop  }
0x22: {  	[tilespmem:s14], [sflag:$0x1] =	stream.indirect.gather [hbm4b:s3+s12], $0x8, s12, s12, $0xb8;
	[tilespmem:$0xA00] =	vst v63  }
0x23: {  	_ = 	snop  }
0x24: {  	[tilespmem:s16], [sflag:$0x1] =	stream.indirect.gather [hbm4b:s3+s12], $0x8, s15, s12, $0xb8;
	[tilespmem:$0xA00] =	vst v63  }
0x25: {  	_ = 	snop  }
0x26: {  	[tilespmem:s18], [sflag:$0x1] =	stream.indirect.gather [hbm4b:s3+s12], $0x8, s17, s12, $0xb8;
	[tilespmem:$0xA00] =	vst v63  }
0x27: {  	_ =	swait.ge [sflag:s19], $0x200  }
0x28: {  	[sflag:s19] =	ssyncset.done $0x0  }
0x29: {  	[sflag:s19] =	ssyncadd.s32 $0xFFFFFE00  }
0x2a: {  	[tilespmem:s13], [sflag:$0x2] =	stream.indirect.gather.add.f32 [hbm:s4], $0x8, s11, s12, $0xb8;
	[tilespmem:$0xA00] =	vst v63  }
0x2b: {  	_ =	swait.ge [sflag:s19], $0x200  }
0x2c: {  	[sflag:s19] =	ssyncset.done $0x0  }
0x2d: {  	[sflag:s19] =	ssyncadd.s32 $0xFFFFFE00  }
0x2e: {  	[tilespmem:s14], [sflag:$0x2] =	stream.indirect.gather.add.f32 [hbm:s4], $0x8, s20, s12, $0xb8;
	[tilespmem:$0xA00] =	vst v63  }
0x2f: {  	_ =	swait.ge [sflag:s19], $0x200  }
0x30: {  	[sflag:s19] =	ssyncset.done $0x0  }
0x31: {  	[sflag:s19] =	ssyncadd.s32 $0xFFFFFE00  }
0x32: {  	[tilespmem:s16], [sflag:$0x2] =	stream.indirect.gather.add.f32 [hbm:s4], $0x8, s21, s12, $0xb8;
	[tilespmem:$0xA00] =	vst v63  }
0x33: {  	_ =	swait.ge [sflag:s19], $0x200  }
0x34: {  	[sflag:s19] =	ssyncset.done $0x0  }
0x35: {  	[sflag:s19] =	ssyncadd.s32 $0xFFFFFE00  }
0x36: {  	[tilespmem:s18], [sflag:$0x2] =	stream.indirect.gather.add.f32 [hbm:s4], $0x8, s22, s12, $0xb8;
	[tilespmem:$0xA00] =	vst v63  }
0x37: {  	_ =	swait.ge [sflag:s23], $0x200  }
0x38: {  	[sflag:s23] =	ssyncset.done $0x0  }
0x39: {  	[sflag:s23] =	ssyncadd.s32 $0xFFFFFE00  }
0x3a: {  	[hbm4b:s7+s2] =	stream.linear.scatter [tilespmem:s13], [sflag:$0x3], $0x200, $0x38;
	[tilespmem:$0xA00] =	vst v63  }
0x3b: {  	_ =	swait.ge [sflag:s10], $0x200  }
0x3c: {  	[sflag:s10] =	ssyncset.done $0x0  }
0x3d: {  	[sflag:s10] =	ssyncadd.s32 $0xFFFFFE00  }
0x3e: {  	_ =	swait.ge [sflag:s23], $0x200  }
0x3f: {  	[sflag:s23] =	ssyncset.done $0x0  }
0x40: {  	s25 =	sadd.s32 $0x40, s7;
	[sflag:s23] =	ssyncadd.s32 $0xFFFFFE00  }
0x41: {  	[hbm4b:s25+s2] =	stream.linear.scatter [tilespmem:s14], [sflag:$0x3], $0x200, $0x38;
	[tilespmem:$0xA00] =	vst v63  }
0x42: {  	_ =	swait.ge [sflag:s10], $0x200  }
0x43: {  	[sflag:s10] =	ssyncset.done $0x0  }
0x44: {  	[sflag:s10] =	ssyncadd.s32 $0xFFFFFE00  }
0x45: {  	_ =	swait.ge [sflag:s23], $0x200  }
0x46: {  	[sflag:s23] =	ssyncset.done $0x0  }
0x47: {  	s30 =	sadd.s32 $0x80, s7;
	[sflag:s23] =	ssyncadd.s32 $0xFFFFFE00  }
0x48: {  	[hbm4b:s30+s2] =	stream.linear.scatter [tilespmem:s16], [sflag:$0x3], $0x200, $0x38;
	[tilespmem:$0xA00] =	vst v63  }
0x49: {  	_ =	swait.ge [sflag:s10], $0x200  }
0x4a: {  	[sflag:s10] =	ssyncset.done $0x0  }
0x4b: {  	[sflag:s10] =	ssyncadd.s32 $0xFFFFFE00  }
0x4c: {  	p0 =	sne.s32 s6, $0x1;
	_ =	swait.ge [sflag:s23], $0x200  }
.Ltmp1:
0x4d: {  	[sflag:s23] =	ssyncset.done $0x0;
	(pc) =	sbr.rel @!p0 .LBB2_4-.Ltmp1, $4  }
0x4e: {  	s31 =	sadd.s32 $0xC0, s7;
	[sflag:s23] =	ssyncadd.s32 $0xFFFFFE00  }
0x4f: {  	[hbm4b:s31+s2] =	stream.linear.scatter [tilespmem:s18], [sflag:$0x3], $0x200, $0x38;
	[tilespmem:$0xA00] =	vst v63  }
0x50: {  	s26 =	sadd.s32 $0x20, s9;
	s28 =	smov.u32 s7;
	_ =	swait.ge [sflag:s10], $0x200  }
0x51: {  	s29 =	smov.u32 s8;
	s25 =	sadd.s32 $0xFFFFFFFF, s6;
	[sflag:s10] =	ssyncset.done $0x0  }
.LBB2_3:
0x52: {  	[sflag:s10] =	ssyncadd.s32 $0xFFFFFE00;
	s28 =	sadd.s32 $0x100, s28;
	s29 =	sadd.s32 $0x20, s29  }
0x53: {  	[tilespmem:s2], [sflag:$0x3] =	stream.linear.gather [hbm4b:s26+s2], $0x100, $0x38;
	[tilespmem:$0xA00] =	vst v63  }
0x54: {  	p0 =	sne.s32 s25, $0x1;
	s25 =	sadd.s32 $0xFFFFFFFF, s25;
	_ =	swait.ge [sflag:s10], $0x100  }
0x55: {  	[sflag:s10] =	ssyncset.done $0x0  }
0x56: {  	[sflag:s10] =	ssyncadd.s32 $0xFFFFFF00  }
0x57: {  	[tilespmem:s11], [sflag:$0x3] =	stream.linear.gather [hbm4b:s29+s2], $0x100, $0x38;
	[tilespmem:$0xA00] =	vst v63  }
0x58: {  	_ =	swait.ge [sflag:s10], $0x100  }
0x59: {  	[sflag:s10] =	ssyncset.done $0x0  }
0x5a: {  	[sflag:s10] =	ssyncadd.s32 $0xFFFFFF00  }
0x5b: {  	[tilespmem:s13], [sflag:$0x1] =	stream.indirect.gather [hbm4b:s3+s12], $0x8, s2, s12, $0xb8;
	[tilespmem:$0xA00] =	vst v63  }
0x5c: {  	_ = 	snop  }
0x5d: {  	[tilespmem:s14], [sflag:$0x1] =	stream.indirect.gather [hbm4b:s3+s12], $0x8, s12, s12, $0xb8;
	[tilespmem:$0xA00] =	vst v63  }
0x5e: {  	_ = 	snop  }
0x5f: {  	[tilespmem:s16], [sflag:$0x1] =	stream.indirect.gather [hbm4b:s3+s12], $0x8, s15, s12, $0xb8;
	[tilespmem:$0xA00] =	vst v63  }
0x60: {  	_ = 	snop  }
0x61: {  	[tilespmem:s18], [sflag:$0x1] =	stream.indirect.gather [hbm4b:s3+s12], $0x8, s17, s12, $0xb8;
	[tilespmem:$0xA00] =	vst v63  }
0x62: {  	_ =	swait.ge [sflag:s19], $0x200  }
0x63: {  	[sflag:s19] =	ssyncset.done $0x0  }
0x64: {  	[sflag:s19] =	ssyncadd.s32 $0xFFFFFE00  }
0x65: {  	[tilespmem:s13], [sflag:$0x2] =	stream.indirect.gather.add.f32 [hbm:s4], $0x8, s11, s12, $0xb8;
	[tilespmem:$0xA00] =	vst v63  }
0x66: {  	_ =	swait.ge [sflag:s19], $0x200  }
0x67: {  	[sflag:s19] =	ssyncset.done $0x0  }
0x68: {  	[sflag:s19] =	ssyncadd.s32 $0xFFFFFE00  }
0x69: {  	[tilespmem:s14], [sflag:$0x2] =	stream.indirect.gather.add.f32 [hbm:s4], $0x8, s20, s12, $0xb8;
	[tilespmem:$0xA00] =	vst v63  }
0x6a: {  	_ =	swait.ge [sflag:s19], $0x200  }
0x6b: {  	[sflag:s19] =	ssyncset.done $0x0  }
0x6c: {  	[sflag:s19] =	ssyncadd.s32 $0xFFFFFE00  }
0x6d: {  	[tilespmem:s16], [sflag:$0x2] =	stream.indirect.gather.add.f32 [hbm:s4], $0x8, s21, s12, $0xb8;
	[tilespmem:$0xA00] =	vst v63  }
0x6e: {  	_ =	swait.ge [sflag:s19], $0x200  }
0x6f: {  	[sflag:s19] =	ssyncset.done $0x0  }
0x70: {  	[sflag:s19] =	ssyncadd.s32 $0xFFFFFE00  }
0x71: {  	[tilespmem:s18], [sflag:$0x2] =	stream.indirect.gather.add.f32 [hbm:s4], $0x8, s22, s12, $0xb8;
	[tilespmem:$0xA00] =	vst v63  }
0x72: {  	_ =	swait.ge [sflag:s23], $0x200  }
0x73: {  	[sflag:s23] =	ssyncset.done $0x0  }
0x74: {  	[sflag:s23] =	ssyncadd.s32 $0xFFFFFE00  }
0x75: {  	[hbm4b:s28+s2] =	stream.linear.scatter [tilespmem:s13], [sflag:$0x3], $0x200, $0x38;
	[tilespmem:$0xA00] =	vst v63  }
0x76: {  	_ =	swait.ge [sflag:s10], $0x200  }
0x77: {  	[sflag:s10] =	ssyncset.done $0x0  }
0x78: {  	[sflag:s10] =	ssyncadd.s32 $0xFFFFFE00  }
0x79: {  	_ =	swait.ge [sflag:s23], $0x200  }
0x7a: {  	[sflag:s23] =	ssyncset.done $0x0  }
0x7b: {  	s30 =	sadd.s32 $0x40, s28;
	[sflag:s23] =	ssyncadd.s32 $0xFFFFFE00  }
0x7c: {  	[hbm4b:s30+s2] =	stream.linear.scatter [tilespmem:s14], [sflag:$0x3], $0x200, $0x38;
	[tilespmem:$0xA00] =	vst v63  }
0x7d: {  	_ =	swait.ge [sflag:s10], $0x200  }
0x7e: {  	[sflag:s10] =	ssyncset.done $0x0  }
0x7f: {  	[sflag:s10] =	ssyncadd.s32 $0xFFFFFE00  }
0x80: {  	_ =	swait.ge [sflag:s23], $0x200  }
0x81: {  	[sflag:s23] =	ssyncset.done $0x0  }
0x82: {  	s30 =	sadd.s32 $0x80, s28;
	[sflag:s23] =	ssyncadd.s32 $0xFFFFFE00  }
0x83: {  	[hbm4b:s30+s2] =	stream.linear.scatter [tilespmem:s16], [sflag:$0x3], $0x200, $0x38;
	[tilespmem:$0xA00] =	vst v63  }
0x84: {  	_ =	swait.ge [sflag:s10], $0x200  }
0x85: {  	[sflag:s10] =	ssyncset.done $0x0  }
0x86: {  	[sflag:s10] =	ssyncadd.s32 $0xFFFFFE00  }
0x87: {  	_ =	swait.ge [sflag:s23], $0x200  }
.Ltmp2:
0x88: {  	[sflag:s23] =	ssyncset.done $0x0;
	(pc) =	sbr.rel @p0 .LBB2_3-.Ltmp2, $4  }
0x89: {  	s30 =	sadd.s32 $0xC0, s28;
	[sflag:s23] =	ssyncadd.s32 $0xFFFFFE00  }
0x8a: {  	[hbm4b:s30+s2] =	stream.linear.scatter [tilespmem:s18], [sflag:$0x3], $0x200, $0x38;
	[tilespmem:$0xA00] =	vst v63  }
0x8b: {  	_ =	swait.ge [sflag:s10], $0x200  }
0x8c: {  	s26 =	sadd.s32 $0x20, s26;
	[sflag:s10] =	ssyncset.done $0x0  }
.LBB2_4:
0x8d: {  	s24 =	sadd.s32 $0x1, s24  }
0x8e: {  	p0 =	sne.s32 s24, s5  }
.Ltmp3:
0x8f: {  	_ = 	snop;
	(pc) =	sbr.rel @p0 .LBB2_2-.Ltmp3, $2  }
0x90: {  	_ =	sdelay $0x2  }
0x91: {  	[sflag:s10] =	ssyncadd.s32 $0xFFFFFE00  }
.LBB2_5:
0x92: {  	_ =	sfence.sel $0x180000  }
0x93: {  	[bflag:$0x0] =	sbarrier.arrive $0xFFFF  }
0x94: {  	p0 =	sne.s32 s0, $0x0;
	_ =	strace $0x9000004D  }
0x95: {  	s0 =	sadd.s32 @!p0 $0x100000, s1;
	[bflag:$0x2] =	sbarrier.arrive $0xFFFF  }
0x96: {  	[sflag:s0] =	ssyncadd.tile.s32 @!p0 $0x1;
	_ =	shalt  }
.Lfunc_end2:
_tile_overlayer_lowered:
.L_overlay_start_2:
0x97: {  	(tag) =	ssettag $0x2  }
0x98: {  	s0 =	rddreg [dreg:$0x0];
	s2 =	stileid.u32  }
0x99: {  	s1 =	rddreg [dreg:$0x1];
	p0 =	sne.s32 s2, $0x0  }
0x9a: {  	s3 =	rddreg [dreg:$0x2];
	[bflag:$0x3] =	sbarrier.arrive $0xFFFF;
	s2 =	simm.s32 @!p0 $0x1C03  }
0x9b: {  	[timem:s3], [sflag:s2] =	dma.local @!p0 [hbm:s0], s1  }
0x9c: {  	s0 =	simm.s32 @!p0 $0x3  }
0x9d: {  	_ =	swait.ge @!p0 [sflag:s0], s1  }
0x9e: {  	s1 =	ssub.s32 @!p0 $0x0, s1;
	[sflag:s0] =	ssyncset.done @!p0 $0x0  }
0x9f: {  	[sflag:s0] =	ssyncadd.s32 @!p0 s1  }
0xa0: {  	[bflag:$0x3] =	sbarrier.arrive $0xFFFF  }
0xa1: {  	_ =	shalt  }

// kernel: kernel.8.cloned.1.call-start
scs
__scs_entry_jumppad:
0x0: {  	(pc) =	sbr.rel $0x88, $3  }
0x1: {  	(tag) =	ssettag $0x0;
	lr =	simm.s32 $0x1  }
0x2: {  	[smem:$0x3F94] =	sst lr;
	_ =	strace $0xD0000000  }
0x3: {  	_ = 	snop  }
0x4: {  	_ = 	snop  }
0x5: {  	_ = 	snop  }
0x6: {  	_ = 	snop  }
0x7: {  	_ = 	snop  }
__scs_overlays_trampoline_lowered:
0x8: {  	[smem:$0x3FA3] =	sst s0  }
0x9: {  	[smem:$0x3FA4] =	sst s1  }
0xa: {  	[smem:$0x3FA5] =	sst s2  }
0xb: {  	[smem:$0x3FA6] =	sst s3  }
0xc: {  	[smem:$0x3FA7] =	sst s4  }
0xd: {  	[smem:$0x3FA8] =	sst s5  }
0xe: {  	[smem:$0x3FA9] =	sst s6  }
0xf: {  	[smem:$0x3FAA] =	sst s7  }
0x10: {  	[smem:$0x3FAB] =	sst s8  }
0x11: {  	[smem:$0x3FAC] =	sst s9;
	s0 =	simm.s32 @!p0 $0x0  }
0x12: {  	s1 =	sld [smem:$0x3F92];
	s0 =	simm.s32 @p0 $0x1  }
0x13: {  	[smem:$0x3FAD] =	sst s0;
	s0 =	simm.s32 @!p1 $0x0  }
0x14: {  	s2 =	sld [smem:$0x3F91];
	s0 =	simm.s32 @p1 $0x1  }
0x15: {  	[smem:$0x3FAE] =	sst s0;
	s0 =	simm.s32 @!p2 $0x0  }
0x16: {  	s3 =	sld [smem:$0x3FDB];
	s0 =	simm.s32 @p2 $0x1  }
0x17: {  	s4 =	simm.s32 $0x1BF5;
	[smem:$0x3FB0] =	sst s0  }
0x18: {  	s0 =	sld [smem:$0x3F93];
	_ =	swait.ge [sflag:s4], $0x0  }
0x19: {  	s7 =	sld [smem:$0x3F94]  }
0x1a: {  	s8 =	sadd.s32 $0xFFFFE003, lr  }
0x1b: {  	s9 =	sadd.s32 $0xFFFFFEF7, lr;
	s5 =	simm.s32 $0xFFFFFFFF;
	p2 =	slt.u32 s8, $0xFFFFF086  }
0x1c: {  	p1 =	slt.u32 s9, $0xF7A;
	s5 =	simm.s32 @!p2 $0x0  }
0x1d: {  	s5 =	simm.s32 @p1 $0x1;
	p0 =	seq.s32 s7, s2  }
0x1e: {  	s7 =	smul.u32 @!p0 $0xF7A, s2;
	p2 =	seq.s32 @!p0 s5, $0x0  }
0x1f: {  	s9 =	smul.u32 $0xF7A, s1;
	s8 =	simm.s32 @!p0 $0x1BF5;
	p2 =	por !p2, p0  }
0x20: {  	[sflag:s8] =	ssyncset.s32 @!p0 $0xFFFFF086;
	s6 =	sadd.s32 @!p0 s3, s7;
	s7 =	simm.s32 @!p0 $0x108  }
0x21: {  	s3 =	sadd.s32 s3, s9;
	s6 =	sadd.s32 @!p0 $0x88, s6;
	s7 =	simm.s32 @p2 $0x1082  }
0x22: {  	[simem:s7], [sflag:s8] =	dma.local @!p0 [hbm:s6], $0xF7A  }
0x23: {  	s9 =	sor.u32 $0xD0000000, s2;
	s6 =	simm.s32 $0x108;
	_ =	swait.ge @!p0 [sflag:s8], $0x0  }
0x24: {  	s3 =	sadd.s32 $0x88, s3;
	s6 =	simm.s32 @!p1 $0x1082;
	[sflag:s4] =	ssyncset.s32 $0xFFFFF086  }
0x25: {  	[simem:s6], [sflag:s4] =	dma.local [hbm:s3], $0xF7A  }
0x26: {  	[smem:$0x3F94] =	sst s1;
	(tag) =	ssettag s2;
	_ =	strace s9  }
0x27: {  	s1 =	sld [smem:$0x3FA4]  }
0x28: {  	s2 =	sld [smem:$0x3FA5]  }
0x29: {  	s4 =	sld [smem:$0x3FA7]  }
0x2a: {  	p0 =	seq.s32 s5, $0x0;
	s5 =	sld [smem:$0x3FA8]  }
0x2b: {  	s6 =	sld [smem:$0x3FA9]  }
0x2c: {  	s7 =	sld [smem:$0x3FAA]  }
0x2d: {  	s3 =	simm.s32 $0x108;
	s8 =	sld [smem:$0x3FAB]  }
0x2e: {  	s3 =	simm.s32 @!p0 $0x1082;
	s9 =	sld [smem:$0x3FAC]  }
0x2f: {  	lr =	sadd.s32 s0, s3;
	s0 =	sld [smem:$0x3FA3]  }
0x30: {  	s3 =	sld [smem:$0x3FA6]  }
0x31: {  	[smem:$0x3FAF] =	sst s10  }
0x32: {  	s10 =	sld [smem:$0x3FAD];
	_ =	sdelay $0x3  }
0x33: {  	p0 =	seq.s32 s10, $0x1;
	s10 =	sld [smem:$0x3FAF];
	_ =	sdelay $0x3  }
0x34: {  	[smem:$0x3FAF] =	sst s10  }
0x35: {  	s10 =	sld [smem:$0x3FAE];
	_ =	sdelay $0x3  }
0x36: {  	p1 =	seq.s32 s10, $0x1;
	s10 =	sld [smem:$0x3FAF];
	_ =	sdelay $0x3  }
0x37: {  	[smem:$0x3FAF] =	sst s10  }
0x38: {  	s10 =	sld [smem:$0x3FB0]  }
0x39: {  	_ = 	snop;
	(pc) =	sbr.ind lr, $3  }
0x3a: {  	_ = 	snop  }
0x3b: {  	_ = 	snop  }
0x3c: {  	p2 =	seq.s32 s10, $0x1;
	s10 =	sld [smem:$0x3FAF]  }
0x3d: {  	_ =	shalt  }
0x3e: {  	_ =	shalt  }
0x3f: {  	_ =	shalt  }
0x40: {  	_ =	shalt  }
0x41: {  	_ =	shalt  }
0x42: {  	_ =	shalt  }
0x43: {  	_ =	shalt  }
0x44: {  	_ =	shalt  }
0x45: {  	_ =	shalt  }
0x46: {  	_ =	shalt  }
0x47: {  	_ =	shalt  }
0x48: {  	_ =	shalt  }
0x49: {  	_ =	shalt  }
0x4a: {  	_ =	shalt  }
0x4b: {  	_ =	shalt  }
0x4c: {  	_ =	shalt  }
0x4d: {  	_ =	shalt  }
0x4e: {  	_ =	shalt  }
0x4f: {  	_ =	shalt  }
0x50: {  	_ =	shalt  }
0x51: {  	_ =	shalt  }
0x52: {  	_ =	shalt  }
0x53: {  	_ =	shalt  }
0x54: {  	_ =	shalt  }
0x55: {  	_ =	shalt  }
0x56: {  	_ =	shalt  }
0x57: {  	_ =	shalt  }
0x58: {  	_ =	shalt  }
0x59: {  	_ =	shalt  }
0x5a: {  	_ =	shalt  }
0x5b: {  	_ =	shalt  }
0x5c: {  	_ =	shalt  }
0x5d: {  	_ =	shalt  }
0x5e: {  	_ =	shalt  }
0x5f: {  	_ =	shalt  }
0x60: {  	_ =	shalt  }
0x61: {  	_ =	shalt  }
0x62: {  	_ =	shalt  }
0x63: {  	_ =	shalt  }
0x64: {  	_ =	shalt  }
0x65: {  	_ =	shalt  }
0x66: {  	_ =	shalt  }
0x67: {  	_ =	shalt  }
0x68: {  	_ =	shalt  }
0x69: {  	_ =	shalt  }
0x6a: {  	_ =	shalt  }
0x6b: {  	_ =	shalt  }
0x6c: {  	_ =	shalt  }
0x6d: {  	_ =	shalt  }
0x6e: {  	_ =	shalt  }
0x6f: {  	_ =	shalt  }
0x70: {  	_ =	shalt  }
0x71: {  	_ =	shalt  }
0x72: {  	_ =	shalt  }
0x73: {  	_ =	shalt  }
0x74: {  	_ =	shalt  }
0x75: {  	_ =	shalt  }
0x76: {  	_ =	shalt  }
0x77: {  	_ =	shalt  }
0x78: {  	_ =	shalt  }
0x79: {  	_ =	shalt  }
0x7a: {  	_ =	shalt  }
0x7b: {  	_ =	shalt  }
0x7c: {  	_ =	shalt  }
0x7d: {  	_ =	shalt  }
0x7e: {  	_ =	shalt  }
0x7f: {  	_ =	shalt  }
0x80: {  	_ =	shalt  }
0x81: {  	_ =	shalt  }
0x82: {  	_ =	shalt  }
0x83: {  	_ =	shalt  }
0x84: {  	_ =	shalt  }
0x85: {  	_ =	shalt  }
0x86: {  	_ =	shalt  }
0x87: {  	_ =	shalt  }
.Lfunc_end0:
.L_simem_size_0:
called_computation_lowered:
.L_overlay_start_0:
0x88: {  	s2 =	sld [smem:$0x3FD9]  }
0x89: {  	s3 =	sld [smem:$0x3FFE];
	_ =	sdelay $0x1  }
0x8a: {  	s1 =	srdreg.scid  }
0x8b: {  	s0 =	sand.u32 $0x1, s1  }
0x8c: {  	s17 =	sshll.u32 s0, $0xA;
	s2 =	sadd.s32 s3, s2  }
0x8d: {  	s2 =	sadd.s32 s2, s17  }
0x8e: {  	[smem:$0x3FBB] =	sst s2  }
0x8f: {  	_ = 	snop  }
0x90: {  	s2 =	sld [smem:$0x3FC9]  }
0x91: {  	s18 =	sld [smem:$0x3FD0];
	(tm) =	ssettm $0x1  }
0x92: {  	s4 =	sld [smem:$0x3FFB];
	_ =	sdelay $0x3  }
0x93: {  	_ =	strace s4  }
0x94: {  	s4 =	sld [smem:$0x3FFC];
	_ =	sdelay $0x3  }
0x95: {  	_ =	strace s4  }
0x96: {  	s4 =	sld [smem:$0x3FFD];
	_ =	sdelay $0x3  }
0x97: {  	_ =	strace s4  }
0x98: {  	_ =	strace $0x8FFFFFFF  }
0x99: {  	s19 =	sld [smem:$0x3FDB];
	_ =	sdelay $0x1  }
0x9a: {  	s5 =	simm.s32 $_scs_section_size  }
0x9b: {  	s6 =	simm.s32 $_size__tile_overlayer_lowered;
	s7 =	simm.s32 $_tile_overlayer_lowered  }
0x9c: {  	s22 =	simm.s32 $0x1BFF;
	s21 =	sshll.u32 s7, $0x1;
	s4 =	sadd.s32 s5, s19  }
0x9d: {  	s8 =	simm.s32 $0x0;
	s20 =	sshll.u32 s6, $0x1;
	s6 =	sadd.s32 s21, s4  }
0x9e: {  	[timem:s8], [sflag:s22] =	dma.local [hbm:s6], s20  }
0x9f: {  	_ =	swait.ge [sflag:s22], s20  }
0xa0: {  	s5 =	ssub.s32 $0x0, s20;
	[sflag:s22] =	ssyncset.done $0x0  }
0xa1: {  	[sflag:s22] =	ssyncadd.s32 s5;
	_ =	sdelay $0x1  }
0xa2: {  	s23 =	simm.s32 $0x1B8B  }
0xa3: {  	_ =	swait.ge [sflag:s23], $0x1  }
0xa4: {  	[sflag:s23] =	ssyncset.done $0x0  }
0xa5: {  	s25 =	simm.s32 $0x1B8E;
	s24 =	sld [smem:$0x3FFE];
	[sflag:s23] =	ssyncadd.s32 $0xFFFFFFFF  }
0xa6: {  	s26 =	simm.s32 $execute0_lowered;
	[smem:$0x3FD2] =	sst s25  }
0xa7: {  	s6 =	sshll.u32 s26, $0x1;
	_ =	strace $0x80000046;
	[dreg:$0x1] =	wrdreg $0xFFFFFFFF  }
0xa8: {  	s28 =	simm.s32 $_size_execute0_lowered;
	s4 =	sadd.s32 s4, s6;
	[dreg:$0x0] =	wrdreg $0x0  }
0xa9: {  	s6 =	sshll.u32 s28, $0x1;
	[dreg:$0x2] =	wrdreg s4  }
0xaa: {  	[dreg:$0x3] =	wrdreg s6  }
0xab: {  	[dreg:$0x4] =	wrdreg $0xC0  }
0xac: {  	_ =	task [dreg:s8], $0x5FFFF  }
0xad: {  	[dreg:$0x1] =	wrdreg $0xFFFFFFFF  }
0xae: {  	[dreg:$0x0] =	wrdreg $0x60  }
0xaf: {  	[dreg:$0x2] =	wrdreg s2  }
0xb0: {  	[dreg:$0x3] =	wrdreg s24  }
0xb1: {  	[dreg:$0x4] =	wrdreg s18  }
0xb2: {  	[dreg:$0x5] =	wrdreg $0x54000  }
0xb3: {  	[dreg:$0x6] =	wrdreg $0x18C800  }
0xb4: {  	[dreg:$0x7] =	wrdreg $0x1B3900  }
0xb5: {  	[dreg:$0x8] =	wrdreg $0x9  }
0xb6: {  	_ =	task.clear_ibuf [dreg:s8], $0x9FFFF;
	_ =	strace $0x90000046  }
0xb7: {  	s29 =	simm.s32 $0x9;
	_ =	strace $0x80000048  }
0xb8: {  	_ =	swait.ge [sflag:s29], $0x1  }
0xb9: {  	[sflag:s29] =	ssyncadd.s32 $0xFFFFFFFF  }
0xba: {  	_ =	strace $0x90000048  }
0xbb: {  	_ =	sfence  }
0xbc: {  	s30 =	sld [smem:$0x0];
	_ =	sdelay $0x2  }
0xbd: {  	s31 =	sshll.u32 s1, $0xD;
	s1 =	sshrl.u32 s1, $0x2  }
0xbe: {  	s3 =	sand.u32 $0x4000, s31;
	s1 =	sadd.s32 s1, s30  }
0xbf: {  	s0 =	sor.u32 s3, s0;
	s1 =	sshll.u32 s1, $0x11  }
0xc0: {  	s0 =	sor.u32 s1, s0  }
0xc1: {  	s0 =	sadd.s32 $0x8F2B, s0  }
0xc2: {  	[sflag:s0] =	ssyncadd.remote.s32 $0x1  }
0xc3: {  	_ =	sfence.sel $0xFFFF  }
0xc4: {  	[dreg:$0x0] =	wrdreg $0xFFFFFFFF;
	(pc) =	sbr.abs _section_cstart, $3  }
0xc5: {  	[dreg:$0x1] =	wrdreg $0xFFFFFFFF  }
0xc6: {  	_ =	task.clear_ibuf [dreg:s8], $0x2FFFF;
	_ =	strace $0x9FFFFFFF  }
0xc7: {  	(tm) =	ssettm $0x7FFFFFFF  }
tec
execute0_lowered:
.L_overlay_start_1:
0x0: {  	(tag) =	ssettag $0x1  }
0x1: {  	s0 =	rddreg [dreg:$0x0]  }
0x2: {  	s1 =	rddreg [dreg:$0x1]  }
0x3: {  	s3 =	rddreg [dreg:$0x2]  }
0x4: {  	s2 =	rddreg [dreg:$0x3];
	s23 =	stileid.u32  }
0x5: {  	s5 =	srdreg.scid;
	s9 =	smul.u32 $0x4E2, s23  }
0x6: {  	s4 =	rddreg [dreg:$0x4];
	s6 =	simm.s32 $0x0;
	s10 =	smul.u32 $0x13C00, s23  }
0x7: {  	s7 =	sand.u32 $0x1, s5;
	s5 =	rddreg [dreg:$0x5];
	s11 =	smul.u32 $0x2780, s23  }
0x8: {  	[smem:$0x7FF] =	sst s6;
	s13 =	smul.u32 $0x13C0, s23  }
0x9: {  	s30 =	sadd.s32 $0xBC00, s1;
	s16 =	sadd.s32 $0x49600, s1;
	s8 =	smul.u32 $0x4E20, s7  }
0xa: {  	s19 =	sadd.s32 $0x3A800, s1;
	s26 =	sadd.s32 $0x44600, s1;
	s15 =	smul.u32 $0x138800, s7  }
0xb: {  	p0 =	seq.s32 s23, $0xF;
	_ =	strace $0x80000047;
	s18 =	smul.u32 $0x27100, s7  }
0xc: {  	s17 =	ssub.s32 $0x2, s7;
	s24 =	smul.u32 $0x13880, s7;
	s7 =	sshll.u32 s7, $0x4  }
0xd: {  	[dreg:$0xb] =	wrdreg s30;
	s14 =	sshrl.u32 s10, $0x3;
	s20 =	sshrl.u32 s17, $0x1  }
0xe: {  	s7 =	sor.u32 s23, s7;
	s23 =	simm.s32 $0x6;
	s8 =	sadd.s32 s9, s8  }
0xf: {  	s21 =	sadd.s32 s10, s15;
	s17 =	ssub.s32 s17, s20;
	s29 =	sadd.s32 s11, s18  }
0x10: {  	s15 =	sshrl.u32 s15, $0x3;
	s18 =	sshrl.u32 s18, $0x3;
	s25 =	sadd.s32 s13, s24  }
0x11: {  	s14 =	sadd.s32 s14, s1;
	s10 =	sadd.s32 s10, s2;
	s7 =	smul.u32 $0x4E2, s7  }
0x12: {  	s9 =	sshll.u32 s8, $0x4;
	s8 =	sand.u32 $0xFFE0, s8;
	s28 =	sshrl.u32 s21, $0x3  }
0x13: {  	s22 =	sshrl.u32 s29, $0x3;
	s29 =	simm.s32 $0x4600;
	[dreg:$0x10] =	wrdreg s10  }
0x14: {  	s15 =	sadd.s32 s16, s15;
	s21 =	simm.s32 $0x4E00;
	[dreg:$0x7] =	wrdreg s29  }
0x15: {  	s18 =	sadd.s32 s19, s18;
	s10 =	sadd.s32 $0x30E80, s1;
	[dreg:$0x9] =	wrdreg s21  }
0x16: {  	s9 =	sand.u32 $0xFFE00, s9;
	s20 =	sadd.s32 s19, s22;
	[dreg:$0x16] =	wrdreg s10  }
0x17: {  	s31 =	sadd.s32 s16, s28;
	s3 =	sadd.s32 s8, s3;
	[dreg:$0xd] =	wrdreg s20  }
0x18: {  	s28 =	sshrl.u32 s24, $0x3;
	s24 =	simm.s32 $0x80;
	[dreg:$0xf] =	wrdreg s3  }
0x19: {  	s12 =	sadd.s32 s8, s1;
	s29 =	sadd.s32 s13, s5;
	[dreg:$0xa] =	wrdreg s24  }
0x1a: {  	s16 =	sshrl.u32 s25, $0x3;
	s15 =	sadd.s32 $0x25080, s15;
	[dreg:$0x14] =	wrdreg s29  }
0x1b: {  	s22 =	sshrl.u32 s11, $0x3;
	s19 =	sadd.s32 $0x4A10, s18;
	[dreg:$0x1a] =	wrdreg s15  }
0x1c: {  	s25 =	sshrl.u32 s13, $0x3;
	s21 =	smax.u32 s17, $0x1;
	[dreg:$0x1b] =	wrdreg s19  }
0x1d: {  	s13 =	sshrl.u32 s7, $0x5;
	s10 =	simm.s32 $0x140;
	[dreg:$0x1d] =	wrdreg s21  }
0x1e: {  	s17 =	simm.s32 $0x3;
	s18 =	simm.s32 $0x4;
	[dreg:$0x19] =	wrdreg s13  }
0x1f: {  	s9 =	sadd.s32 s9, s1;
	s16 =	sadd.s32 s26, s16;
	[dreg:$0xc] =	wrdreg s31  }
0x20: {  	s20 =	simm.s32 $0x4A00;
	s8 =	sadd.s32 s22, s1;
	[dreg:$0xe] =	wrdreg s16  }
0x21: {  	s3 =	sadd.s32 s25, s1;
	s25 =	sadd.s32 $0x1E00, s12;
	[dreg:$0x8] =	wrdreg s20  }
0x22: {  	s29 =	sadd.s32 $0x12840, s5;
	s21 =	simm.s32 $0x7;
	[dreg:$0x1f] =	wrdreg s25  }
0x23: {  	s16 =	sadd.s32 s26, s28;
	s26 =	sadd.s32 $0xBE00, s14;
	[smem:$0x7FD] =	sst s29  }
0x24: {  	s12 =	simm.s32 $0x1C0;
	s28 =	sadd.s32 s11, s4;
	[dreg:$0x11] =	wrdreg s26  }
0x25: {  	s15 =	simm.s32 $0x1;
	s8 =	sadd.s32 $0x33000, s8;
	[dreg:$0x12] =	wrdreg s28  }
0x26: {  	s19 =	simm.s32 $0xC0;
	s3 =	sadd.s32 $0x38000, s3;
	[dreg:$0x13] =	wrdreg s8  }
0x27: {  	s11 =	sadd.s32 $0x37A10, s1;
	s1 =	sadd.s32 $0x3A508, s1;
	[dreg:$0x15] =	wrdreg s3  }
0x28: {  	s14 =	sadd.s32 $0x4E2, s7;
	s24 =	sadd.s32 $0x4E3E00, s9;
	[dreg:$0x17] =	wrdreg s11  }
0x29: {  	s7 =	simm.s32 $0x100;
	s9 =	simm.s32 $0x40;
	[dreg:$0x18] =	wrdreg s1  }
0x2a: {  	s22 =	sshrl.u32 s14, $0x5;
	s20 =	sadd.s32 $0x2508, s16;
	[dreg:$0x1e] =	wrdreg s24  }
.Ltmp0:
0x2b: {  	s26 =	sadd.s32 $0x128400, s2;
	s28 =	sadd.s32 $0x25080, s4;
	(pc) =	sbr.rel .LBB2_1-.Ltmp0, $4  }
0x2c: {  	s1 =	simm.s32 $0x5200;
	s8 =	simm.s32 $0x4200;
	s11 =	simm.s32 $0x180  }
0x2d: {  	s14 =	simm.s32 $0x2200;
	s16 =	simm.s32 $0x2;
	[dreg:$0x1c] =	wrdreg s20  }
0x2e: {  	s24 =	simm.s32 $0x0;
	p1 =	sge.u32 s13, s22;
	[smem:$0x7FB] =	sst s26  }
0x2f: {  	[smem:$0x7FC] =	sst s28;
	s13 =	simm.s32 $0x200;
	s20 =	simm.s32 $0x5  }
.LBB2_4:
0x30: {  	s30 =	rddreg [dreg:$0xb]  }
0x31: {  	s31 =	rddreg [dreg:$0xc]  }
0x32: {  	[sflag:s23] =	ssyncadd.s32 $0xFFFFFE00;
	s24 =	sld [smem:$0x7F3]  }
.LBB2_5:
0x33: {  	[bflag:$0x0] =	sbarrier.arrive $0xFFFF  }
0x34: {  	s28 =	smov.u32 s31;
	s31 =	smov.u32 s30;
	s30 =	sld [smem:$0x7F4]  }
0x35: {  	_ = 	snop  }
0x36: {  	s26 =	simm.s32 @p0 $0x1FC7;
	s3 =	rddreg [dreg:$0x1a]  }
0x37: {  	[hbm:s3], [sflag:s26] =	dma.local @p0 [spmem:s30], $0x2080  }
0x38: {  	_ =	swait.ge @p0 [sflag:s25], $0x2080  }
0x39: {  	s30 =	sld [smem:$0x7F5]  }
0x3a: {  	[sflag:s25] =	ssyncset.done @p0 $0x0  }
0x3b: {  	s3 =	rddreg [dreg:$0x1b];
	[sflag:s25] =	ssyncadd.s32 @p0 $0xFFFFDF80  }
0x3c: {  	[hbm:s3], [sflag:s26] =	dma.local @p0 [spmem:s30], $0x410  }
0x3d: {  	_ =	swait.ge @p0 [sflag:s25], $0x410  }
0x3e: {  	s30 =	sld [smem:$0x7F6]  }
0x3f: {  	[sflag:s25] =	ssyncset.done @p0 $0x0  }
0x40: {  	s3 =	rddreg [dreg:$0x1c];
	[sflag:s25] =	ssyncadd.s32 @p0 $0xFFFFFBF0  }
0x41: {  	[hbm:s3], [sflag:s26] =	dma.local @p0 [spmem:s30], $0x208  }
0x42: {  	_ =	swait.ge @p0 [sflag:s25], $0x208  }
0x43: {  	s3 =	sld [smem:$0x7F7]  }
0x44: {  	s26 =	sld [smem:$0x7FA]  }
0x45: {  	[sflag:s25] =	ssyncset.done @p0 $0x0  }
0x46: {  	[sflag:s25] =	ssyncadd.s32 @p0 $0xFFFFFDF8  }
0x47: {  	[hbm:s28], [sflag:s26] =	dma.local @!p0 [spmem:s3], $0x2780  }
0x48: {  	_ =	swait.ge @!p0 [sflag:s29], $0x2780  }
0x49: {  	s3 =	sld [smem:$0x7F8]  }
0x4a: {  	[sflag:s29] =	ssyncset.done @!p0 $0x0  }
0x4b: {  	s25 =	rddreg [dreg:$0xd];
	[sflag:s29] =	ssyncadd.s32 @!p0 $0xFFFFD880  }
0x4c: {  	[hbm:s25], [sflag:s26] =	dma.local @!p0 [spmem:s3], $0x4F0  }
0x4d: {  	_ =	swait.ge @!p0 [sflag:s29], $0x4F0  }
0x4e: {  	s25 =	sld [smem:$0x7F9]  }
0x4f: {  	[sflag:s29] =	ssyncset.done @!p0 $0x0  }
0x50: {  	s3 =	rddreg [dreg:$0xe];
	[sflag:s29] =	ssyncadd.s32 @!p0 $0xFFFFFB10  }
0x51: {  	[hbm:s3], [sflag:s26] =	dma.local @!p0 [spmem:s25], $0x278  }
0x52: {  	s24 =	sadd.s32 $0x1, s24;
	_ =	swait.ge @!p0 [sflag:s29], $0x278  }
0x53: {  	s30 =	smov.u32 s31;
	s31 =	smov.u32 s28;
	s28 =	rddreg [dreg:$0x1d]  }
0x54: {  	p2 =	sne.s32 s24, s28  }
.Ltmp1:
0x55: {  	_ = 	snop;
	(pc) =	sbr.rel @!p2 .LBB2_6-.Ltmp1, $3  }
0x56: {  	_ =	sdelay $0x1  }
0x57: {  	[sflag:s29] =	ssyncset.done @!p0 $0x0  }
0x58: {  	[sflag:s29] =	ssyncadd.s32 @!p0 $0xFFFFFD88  }
.LBB2_1:
0x59: {  	s3 =	sld [smem:$0x7FB];
	_ =	sdelay $0x2  }
0x5a: {  	s25 =	sshrl.u32 @p0 s3, $0x3;
	s3 =	rddreg [dreg:$0x16]  }
0x5b: {  	s28 =	simm.s32 @p0 $0x1FC7;
	[smem:$0x7F4] =	sst s25  }
0x5c: {  	[spmem:s25], [sflag:s28] =	dma.local @p0 [hbm:s3], $0x2080  }
0x5d: {  	s25 =	simm.s32 @p0 $0x7  }
0x5e: {  	_ =	swait.ge @p0 [sflag:s25], $0x2080  }
0x5f: {  	s3 =	sld [smem:$0x7FC];
	_ =	sdelay $0x2  }
0x60: {  	[sflag:s25] =	ssyncset.done @p0 $0x0;
	s26 =	sshrl.u32 @p0 s3, $0x3;
	s3 =	rddreg [dreg:$0x17]  }
0x61: {  	[sflag:s25] =	ssyncadd.s32 @p0 $0xFFFFDF80;
	[smem:$0x7F5] =	sst s26  }
0x62: {  	[spmem:s26], [sflag:s28] =	dma.local @p0 [hbm:s3], $0x410  }
0x63: {  	_ =	swait.ge @p0 [sflag:s25], $0x410  }
0x64: {  	s3 =	sld [smem:$0x7FD];
	_ =	sdelay $0x2  }
0x65: {  	[sflag:s25] =	ssyncset.done @p0 $0x0;
	s26 =	sshrl.u32 @p0 s3, $0x3;
	s3 =	rddreg [dreg:$0x18]  }
0x66: {  	[sflag:s25] =	ssyncadd.s32 @p0 $0xFFFFFBF0;
	[smem:$0x7F6] =	sst s26  }
0x67: {  	[spmem:s26], [sflag:s28] =	dma.local @p0 [hbm:s3], $0x208  }
0x68: {  	s3 =	stileid.u32  }
0x69: {  	_ =	swait.ge @p0 [sflag:s25], $0x208;
	s3 =	sshll.u32 @!p0 s3, $0x6  }
0x6a: {  	s28 =	sor.u32 @!p0 $0x1C07, s3;
	s3 =	rddreg [dreg:$0x10]  }
0x6b: {  	[sflag:s25] =	ssyncset.done @p0 $0x0;
	s26 =	sshrl.u32 @!p0 s3, $0x3;
	s3 =	rddreg [dreg:$0x11]  }
0x6c: {  	s29 =	simm.s32 @!p0 $0x7;
	[sflag:s25] =	ssyncadd.s32 @p0 $0xFFFFFDF8;
	[smem:$0x7F7] =	sst s26  }
0x6d: {  	[spmem:s26], [sflag:s28] =	dma.local @!p0 [hbm:s3], $0x2780  }
0x6e: {  	_ =	swait.ge @!p0 [sflag:s29], $0x2780  }
0x6f: {  	s3 =	rddreg [dreg:$0x12]  }
0x70: {  	[sflag:s29] =	ssyncset.done @!p0 $0x0;
	s26 =	sshrl.u32 @!p0 s3, $0x3;
	s3 =	rddreg [dreg:$0x13]  }
0x71: {  	[sflag:s29] =	ssyncadd.s32 @!p0 $0xFFFFD880;
	[smem:$0x7F8] =	sst s26  }
0x72: {  	[spmem:s26], [sflag:s28] =	dma.local @!p0 [hbm:s3], $0x4F0  }
0x73: {  	_ =	swait.ge @!p0 [sflag:s29], $0x4F0  }
0x74: {  	s3 =	rddreg [dreg:$0x14]  }
0x75: {  	[smem:$0x7FA] =	sst s28  }
0x76: {  	[sflag:s29] =	ssyncset.done @!p0 $0x0;
	s26 =	sshrl.u32 @!p0 s3, $0x3;
	s3 =	rddreg [dreg:$0x15]  }
0x77: {  	[sflag:s29] =	ssyncadd.s32 @!p0 $0xFFFFFB10;
	[smem:$0x7F9] =	sst s26  }
0x78: {  	[spmem:s26], [sflag:s28] =	dma.local @!p0 [hbm:s3], $0x278  }
0x79: {  	_ =	swait.ge @!p0 [sflag:s29], $0x278  }
0x7a: {  	[sflag:s29] =	ssyncset.done @!p0 $0x0  }
0x7b: {  	[sflag:s29] =	ssyncadd.s32 @!p0 $0xFFFFFD88  }
0x7c: {  	[tilespmem:s1], [sflag:$0x7] =	stream.linear.gather [hbm4b:s30+s6], $0x200, $0x38;
	[tilespmem:$0x1C718] =	vst v63  }
.Ltmp2:
0x7d: {  	_ =	swait.ge [sflag:s21], $0x200;
	(pc) =	sbr.rel @p1 .LBB2_5-.Ltmp2, $3  }
0x7e: {  	[sflag:s21] =	ssyncset.done $0x0  }
0x7f: {  	[sflag:s21] =	ssyncadd.s32 $0xFFFFFE00  }
0x80: {  	[bflag:$0x0] =	sbarrier.arrive $0xFFFF;
	_ =	sdelay $0x1  }
0x81: {  	[smem:$0x7F3] =	sst s24  }
0x82: {  	s28 =	rddreg [dreg:$0x1f]  }
0x83: {  	[tilespmem:s6], [sflag:$0x7] =	stream.linear.gather [hbm4b:s28+s6], $0x100, $0x38;
	[tilespmem:$0x1C718] =	vst v63  }
0x84: {  	_ =	swait.ge [sflag:s21], $0x100  }
0x85: {  	[sflag:s21] =	ssyncset.done $0x0  }
0x86: {  	s24 =	rddreg [dreg:$0xf];
	[sflag:s21] =	ssyncadd.s32 $0xFFFFFF00  }
0x87: {  	[tilespmem:s7], [sflag:$0x7] =	stream.linear.gather [hbm4b:s24+s6], $0x100, $0x38;
	[tilespmem:$0x1C718] =	vst v63  }
0x88: {  	_ =	swait.ge [sflag:s21], $0x100  }
0x89: {  	[sflag:s21] =	ssyncset.done $0x0  }
0x8a: {  	s26 =	rddreg [dreg:$0x1e];
	[sflag:s21] =	ssyncadd.s32 $0xFFFFFF00  }
0x8b: {  	[tilespmem:s8], [sflag:$0x7] =	stream.linear.gather [hbm4b:s26+s6], $0x1000, $0x38;
	[tilespmem:$0x1C718] =	vst v63  }
0x8c: {  	_ =	swait.ge [sflag:s21], $0x1000  }
0x8d: {  	[sflag:s21] =	ssyncset.done $0x0  }
0x8e: {  	[sflag:s21] =	ssyncadd.s32 $0xFFFFF000  }
0x8f: {  	[spmem:s4] =	stream.indirect.scatter.add.f32 [tilespmem:s8], [sflag:$0x5], $0x10, s7, s9, $0xb8;
	[tilespmem:$0x1C718] =	vst v63  }
0x90: {  	_ = 	snop  }
0x91: {  	[spmem:s5] =	stream.indirect.scatter.add.f32 [tilespmem:s1], [sflag:$0x6], $0x8, s7, s9, $0xb8;
	[tilespmem:$0x1C718] =	vst v63  }
0x92: {  	s3 =	rddreg [dreg:$0x7]  }
0x93: {  	[spmem:s4] =	stream.indirect.scatter.add.f32 [tilespmem:s3], [sflag:$0x5], $0x10, s10, s9, $0xb8;
	[tilespmem:$0x1C718] =	vst v63  }
0x94: {  	_ = 	snop  }
0x95: {  	[spmem:s5] =	stream.indirect.scatter.add.f32 [tilespmem:s1], [sflag:$0x6], $0x8, s10, s9, $0xb8;
	[tilespmem:$0x1C718] =	vst v63  }
0x96: {  	s3 =	rddreg [dreg:$0x8]  }
0x97: {  	[spmem:s4] =	stream.indirect.scatter.add.f32 [tilespmem:s3], [sflag:$0x5], $0x10, s11, s9, $0xb8;
	[tilespmem:$0x1C718] =	vst v63  }
0x98: {  	_ = 	snop  }
0x99: {  	[spmem:s5] =	stream.indirect.scatter.add.f32 [tilespmem:s1], [sflag:$0x6], $0x8, s11, s9, $0xb8;
	[tilespmem:$0x1C718] =	vst v63  }
0x9a: {  	s3 =	rddreg [dreg:$0x9]  }
0x9b: {  	[spmem:s4] =	stream.indirect.scatter.add.f32 [tilespmem:s3], [sflag:$0x5], $0x10, s12, s9, $0xb8;
	[tilespmem:$0x1C718] =	vst v63  }
0x9c: {  	_ = 	snop  }
0x9d: {  	[spmem:s5] =	stream.indirect.scatter.add.f32 [tilespmem:s1], [sflag:$0x6], $0x8, s12, s9, $0xb8;
	[tilespmem:$0x1C718] =	vst v63  }
0x9e: {  	_ = 	snop  }
0x9f: {  	[tilespmem:s13], [sflag:$0x1] =	stream.indirect.gather [hbm4b:s0+s9], $0x80, s6, s9, $0xb8;
	[tilespmem:$0x1C718] =	vst v63  }
0xa0: {  	_ = 	snop  }
0xa1: {  	[tilespmem:s14], [sflag:$0x2] =	stream.indirect.gather [hbm4b:s0+s9], $0x80, s9, s9, $0xb8;
	[tilespmem:$0x1C718] =	vst v63  }
0xa2: {  	_ =	swait.ge [sflag:s15], $0x2000  }
0xa3: {  	[sflag:s15] =	ssyncset.done $0x0  }
0xa4: {  	[sflag:s15] =	ssyncadd.s32 $0xFFFFE000  }
0xa5: {  	[spmem:s2] =	stream.indirect.scatter.add.f32 [tilespmem:s13], [sflag:$0x3], $0x80, s7, s9, $0xb8;
	[tilespmem:$0x1C718] =	vst v63  }
0xa6: {  	_ =	swait.ge [sflag:s16], $0x2000  }
0xa7: {  	[sflag:s16] =	ssyncset.done $0x0  }
0xa8: {  	[sflag:s16] =	ssyncadd.s32 $0xFFFFE000  }
0xa9: {  	[spmem:s2] =	stream.indirect.scatter.add.f32 [tilespmem:s14], [sflag:$0x4], $0x80, s10, s9, $0xb8;
	[tilespmem:$0x1C718] =	vst v63  }
0xaa: {  	_ =	swait.ge [sflag:s17], $0x2000  }
0xab: {  	[sflag:s17] =	ssyncset.done $0x0  }
0xac: {  	s3 =	rddreg [dreg:$0xa];
	[sflag:s17] =	ssyncadd.s32 $0xFFFFE000  }
0xad: {  	[tilespmem:s13], [sflag:$0x1] =	stream.indirect.gather [hbm4b:s0+s9], $0x80, s3, s9, $0xb8;
	[tilespmem:$0x1C718] =	vst v63  }
0xae: {  	_ =	swait.ge [sflag:s18], $0x2000  }
0xaf: {  	[sflag:s18] =	ssyncset.done $0x0  }
0xb0: {  	[sflag:s18] =	ssyncadd.s32 $0xFFFFE000  }
0xb1: {  	[tilespmem:s14], [sflag:$0x2] =	stream.indirect.gather [hbm4b:s0+s9], $0x80, s19, s9, $0xb8;
	[tilespmem:$0x1C718] =	vst v63  }
0xb2: {  	_ =	swait.ge [sflag:s15], $0x2000  }
0xb3: {  	[sflag:s15] =	ssyncset.done $0x0  }
0xb4: {  	[sflag:s15] =	ssyncadd.s32 $0xFFFFE000  }
0xb5: {  	[spmem:s2] =	stream.indirect.scatter.add.f32 [tilespmem:s13], [sflag:$0x3], $0x80, s11, s9, $0xb8;
	[tilespmem:$0x1C718] =	vst v63  }
0xb6: {  	_ =	swait.ge [sflag:s16], $0x2000  }
0xb7: {  	[sflag:s16] =	ssyncset.done $0x0  }
0xb8: {  	[sflag:s16] =	ssyncadd.s32 $0xFFFFE000  }
0xb9: {  	[spmem:s2] =	stream.indirect.scatter.add.f32 [tilespmem:s14], [sflag:$0x4], $0x80, s12, s9, $0xb8;
	[tilespmem:$0x1C718] =	vst v63  }
0xba: {  	_ =	swait.ge [sflag:s17], $0x2000  }
0xbb: {  	[sflag:s17] =	ssyncset.done $0x0  }
0xbc: {  	[sflag:s17] =	ssyncadd.s32 $0xFFFFE000  }
0xbd: {  	_ =	swait.ge [sflag:s18], $0x2000  }
0xbe: {  	[sflag:s18] =	ssyncset.done $0x0  }
0xbf: {  	[sflag:s18] =	ssyncadd.s32 $0xFFFFE000  }
0xc0: {  	_ =	swait.ge [sflag:s20], $0x400  }
0xc1: {  	[sflag:s20] =	ssyncset.done $0x0  }
0xc2: {  	[sflag:s20] =	ssyncadd.s32 $0xFFFFFC00  }
0xc3: {  	_ =	swait.ge [sflag:s23], $0x200  }
0xc4: {  	[sflag:s23] =	ssyncset.done $0x0  }
0xc5: {  	[sflag:s23] =	ssyncadd.s32 $0xFFFFFE00  }
0xc6: {  	_ =	swait.ge [sflag:s20], $0x400  }
0xc7: {  	[sflag:s20] =	ssyncset.done $0x0  }
0xc8: {  	[sflag:s20] =	ssyncadd.s32 $0xFFFFFC00  }
0xc9: {  	_ =	swait.ge [sflag:s23], $0x200  }
0xca: {  	[sflag:s23] =	ssyncset.done $0x0  }
0xcb: {  	[sflag:s23] =	ssyncadd.s32 $0xFFFFFE00  }
0xcc: {  	_ =	swait.ge [sflag:s20], $0x400  }
0xcd: {  	[sflag:s20] =	ssyncset.done $0x0  }
0xce: {  	[sflag:s20] =	ssyncadd.s32 $0xFFFFFC00  }
0xcf: {  	_ =	swait.ge [sflag:s23], $0x200  }
0xd0: {  	[sflag:s23] =	ssyncset.done $0x0  }
0xd1: {  	[sflag:s23] =	ssyncadd.s32 $0xFFFFFE00  }
0xd2: {  	_ =	swait.ge [sflag:s20], $0x400  }
0xd3: {  	s3 =	rddreg [dreg:$0x19]  }
0xd4: {  	s30 =	sadd.s32 $0x1, s3  }
0xd5: {  	p2 =	slt.u32 s30, s22  }
.Ltmp3:
0xd6: {  	_ = 	snop;
	(pc) =	sbr.rel @!p2 .LBB2_4-.Ltmp3, $4  }
0xd7: {  	[sflag:s20] =	ssyncset.done $0x0  }
0xd8: {  	[sflag:s20] =	ssyncadd.s32 $0xFFFFFC00  }
0xd9: {  	_ =	swait.ge [sflag:s23], $0x200  }
0xda: {  	s31 =	sadd.s32 $0x20, s24;
	s3 =	sadd.s32 $0x20, s28;
	[sflag:s23] =	ssyncset.done $0x0  }
.LBB2_3:
0xdb: {  	[sflag:s23] =	ssyncadd.s32 $0xFFFFFE00  }
0xdc: {  	[tilespmem:s6], [sflag:$0x7] =	stream.linear.gather [hbm4b:s3+s6], $0x100, $0x38;
	[tilespmem:$0x1C718] =	vst v63  }
0xdd: {  	_ =	swait.ge [sflag:s21], $0x100  }
0xde: {  	[sflag:s21] =	ssyncset.done $0x0  }
0xdf: {  	[sflag:s21] =	ssyncadd.s32 $0xFFFFFF00  }
0xe0: {  	[tilespmem:s7], [sflag:$0x7] =	stream.linear.gather [hbm4b:s31+s6], $0x100, $0x38;
	[tilespmem:$0x1C718] =	vst v63  }
0xe1: {  	_ =	swait.ge [sflag:s21], $0x100  }
0xe2: {  	[sflag:s21] =	ssyncset.done $0x0  }
0xe3: {  	s26 =	sadd.s32 $0x200, s26;
	[sflag:s21] =	ssyncadd.s32 $0xFFFFFF00  }
0xe4: {  	[tilespmem:s8], [sflag:$0x7] =	stream.linear.gather [hbm4b:s26+s6], $0x1000, $0x38;
	[tilespmem:$0x1C718] =	vst v63  }
0xe5: {  	_ =	swait.ge [sflag:s21], $0x1000  }
0xe6: {  	[sflag:s21] =	ssyncset.done $0x0  }
0xe7: {  	[sflag:s21] =	ssyncadd.s32 $0xFFFFF000  }
0xe8: {  	[spmem:s4] =	stream.indirect.scatter.add.f32 [tilespmem:s8], [sflag:$0x5], $0x10, s7, s9, $0xb8;
	[tilespmem:$0x1C718] =	vst v63  }
0xe9: {  	_ = 	snop  }
0xea: {  	[spmem:s5] =	stream.indirect.scatter.add.f32 [tilespmem:s1], [sflag:$0x6], $0x8, s7, s9, $0xb8;
	[tilespmem:$0x1C718] =	vst v63  }
0xeb: {  	s24 =	rddreg [dreg:$0x7]  }
0xec: {  	[spmem:s4] =	stream.indirect.scatter.add.f32 [tilespmem:s24], [sflag:$0x5], $0x10, s10, s9, $0xb8;
	[tilespmem:$0x1C718] =	vst v63  }
0xed: {  	_ = 	snop  }
0xee: {  	[spmem:s5] =	stream.indirect.scatter.add.f32 [tilespmem:s1], [sflag:$0x6], $0x8, s10, s9, $0xb8;
	[tilespmem:$0x1C718] =	vst v63  }
0xef: {  	s28 =	rddreg [dreg:$0x8]  }
0xf0: {  	[spmem:s4] =	stream.indirect.scatter.add.f32 [tilespmem:s28], [sflag:$0x5], $0x10, s11, s9, $0xb8;
	[tilespmem:$0x1C718] =	vst v63  }
0xf1: {  	_ = 	snop  }
0xf2: {  	[spmem:s5] =	stream.indirect.scatter.add.f32 [tilespmem:s1], [sflag:$0x6], $0x8, s11, s9, $0xb8;
	[tilespmem:$0x1C718] =	vst v63  }
0xf3: {  	s28 =	rddreg [dreg:$0x9]  }
0xf4: {  	[spmem:s4] =	stream.indirect.scatter.add.f32 [tilespmem:s28], [sflag:$0x5], $0x10, s12, s9, $0xb8;
	[tilespmem:$0x1C718] =	vst v63  }
0xf5: {  	_ = 	snop  }
0xf6: {  	[spmem:s5] =	stream.indirect.scatter.add.f32 [tilespmem:s1], [sflag:$0x6], $0x8, s12, s9, $0xb8;
	[tilespmem:$0x1C718] =	vst v63  }
0xf7: {  	_ = 	snop  }
0xf8: {  	[tilespmem:s13], [sflag:$0x1] =	stream.indirect.gather [hbm4b:s0+s9], $0x80, s6, s9, $0xb8;
	[tilespmem:$0x1C718] =	vst v63  }
0xf9: {  	_ = 	snop  }
0xfa: {  	[tilespmem:s14], [sflag:$0x2] =	stream.indirect.gather [hbm4b:s0+s9], $0x80, s9, s9, $0xb8;
	[tilespmem:$0x1C718] =	vst v63  }
0xfb: {  	_ =	swait.ge [sflag:s15], $0x2000  }
0xfc: {  	[sflag:s15] =	ssyncset.done $0x0  }
0xfd: {  	[sflag:s15] =	ssyncadd.s32 $0xFFFFE000  }
0xfe: {  	[spmem:s2] =	stream.indirect.scatter.add.f32 [tilespmem:s13], [sflag:$0x3], $0x80, s7, s9, $0xb8;
	[tilespmem:$0x1C718] =	vst v63  }
0xff: {  	_ =	swait.ge [sflag:s16], $0x2000  }
0x100: {  	[sflag:s16] =	ssyncset.done $0x0  }
0x101: {  	[sflag:s16] =	ssyncadd.s32 $0xFFFFE000  }
0x102: {  	[spmem:s2] =	stream.indirect.scatter.add.f32 [tilespmem:s14], [sflag:$0x4], $0x80, s10, s9, $0xb8;
	[tilespmem:$0x1C718] =	vst v63  }
0x103: {  	_ =	swait.ge [sflag:s17], $0x2000  }
0x104: {  	[sflag:s17] =	ssyncset.done $0x0  }
0x105: {  	s28 =	rddreg [dreg:$0xa];
	[sflag:s17] =	ssyncadd.s32 $0xFFFFE000  }
0x106: {  	[tilespmem:s13], [sflag:$0x1] =	stream.indirect.gather [hbm4b:s0+s9], $0x80, s28, s9, $0xb8;
	[tilespmem:$0x1C718] =	vst v63  }
0x107: {  	_ =	swait.ge [sflag:s18], $0x2000  }
0x108: {  	[sflag:s18] =	ssyncset.done $0x0  }
0x109: {  	[sflag:s18] =	ssyncadd.s32 $0xFFFFE000  }
0x10a: {  	[tilespmem:s14], [sflag:$0x2] =	stream.indirect.gather [hbm4b:s0+s9], $0x80, s19, s9, $0xb8;
	[tilespmem:$0x1C718] =	vst v63  }
0x10b: {  	_ =	swait.ge [sflag:s15], $0x2000  }
0x10c: {  	[sflag:s15] =	ssyncset.done $0x0  }
0x10d: {  	[sflag:s15] =	ssyncadd.s32 $0xFFFFE000  }
0x10e: {  	[spmem:s2] =	stream.indirect.scatter.add.f32 [tilespmem:s13], [sflag:$0x3], $0x80, s11, s9, $0xb8;
	[tilespmem:$0x1C718] =	vst v63  }
0x10f: {  	_ =	swait.ge [sflag:s16], $0x2000  }
0x110: {  	[sflag:s16] =	ssyncset.done $0x0  }
0x111: {  	[sflag:s16] =	ssyncadd.s32 $0xFFFFE000  }
0x112: {  	[spmem:s2] =	stream.indirect.scatter.add.f32 [tilespmem:s14], [sflag:$0x4], $0x80, s12, s9, $0xb8;
	[tilespmem:$0x1C718] =	vst v63  }
0x113: {  	_ =	swait.ge [sflag:s17], $0x2000  }
0x114: {  	[sflag:s17] =	ssyncset.done $0x0  }
0x115: {  	[sflag:s17] =	ssyncadd.s32 $0xFFFFE000  }
0x116: {  	_ =	swait.ge [sflag:s18], $0x2000  }
0x117: {  	[sflag:s18] =	ssyncset.done $0x0  }
0x118: {  	[sflag:s18] =	ssyncadd.s32 $0xFFFFE000  }
0x119: {  	_ =	swait.ge [sflag:s20], $0x400  }
0x11a: {  	[sflag:s20] =	ssyncset.done $0x0  }
0x11b: {  	[sflag:s20] =	ssyncadd.s32 $0xFFFFFC00  }
0x11c: {  	_ =	swait.ge [sflag:s23], $0x200  }
0x11d: {  	[sflag:s23] =	ssyncset.done $0x0  }
0x11e: {  	[sflag:s23] =	ssyncadd.s32 $0xFFFFFE00  }
0x11f: {  	_ =	swait.ge [sflag:s20], $0x400  }
0x120: {  	[sflag:s20] =	ssyncset.done $0x0  }
0x121: {  	[sflag:s20] =	ssyncadd.s32 $0xFFFFFC00  }
0x122: {  	_ =	swait.ge [sflag:s23], $0x200  }
0x123: {  	[sflag:s23] =	ssyncset.done $0x0  }
0x124: {  	[sflag:s23] =	ssyncadd.s32 $0xFFFFFE00  }
0x125: {  	_ =	swait.ge [sflag:s20], $0x400  }
0x126: {  	[sflag:s20] =	ssyncset.done $0x0  }
0x127: {  	[sflag:s20] =	ssyncadd.s32 $0xFFFFFC00  }
0x128: {  	_ =	swait.ge [sflag:s23], $0x200  }
0x129: {  	s30 =	sadd.s32 $0x1, s30;
	[sflag:s23] =	ssyncset.done $0x0  }
0x12a: {  	p2 =	slt.u32 s30, s22;
	[sflag:s23] =	ssyncadd.s32 $0xFFFFFE00  }
.Ltmp4:
0x12b: {  	_ =	swait.ge [sflag:s20], $0x400;
	(pc) =	sbr.rel @p2 .LBB2_3-.Ltmp4, $4  }
0x12c: {  	[sflag:s20] =	ssyncset.done $0x0  }
0x12d: {  	[sflag:s20] =	ssyncadd.s32 $0xFFFFFC00  }
0x12e: {  	_ =	swait.ge [sflag:s23], $0x200  }
0x12f: {  	s3 =	sadd.s32 $0x20, s3;
	s31 =	sadd.s32 $0x20, s31;
	[sflag:s23] =	ssyncset.done $0x0  }
.Ltmp5:
0x130: {  	_ = 	snop;
	(pc) =	sbr.rel .LBB2_4-.Ltmp5, $1  }
0x131: {  	_ =	sdelay $0x3  }
.LBB2_6:
0x132: {  	_ =	sfence.sel $0x180000  }
0x133: {  	[bflag:$0x0] =	sbarrier.arrive $0xFFFF  }
0x134: {  	_ =	strace $0x90000047  }
0x135: {  	s0 =	stileid.u32;
	[bflag:$0x2] =	sbarrier.arrive $0xFFFF  }
0x136: {  	p0 =	sne.s32 s0, $0x0;
	s0 =	rddreg [dreg:$0x6]  }
0x137: {  	s0 =	sadd.s32 @!p0 $0x100000, s0  }
0x138: {  	[sflag:s0] =	ssyncadd.tile.s32 @!p0 $0x1;
	_ =	shalt  }
.Lfunc_end2:
_tile_overlayer_lowered:
.L_overlay_start_2:
0x139: {  	(tag) =	ssettag $0x2  }
0x13a: {  	s0 =	rddreg [dreg:$0x0];
	s2 =	stileid.u32  }
0x13b: {  	s1 =	rddreg [dreg:$0x1];
	p0 =	sne.s32 s2, $0x0  }
0x13c: {  	s3 =	rddreg [dreg:$0x2];
	[bflag:$0x3] =	sbarrier.arrive $0xFFFF;
	s2 =	simm.s32 @!p0 $0x1C07  }
0x13d: {  	[timem:s3], [sflag:s2] =	dma.local @!p0 [hbm:s0], s1  }
0x13e: {  	s0 =	simm.s32 @!p0 $0x7  }
0x13f: {  	_ =	swait.ge @!p0 [sflag:s0], s1  }
0x140: {  	s1 =	ssub.s32 @!p0 $0x0, s1;
	[sflag:s0] =	ssyncset.done @!p0 $0x0  }
0x141: {  	[sflag:s0] =	ssyncadd.s32 @!p0 s1  }
0x142: {  	[bflag:$0x3] =	sbarrier.arrive $0xFFFF  }
0x143: {  	_ =	shalt  }

</sc_bundles>
